<compile_context>
chip_gen: v7x
topology: tpu7x:2x2x1
jax: 0.10.2.dev20260603
libtpu: 0.0.44.dev20260713+nightly
codegen_flags: <defaults>
</compile_context>

<pallas_src>
import functools

import jax
import jax.numpy as jnp
from jax import lax
from jax.experimental import pallas as pl
from jax.experimental.pallas import tpu as pltpu
from jax.experimental.pallas import tpu_sc as plsc

N = 10000
D = 128
DH = D // 2
E = 320000
NC = 2
NS = 16
L = 16

CHUNK = 128
KT = 160
EPT = KT * CHUNK
E_PAD = EPT * NS
R = 10240
RPS = R // NS
BR = 1024

_mesh = plsc.VectorSubcoreMesh(
    core_axis_name="c", subcore_axis_name="s", num_cores=NC, num_subcores=NS)
_sc_params = pltpu.CompilerParams(needs_layout_passes=False)
_sc_params_untiled = pltpu.CompilerParams(
    needs_layout_passes=False, use_tc_tiling_on_sc=False)


@functools.partial(
    pl.kernel,
    out_type=jax.ShapeDtypeStruct((R,), jnp.float32),
    mesh=_mesh,
    scratch_types=[
        pltpu.VMEM((E_PAD // NS,), jnp.int32),
        pltpu.VMEM((R,), jnp.float32),
        pltpu.VMEM((NS, RPS), jnp.float32),
        pltpu.VMEM((RPS,), jnp.float32),
        pltpu.VMEM_SHARED((NS, R), jnp.float32),
    ],
    compiler_params=_sc_params,
)
def _deg_kernel(dst_hbm, dis_hbm, dst_v, hist_v, part_v, stage_v, acc_sh):
    c = lax.axis_index("c")
    s = lax.axis_index("s")
    zeros = jnp.zeros((L,), jnp.float32)
    ones = jnp.ones((L,), jnp.float32)

    @pl.when(c == 0)
    def _():
        pltpu.sync_copy(dst_hbm.at[s], dst_v)

        def zh(i, _):
            hist_v[pl.ds(i * L, L)] = zeros
            return ()
        lax.fori_loop(0, R // L, zh, ())

        def hb(i, _):
            idx = dst_v[pl.ds(i * L, L)]
            plsc.addupdate_scatter(hist_v, [idx], ones)
            return ()
        lax.fori_loop(0, E_PAD // NS // L, hb, ())

        pltpu.sync_copy(hist_v, acc_sh.at[s])
        plsc.subcore_barrier()

        row0 = s * RPS
        for t in range(NS):
            pltpu.sync_copy(acc_sh.at[t, pl.ds(row0, RPS)], part_v.at[t])

        def rb(i, _):
            sl = pl.ds(i * L, L)
            d = part_v[0, sl] + 1.0
            for t in range(1, NS):
                d = d + part_v[t, sl]
            xi = lax.bitcast_convert_type(d, jnp.int32)
            yi = jnp.int32(0x5F3759DF) - (xi >> 1)
            y = lax.bitcast_convert_type(yi, jnp.float32)
            y = y * (1.5 - 0.5 * d * y * y)
            y = y * (1.5 - 0.5 * d * y * y)
            y = y * (1.5 - 0.5 * d * y * y)
            stage_v[sl] = y
            return ()
        lax.fori_loop(0, RPS // L, rb, ())

        pltpu.sync_copy(stage_v, dis_hbm.at[pl.ds(row0, RPS)])


RB = RPS // CHUNK


@functools.partial(
    pl.kernel,
    out_type=(jax.ShapeDtypeStruct((NC, R, DH), jnp.float32),
              jax.ShapeDtypeStruct((NC, R, DH), jnp.float32),
              jax.ShapeDtypeStruct((R // CHUNK, CHUNK), jnp.float32)),
    mesh=_mesh,
    scratch_types=[
        pltpu.VMEM((KT, CHUNK), jnp.int32),
        pltpu.VMEM((KT, CHUNK), jnp.int32),
        pltpu.VMEM((4, CHUNK, DH), jnp.float32),
        pltpu.VMEM((R // CHUNK, CHUNK), jnp.float32),
        pltpu.VMEM((RB, CHUNK), jnp.float32),
        pltpu.VMEM((R // CHUNK,), jnp.int32),
        pltpu.VMEM_SHARED((R, DH), jnp.float32),
        pltpu.VMEM_SHARED((R // CHUNK, CHUNK), jnp.float32),
        pltpu.SemaphoreType.DMA,
        pltpu.SemaphoreType.DMA,
        pltpu.SemaphoreType.DMA,
        pltpu.SemaphoreType.DMA,
    ],
    compiler_params=_sc_params_untiled,
)
def _mega_kernel(src_hbm, dst_hbm, h_hbm, tbl_hbm, out_hbm, dis_hbm,
                 src_v, dst_v, rows_v, hist_v, dis_v, iota_v, acc_sh, deg_sh,
                 g0, g1, g2, g3):
    c = lax.axis_index("c")
    s = lax.axis_index("s")
    gsem = (g0, g1, g2, g3)
    zeros = jnp.zeros((L,), jnp.float32)
    ones = jnp.ones((L,), jnp.float32)
    row0 = s * RPS

    pltpu.sync_copy(src_hbm.at[s], src_v)
    pltpu.sync_copy(dst_hbm.at[s], dst_v)

    def zh(i, _):
        hist_v[i // (CHUNK // L), pl.ds((i % (CHUNK // L)) * L, L)] = zeros
        return ()
    lax.fori_loop(0, R // L, zh, ())
    pltpu.sync_copy(hist_v.at[pl.ds(0, RB)], deg_sh.at[pl.ds(s * RB, RB)])

    def zb(i, _):
        rows_v[0, i // (DH // L), pl.ds((i % (DH // L)) * L, L)] = zeros
        return ()
    lax.fori_loop(0, CHUNK * (DH // L), zb, ())
    for j in range(RB):
        pltpu.sync_copy(rows_v.at[0], acc_sh.at[pl.ds(row0 + j * CHUNK, CHUNK)])

    for q in range(R // CHUNK // L):
        iota_v[pl.ds(q * L, L)] = lax.iota(jnp.int32, L) + q * L

    plsc.subcore_barrier()

    def hb(i, _):
        idx = dst_v[i // (CHUNK // L), pl.ds((i % (CHUNK // L)) * L, L)]
        plsc.addupdate_scatter(hist_v, [idx >> 7, idx & 127], ones)
        return ()
    lax.fori_loop(0, EPT // L, hb, ())
    pltpu.sync_copy(hist_v, deg_sh.at[iota_v], add=True)
    plsc.subcore_barrier()

    pltpu.sync_copy(deg_sh.at[pl.ds(s * RB, RB)], dis_v)

    def rb_(i, _):
        r = i // (CHUNK // L)
        sl = pl.ds((i % (CHUNK // L)) * L, L)
        d = dis_v[r, sl] + 1.0
        xi = lax.bitcast_convert_type(d, jnp.int32)
        yi = jnp.int32(0x5F3759DF) - (xi >> 1)
        y = lax.bitcast_convert_type(yi, jnp.float32)
        y = y * (1.5 - 0.5 * d * y * y)
        y = y * (1.5 - 0.5 * d * y * y)
        y = y * (1.5 - 0.5 * d * y * y)
        dis_v[r, sl] = y
        return ()
    lax.fori_loop(0, RPS // L, rb_, ())

    @pl.when(c == 0)
    def _():
        pltpu.sync_copy(dis_v, dis_hbm.at[pl.ds(s * RB, RB)])

    for j in range(RB):
        pltpu.sync_copy(h_hbm.at[c, pl.ds(row0 + j * CHUNK, CHUNK)], rows_v.at[1])

        def sc_(r, _):
            dv = plsc.load_gather(
                dis_v, [jnp.full((L,), j, jnp.int32), jnp.full((L,), r, jnp.int32)])
            for u in range(DH // L):
                sl = pl.ds(u * L, L)
                rows_v[1, r, sl] = rows_v[1, r, sl] * dv
            return ()
        lax.fori_loop(0, CHUNK, sc_, ())
        pltpu.sync_copy(rows_v.at[1], tbl_hbm.at[c, pl.ds(row0 + j * CHUNK, CHUNK)])
    plsc.subcore_barrier()

    tbl = tbl_hbm.at[c]
    for p in range(4):
        pltpu.async_copy(tbl.at[src_v.at[p]], rows_v.at[p], gsem[p])

    def body(t, _):
        j0 = 4 * t
        for p in range(4):
            j = j0 + p
            pltpu.make_async_copy(tbl.at[src_v.at[j]], rows_v.at[p], gsem[p]).wait()
            pltpu.sync_copy(rows_v.at[p], acc_sh.at[dst_v.at[j]], add=True)

            @pl.when(j + 4 < KT)
            def _():
                pltpu.async_copy(tbl.at[src_v.at[j + 4]], rows_v.at[p], gsem[p])
        return ()
    lax.fori_loop(0, KT // 4, body, ())

    plsc.subcore_barrier()
    pltpu.sync_copy(acc_sh.at[pl.ds(row0, RPS)], out_hbm.at[c, pl.ds(row0, RPS)])


@functools.partial(
    pl.kernel,
    out_type=jax.ShapeDtypeStruct((NC, R, DH), jnp.float32),
    mesh=_mesh,
    scratch_types=[
        pltpu.VMEM((KT, CHUNK), jnp.int32),
        pltpu.VMEM((KT, CHUNK), jnp.int32),
        pltpu.VMEM((4, CHUNK, DH), jnp.float32),
        pltpu.VMEM_SHARED((R, DH), jnp.float32),
        pltpu.SemaphoreType.DMA,
        pltpu.SemaphoreType.DMA,
        pltpu.SemaphoreType.DMA,
        pltpu.SemaphoreType.DMA,
        pltpu.SemaphoreType.DMA,
        pltpu.SemaphoreType.DMA,
        pltpu.SemaphoreType.DMA,
        pltpu.SemaphoreType.DMA,
    ],
    compiler_params=_sc_params_untiled,
)
def _agg_kernel(src_hbm, dst_hbm, table_hbm, out_hbm,
                src_v, dst_v, rows_v, acc_sh,
                g0, g1, g2, g3, s0, s1, s2, s3):
    c = lax.axis_index("c")
    s = lax.axis_index("s")
    gsem = (g0, g1, g2, g3)
    ssem = (s0, s1, s2, s3)
    zeros = jnp.zeros((L,), jnp.float32)

    pltpu.sync_copy(src_hbm.at[s], src_v)
    pltpu.sync_copy(dst_hbm.at[s], dst_v)

    def zb(i, _):
        r = i // (DH // L)
        u = i % (DH // L)
        rows_v[0, r, pl.ds(u * L, L)] = zeros
        return ()
    lax.fori_loop(0, CHUNK * (DH // L), zb, ())
    row0 = s * RPS
    for j in range(RPS // CHUNK):
        pltpu.sync_copy(rows_v.at[0], acc_sh.at[pl.ds(row0 + j * CHUNK, CHUNK)])

    tbl = table_hbm.at[c]
    for p in range(4):
        pltpu.async_copy(tbl.at[src_v.at[p]], rows_v.at[p], gsem[p])
    plsc.subcore_barrier()

    def body(t, _):
        j0 = 4 * t
        for p in range(4):
            j = j0 + p
            pltpu.make_async_copy(tbl.at[src_v.at[j]], rows_v.at[p], gsem[p]).wait()
            pltpu.sync_copy(rows_v.at[p], acc_sh.at[dst_v.at[j]], add=True)

            @pl.when(j + 4 < KT)
            def _():
                pltpu.async_copy(tbl.at[src_v.at[j + 4]], rows_v.at[p], gsem[p])
        return ()
    lax.fori_loop(0, KT // 4, body, ())

    plsc.subcore_barrier()
    pltpu.sync_copy(acc_sh.at[pl.ds(row0, RPS)], out_hbm.at[c, pl.ds(row0, RPS)])


def _split(h):
    return h[:, :DH], h[:, DH:]


def _tc1a_body(x_ref, w_ref, out_ref):
    i = pl.program_id(0)
    h = jnp.dot(x_ref[...], w_ref[...], preferred_element_type=jnp.float32)
    row = i * BR + jax.lax.broadcasted_iota(jnp.int32, (BR, 1), 0)
    h = jnp.where(row < N, h, 0.0)
    lo, hi = _split(h)
    out_ref[0] = lo
    out_ref[1] = hi


def _tc2_body(agg_ref, tbl_ref, dis_ref, b_ref, w_ref, out_ref):
    dis = dis_ref[...]
    a = jnp.concatenate([agg_ref[0], agg_ref[1]], axis=1)
    t = jnp.concatenate([tbl_ref[0], tbl_ref[1]], axis=1)
    v = dis * (a + t) + b_ref[...]
    z = jnp.maximum(v, 0.0)
    h = dis * jnp.dot(z, w_ref[...], preferred_element_type=jnp.float32)
    lo, hi = _split(h)
    out_ref[0] = lo
    out_ref[1] = hi


def _tc3_body(agg_ref, tbl_ref, dis_ref, b_ref, out_ref):
    a = jnp.concatenate([agg_ref[0], agg_ref[1]], axis=1)
    t = jnp.concatenate([tbl_ref[0], tbl_ref[1]], axis=1)
    v = dis_ref[...] * (a + t) + b_ref[...]
    m = jnp.max(v, axis=1, keepdims=True)
    e = jnp.exp(v - m)
    lse = jnp.log(jnp.sum(e, axis=1, keepdims=True))
    out_ref[...] = v - m - lse


def _half_spec():
    return pl.BlockSpec((NC, BR, DH), lambda i: (0, i, 0))


_tc1a = pl.pallas_call(
    _tc1a_body,
    grid=(R // BR,),
    in_specs=[pl.BlockSpec((BR, D), lambda i: (i, 0)),
              pl.BlockSpec((D, D), lambda i: (0, 0))],
    out_specs=_half_spec(),
    out_shape=jax.ShapeDtypeStruct((NC, R, DH), jnp.float32),
)

_tc2 = pl.pallas_call(
    _tc2_body,
    grid=(R // BR,),
    in_specs=[_half_spec(),
              _half_spec(),
              pl.BlockSpec((BR, 1), lambda i: (i, 0)),
              pl.BlockSpec((1, D), lambda i: (0, 0)),
              pl.BlockSpec((D, D), lambda i: (0, 0))],
    out_specs=_half_spec(),
    out_shape=jax.ShapeDtypeStruct((NC, R, DH), jnp.float32),
)

_tc3 = pl.pallas_call(
    _tc3_body,
    grid=(R // BR,),
    in_specs=[_half_spec(),
              _half_spec(),
              pl.BlockSpec((BR, 1), lambda i: (i, 0)),
              pl.BlockSpec((1, D), lambda i: (0, 0))],
    out_specs=pl.BlockSpec((BR, D), lambda i: (i, 0)),
    out_shape=jax.ShapeDtypeStruct((N, D), jnp.float32),
)


def kernel(x, edge_index, W1, b1, W2, b2):
    src = edge_index[0].astype(jnp.int32)
    dst = edge_index[1].astype(jnp.int32)
    pad = N + (jnp.arange(E_PAD - E, dtype=jnp.int32) % (R - N))
    src_p = jnp.concatenate([src, pad]).reshape(NS, KT, CHUNK)
    dst_p = jnp.concatenate([dst, pad]).reshape(NS, KT, CHUNK)
    dst_rows = dst_p.reshape(NS, E_PAD // NS)

    b1r = b1.reshape(1, D)
    b2r = b2.reshape(1, D)

    h1 = _tc1a(x, W1)
    table1, agg1, dis80 = _mega_kernel(src_p, dst_p, h1)
    dis_col = dis80.reshape(R, 1)
    table2 = _tc2(agg1, table1, dis_col, b1r, W2)
    agg2 = _agg_kernel(src_p, dst_p, table2)
    return _tc3(agg2, table2, dis_col, b2r)

# --- scband reference (transcript-rebuilt; emitter-appended) ---
"""Pipeline reference for scband-gcn-3281355014801 (READ-ONLY COPY).

The authoritative reference and input builder live on the scoring server;
editing this copy changes nothing except your own understanding.
"""

import jax, jax.numpy as jnp
import numpy as np

N_NODES = 10000
D_IN = 128
D_HID = 128
D_OUT = 128
N_EDGES = 320000


def gcn_conv(x, edge_index, W, b):
    N = x.shape[0]
    src = edge_index[0]
    dst = edge_index[1]
    # add self loops
    loop = jnp.arange(N, dtype=src.dtype)
    src = jnp.concatenate([src, loop])
    dst = jnp.concatenate([dst, loop])
    # symmetric normalization D^{-1/2} (A+I) D^{-1/2}
    deg = jnp.zeros((N,), dtype=x.dtype).at[dst].add(1.0)
    dis = jnp.where(deg > 0, jax.lax.rsqrt(deg), 0.0)
    norm = dis[src] * dis[dst]
    h = x @ W
    msg = h[src] * norm[:, None]
    out = jnp.zeros((N, W.shape[1]), dtype=x.dtype).at[dst].add(msg)
    return out + b


def setup_inputs(seed: int = 0) -> dict:
    key = jax.random.key(seed)
    k1, k2, k3, k4, k5 = jax.random.split(key, 5)
    x = jax.random.normal(k1, (N_NODES, D_IN), dtype=jnp.float32)
    edge_index = jax.random.randint(k2, (2, N_EDGES), 0, N_NODES, dtype=jnp.int64)
    # glorot-style init for GCN weights
    s1 = 1.0 / np.sqrt(D_IN)
    s2 = 1.0 / np.sqrt(D_HID)
    W1 = jax.random.uniform(k3, (D_IN, D_HID), dtype=jnp.float32, minval=-s1, maxval=s1)
    b1 = jnp.zeros((D_HID,), dtype=jnp.float32)
    W2 = jax.random.uniform(k4, (D_HID, D_OUT), dtype=jnp.float32, minval=-s2, maxval=s2)
    b2 = jnp.zeros((D_OUT,), dtype=jnp.float32)
    return {"x": x, "edge_index": edge_index, "W1": W1, "b1": b1, "W2": W2, "b2": b2}


def reference(x, edge_index, W1, b1, W2, b2):
    h = gcn_conv(x, edge_index, W1, b1)
    h = jax.nn.relu(h)
    # dropout(p=0.6) is identity in eval mode (self.training == False)
    h = gcn_conv(h, edge_index, W2, b2)
    return jax.nn.log_softmax(h, axis=1)

if __name__ == "__main__":
    import jax
    _d = setup_inputs()
    print(jax.jit(kernel)(*tuple(_d.values())))

</pallas_src>

<mosaic_0001>
#map = affine_map<(d0, d1) -> (0, 0, 0)>
#map1 = affine_map<(d0, d1) -> (0, 0)>
module attributes {stable_mosaic.version = 14 : i64} {
  func.func @_mega_kernel(%arg0: i32, %arg1: i32, %arg2: memref<16x160x128xi32, #tpu.memory_space<hbm>>, %arg3: memref<16x160x128xi32, #tpu.memory_space<hbm>>, %arg4: memref<2x10240x64xf32, #tpu.memory_space<hbm>>, %arg5: memref<2x10240x64xf32, #tpu.memory_space<hbm>>, %arg6: memref<2x10240x64xf32, #tpu.memory_space<hbm>>, %arg7: memref<80x128xf32, #tpu.memory_space<hbm>>, %arg8: memref<160x128xi32, #tpu.memory_space<vmem>>, %arg9: memref<160x128xi32, #tpu.memory_space<vmem>>, %arg10: memref<4x128x64xf32, #tpu.memory_space<vmem>>, %arg11: memref<80x128xf32, #tpu.memory_space<vmem>>, %arg12: memref<5x128xf32, #tpu.memory_space<vmem>>, %arg13: memref<80xi32, #tpu.memory_space<vmem>>, %arg14: memref<10240x64xf32, #tpu.memory_space<vmem_shared>>, %arg15: memref<80x128xf32, #tpu.memory_space<vmem_shared>>, %arg16: memref<!tpu.dma_semaphore, #tpu.memory_space<semaphore_mem>>, %arg17: memref<!tpu.dma_semaphore, #tpu.memory_space<semaphore_mem>>, %arg18: memref<!tpu.dma_semaphore, #tpu.memory_space<semaphore_mem>>, %arg19: memref<!tpu.dma_semaphore, #tpu.memory_space<semaphore_mem>>) attributes {dimension_semantics = [#tpu.dimension_semantics<core_parallel>, #tpu.dimension_semantics<subcore_parallel>], iteration_bounds = array<i64: 2, 16>, scalar_prefetch = 0 : i64, scratch_operands = 12 : i64, tpu.core_type = #tpu.core_type<sc_vector_subcore>, window_params = [{transform_indices = #map}, {transform_indices = #map}, {transform_indices = #map}, {transform_indices = #map}, {transform_indices = #map}, {transform_indices = #map1}]} {
    %broadcast_in_dim3A = arith.constant 0.000000e+00 : f32
    %broadcast_in_dim3A_0 = vector.broadcast %broadcast_in_dim3A : f32 to vector<16xf32>
    %broadcast_in_dim3A_1 = arith.constant 1.000000e+00 : f32
    %broadcast_in_dim3A_2 = vector.broadcast %broadcast_in_dim3A_1 : f32 to vector<16xf32>
    %mul3A = arith.constant 640 : i32
    %mul3A_3 = arith.muli %arg1, %mul3A : i32
    "tpu.region"() ({
      %run_scoped3A_196 = tpu.sem_alloc : memref<!tpu.dma_semaphore, #tpu.memory_space<semaphore_mem>>
      %dma_start3A_197 = arith.constant 0 : i32
      %dma_start3A_198 = arith.constant 0 : i32
      %dma_start3A_199 = tpu.memref_slice %arg2[%arg1, %dma_start3A_197, %dma_start3A_198] : memref<16x160x128xi32, #tpu.memory_space<hbm>> -> memref<1x160x128xi32, #tpu.memory_space<hbm>>
      %dma_start3A_200 = tpu.memref_squeeze %dma_start3A_199 : memref<1x160x128xi32, #tpu.memory_space<hbm>> -> memref<160x128xi32, #tpu.memory_space<hbm>>
      %dma_start3A_201 = arith.constant 0 : i32
      %dma_start3A_202 = arith.constant 0 : i32
      %dma_start3A_203 = tpu.memref_slice %arg2[%arg1, %dma_start3A_201, %dma_start3A_202] : memref<16x160x128xi32, #tpu.memory_space<hbm>> -> memref<1x160x128xi32, #tpu.memory_space<hbm>>
      %dma_start3A_204 = tpu.memref_squeeze %dma_start3A_203 : memref<1x160x128xi32, #tpu.memory_space<hbm>> -> memref<160x128xi32, #tpu.memory_space<hbm>>
      tpu.enqueue_dma source(%dma_start3A_204 : memref<160x128xi32, #tpu.memory_space<hbm>>) target(%arg8 : memref<160x128xi32, #tpu.memory_space<vmem>>) target_semaphore(%run_scoped3A_196 : memref<!tpu.dma_semaphore, #tpu.memory_space<semaphore_mem>>)
      %dma_wait3A = arith.constant 0 : i32
      %dma_wait3A_205 = arith.constant 0 : i32
      %dma_wait3A_206 = tpu.memref_slice %arg2[%arg1, %dma_wait3A, %dma_wait3A_205] : memref<16x160x128xi32, #tpu.memory_space<hbm>> -> memref<1x160x128xi32, #tpu.memory_space<hbm>>
      %dma_wait3A_207 = tpu.memref_squeeze %dma_wait3A_206 : memref<1x160x128xi32, #tpu.memory_space<hbm>> -> memref<160x128xi32, #tpu.memory_space<hbm>>
      %dma_wait3A_208 = arith.constant 0 : i32
      %dma_wait3A_209 = arith.constant 0 : i32
      %dma_wait3A_210 = tpu.memref_slice %arg2[%arg1, %dma_wait3A_208, %dma_wait3A_209] : memref<16x160x128xi32, #tpu.memory_space<hbm>> -> memref<1x160x128xi32, #tpu.memory_space<hbm>>
      %dma_wait3A_211 = tpu.memref_squeeze %dma_wait3A_210 : memref<1x160x128xi32, #tpu.memory_space<hbm>> -> memref<160x128xi32, #tpu.memory_space<hbm>>
      tpu.wait_dma2 semaphore(%run_scoped3A_196 : memref<!tpu.dma_semaphore, #tpu.memory_space<semaphore_mem>>) src(%dma_wait3A_211 : memref<160x128xi32, #tpu.memory_space<hbm>>) dst(%arg8 : memref<160x128xi32, #tpu.memory_space<vmem>>)
      tpu.yield
    }) : () -> ()
    "tpu.region"() ({
      %run_scoped3A_196 = tpu.sem_alloc : memref<!tpu.dma_semaphore, #tpu.memory_space<semaphore_mem>>
      %dma_start3A_197 = arith.constant 0 : i32
      %dma_start3A_198 = arith.constant 0 : i32
      %dma_start3A_199 = tpu.memref_slice %arg3[%arg1, %dma_start3A_197, %dma_start3A_198] : memref<16x160x128xi32, #tpu.memory_space<hbm>> -> memref<1x160x128xi32, #tpu.memory_space<hbm>>
      %dma_start3A_200 = tpu.memref_squeeze %dma_start3A_199 : memref<1x160x128xi32, #tpu.memory_space<hbm>> -> memref<160x128xi32, #tpu.memory_space<hbm>>
      %dma_start3A_201 = arith.constant 0 : i32
      %dma_start3A_202 = arith.constant 0 : i32
      %dma_start3A_203 = tpu.memref_slice %arg3[%arg1, %dma_start3A_201, %dma_start3A_202] : memref<16x160x128xi32, #tpu.memory_space<hbm>> -> memref<1x160x128xi32, #tpu.memory_space<hbm>>
      %dma_start3A_204 = tpu.memref_squeeze %dma_start3A_203 : memref<1x160x128xi32, #tpu.memory_space<hbm>> -> memref<160x128xi32, #tpu.memory_space<hbm>>
      tpu.enqueue_dma source(%dma_start3A_204 : memref<160x128xi32, #tpu.memory_space<hbm>>) target(%arg9 : memref<160x128xi32, #tpu.memory_space<vmem>>) target_semaphore(%run_scoped3A_196 : memref<!tpu.dma_semaphore, #tpu.memory_space<semaphore_mem>>)
      %dma_wait3A = arith.constant 0 : i32
      %dma_wait3A_205 = arith.constant 0 : i32
      %dma_wait3A_206 = tpu.memref_slice %arg3[%arg1, %dma_wait3A, %dma_wait3A_205] : memref<16x160x128xi32, #tpu.memory_space<hbm>> -> memref<1x160x128xi32, #tpu.memory_space<hbm>>
      %dma_wait3A_207 = tpu.memref_squeeze %dma_wait3A_206 : memref<1x160x128xi32, #tpu.memory_space<hbm>> -> memref<160x128xi32, #tpu.memory_space<hbm>>
      %dma_wait3A_208 = arith.constant 0 : i32
      %dma_wait3A_209 = arith.constant 0 : i32
      %dma_wait3A_210 = tpu.memref_slice %arg3[%arg1, %dma_wait3A_208, %dma_wait3A_209] : memref<16x160x128xi32, #tpu.memory_space<hbm>> -> memref<1x160x128xi32, #tpu.memory_space<hbm>>
      %dma_wait3A_211 = tpu.memref_squeeze %dma_wait3A_210 : memref<1x160x128xi32, #tpu.memory_space<hbm>> -> memref<160x128xi32, #tpu.memory_space<hbm>>
      tpu.wait_dma2 semaphore(%run_scoped3A_196 : memref<!tpu.dma_semaphore, #tpu.memory_space<semaphore_mem>>) src(%dma_wait3A_211 : memref<160x128xi32, #tpu.memory_space<hbm>>) dst(%arg9 : memref<160x128xi32, #tpu.memory_space<vmem>>)
      tpu.yield
    }) : () -> ()
    %scan3A = arith.constant 0 : i32
    %scan3A_4 = arith.constant 640 : i32
    %scan3A_5 = arith.addi %scan3A, %scan3A_4 : i32
    %scan3A_6 = arith.constant 1 : i32
    scf.for %scan3A_196 = %scan3A to %scan3A_5 step %scan3A_6  : i32 {
      %jit3A = arith.constant 8 : i32
      %div3A = arith.divsi %scan3A_196, %jit3A : i32
      %sign3A = arith.constant 0 : i32
      %sign3A_197 = arith.cmpi sgt, %scan3A_196, %sign3A : i32
      %sign3A_198 = arith.extui %sign3A_197 : i1 to i32
      %sign3A_199 = arith.constant 0 : i32
      %sign3A_200 = arith.cmpi slt, %scan3A_196, %sign3A_199 : i32
      %sign3A_201 = arith.extui %sign3A_200 : i1 to i32
      %sign3A_202 = arith.subi %sign3A_198, %sign3A_201 : i32
      %sign3A_203 = arith.constant 0 : i32
      %sign3A_204 = arith.cmpi sgt, %jit3A, %sign3A_203 : i32
      %sign3A_205 = arith.extui %sign3A_204 : i1 to i32
      %sign3A_206 = arith.constant 0 : i32
      %sign3A_207 = arith.cmpi slt, %jit3A, %sign3A_206 : i32
      %sign3A_208 = arith.extui %sign3A_207 : i1 to i32
      %sign3A_209 = arith.subi %sign3A_205, %sign3A_208 : i32
      %ne3A = arith.cmpi ne, %sign3A_202, %sign3A_209 : i32
      %rem3A = arith.remsi %scan3A_196, %jit3A : i32
      %ne3A_210 = arith.constant 0 : i32
      %ne3A_211 = arith.cmpi ne, %rem3A, %ne3A_210 : i32
      %and3A = arith.andi %ne3A, %ne3A_211 : i1
      %sub3A = arith.constant 1 : i32
      %sub3A_212 = arith.subi %div3A, %sub3A : i32
      %select_n3A = arith.select %and3A, %sub3A_212, %div3A : i32
      %jit3A_213 = arith.constant 8 : i32
      %eq3A_214 = arith.constant 0 : i32
      %eq3A_215 = arith.cmpi eq, %jit3A_213, %eq3A_214 : i32
      %jit3A_216 = arith.constant 1 : i32
      %select_n3A_217 = arith.select %eq3A_215, %jit3A_216, %jit3A_213 : i32
      %rem3A_218 = arith.remsi %scan3A_196, %select_n3A_217 : i32
      %ne3A_219 = arith.constant 0 : i32
      %ne3A_220 = arith.cmpi ne, %rem3A_218, %ne3A_219 : i32
      %lt3A = arith.constant 0 : i32
      %lt3A_221 = arith.cmpi slt, %rem3A_218, %lt3A : i32
      %lt3A_222 = arith.constant 0 : i32
      %lt3A_223 = arith.cmpi slt, %select_n3A_217, %lt3A_222 : i32
      %ne3A_224 = arith.xori %lt3A_221, %lt3A_223 : i1
      %and3A_225 = arith.andi %ne3A_224, %ne3A_220 : i1
      %add3A_226 = arith.addi %rem3A_218, %select_n3A_217 : i32
      %select_n3A_227 = arith.select %and3A_225, %add3A_226, %rem3A_218 : i32
      %mul3A_228 = arith.constant 16 : i32
      %mul3A_229 = arith.muli %select_n3A_227, %mul3A_228 : i32
      %swap3A_230 = arith.index_cast %select_n3A : i32 to index
      %swap3A_231 = arith.index_cast %mul3A_229 : i32 to index
      %swap3A_232 = tpu.vector_load %arg11[%swap3A_230, %swap3A_231] {strides = array<i32>} : memref<80x128xf32, #tpu.memory_space<vmem>>, vector<16xf32>,
      tpu.vector_store %arg11[%swap3A_230, %swap3A_231], %broadcast_in_dim3A_0 {strides = array<i32>} : memref<80x128xf32, #tpu.memory_space<vmem>>, vector<16xf32>,
    }
    %scan3A_7 = arith.constant 640 : i32
    %mul3A_8 = arith.constant 5 : i32
    %mul3A_9 = arith.muli %arg1, %mul3A_8 : i32
    "tpu.region"() ({
      %run_scoped3A_196 = tpu.sem_alloc : memref<!tpu.dma_semaphore, #tpu.memory_space<semaphore_mem>>
      %dma_start3A_197 = arith.constant 0 : i32
      %dma_start3A_198 = arith.constant 0 : i32
      %dma_start3A_199 = tpu.memref_slice %arg11[%dma_start3A_197, %dma_start3A_198] : memref<80x128xf32, #tpu.memory_space<vmem>> -> memref<5x128xf32, #tpu.memory_space<vmem>>
      %dma_start3A_200 = arith.constant 0 : i32
      %dma_start3A_201 = tpu.memref_slice %arg15[%mul3A_9, %dma_start3A_200] : memref<80x128xf32, #tpu.memory_space<vmem_shared>> -> memref<5x128xf32, #tpu.memory_space<vmem_shared>>
      %dma_start3A_202 = arith.constant 0 : i32
      %dma_start3A_203 = tpu.memref_slice %arg15[%mul3A_9, %dma_start3A_202] : memref<80x128xf32, #tpu.memory_space<vmem_shared>> -> memref<5x128xf32, #tpu.memory_space<vmem_shared>>
      %dma_start3A_204 = arith.constant 0 : i32
      %dma_start3A_205 = arith.constant 0 : i32
      %dma_start3A_206 = tpu.memref_slice %arg11[%dma_start3A_204, %dma_start3A_205] : memref<80x128xf32, #tpu.memory_space<vmem>> -> memref<5x128xf32, #tpu.memory_space<vmem>>
      tpu.enqueue_dma source(%dma_start3A_206 : memref<5x128xf32, #tpu.memory_space<vmem>>) target(%dma_start3A_203 : memref<5x128xf32, #tpu.memory_space<vmem_shared>>) target_semaphore(%run_scoped3A_196 : memref<!tpu.dma_semaphore, #tpu.memory_space<semaphore_mem>>)
      %dma_wait3A = arith.constant 0 : i32
      %dma_wait3A_207 = arith.constant 0 : i32
      %dma_wait3A_208 = tpu.memref_slice %arg11[%dma_wait3A, %dma_wait3A_207] : memref<80x128xf32, #tpu.memory_space<vmem>> -> memref<5x128xf32, #tpu.memory_space<vmem>>
      %dma_wait3A_209 = arith.constant 0 : i32
      %dma_wait3A_210 = tpu.memref_slice %arg15[%mul3A_9, %dma_wait3A_209] : memref<80x128xf32, #tpu.memory_space<vmem_shared>> -> memref<5x128xf32, #tpu.memory_space<vmem_shared>>
      %dma_wait3A_211 = arith.constant 0 : i32
      %dma_wait3A_212 = tpu.memref_slice %arg15[%mul3A_9, %dma_wait3A_211] : memref<80x128xf32, #tpu.memory_space<vmem_shared>> -> memref<5x128xf32, #tpu.memory_space<vmem_shared>>
      %dma_wait3A_213 = arith.constant 0 : i32
      %dma_wait3A_214 = arith.constant 0 : i32
      %dma_wait3A_215 = tpu.memref_slice %arg11[%dma_wait3A_213, %dma_wait3A_214] : memref<80x128xf32, #tpu.memory_space<vmem>> -> memref<5x128xf32, #tpu.memory_space<vmem>>
      tpu.wait_dma2 semaphore(%run_scoped3A_196 : memref<!tpu.dma_semaphore, #tpu.memory_space<semaphore_mem>>) src(%dma_wait3A_215 : memref<5x128xf32, #tpu.memory_space<vmem>>) dst(%dma_wait3A_212 : memref<5x128xf32, #tpu.memory_space<vmem_shared>>)
      tpu.yield
    }) : () -> ()
    %scan3A_10 = arith.constant 0 : i32
    %scan3A_11 = arith.constant 512 : i32
    %scan3A_12 = arith.addi %scan3A_10, %scan3A_11 : i32
    %scan3A_13 = arith.constant 1 : i32
    scf.for %scan3A_196 = %scan3A_10 to %scan3A_12 step %scan3A_13  : i32 {
      %jit3A = arith.constant 4 : i32
      %div3A = arith.divsi %scan3A_196, %jit3A : i32
      %sign3A = arith.constant 0 : i32
      %sign3A_197 = arith.cmpi sgt, %scan3A_196, %sign3A : i32
      %sign3A_198 = arith.extui %sign3A_197 : i1 to i32
      %sign3A_199 = arith.constant 0 : i32
      %sign3A_200 = arith.cmpi slt, %scan3A_196, %sign3A_199 : i32
      %sign3A_201 = arith.extui %sign3A_200 : i1 to i32
      %sign3A_202 = arith.subi %sign3A_198, %sign3A_201 : i32
      %sign3A_203 = arith.constant 0 : i32
      %sign3A_204 = arith.cmpi sgt, %jit3A, %sign3A_203 : i32
      %sign3A_205 = arith.extui %sign3A_204 : i1 to i32
      %sign3A_206 = arith.constant 0 : i32
      %sign3A_207 = arith.cmpi slt, %jit3A, %sign3A_206 : i32
      %sign3A_208 = arith.extui %sign3A_207 : i1 to i32
      %sign3A_209 = arith.subi %sign3A_205, %sign3A_208 : i32
      %ne3A = arith.cmpi ne, %sign3A_202, %sign3A_209 : i32
      %rem3A = arith.remsi %scan3A_196, %jit3A : i32
      %ne3A_210 = arith.constant 0 : i32
      %ne3A_211 = arith.cmpi ne, %rem3A, %ne3A_210 : i32
      %and3A = arith.andi %ne3A, %ne3A_211 : i1
      %sub3A = arith.constant 1 : i32
      %sub3A_212 = arith.subi %div3A, %sub3A : i32
      %select_n3A = arith.select %and3A, %sub3A_212, %div3A : i32
      %jit3A_213 = arith.constant 4 : i32
      %eq3A_214 = arith.constant 0 : i32
      %eq3A_215 = arith.cmpi eq, %jit3A_213, %eq3A_214 : i32
      %jit3A_216 = arith.constant 1 : i32
      %select_n3A_217 = arith.select %eq3A_215, %jit3A_216, %jit3A_213 : i32
      %rem3A_218 = arith.remsi %scan3A_196, %select_n3A_217 : i32
      %ne3A_219 = arith.constant 0 : i32
      %ne3A_220 = arith.cmpi ne, %rem3A_218, %ne3A_219 : i32
      %lt3A = arith.constant 0 : i32
      %lt3A_221 = arith.cmpi slt, %rem3A_218, %lt3A : i32
      %lt3A_222 = arith.constant 0 : i32
      %lt3A_223 = arith.cmpi slt, %select_n3A_217, %lt3A_222 : i32
      %ne3A_224 = arith.xori %lt3A_221, %lt3A_223 : i1
      %and3A_225 = arith.andi %ne3A_224, %ne3A_220 : i1
      %add3A_226 = arith.addi %rem3A_218, %select_n3A_217 : i32
      %select_n3A_227 = arith.select %and3A_225, %add3A_226, %rem3A_218 : i32
      %mul3A_228 = arith.constant 16 : i32
      %mul3A_229 = arith.muli %select_n3A_227, %mul3A_228 : i32
      %swap3A_230 = arith.constant 0 : i32
      %swap3A_231 = arith.index_cast %swap3A_230 : i32 to index
      %swap3A_232 = arith.index_cast %select_n3A : i32 to index
      %swap3A_233 = arith.index_cast %mul3A_229 : i32 to index
      %swap3A_234 = tpu.vector_load %arg10[%swap3A_231, %swap3A_232, %swap3A_233] {strides = array<i32>} : memref<4x128x64xf32, #tpu.memory_space<vmem>>, vector<16xf32>,
      tpu.vector_store %arg10[%swap3A_231, %swap3A_232, %swap3A_233], %broadcast_in_dim3A_0 {strides = array<i32>} : memref<4x128x64xf32, #tpu.memory_space<vmem>>, vector<16xf32>,
    }
    %scan3A_14 = arith.constant 512 : i32
    %add3A = arith.constant 0 : i32
    %add3A_15 = arith.addi %mul3A_3, %add3A : i32
    %run_scoped3A = arith.constant 0 : i32
    "tpu.region"() ({
      %run_scoped3A_196 = tpu.sem_alloc : memref<!tpu.dma_semaphore, #tpu.memory_space<semaphore_mem>>
      %dma_start3A_197 = arith.constant 0 : i32
      %dma_start3A_198 = arith.constant 0 : i32
      %dma_start3A_199 = tpu.memref_slice %arg10[%run_scoped3A, %dma_start3A_197, %dma_start3A_198] : memref<4x128x64xf32, #tpu.memory_space<vmem>> -> memref<1x128x64xf32, #tpu.memory_space<vmem>>
      %dma_start3A_200 = tpu.memref_squeeze %dma_start3A_199 : memref<1x128x64xf32, #tpu.memory_space<vmem>> -> memref<128x64xf32, #tpu.memory_space<vmem>>
      %dma_start3A_201 = arith.constant 0 : i32
      %dma_start3A_202 = tpu.memref_slice %arg14[%add3A_15, %dma_start3A_201] : memref<10240x64xf32, #tpu.memory_space<vmem_shared>> -> memref<128x64xf32, #tpu.memory_space<vmem_shared>>
      %dma_start3A_203 = arith.constant 0 : i32
      %dma_start3A_204 = tpu.memref_slice %arg14[%add3A_15, %dma_start3A_203] : memref<10240x64xf32, #tpu.memory_space<vmem_shared>> -> memref<128x64xf32, #tpu.memory_space<vmem_shared>>
      %dma_start3A_205 = arith.constant 0 : i32
      %dma_start3A_206 = arith.constant 0 : i32
      %dma_start3A_207 = tpu.memref_slice %arg10[%run_scoped3A, %dma_start3A_205, %dma_start3A_206] : memref<4x128x64xf32, #tpu.memory_space<vmem>> -> memref<1x128x64xf32, #tpu.memory_space<vmem>>
      %dma_start3A_208 = tpu.memref_squeeze %dma_start3A_207 : memref<1x128x64xf32, #tpu.memory_space<vmem>> -> memref<128x64xf32, #tpu.memory_space<vmem>>
      tpu.enqueue_dma source(%dma_start3A_208 : memref<128x64xf32, #tpu.memory_space<vmem>>) target(%dma_start3A_204 : memref<128x64xf32, #tpu.memory_space<vmem_shared>>) target_semaphore(%run_scoped3A_196 : memref<!tpu.dma_semaphore, #tpu.memory_space<semaphore_mem>>)
      %dma_wait3A = arith.constant 0 : i32
      %dma_wait3A_209 = arith.constant 0 : i32
      %dma_wait3A_210 = tpu.memref_slice %arg10[%run_scoped3A, %dma_wait3A, %dma_wait3A_209] : memref<4x128x64xf32, #tpu.memory_space<vmem>> -> memref<1x128x64xf32, #tpu.memory_space<vmem>>
      %dma_wait3A_211 = tpu.memref_squeeze %dma_wait3A_210 : memref<1x128x64xf32, #tpu.memory_space<vmem>> -> memref<128x64xf32, #tpu.memory_space<vmem>>
      %dma_wait3A_212 = arith.constant 0 : i32
      %dma_wait3A_213 = tpu.memref_slice %arg14[%add3A_15, %dma_wait3A_212] : memref<10240x64xf32, #tpu.memory_space<vmem_shared>> -> memref<128x64xf32, #tpu.memory_space<vmem_shared>>
      %dma_wait3A_214 = arith.constant 0 : i32
      %dma_wait3A_215 = tpu.memref_slice %arg14[%add3A_15, %dma_wait3A_214] : memref<10240x64xf32, #tpu.memory_space<vmem_shared>> -> memref<128x64xf32, #tpu.memory_space<vmem_shared>>
      %dma_wait3A_216 = arith.constant 0 : i32
      %dma_wait3A_217 = arith.constant 0 : i32
      %dma_wait3A_218 = tpu.memref_slice %arg10[%run_scoped3A, %dma_wait3A_216, %dma_wait3A_217] : memref<4x128x64xf32, #tpu.memory_space<vmem>> -> memref<1x128x64xf32, #tpu.memory_space<vmem>>
      %dma_wait3A_219 = tpu.memref_squeeze %dma_wait3A_218 : memref<1x128x64xf32, #tpu.memory_space<vmem>> -> memref<128x64xf32, #tpu.memory_space<vmem>>
      tpu.wait_dma2 semaphore(%run_scoped3A_196 : memref<!tpu.dma_semaphore, #tpu.memory_space<semaphore_mem>>) src(%dma_wait3A_219 : memref<128x64xf32, #tpu.memory_space<vmem>>) dst(%dma_wait3A_215 : memref<128x64xf32, #tpu.memory_space<vmem_shared>>)
      tpu.yield
    }) : () -> ()
    %add3A_16 = arith.constant 128 : i32
    %add3A_17 = arith.addi %mul3A_3, %add3A_16 : i32
    %run_scoped3A_18 = arith.constant 0 : i32
    "tpu.region"() ({
      %run_scoped3A_196 = tpu.sem_alloc : memref<!tpu.dma_semaphore, #tpu.memory_space<semaphore_mem>>
      %dma_start3A_197 = arith.constant 0 : i32
      %dma_start3A_198 = arith.constant 0 : i32
      %dma_start3A_199 = tpu.memref_slice %arg10[%run_scoped3A_18, %dma_start3A_197, %dma_start3A_198] : memref<4x128x64xf32, #tpu.memory_space<vmem>> -> memref<1x128x64xf32, #tpu.memory_space<vmem>>
      %dma_start3A_200 = tpu.memref_squeeze %dma_start3A_199 : memref<1x128x64xf32, #tpu.memory_space<vmem>> -> memref<128x64xf32, #tpu.memory_space<vmem>>
      %dma_start3A_201 = arith.constant 0 : i32
      %dma_start3A_202 = tpu.memref_slice %arg14[%add3A_17, %dma_start3A_201] : memref<10240x64xf32, #tpu.memory_space<vmem_shared>> -> memref<128x64xf32, #tpu.memory_space<vmem_shared>>
      %dma_start3A_203 = arith.constant 0 : i32
      %dma_start3A_204 = tpu.memref_slice %arg14[%add3A_17, %dma_start3A_203] : memref<10240x64xf32, #tpu.memory_space<vmem_shared>> -> memref<128x64xf32, #tpu.memory_space<vmem_shared>>
      %dma_start3A_205 = arith.constant 0 : i32
      %dma_start3A_206 = arith.constant 0 : i32
      %dma_start3A_207 = tpu.memref_slice %arg10[%run_scoped3A_18, %dma_start3A_205, %dma_start3A_206] : memref<4x128x64xf32, #tpu.memory_space<vmem>> -> memref<1x128x64xf32, #tpu.memory_space<vmem>>
      %dma_start3A_208 = tpu.memref_squeeze %dma_start3A_207 : memref<1x128x64xf32, #tpu.memory_space<vmem>> -> memref<128x64xf32, #tpu.memory_space<vmem>>
      tpu.enqueue_dma source(%dma_start3A_208 : memref<128x64xf32, #tpu.memory_space<vmem>>) target(%dma_start3A_204 : memref<128x64xf32, #tpu.memory_space<vmem_shared>>) target_semaphore(%run_scoped3A_196 : memref<!tpu.dma_semaphore, #tpu.memory_space<semaphore_mem>>)
      %dma_wait3A = arith.constant 0 : i32
      %dma_wait3A_209 = arith.constant 0 : i32
      %dma_wait3A_210 = tpu.memref_slice %arg10[%run_scoped3A_18, %dma_wait3A, %dma_wait3A_209] : memref<4x128x64xf32, #tpu.memory_space<vmem>> -> memref<1x128x64xf32, #tpu.memory_space<vmem>>
      %dma_wait3A_211 = tpu.memref_squeeze %dma_wait3A_210 : memref<1x128x64xf32, #tpu.memory_space<vmem>> -> memref<128x64xf32, #tpu.memory_space<vmem>>
      %dma_wait3A_212 = arith.constant 0 : i32
      %dma_wait3A_213 = tpu.memref_slice %arg14[%add3A_17, %dma_wait3A_212] : memref<10240x64xf32, #tpu.memory_space<vmem_shared>> -> memref<128x64xf32, #tpu.memory_space<vmem_shared>>
      %dma_wait3A_214 = arith.constant 0 : i32
      %dma_wait3A_215 = tpu.memref_slice %arg14[%add3A_17, %dma_wait3A_214] : memref<10240x64xf32, #tpu.memory_space<vmem_shared>> -> memref<128x64xf32, #tpu.memory_space<vmem_shared>>
      %dma_wait3A_216 = arith.constant 0 : i32
      %dma_wait3A_217 = arith.constant 0 : i32
      %dma_wait3A_218 = tpu.memref_slice %arg10[%run_scoped3A_18, %dma_wait3A_216, %dma_wait3A_217] : memref<4x128x64xf32, #tpu.memory_space<vmem>> -> memref<1x128x64xf32, #tpu.memory_space<vmem>>
      %dma_wait3A_219 = tpu.memref_squeeze %dma_wait3A_218 : memref<1x128x64xf32, #tpu.memory_space<vmem>> -> memref<128x64xf32, #tpu.memory_space<vmem>>
      tpu.wait_dma2 semaphore(%run_scoped3A_196 : memref<!tpu.dma_semaphore, #tpu.memory_space<semaphore_mem>>) src(%dma_wait3A_219 : memref<128x64xf32, #tpu.memory_space<vmem>>) dst(%dma_wait3A_215 : memref<128x64xf32, #tpu.memory_space<vmem_shared>>)
      tpu.yield
    }) : () -> ()
    %add3A_19 = arith.constant 256 : i32
    %add3A_20 = arith.addi %mul3A_3, %add3A_19 : i32
    %run_scoped3A_21 = arith.constant 0 : i32
    "tpu.region"() ({
      %run_scoped3A_196 = tpu.sem_alloc : memref<!tpu.dma_semaphore, #tpu.memory_space<semaphore_mem>>
      %dma_start3A_197 = arith.constant 0 : i32
      %dma_start3A_198 = arith.constant 0 : i32
      %dma_start3A_199 = tpu.memref_slice %arg10[%run_scoped3A_21, %dma_start3A_197, %dma_start3A_198] : memref<4x128x64xf32, #tpu.memory_space<vmem>> -> memref<1x128x64xf32, #tpu.memory_space<vmem>>
      %dma_start3A_200 = tpu.memref_squeeze %dma_start3A_199 : memref<1x128x64xf32, #tpu.memory_space<vmem>> -> memref<128x64xf32, #tpu.memory_space<vmem>>
      %dma_start3A_201 = arith.constant 0 : i32
      %dma_start3A_202 = tpu.memref_slice %arg14[%add3A_20, %dma_start3A_201] : memref<10240x64xf32, #tpu.memory_space<vmem_shared>> -> memref<128x64xf32, #tpu.memory_space<vmem_shared>>
      %dma_start3A_203 = arith.constant 0 : i32
      %dma_start3A_204 = tpu.memref_slice %arg14[%add3A_20, %dma_start3A_203] : memref<10240x64xf32, #tpu.memory_space<vmem_shared>> -> memref<128x64xf32, #tpu.memory_space<vmem_shared>>
      %dma_start3A_205 = arith.constant 0 : i32
      %dma_start3A_206 = arith.constant 0 : i32
      %dma_start3A_207 = tpu.memref_slice %arg10[%run_scoped3A_21, %dma_start3A_205, %dma_start3A_206] : memref<4x128x64xf32, #tpu.memory_space<vmem>> -> memref<1x128x64xf32, #tpu.memory_space<vmem>>
      %dma_start3A_208 = tpu.memref_squeeze %dma_start3A_207 : memref<1x128x64xf32, #tpu.memory_space<vmem>> -> memref<128x64xf32, #tpu.memory_space<vmem>>
      tpu.enqueue_dma source(%dma_start3A_208 : memref<128x64xf32, #tpu.memory_space<vmem>>) target(%dma_start3A_204 : memref<128x64xf32, #tpu.memory_space<vmem_shared>>) target_semaphore(%run_scoped3A_196 : memref<!tpu.dma_semaphore, #tpu.memory_space<semaphore_mem>>)
      %dma_wait3A = arith.constant 0 : i32
      %dma_wait3A_209 = arith.constant 0 : i32
      %dma_wait3A_210 = tpu.memref_slice %arg10[%run_scoped3A_21, %dma_wait3A, %dma_wait3A_209] : memref<4x128x64xf32, #tpu.memory_space<vmem>> -> memref<1x128x64xf32, #tpu.memory_space<vmem>>
      %dma_wait3A_211 = tpu.memref_squeeze %dma_wait3A_210 : memref<1x128x64xf32, #tpu.memory_space<vmem>> -> memref<128x64xf32, #tpu.memory_space<vmem>>
      %dma_wait3A_212 = arith.constant 0 : i32
      %dma_wait3A_213 = tpu.memref_slice %arg14[%add3A_20, %dma_wait3A_212] : memref<10240x64xf32, #tpu.memory_space<vmem_shared>> -> memref<128x64xf32, #tpu.memory_space<vmem_shared>>
      %dma_wait3A_214 = arith.constant 0 : i32
      %dma_wait3A_215 = tpu.memref_slice %arg14[%add3A_20, %dma_wait3A_214] : memref<10240x64xf32, #tpu.memory_space<vmem_shared>> -> memref<128x64xf32, #tpu.memory_space<vmem_shared>>
      %dma_wait3A_216 = arith.constant 0 : i32
      %dma_wait3A_217 = arith.constant 0 : i32
      %dma_wait3A_218 = tpu.memref_slice %arg10[%run_scoped3A_21, %dma_wait3A_216, %dma_wait3A_217] : memref<4x128x64xf32, #tpu.memory_space<vmem>> -> memref<1x128x64xf32, #tpu.memory_space<vmem>>
      %dma_wait3A_219 = tpu.memref_squeeze %dma_wait3A_218 : memref<1x128x64xf32, #tpu.memory_space<vmem>> -> memref<128x64xf32, #tpu.memory_space<vmem>>
      tpu.wait_dma2 semaphore(%run_scoped3A_196 : memref<!tpu.dma_semaphore, #tpu.memory_space<semaphore_mem>>) src(%dma_wait3A_219 : memref<128x64xf32, #tpu.memory_space<vmem>>) dst(%dma_wait3A_215 : memref<128x64xf32, #tpu.memory_space<vmem_shared>>)
      tpu.yield
    }) : () -> ()
    %add3A_22 = arith.constant 384 : i32
    %add3A_23 = arith.addi %mul3A_3, %add3A_22 : i32
    %run_scoped3A_24 = arith.constant 0 : i32
    "tpu.region"() ({
      %run_scoped3A_196 = tpu.sem_alloc : memref<!tpu.dma_semaphore, #tpu.memory_space<semaphore_mem>>
      %dma_start3A_197 = arith.constant 0 : i32
      %dma_start3A_198 = arith.constant 0 : i32
      %dma_start3A_199 = tpu.memref_slice %arg10[%run_scoped3A_24, %dma_start3A_197, %dma_start3A_198] : memref<4x128x64xf32, #tpu.memory_space<vmem>> -> memref<1x128x64xf32, #tpu.memory_space<vmem>>
      %dma_start3A_200 = tpu.memref_squeeze %dma_start3A_199 : memref<1x128x64xf32, #tpu.memory_space<vmem>> -> memref<128x64xf32, #tpu.memory_space<vmem>>
      %dma_start3A_201 = arith.constant 0 : i32
      %dma_start3A_202 = tpu.memref_slice %arg14[%add3A_23, %dma_start3A_201] : memref<10240x64xf32, #tpu.memory_space<vmem_shared>> -> memref<128x64xf32, #tpu.memory_space<vmem_shared>>
      %dma_start3A_203 = arith.constant 0 : i32
      %dma_start3A_204 = tpu.memref_slice %arg14[%add3A_23, %dma_start3A_203] : memref<10240x64xf32, #tpu.memory_space<vmem_shared>> -> memref<128x64xf32, #tpu.memory_space<vmem_shared>>
      %dma_start3A_205 = arith.constant 0 : i32
      %dma_start3A_206 = arith.constant 0 : i32
      %dma_start3A_207 = tpu.memref_slice %arg10[%run_scoped3A_24, %dma_start3A_205, %dma_start3A_206] : memref<4x128x64xf32, #tpu.memory_space<vmem>> -> memref<1x128x64xf32, #tpu.memory_space<vmem>>
      %dma_start3A_208 = tpu.memref_squeeze %dma_start3A_207 : memref<1x128x64xf32, #tpu.memory_space<vmem>> -> memref<128x64xf32, #tpu.memory_space<vmem>>
      tpu.enqueue_dma source(%dma_start3A_208 : memref<128x64xf32, #tpu.memory_space<vmem>>) target(%dma_start3A_204 : memref<128x64xf32, #tpu.memory_space<vmem_shared>>) target_semaphore(%run_scoped3A_196 : memref<!tpu.dma_semaphore, #tpu.memory_space<semaphore_mem>>)
      %dma_wait3A = arith.constant 0 : i32
      %dma_wait3A_209 = arith.constant 0 : i32
      %dma_wait3A_210 = tpu.memref_slice %arg10[%run_scoped3A_24, %dma_wait3A, %dma_wait3A_209] : memref<4x128x64xf32, #tpu.memory_space<vmem>> -> memref<1x128x64xf32, #tpu.memory_space<vmem>>
      %dma_wait3A_211 = tpu.memref_squeeze %dma_wait3A_210 : memref<1x128x64xf32, #tpu.memory_space<vmem>> -> memref<128x64xf32, #tpu.memory_space<vmem>>
      %dma_wait3A_212 = arith.constant 0 : i32
      %dma_wait3A_213 = tpu.memref_slice %arg14[%add3A_23, %dma_wait3A_212] : memref<10240x64xf32, #tpu.memory_space<vmem_shared>> -> memref<128x64xf32, #tpu.memory_space<vmem_shared>>
      %dma_wait3A_214 = arith.constant 0 : i32
      %dma_wait3A_215 = tpu.memref_slice %arg14[%add3A_23, %dma_wait3A_214] : memref<10240x64xf32, #tpu.memory_space<vmem_shared>> -> memref<128x64xf32, #tpu.memory_space<vmem_shared>>
      %dma_wait3A_216 = arith.constant 0 : i32
      %dma_wait3A_217 = arith.constant 0 : i32
      %dma_wait3A_218 = tpu.memref_slice %arg10[%run_scoped3A_24, %dma_wait3A_216, %dma_wait3A_217] : memref<4x128x64xf32, #tpu.memory_space<vmem>> -> memref<1x128x64xf32, #tpu.memory_space<vmem>>
      %dma_wait3A_219 = tpu.memref_squeeze %dma_wait3A_218 : memref<1x128x64xf32, #tpu.memory_space<vmem>> -> memref<128x64xf32, #tpu.memory_space<vmem>>
      tpu.wait_dma2 semaphore(%run_scoped3A_196 : memref<!tpu.dma_semaphore, #tpu.memory_space<semaphore_mem>>) src(%dma_wait3A_219 : memref<128x64xf32, #tpu.memory_space<vmem>>) dst(%dma_wait3A_215 : memref<128x64xf32, #tpu.memory_space<vmem_shared>>)
      tpu.yield
    }) : () -> ()
    %add3A_25 = arith.constant 512 : i32
    %add3A_26 = arith.addi %mul3A_3, %add3A_25 : i32
    %run_scoped3A_27 = arith.constant 0 : i32
    "tpu.region"() ({
      %run_scoped3A_196 = tpu.sem_alloc : memref<!tpu.dma_semaphore, #tpu.memory_space<semaphore_mem>>
      %dma_start3A_197 = arith.constant 0 : i32
      %dma_start3A_198 = arith.constant 0 : i32
      %dma_start3A_199 = tpu.memref_slice %arg10[%run_scoped3A_27, %dma_start3A_197, %dma_start3A_198] : memref<4x128x64xf32, #tpu.memory_space<vmem>> -> memref<1x128x64xf32, #tpu.memory_space<vmem>>
      %dma_start3A_200 = tpu.memref_squeeze %dma_start3A_199 : memref<1x128x64xf32, #tpu.memory_space<vmem>> -> memref<128x64xf32, #tpu.memory_space<vmem>>
      %dma_start3A_201 = arith.constant 0 : i32
      %dma_start3A_202 = tpu.memref_slice %arg14[%add3A_26, %dma_start3A_201] : memref<10240x64xf32, #tpu.memory_space<vmem_shared>> -> memref<128x64xf32, #tpu.memory_space<vmem_shared>>
      %dma_start3A_203 = arith.constant 0 : i32
      %dma_start3A_204 = tpu.memref_slice %arg14[%add3A_26, %dma_start3A_203] : memref<10240x64xf32, #tpu.memory_space<vmem_shared>> -> memref<128x64xf32, #tpu.memory_space<vmem_shared>>
      %dma_start3A_205 = arith.constant 0 : i32
      %dma_start3A_206 = arith.constant 0 : i32
      %dma_start3A_207 = tpu.memref_slice %arg10[%run_scoped3A_27, %dma_start3A_205, %dma_start3A_206] : memref<4x128x64xf32, #tpu.memory_space<vmem>> -> memref<1x128x64xf32, #tpu.memory_space<vmem>>
      %dma_start3A_208 = tpu.memref_squeeze %dma_start3A_207 : memref<1x128x64xf32, #tpu.memory_space<vmem>> -> memref<128x64xf32, #tpu.memory_space<vmem>>
      tpu.enqueue_dma source(%dma_start3A_208 : memref<128x64xf32, #tpu.memory_space<vmem>>) target(%dma_start3A_204 : memref<128x64xf32, #tpu.memory_space<vmem_shared>>) target_semaphore(%run_scoped3A_196 : memref<!tpu.dma_semaphore, #tpu.memory_space<semaphore_mem>>)
      %dma_wait3A = arith.constant 0 : i32
      %dma_wait3A_209 = arith.constant 0 : i32
      %dma_wait3A_210 = tpu.memref_slice %arg10[%run_scoped3A_27, %dma_wait3A, %dma_wait3A_209] : memref<4x128x64xf32, #tpu.memory_space<vmem>> -> memref<1x128x64xf32, #tpu.memory_space<vmem>>
      %dma_wait3A_211 = tpu.memref_squeeze %dma_wait3A_210 : memref<1x128x64xf32, #tpu.memory_space<vmem>> -> memref<128x64xf32, #tpu.memory_space<vmem>>
      %dma_wait3A_212 = arith.constant 0 : i32
      %dma_wait3A_213 = tpu.memref_slice %arg14[%add3A_26, %dma_wait3A_212] : memref<10240x64xf32, #tpu.memory_space<vmem_shared>> -> memref<128x64xf32, #tpu.memory_space<vmem_shared>>
      %dma_wait3A_214 = arith.constant 0 : i32
      %dma_wait3A_215 = tpu.memref_slice %arg14[%add3A_26, %dma_wait3A_214] : memref<10240x64xf32, #tpu.memory_space<vmem_shared>> -> memref<128x64xf32, #tpu.memory_space<vmem_shared>>
      %dma_wait3A_216 = arith.constant 0 : i32
      %dma_wait3A_217 = arith.constant 0 : i32
      %dma_wait3A_218 = tpu.memref_slice %arg10[%run_scoped3A_27, %dma_wait3A_216, %dma_wait3A_217] : memref<4x128x64xf32, #tpu.memory_space<vmem>> -> memref<1x128x64xf32, #tpu.memory_space<vmem>>
      %dma_wait3A_219 = tpu.memref_squeeze %dma_wait3A_218 : memref<1x128x64xf32, #tpu.memory_space<vmem>> -> memref<128x64xf32, #tpu.memory_space<vmem>>
      tpu.wait_dma2 semaphore(%run_scoped3A_196 : memref<!tpu.dma_semaphore, #tpu.memory_space<semaphore_mem>>) src(%dma_wait3A_219 : memref<128x64xf32, #tpu.memory_space<vmem>>) dst(%dma_wait3A_215 : memref<128x64xf32, #tpu.memory_space<vmem_shared>>)
      tpu.yield
    }) : () -> ()
    %iota3A = tpu.iota {dimensions = array<i32: 0>} : vector<16xi32>
    %add3A_28 = arith.constant 0 : i32
    %add3A_29 = vector.broadcast %add3A_28 : i32 to vector<16xi32>
    %add3A_30 = arith.addi %iota3A, %add3A_29 : vector<16xi32>
    %swap3A = arith.constant 0 : index
    %swap3A_31 = tpu.vector_load %arg13[%swap3A] {strides = array<i32>} : memref<80xi32, #tpu.memory_space<vmem>>, vector<16xi32>,
    tpu.vector_store %arg13[%swap3A], %add3A_30 {strides = array<i32>} : memref<80xi32, #tpu.memory_space<vmem>>, vector<16xi32>,
    %iota3A_32 = tpu.iota {dimensions = array<i32: 0>} : vector<16xi32>
    %add3A_33 = arith.constant 16 : i32
    %add3A_34 = vector.broadcast %add3A_33 : i32 to vector<16xi32>
    %add3A_35 = arith.addi %iota3A_32, %add3A_34 : vector<16xi32>
    %swap3A_36 = arith.constant 16 : index
    %swap3A_37 = tpu.vector_load %arg13[%swap3A_36] {strides = array<i32>} : memref<80xi32, #tpu.memory_space<vmem>>, vector<16xi32>,
    tpu.vector_store %arg13[%swap3A_36], %add3A_35 {strides = array<i32>} : memref<80xi32, #tpu.memory_space<vmem>>, vector<16xi32>,
    %iota3A_38 = tpu.iota {dimensions = array<i32: 0>} : vector<16xi32>
    %add3A_39 = arith.constant 32 : i32
    %add3A_40 = vector.broadcast %add3A_39 : i32 to vector<16xi32>
    %add3A_41 = arith.addi %iota3A_38, %add3A_40 : vector<16xi32>
    %swap3A_42 = arith.constant 32 : index
    %swap3A_43 = tpu.vector_load %arg13[%swap3A_42] {strides = array<i32>} : memref<80xi32, #tpu.memory_space<vmem>>, vector<16xi32>,
    tpu.vector_store %arg13[%swap3A_42], %add3A_41 {strides = array<i32>} : memref<80xi32, #tpu.memory_space<vmem>>, vector<16xi32>,
    %iota3A_44 = tpu.iota {dimensions = array<i32: 0>} : vector<16xi32>
    %add3A_45 = arith.constant 48 : i32
    %add3A_46 = vector.broadcast %add3A_45 : i32 to vector<16xi32>
    %add3A_47 = arith.addi %iota3A_44, %add3A_46 : vector<16xi32>
    %swap3A_48 = arith.constant 48 : index
    %swap3A_49 = tpu.vector_load %arg13[%swap3A_48] {strides = array<i32>} : memref<80xi32, #tpu.memory_space<vmem>>, vector<16xi32>,
    tpu.vector_store %arg13[%swap3A_48], %add3A_47 {strides = array<i32>} : memref<80xi32, #tpu.memory_space<vmem>>, vector<16xi32>,
    %iota3A_50 = tpu.iota {dimensions = array<i32: 0>} : vector<16xi32>
    %add3A_51 = arith.constant 64 : i32
    %add3A_52 = vector.broadcast %add3A_51 : i32 to vector<16xi32>
    %add3A_53 = arith.addi %iota3A_50, %add3A_52 : vector<16xi32>
    %swap3A_54 = arith.constant 64 : index
    %swap3A_55 = tpu.vector_load %arg13[%swap3A_54] {strides = array<i32>} : memref<80xi32, #tpu.memory_space<vmem>>, vector<16xi32>,
    tpu.vector_store %arg13[%swap3A_54], %add3A_53 {strides = array<i32>} : memref<80xi32, #tpu.memory_space<vmem>>, vector<16xi32>,
    %barrier3A = arith.constant 0 : index
    tpu.barrier barrier_id(%barrier3A)
    %scan3A_56 = arith.constant 0 : i32
    %scan3A_57 = arith.constant 1280 : i32
    %scan3A_58 = arith.addi %scan3A_56, %scan3A_57 : i32
    %scan3A_59 = arith.constant 1 : i32
    scf.for %scan3A_196 = %scan3A_56 to %scan3A_58 step %scan3A_59  : i32 {
      %jit3A = arith.constant 8 : i32
      %div3A = arith.divsi %scan3A_196, %jit3A : i32
      %sign3A = arith.constant 0 : i32
      %sign3A_197 = arith.cmpi sgt, %scan3A_196, %sign3A : i32
      %sign3A_198 = arith.extui %sign3A_197 : i1 to i32
      %sign3A_199 = arith.constant 0 : i32
      %sign3A_200 = arith.cmpi slt, %scan3A_196, %sign3A_199 : i32
      %sign3A_201 = arith.extui %sign3A_200 : i1 to i32
      %sign3A_202 = arith.subi %sign3A_198, %sign3A_201 : i32
      %sign3A_203 = arith.constant 0 : i32
      %sign3A_204 = arith.cmpi sgt, %jit3A, %sign3A_203 : i32
      %sign3A_205 = arith.extui %sign3A_204 : i1 to i32
      %sign3A_206 = arith.constant 0 : i32
      %sign3A_207 = arith.cmpi slt, %jit3A, %sign3A_206 : i32
      %sign3A_208 = arith.extui %sign3A_207 : i1 to i32
      %sign3A_209 = arith.subi %sign3A_205, %sign3A_208 : i32
      %ne3A = arith.cmpi ne, %sign3A_202, %sign3A_209 : i32
      %rem3A = arith.remsi %scan3A_196, %jit3A : i32
      %ne3A_210 = arith.constant 0 : i32
      %ne3A_211 = arith.cmpi ne, %rem3A, %ne3A_210 : i32
      %and3A = arith.andi %ne3A, %ne3A_211 : i1
      %sub3A = arith.constant 1 : i32
      %sub3A_212 = arith.subi %div3A, %sub3A : i32
      %select_n3A = arith.select %and3A, %sub3A_212, %div3A : i32
      %jit3A_213 = arith.constant 8 : i32
      %eq3A_214 = arith.constant 0 : i32
      %eq3A_215 = arith.cmpi eq, %jit3A_213, %eq3A_214 : i32
      %jit3A_216 = arith.constant 1 : i32
      %select_n3A_217 = arith.select %eq3A_215, %jit3A_216, %jit3A_213 : i32
      %rem3A_218 = arith.remsi %scan3A_196, %select_n3A_217 : i32
      %ne3A_219 = arith.constant 0 : i32
      %ne3A_220 = arith.cmpi ne, %rem3A_218, %ne3A_219 : i32
      %lt3A = arith.constant 0 : i32
      %lt3A_221 = arith.cmpi slt, %rem3A_218, %lt3A : i32
      %lt3A_222 = arith.constant 0 : i32
      %lt3A_223 = arith.cmpi slt, %select_n3A_217, %lt3A_222 : i32
      %ne3A_224 = arith.xori %lt3A_221, %lt3A_223 : i1
      %and3A_225 = arith.andi %ne3A_224, %ne3A_220 : i1
      %add3A_226 = arith.addi %rem3A_218, %select_n3A_217 : i32
      %select_n3A_227 = arith.select %and3A_225, %add3A_226, %rem3A_218 : i32
      %mul3A_228 = arith.constant 16 : i32
      %mul3A_229 = arith.muli %select_n3A_227, %mul3A_228 : i32
      %get3A = arith.index_cast %select_n3A : i32 to index
      %get3A_230 = arith.index_cast %mul3A_229 : i32 to index
      %get3A_231 = tpu.vector_load %arg9[%get3A, %get3A_230] {strides = array<i32>} : memref<160x128xi32, #tpu.memory_space<vmem>>, vector<16xi32>,
      %shift_right_arithmetic3A = arith.constant 7 : i32
      %shift_right_arithmetic3A_232 = vector.broadcast %shift_right_arithmetic3A : i32 to vector<16xi32>
      %shift_right_arithmetic3A_233 = arith.shrsi %get3A_231, %shift_right_arithmetic3A_232 : vector<16xi32>
      %and3A_234 = arith.constant 127 : i32
      %and3A_235 = vector.broadcast %and3A_234 : i32 to vector<16xi32>
      %and3A_236 = arith.andi %get3A_231, %and3A_235 : vector<16xi32>
      tpu.vector_store_idx %arg11[%shift_right_arithmetic3A_233, %and3A_236], %broadcast_in_dim3A_2 {add = true} : memref<80x128xf32, #tpu.memory_space<vmem>>[vector<16xi32>, vector<16xi32>], vector<16xf32>,
    }
    %scan3A_60 = arith.constant 1280 : i32
    "tpu.region"() ({
      %run_scoped3A_196 = tpu.sem_alloc : memref<!tpu.dma_semaphore, #tpu.memory_space<semaphore_mem>>
      %dma_start3A_197 = arith.constant 0 : i32
      %dma_start3A_198 = arith.constant 0 : i32
      %dma_start3A_199 = tpu.memref_slice %arg15[%dma_start3A_197, %dma_start3A_198] : memref<80x128xf32, #tpu.memory_space<vmem_shared>> -> memref<80x128xf32, #tpu.memory_space<vmem_shared>>
      tpu.enqueue_indirect_dma source(%arg11 : memref<80x128xf32, #tpu.memory_space<vmem>>) target(%dma_start3A_199 : memref<80x128xf32, #tpu.memory_space<vmem_shared>>) offsets(%arg13 : memref<80xi32, #tpu.memory_space<vmem>>) semaphore(%run_scoped3A_196 : memref<!tpu.dma_semaphore, #tpu.memory_space<semaphore_mem>>) {add = true}
      %dma_wait3A = arith.constant 0 : i32
      %dma_wait3A_200 = arith.constant 0 : i32
      %dma_wait3A_201 = tpu.memref_slice %arg15[%dma_wait3A, %dma_wait3A_200] : memref<80x128xf32, #tpu.memory_space<vmem_shared>> -> memref<80x128xf32, #tpu.memory_space<vmem_shared>>
      tpu.wait_indirect_dma semaphore(%run_scoped3A_196 : memref<!tpu.dma_semaphore, #tpu.memory_space<semaphore_mem>>) src(%arg11 : memref<80x128xf32, #tpu.memory_space<vmem>>) dst(%dma_wait3A_201 : memref<80x128xf32, #tpu.memory_space<vmem_shared>>)
      tpu.yield
    }) : () -> ()
    %barrier3A_61 = arith.constant 0 : index
    tpu.barrier barrier_id(%barrier3A_61)
    %mul3A_62 = arith.constant 5 : i32
    %mul3A_63 = arith.muli %arg1, %mul3A_62 : i32
    "tpu.region"() ({
      %run_scoped3A_196 = tpu.sem_alloc : memref<!tpu.dma_semaphore, #tpu.memory_space<semaphore_mem>>
      %dma_start3A_197 = arith.constant 0 : i32
      %dma_start3A_198 = tpu.memref_slice %arg15[%mul3A_63, %dma_start3A_197] : memref<80x128xf32, #tpu.memory_space<vmem_shared>> -> memref<5x128xf32, #tpu.memory_space<vmem_shared>>
      %dma_start3A_199 = arith.constant 0 : i32
      %dma_start3A_200 = tpu.memref_slice %arg15[%mul3A_63, %dma_start3A_199] : memref<80x128xf32, #tpu.memory_space<vmem_shared>> -> memref<5x128xf32, #tpu.memory_space<vmem_shared>>
      tpu.enqueue_dma source(%dma_start3A_200 : memref<5x128xf32, #tpu.memory_space<vmem_shared>>) target(%arg12 : memref<5x128xf32, #tpu.memory_space<vmem>>) target_semaphore(%run_scoped3A_196 : memref<!tpu.dma_semaphore, #tpu.memory_space<semaphore_mem>>)
      %dma_wait3A = arith.constant 0 : i32
      %dma_wait3A_201 = tpu.memref_slice %arg15[%mul3A_63, %dma_wait3A] : memref<80x128xf32, #tpu.memory_space<vmem_shared>> -> memref<5x128xf32, #tpu.memory_space<vmem_shared>>
      %dma_wait3A_202 = arith.constant 0 : i32
      %dma_wait3A_203 = tpu.memref_slice %arg15[%mul3A_63, %dma_wait3A_202] : memref<80x128xf32, #tpu.memory_space<vmem_shared>> -> memref<5x128xf32, #tpu.memory_space<vmem_shared>>
      tpu.wait_dma2 semaphore(%run_scoped3A_196 : memref<!tpu.dma_semaphore, #tpu.memory_space<semaphore_mem>>) src(%dma_wait3A_203 : memref<5x128xf32, #tpu.memory_space<vmem_shared>>) dst(%arg12 : memref<5x128xf32, #tpu.memory_space<vmem>>)
      tpu.yield
    }) : () -> ()
    %scan3A_64 = arith.constant 0 : i32
    %scan3A_65 = arith.constant 40 : i32
    %scan3A_66 = arith.addi %scan3A_64, %scan3A_65 : i32
    %scan3A_67 = arith.constant 1 : i32
    scf.for %scan3A_196 = %scan3A_64 to %scan3A_66 step %scan3A_67  : i32 {
      %jit3A = arith.constant 8 : i32
      %div3A = arith.divsi %scan3A_196, %jit3A : i32
      %sign3A = arith.constant 0 : i32
      %sign3A_197 = arith.cmpi sgt, %scan3A_196, %sign3A : i32
      %sign3A_198 = arith.extui %sign3A_197 : i1 to i32
      %sign3A_199 = arith.constant 0 : i32
      %sign3A_200 = arith.cmpi slt, %scan3A_196, %sign3A_199 : i32
      %sign3A_201 = arith.extui %sign3A_200 : i1 to i32
      %sign3A_202 = arith.subi %sign3A_198, %sign3A_201 : i32
      %sign3A_203 = arith.constant 0 : i32
      %sign3A_204 = arith.cmpi sgt, %jit3A, %sign3A_203 : i32
      %sign3A_205 = arith.extui %sign3A_204 : i1 to i32
      %sign3A_206 = arith.constant 0 : i32
      %sign3A_207 = arith.cmpi slt, %jit3A, %sign3A_206 : i32
      %sign3A_208 = arith.extui %sign3A_207 : i1 to i32
      %sign3A_209 = arith.subi %sign3A_205, %sign3A_208 : i32
      %ne3A = arith.cmpi ne, %sign3A_202, %sign3A_209 : i32
      %rem3A = arith.remsi %scan3A_196, %jit3A : i32
      %ne3A_210 = arith.constant 0 : i32
      %ne3A_211 = arith.cmpi ne, %rem3A, %ne3A_210 : i32
      %and3A = arith.andi %ne3A, %ne3A_211 : i1
      %sub3A = arith.constant 1 : i32
      %sub3A_212 = arith.subi %div3A, %sub3A : i32
      %select_n3A = arith.select %and3A, %sub3A_212, %div3A : i32
      %jit3A_213 = arith.constant 8 : i32
      %eq3A_214 = arith.constant 0 : i32
      %eq3A_215 = arith.cmpi eq, %jit3A_213, %eq3A_214 : i32
      %jit3A_216 = arith.constant 1 : i32
      %select_n3A_217 = arith.select %eq3A_215, %jit3A_216, %jit3A_213 : i32
      %rem3A_218 = arith.remsi %scan3A_196, %select_n3A_217 : i32
      %ne3A_219 = arith.constant 0 : i32
      %ne3A_220 = arith.cmpi ne, %rem3A_218, %ne3A_219 : i32
      %lt3A = arith.constant 0 : i32
      %lt3A_221 = arith.cmpi slt, %rem3A_218, %lt3A : i32
      %lt3A_222 = arith.constant 0 : i32
      %lt3A_223 = arith.cmpi slt, %select_n3A_217, %lt3A_222 : i32
      %ne3A_224 = arith.xori %lt3A_221, %lt3A_223 : i1
      %and3A_225 = arith.andi %ne3A_224, %ne3A_220 : i1
      %add3A_226 = arith.addi %rem3A_218, %select_n3A_217 : i32
      %select_n3A_227 = arith.select %and3A_225, %add3A_226, %rem3A_218 : i32
      %mul3A_228 = arith.constant 16 : i32
      %mul3A_229 = arith.muli %select_n3A_227, %mul3A_228 : i32
      %get3A = arith.index_cast %select_n3A : i32 to index
      %get3A_230 = arith.index_cast %mul3A_229 : i32 to index
      %get3A_231 = tpu.vector_load %arg12[%get3A, %get3A_230] {strides = array<i32>} : memref<5x128xf32, #tpu.memory_space<vmem>>, vector<16xf32>,
      %add3A_232 = arith.constant 1.000000e+00 : f32
      %add3A_233 = vector.broadcast %add3A_232 : f32 to vector<16xf32>
      %add3A_234 = arith.addf %get3A_231, %add3A_233 : vector<16xf32>
      %bitcast_convert_type3A = tpu.bitcast %add3A_234 : vector<16xf32> -> vector<16xi32>
      %shift_right_arithmetic3A = arith.constant 1 : i32
      %shift_right_arithmetic3A_235 = vector.broadcast %shift_right_arithmetic3A : i32 to vector<16xi32>
      %shift_right_arithmetic3A_236 = arith.shrsi %bitcast_convert_type3A, %shift_right_arithmetic3A_235 : vector<16xi32>
      %sub3A_237 = arith.constant 1597463007 : i32
      %sub3A_238 = vector.broadcast %sub3A_237 : i32 to vector<16xi32>
      %sub3A_239 = arith.subi %sub3A_238, %shift_right_arithmetic3A_236 : vector<16xi32>
      %bitcast_convert_type3A_240 = tpu.bitcast %sub3A_239 : vector<16xi32> -> vector<16xf32>
      %mul3A_241 = arith.constant 5.000000e-01 : f32
      %mul3A_242 = vector.broadcast %mul3A_241 : f32 to vector<16xf32>
      %mul3A_243 = arith.mulf %mul3A_242, %add3A_234 : vector<16xf32>
      %mul3A_244 = arith.mulf %mul3A_243, %bitcast_convert_type3A_240 : vector<16xf32>
      %mul3A_245 = arith.mulf %mul3A_244, %bitcast_convert_type3A_240 : vector<16xf32>
      %sub3A_246 = arith.constant 1.500000e+00 : f32
      %sub3A_247 = vector.broadcast %sub3A_246 : f32 to vector<16xf32>
      %sub3A_248 = arith.subf %sub3A_247, %mul3A_245 : vector<16xf32>
      %mul3A_249 = arith.mulf %bitcast_convert_type3A_240, %sub3A_248 : vector<16xf32>
      %mul3A_250 = arith.constant 5.000000e-01 : f32
      %mul3A_251 = vector.broadcast %mul3A_250 : f32 to vector<16xf32>
      %mul3A_252 = arith.mulf %mul3A_251, %add3A_234 : vector<16xf32>
      %mul3A_253 = arith.mulf %mul3A_252, %mul3A_249 : vector<16xf32>
      %mul3A_254 = arith.mulf %mul3A_253, %mul3A_249 : vector<16xf32>
      %sub3A_255 = arith.constant 1.500000e+00 : f32
      %sub3A_256 = vector.broadcast %sub3A_255 : f32 to vector<16xf32>
      %sub3A_257 = arith.subf %sub3A_256, %mul3A_254 : vector<16xf32>
      %mul3A_258 = arith.mulf %mul3A_249, %sub3A_257 : vector<16xf32>
      %mul3A_259 = arith.constant 5.000000e-01 : f32
      %mul3A_260 = vector.broadcast %mul3A_259 : f32 to vector<16xf32>
      %mul3A_261 = arith.mulf %mul3A_260, %add3A_234 : vector<16xf32>
      %mul3A_262 = arith.mulf %mul3A_261, %mul3A_258 : vector<16xf32>
      %mul3A_263 = arith.mulf %mul3A_262, %mul3A_258 : vector<16xf32>
      %sub3A_264 = arith.constant 1.500000e+00 : f32
      %sub3A_265 = vector.broadcast %sub3A_264 : f32 to vector<16xf32>
      %sub3A_266 = arith.subf %sub3A_265, %mul3A_263 : vector<16xf32>
      %mul3A_267 = arith.mulf %mul3A_258, %sub3A_266 : vector<16xf32>
      %swap3A_268 = arith.index_cast %select_n3A : i32 to index
      %swap3A_269 = arith.index_cast %mul3A_229 : i32 to index
      %swap3A_270 = tpu.vector_load %arg12[%swap3A_268, %swap3A_269] {strides = array<i32>} : memref<5x128xf32, #tpu.memory_space<vmem>>, vector<16xf32>,
      tpu.vector_store %arg12[%swap3A_268, %swap3A_269], %mul3A_267 {strides = array<i32>} : memref<5x128xf32, #tpu.memory_space<vmem>>, vector<16xf32>,
    }
    %scan3A_68 = arith.constant 40 : i32
    %eq3A = arith.constant 0 : i32
    %eq3A_69 = arith.cmpi eq, %arg0, %eq3A : i32
    %convert_element_type3A = arith.extui %eq3A_69 : i1 to i32
    %cond3A = arith.constant 0 : i32
    %cond3A_70 = arith.cmpi ne, %convert_element_type3A, %cond3A : i32
    scf.if %cond3A_70 {
      %mul3A_196 = arith.constant 5 : i32
      %mul3A_197 = arith.muli %arg1, %mul3A_196 : i32
      "tpu.region"() ({
        %run_scoped3A_198 = tpu.sem_alloc : memref<!tpu.dma_semaphore, #tpu.memory_space<semaphore_mem>>
        %dma_start3A_199 = arith.constant 0 : i32
        %dma_start3A_200 = tpu.memref_slice %arg7[%mul3A_197, %dma_start3A_199] : memref<80x128xf32, #tpu.memory_space<hbm>> -> memref<5x128xf32, #tpu.memory_space<hbm>>
        %dma_start3A_201 = arith.constant 0 : i32
        %dma_start3A_202 = tpu.memref_slice %arg7[%mul3A_197, %dma_start3A_201] : memref<80x128xf32, #tpu.memory_space<hbm>> -> memref<5x128xf32, #tpu.memory_space<hbm>>
        tpu.enqueue_dma source(%arg12 : memref<5x128xf32, #tpu.memory_space<vmem>>) target(%dma_start3A_202 : memref<5x128xf32, #tpu.memory_space<hbm>>) target_semaphore(%run_scoped3A_198 : memref<!tpu.dma_semaphore, #tpu.memory_space<semaphore_mem>>)
        %dma_wait3A = arith.constant 0 : i32
        %dma_wait3A_203 = tpu.memref_slice %arg7[%mul3A_197, %dma_wait3A] : memref<80x128xf32, #tpu.memory_space<hbm>> -> memref<5x128xf32, #tpu.memory_space<hbm>>
        %dma_wait3A_204 = arith.constant 0 : i32
        %dma_wait3A_205 = tpu.memref_slice %arg7[%mul3A_197, %dma_wait3A_204] : memref<80x128xf32, #tpu.memory_space<hbm>> -> memref<5x128xf32, #tpu.memory_space<hbm>>
        tpu.wait_dma2 semaphore(%run_scoped3A_198 : memref<!tpu.dma_semaphore, #tpu.memory_space<semaphore_mem>>) src(%arg12 : memref<5x128xf32, #tpu.memory_space<vmem>>) dst(%dma_wait3A_205 : memref<5x128xf32, #tpu.memory_space<hbm>>)
        tpu.yield
      }) : () -> ()
    } else {
    }
    %add3A_71 = arith.constant 0 : i32
    %add3A_72 = arith.addi %mul3A_3, %add3A_71 : i32
    %run_scoped3A_73 = arith.constant 1 : i32
    "tpu.region"() ({
      %run_scoped3A_196 = tpu.sem_alloc : memref<!tpu.dma_semaphore, #tpu.memory_space<semaphore_mem>>
      %dma_start3A_197 = arith.constant 0 : i32
      %dma_start3A_198 = arith.constant 0 : i32
      %dma_start3A_199 = tpu.memref_slice %arg10[%run_scoped3A_73, %dma_start3A_197, %dma_start3A_198] : memref<4x128x64xf32, #tpu.memory_space<vmem>> -> memref<1x128x64xf32, #tpu.memory_space<vmem>>
      %dma_start3A_200 = tpu.memref_squeeze %dma_start3A_199 : memref<1x128x64xf32, #tpu.memory_space<vmem>> -> memref<128x64xf32, #tpu.memory_space<vmem>>
      %dma_start3A_201 = arith.constant 0 : i32
      %dma_start3A_202 = tpu.memref_slice %arg4[%arg0, %add3A_72, %dma_start3A_201] : memref<2x10240x64xf32, #tpu.memory_space<hbm>> -> memref<1x128x64xf32, #tpu.memory_space<hbm>>
      %dma_start3A_203 = tpu.memref_squeeze %dma_start3A_202 : memref<1x128x64xf32, #tpu.memory_space<hbm>> -> memref<128x64xf32, #tpu.memory_space<hbm>>
      %dma_start3A_204 = arith.constant 0 : i32
      %dma_start3A_205 = arith.constant 0 : i32
      %dma_start3A_206 = tpu.memref_slice %arg10[%run_scoped3A_73, %dma_start3A_204, %dma_start3A_205] : memref<4x128x64xf32, #tpu.memory_space<vmem>> -> memref<1x128x64xf32, #tpu.memory_space<vmem>>
      %dma_start3A_207 = tpu.memref_squeeze %dma_start3A_206 : memref<1x128x64xf32, #tpu.memory_space<vmem>> -> memref<128x64xf32, #tpu.memory_space<vmem>>
      %dma_start3A_208 = arith.constant 0 : i32
      %dma_start3A_209 = tpu.memref_slice %arg4[%arg0, %add3A_72, %dma_start3A_208] : memref<2x10240x64xf32, #tpu.memory_space<hbm>> -> memref<1x128x64xf32, #tpu.memory_space<hbm>>
      %dma_start3A_210 = tpu.memref_squeeze %dma_start3A_209 : memref<1x128x64xf32, #tpu.memory_space<hbm>> -> memref<128x64xf32, #tpu.memory_space<hbm>>
      tpu.enqueue_dma source(%dma_start3A_210 : memref<128x64xf32, #tpu.memory_space<hbm>>) target(%dma_start3A_207 : memref<128x64xf32, #tpu.memory_space<vmem>>) target_semaphore(%run_scoped3A_196 : memref<!tpu.dma_semaphore, #tpu.memory_space<semaphore_mem>>)
      %dma_wait3A = arith.constant 0 : i32
      %dma_wait3A_211 = arith.constant 0 : i32
      %dma_wait3A_212 = tpu.memref_slice %arg10[%run_scoped3A_73, %dma_wait3A, %dma_wait3A_211] : memref<4x128x64xf32, #tpu.memory_space<vmem>> -> memref<1x128x64xf32, #tpu.memory_space<vmem>>
      %dma_wait3A_213 = tpu.memref_squeeze %dma_wait3A_212 : memref<1x128x64xf32, #tpu.memory_space<vmem>> -> memref<128x64xf32, #tpu.memory_space<vmem>>
      %dma_wait3A_214 = arith.constant 0 : i32
      %dma_wait3A_215 = tpu.memref_slice %arg4[%arg0, %add3A_72, %dma_wait3A_214] : memref<2x10240x64xf32, #tpu.memory_space<hbm>> -> memref<1x128x64xf32, #tpu.memory_space<hbm>>
      %dma_wait3A_216 = tpu.memref_squeeze %dma_wait3A_215 : memref<1x128x64xf32, #tpu.memory_space<hbm>> -> memref<128x64xf32, #tpu.memory_space<hbm>>
      %dma_wait3A_217 = arith.constant 0 : i32
      %dma_wait3A_218 = arith.constant 0 : i32
      %dma_wait3A_219 = tpu.memref_slice %arg10[%run_scoped3A_73, %dma_wait3A_217, %dma_wait3A_218] : memref<4x128x64xf32, #tpu.memory_space<vmem>> -> memref<1x128x64xf32, #tpu.memory_space<vmem>>
      %dma_wait3A_220 = tpu.memref_squeeze %dma_wait3A_219 : memref<1x128x64xf32, #tpu.memory_space<vmem>> -> memref<128x64xf32, #tpu.memory_space<vmem>>
      %dma_wait3A_221 = arith.constant 0 : i32
      %dma_wait3A_222 = tpu.memref_slice %arg4[%arg0, %add3A_72, %dma_wait3A_221] : memref<2x10240x64xf32, #tpu.memory_space<hbm>> -> memref<1x128x64xf32, #tpu.memory_space<hbm>>
      %dma_wait3A_223 = tpu.memref_squeeze %dma_wait3A_222 : memref<1x128x64xf32, #tpu.memory_space<hbm>> -> memref<128x64xf32, #tpu.memory_space<hbm>>
      tpu.wait_dma2 semaphore(%run_scoped3A_196 : memref<!tpu.dma_semaphore, #tpu.memory_space<semaphore_mem>>) src(%dma_wait3A_223 : memref<128x64xf32, #tpu.memory_space<hbm>>) dst(%dma_wait3A_220 : memref<128x64xf32, #tpu.memory_space<vmem>>)
      tpu.yield
    }) : () -> ()
    %scan3A_74 = arith.constant 0 : i32
    %scan3A_75 = arith.constant 128 : i32
    %scan3A_76 = arith.addi %scan3A_74, %scan3A_75 : i32
    %scan3A_77 = arith.constant 1 : i32
    scf.for %scan3A_196 = %scan3A_74 to %scan3A_76 step %scan3A_77  : i32 {
      %broadcast_in_dim3A_197 = arith.constant 0 : i32
      %broadcast_in_dim3A_198 = vector.broadcast %broadcast_in_dim3A_197 : i32 to vector<16xi32>
      %broadcast_in_dim3A_199 = vector.broadcast %scan3A_196 : i32 to vector<16xi32>
      %gather3A = tpu.vector_load_idx %arg12[%broadcast_in_dim3A_198, %broadcast_in_dim3A_199] : memref<5x128xf32, #tpu.memory_space<vmem>>[vector<16xi32>, vector<16xi32>], vector<16xf32>,
      %get3A = arith.constant 1 : i32
      %get3A_200 = arith.index_cast %get3A : i32 to index
      %get3A_201 = arith.index_cast %scan3A_196 : i32 to index
      %get3A_202 = arith.constant 0 : index
      %get3A_203 = tpu.vector_load %arg10[%get3A_200, %get3A_201, %get3A_202] {strides = array<i32>} : memref<4x128x64xf32, #tpu.memory_space<vmem>>, vector<16xf32>,
      %mul3A_204 = arith.mulf %get3A_203, %gather3A : vector<16xf32>
      %swap3A_205 = arith.constant 1 : i32
      %swap3A_206 = arith.index_cast %swap3A_205 : i32 to index
      %swap3A_207 = arith.index_cast %scan3A_196 : i32 to index
      %swap3A_208 = arith.constant 0 : index
      %swap3A_209 = tpu.vector_load %arg10[%swap3A_206, %swap3A_207, %swap3A_208] {strides = array<i32>} : memref<4x128x64xf32, #tpu.memory_space<vmem>>, vector<16xf32>,
      tpu.vector_store %arg10[%swap3A_206, %swap3A_207, %swap3A_208], %mul3A_204 {strides = array<i32>} : memref<4x128x64xf32, #tpu.memory_space<vmem>>, vector<16xf32>,
      %get3A_210 = arith.constant 1 : i32
      %get3A_211 = arith.index_cast %get3A_210 : i32 to index
      %get3A_212 = arith.index_cast %scan3A_196 : i32 to index
      %get3A_213 = arith.constant 16 : index
      %get3A_214 = tpu.vector_load %arg10[%get3A_211, %get3A_212, %get3A_213] {strides = array<i32>} : memref<4x128x64xf32, #tpu.memory_space<vmem>>, vector<16xf32>,
      %mul3A_215 = arith.mulf %get3A_214, %gather3A : vector<16xf32>
      %swap3A_216 = arith.constant 1 : i32
      %swap3A_217 = arith.index_cast %swap3A_216 : i32 to index
      %swap3A_218 = arith.index_cast %scan3A_196 : i32 to index
      %swap3A_219 = arith.constant 16 : index
      %swap3A_220 = tpu.vector_load %arg10[%swap3A_217, %swap3A_218, %swap3A_219] {strides = array<i32>} : memref<4x128x64xf32, #tpu.memory_space<vmem>>, vector<16xf32>,
      tpu.vector_store %arg10[%swap3A_217, %swap3A_218, %swap3A_219], %mul3A_215 {strides = array<i32>} : memref<4x128x64xf32, #tpu.memory_space<vmem>>, vector<16xf32>,
      %get3A_221 = arith.constant 1 : i32
      %get3A_222 = arith.index_cast %get3A_221 : i32 to index
      %get3A_223 = arith.index_cast %scan3A_196 : i32 to index
      %get3A_224 = arith.constant 32 : index
      %get3A_225 = tpu.vector_load %arg10[%get3A_222, %get3A_223, %get3A_224] {strides = array<i32>} : memref<4x128x64xf32, #tpu.memory_space<vmem>>, vector<16xf32>,
      %mul3A_226 = arith.mulf %get3A_225, %gather3A : vector<16xf32>
      %swap3A_227 = arith.constant 1 : i32
      %swap3A_228 = arith.index_cast %swap3A_227 : i32 to index
      %swap3A_229 = arith.index_cast %scan3A_196 : i32 to index
      %swap3A_230 = arith.constant 32 : index
      %swap3A_231 = tpu.vector_load %arg10[%swap3A_228, %swap3A_229, %swap3A_230] {strides = array<i32>} : memref<4x128x64xf32, #tpu.memory_space<vmem>>, vector<16xf32>,
      tpu.vector_store %arg10[%swap3A_228, %swap3A_229, %swap3A_230], %mul3A_226 {strides = array<i32>} : memref<4x128x64xf32, #tpu.memory_space<vmem>>, vector<16xf32>,
      %get3A_232 = arith.constant 1 : i32
      %get3A_233 = arith.index_cast %get3A_232 : i32 to index
      %get3A_234 = arith.index_cast %scan3A_196 : i32 to index
      %get3A_235 = arith.constant 48 : index
      %get3A_236 = tpu.vector_load %arg10[%get3A_233, %get3A_234, %get3A_235] {strides = array<i32>} : memref<4x128x64xf32, #tpu.memory_space<vmem>>, vector<16xf32>,
      %mul3A_237 = arith.mulf %get3A_236, %gather3A : vector<16xf32>
      %swap3A_238 = arith.constant 1 : i32
      %swap3A_239 = arith.index_cast %swap3A_238 : i32 to index
      %swap3A_240 = arith.index_cast %scan3A_196 : i32 to index
      %swap3A_241 = arith.constant 48 : index
      %swap3A_242 = tpu.vector_load %arg10[%swap3A_239, %swap3A_240, %swap3A_241] {strides = array<i32>} : memref<4x128x64xf32, #tpu.memory_space<vmem>>, vector<16xf32>,
      tpu.vector_store %arg10[%swap3A_239, %swap3A_240, %swap3A_241], %mul3A_237 {strides = array<i32>} : memref<4x128x64xf32, #tpu.memory_space<vmem>>, vector<16xf32>,
    }
    %scan3A_78 = arith.constant 128 : i32
    %add3A_79 = arith.constant 0 : i32
    %add3A_80 = arith.addi %mul3A_3, %add3A_79 : i32
    %run_scoped3A_81 = arith.constant 1 : i32
    "tpu.region"() ({
      %run_scoped3A_196 = tpu.sem_alloc : memref<!tpu.dma_semaphore, #tpu.memory_space<semaphore_mem>>
      %dma_start3A_197 = arith.constant 0 : i32
      %dma_start3A_198 = arith.constant 0 : i32
      %dma_start3A_199 = tpu.memref_slice %arg10[%run_scoped3A_81, %dma_start3A_197, %dma_start3A_198] : memref<4x128x64xf32, #tpu.memory_space<vmem>> -> memref<1x128x64xf32, #tpu.memory_space<vmem>>
      %dma_start3A_200 = tpu.memref_squeeze %dma_start3A_199 : memref<1x128x64xf32, #tpu.memory_space<vmem>> -> memref<128x64xf32, #tpu.memory_space<vmem>>
      %dma_start3A_201 = arith.constant 0 : i32
      %dma_start3A_202 = tpu.memref_slice %arg5[%arg0, %add3A_80, %dma_start3A_201] : memref<2x10240x64xf32, #tpu.memory_space<hbm>> -> memref<1x128x64xf32, #tpu.memory_space<hbm>>
      %dma_start3A_203 = tpu.memref_squeeze %dma_start3A_202 : memref<1x128x64xf32, #tpu.memory_space<hbm>> -> memref<128x64xf32, #tpu.memory_space<hbm>>
      %dma_start3A_204 = arith.constant 0 : i32
      %dma_start3A_205 = tpu.memref_slice %arg5[%arg0, %add3A_80, %dma_start3A_204] : memref<2x10240x64xf32, #tpu.memory_space<hbm>> -> memref<1x128x64xf32, #tpu.memory_space<hbm>>
      %dma_start3A_206 = tpu.memref_squeeze %dma_start3A_205 : memref<1x128x64xf32, #tpu.memory_space<hbm>> -> memref<128x64xf32, #tpu.memory_space<hbm>>
      %dma_start3A_207 = arith.constant 0 : i32
      %dma_start3A_208 = arith.constant 0 : i32
      %dma_start3A_209 = tpu.memref_slice %arg10[%run_scoped3A_81, %dma_start3A_207, %dma_start3A_208] : memref<4x128x64xf32, #tpu.memory_space<vmem>> -> memref<1x128x64xf32, #tpu.memory_space<vmem>>
      %dma_start3A_210 = tpu.memref_squeeze %dma_start3A_209 : memref<1x128x64xf32, #tpu.memory_space<vmem>> -> memref<128x64xf32, #tpu.memory_space<vmem>>
      tpu.enqueue_dma source(%dma_start3A_210 : memref<128x64xf32, #tpu.memory_space<vmem>>) target(%dma_start3A_206 : memref<128x64xf32, #tpu.memory_space<hbm>>) target_semaphore(%run_scoped3A_196 : memref<!tpu.dma_semaphore, #tpu.memory_space<semaphore_mem>>)
      %dma_wait3A = arith.constant 0 : i32
      %dma_wait3A_211 = arith.constant 0 : i32
      %dma_wait3A_212 = tpu.memref_slice %arg10[%run_scoped3A_81, %dma_wait3A, %dma_wait3A_211] : memref<4x128x64xf32, #tpu.memory_space<vmem>> -> memref<1x128x64xf32, #tpu.memory_space<vmem>>
      %dma_wait3A_213 = tpu.memref_squeeze %dma_wait3A_212 : memref<1x128x64xf32, #tpu.memory_space<vmem>> -> memref<128x64xf32, #tpu.memory_space<vmem>>
      %dma_wait3A_214 = arith.constant 0 : i32
      %dma_wait3A_215 = tpu.memref_slice %arg5[%arg0, %add3A_80, %dma_wait3A_214] : memref<2x10240x64xf32, #tpu.memory_space<hbm>> -> memref<1x128x64xf32, #tpu.memory_space<hbm>>
      %dma_wait3A_216 = tpu.memref_squeeze %dma_wait3A_215 : memref<1x128x64xf32, #tpu.memory_space<hbm>> -> memref<128x64xf32, #tpu.memory_space<hbm>>
      %dma_wait3A_217 = arith.constant 0 : i32
      %dma_wait3A_218 = tpu.memref_slice %arg5[%arg0, %add3A_80, %dma_wait3A_217] : memref<2x10240x64xf32, #tpu.memory_space<hbm>> -> memref<1x128x64xf32, #tpu.memory_space<hbm>>
      %dma_wait3A_219 = tpu.memref_squeeze %dma_wait3A_218 : memref<1x128x64xf32, #tpu.memory_space<hbm>> -> memref<128x64xf32, #tpu.memory_space<hbm>>
      %dma_wait3A_220 = arith.constant 0 : i32
      %dma_wait3A_221 = arith.constant 0 : i32
      %dma_wait3A_222 = tpu.memref_slice %arg10[%run_scoped3A_81, %dma_wait3A_220, %dma_wait3A_221] : memref<4x128x64xf32, #tpu.memory_space<vmem>> -> memref<1x128x64xf32, #tpu.memory_space<vmem>>
      %dma_wait3A_223 = tpu.memref_squeeze %dma_wait3A_222 : memref<1x128x64xf32, #tpu.memory_space<vmem>> -> memref<128x64xf32, #tpu.memory_space<vmem>>
      tpu.wait_dma2 semaphore(%run_scoped3A_196 : memref<!tpu.dma_semaphore, #tpu.memory_space<semaphore_mem>>) src(%dma_wait3A_223 : memref<128x64xf32, #tpu.memory_space<vmem>>) dst(%dma_wait3A_219 : memref<128x64xf32, #tpu.memory_space<hbm>>)
      tpu.yield
    }) : () -> ()
    %add3A_82 = arith.constant 128 : i32
    %add3A_83 = arith.addi %mul3A_3, %add3A_82 : i32
    %run_scoped3A_84 = arith.constant 1 : i32
    "tpu.region"() ({
      %run_scoped3A_196 = tpu.sem_alloc : memref<!tpu.dma_semaphore, #tpu.memory_space<semaphore_mem>>
      %dma_start3A_197 = arith.constant 0 : i32
      %dma_start3A_198 = arith.constant 0 : i32
      %dma_start3A_199 = tpu.memref_slice %arg10[%run_scoped3A_84, %dma_start3A_197, %dma_start3A_198] : memref<4x128x64xf32, #tpu.memory_space<vmem>> -> memref<1x128x64xf32, #tpu.memory_space<vmem>>
      %dma_start3A_200 = tpu.memref_squeeze %dma_start3A_199 : memref<1x128x64xf32, #tpu.memory_space<vmem>> -> memref<128x64xf32, #tpu.memory_space<vmem>>
      %dma_start3A_201 = arith.constant 0 : i32
      %dma_start3A_202 = tpu.memref_slice %arg4[%arg0, %add3A_83, %dma_start3A_201] : memref<2x10240x64xf32, #tpu.memory_space<hbm>> -> memref<1x128x64xf32, #tpu.memory_space<hbm>>
      %dma_start3A_203 = tpu.memref_squeeze %dma_start3A_202 : memref<1x128x64xf32, #tpu.memory_space<hbm>> -> memref<128x64xf32, #tpu.memory_space<hbm>>
      %dma_start3A_204 = arith.constant 0 : i32
      %dma_start3A_205 = arith.constant 0 : i32
      %dma_start3A_206 = tpu.memref_slice %arg10[%run_scoped3A_84, %dma_start3A_204, %dma_start3A_205] : memref<4x128x64xf32, #tpu.memory_space<vmem>> -> memref<1x128x64xf32, #tpu.memory_space<vmem>>
      %dma_start3A_207 = tpu.memref_squeeze %dma_start3A_206 : memref<1x128x64xf32, #tpu.memory_space<vmem>> -> memref<128x64xf32, #tpu.memory_space<vmem>>
      %dma_start3A_208 = arith.constant 0 : i32
      %dma_start3A_209 = tpu.memref_slice %arg4[%arg0, %add3A_83, %dma_start3A_208] : memref<2x10240x64xf32, #tpu.memory_space<hbm>> -> memref<1x128x64xf32, #tpu.memory_space<hbm>>
      %dma_start3A_210 = tpu.memref_squeeze %dma_start3A_209 : memref<1x128x64xf32, #tpu.memory_space<hbm>> -> memref<128x64xf32, #tpu.memory_space<hbm>>
      tpu.enqueue_dma source(%dma_start3A_210 : memref<128x64xf32, #tpu.memory_space<hbm>>) target(%dma_start3A_207 : memref<128x64xf32, #tpu.memory_space<vmem>>) target_semaphore(%run_scoped3A_196 : memref<!tpu.dma_semaphore, #tpu.memory_space<semaphore_mem>>)
      %dma_wait3A = arith.constant 0 : i32
      %dma_wait3A_211 = arith.constant 0 : i32
      %dma_wait3A_212 = tpu.memref_slice %arg10[%run_scoped3A_84, %dma_wait3A, %dma_wait3A_211] : memref<4x128x64xf32, #tpu.memory_space<vmem>> -> memref<1x128x64xf32, #tpu.memory_space<vmem>>
      %dma_wait3A_213 = tpu.memref_squeeze %dma_wait3A_212 : memref<1x128x64xf32, #tpu.memory_space<vmem>> -> memref<128x64xf32, #tpu.memory_space<vmem>>
      %dma_wait3A_214 = arith.constant 0 : i32
      %dma_wait3A_215 = tpu.memref_slice %arg4[%arg0, %add3A_83, %dma_wait3A_214] : memref<2x10240x64xf32, #tpu.memory_space<hbm>> -> memref<1x128x64xf32, #tpu.memory_space<hbm>>
      %dma_wait3A_216 = tpu.memref_squeeze %dma_wait3A_215 : memref<1x128x64xf32, #tpu.memory_space<hbm>> -> memref<128x64xf32, #tpu.memory_space<hbm>>
      %dma_wait3A_217 = arith.constant 0 : i32
      %dma_wait3A_218 = arith.constant 0 : i32
      %dma_wait3A_219 = tpu.memref_slice %arg10[%run_scoped3A_84, %dma_wait3A_217, %dma_wait3A_218] : memref<4x128x64xf32, #tpu.memory_space<vmem>> -> memref<1x128x64xf32, #tpu.memory_space<vmem>>
      %dma_wait3A_220 = tpu.memref_squeeze %dma_wait3A_219 : memref<1x128x64xf32, #tpu.memory_space<vmem>> -> memref<128x64xf32, #tpu.memory_space<vmem>>
      %dma_wait3A_221 = arith.constant 0 : i32
      %dma_wait3A_222 = tpu.memref_slice %arg4[%arg0, %add3A_83, %dma_wait3A_221] : memref<2x10240x64xf32, #tpu.memory_space<hbm>> -> memref<1x128x64xf32, #tpu.memory_space<hbm>>
      %dma_wait3A_223 = tpu.memref_squeeze %dma_wait3A_222 : memref<1x128x64xf32, #tpu.memory_space<hbm>> -> memref<128x64xf32, #tpu.memory_space<hbm>>
      tpu.wait_dma2 semaphore(%run_scoped3A_196 : memref<!tpu.dma_semaphore, #tpu.memory_space<semaphore_mem>>) src(%dma_wait3A_223 : memref<128x64xf32, #tpu.memory_space<hbm>>) dst(%dma_wait3A_220 : memref<128x64xf32, #tpu.memory_space<vmem>>)
      tpu.yield
    }) : () -> ()
    %scan3A_85 = arith.constant 0 : i32
    %scan3A_86 = arith.constant 128 : i32
    %scan3A_87 = arith.addi %scan3A_85, %scan3A_86 : i32
    %scan3A_88 = arith.constant 1 : i32
    scf.for %scan3A_196 = %scan3A_85 to %scan3A_87 step %scan3A_88  : i32 {
      %broadcast_in_dim3A_197 = arith.constant 1 : i32
      %broadcast_in_dim3A_198 = vector.broadcast %broadcast_in_dim3A_197 : i32 to vector<16xi32>
      %broadcast_in_dim3A_199 = vector.broadcast %scan3A_196 : i32 to vector<16xi32>
      %gather3A = tpu.vector_load_idx %arg12[%broadcast_in_dim3A_198, %broadcast_in_dim3A_199] : memref<5x128xf32, #tpu.memory_space<vmem>>[vector<16xi32>, vector<16xi32>], vector<16xf32>,
      %get3A = arith.constant 1 : i32
      %get3A_200 = arith.index_cast %get3A : i32 to index
      %get3A_201 = arith.index_cast %scan3A_196 : i32 to index
      %get3A_202 = arith.constant 0 : index
      %get3A_203 = tpu.vector_load %arg10[%get3A_200, %get3A_201, %get3A_202] {strides = array<i32>} : memref<4x128x64xf32, #tpu.memory_space<vmem>>, vector<16xf32>,
      %mul3A_204 = arith.mulf %get3A_203, %gather3A : vector<16xf32>
      %swap3A_205 = arith.constant 1 : i32
      %swap3A_206 = arith.index_cast %swap3A_205 : i32 to index
      %swap3A_207 = arith.index_cast %scan3A_196 : i32 to index
      %swap3A_208 = arith.constant 0 : index
      %swap3A_209 = tpu.vector_load %arg10[%swap3A_206, %swap3A_207, %swap3A_208] {strides = array<i32>} : memref<4x128x64xf32, #tpu.memory_space<vmem>>, vector<16xf32>,
      tpu.vector_store %arg10[%swap3A_206, %swap3A_207, %swap3A_208], %mul3A_204 {strides = array<i32>} : memref<4x128x64xf32, #tpu.memory_space<vmem>>, vector<16xf32>,
      %get3A_210 = arith.constant 1 : i32
      %get3A_211 = arith.index_cast %get3A_210 : i32 to index
      %get3A_212 = arith.index_cast %scan3A_196 : i32 to index
      %get3A_213 = arith.constant 16 : index
      %get3A_214 = tpu.vector_load %arg10[%get3A_211, %get3A_212, %get3A_213] {strides = array<i32>} : memref<4x128x64xf32, #tpu.memory_space<vmem>>, vector<16xf32>,
      %mul3A_215 = arith.mulf %get3A_214, %gather3A : vector<16xf32>
      %swap3A_216 = arith.constant 1 : i32
      %swap3A_217 = arith.index_cast %swap3A_216 : i32 to index
      %swap3A_218 = arith.index_cast %scan3A_196 : i32 to index
      %swap3A_219 = arith.constant 16 : index
      %swap3A_220 = tpu.vector_load %arg10[%swap3A_217, %swap3A_218, %swap3A_219] {strides = array<i32>} : memref<4x128x64xf32, #tpu.memory_space<vmem>>, vector<16xf32>,
      tpu.vector_store %arg10[%swap3A_217, %swap3A_218, %swap3A_219], %mul3A_215 {strides = array<i32>} : memref<4x128x64xf32, #tpu.memory_space<vmem>>, vector<16xf32>,
      %get3A_221 = arith.constant 1 : i32
      %get3A_222 = arith.index_cast %get3A_221 : i32 to index
      %get3A_223 = arith.index_cast %scan3A_196 : i32 to index
      %get3A_224 = arith.constant 32 : index
      %get3A_225 = tpu.vector_load %arg10[%get3A_222, %get3A_223, %get3A_224] {strides = array<i32>} : memref<4x128x64xf32, #tpu.memory_space<vmem>>, vector<16xf32>,
      %mul3A_226 = arith.mulf %get3A_225, %gather3A : vector<16xf32>
      %swap3A_227 = arith.constant 1 : i32
      %swap3A_228 = arith.index_cast %swap3A_227 : i32 to index
      %swap3A_229 = arith.index_cast %scan3A_196 : i32 to index
      %swap3A_230 = arith.constant 32 : index
      %swap3A_231 = tpu.vector_load %arg10[%swap3A_228, %swap3A_229, %swap3A_230] {strides = array<i32>} : memref<4x128x64xf32, #tpu.memory_space<vmem>>, vector<16xf32>,
      tpu.vector_store %arg10[%swap3A_228, %swap3A_229, %swap3A_230], %mul3A_226 {strides = array<i32>} : memref<4x128x64xf32, #tpu.memory_space<vmem>>, vector<16xf32>,
      %get3A_232 = arith.constant 1 : i32
      %get3A_233 = arith.index_cast %get3A_232 : i32 to index
      %get3A_234 = arith.index_cast %scan3A_196 : i32 to index
      %get3A_235 = arith.constant 48 : index
      %get3A_236 = tpu.vector_load %arg10[%get3A_233, %get3A_234, %get3A_235] {strides = array<i32>} : memref<4x128x64xf32, #tpu.memory_space<vmem>>, vector<16xf32>,
      %mul3A_237 = arith.mulf %get3A_236, %gather3A : vector<16xf32>
      %swap3A_238 = arith.constant 1 : i32
      %swap3A_239 = arith.index_cast %swap3A_238 : i32 to index
      %swap3A_240 = arith.index_cast %scan3A_196 : i32 to index
      %swap3A_241 = arith.constant 48 : index
      %swap3A_242 = tpu.vector_load %arg10[%swap3A_239, %swap3A_240, %swap3A_241] {strides = array<i32>} : memref<4x128x64xf32, #tpu.memory_space<vmem>>, vector<16xf32>,
      tpu.vector_store %arg10[%swap3A_239, %swap3A_240, %swap3A_241], %mul3A_237 {strides = array<i32>} : memref<4x128x64xf32, #tpu.memory_space<vmem>>, vector<16xf32>,
    }
    %scan3A_89 = arith.constant 128 : i32
    %add3A_90 = arith.constant 128 : i32
    %add3A_91 = arith.addi %mul3A_3, %add3A_90 : i32
    %run_scoped3A_92 = arith.constant 1 : i32
    "tpu.region"() ({
      %run_scoped3A_196 = tpu.sem_alloc : memref<!tpu.dma_semaphore, #tpu.memory_space<semaphore_mem>>
      %dma_start3A_197 = arith.constant 0 : i32
      %dma_start3A_198 = arith.constant 0 : i32
      %dma_start3A_199 = tpu.memref_slice %arg10[%run_scoped3A_92, %dma_start3A_197, %dma_start3A_198] : memref<4x128x64xf32, #tpu.memory_space<vmem>> -> memref<1x128x64xf32, #tpu.memory_space<vmem>>
      %dma_start3A_200 = tpu.memref_squeeze %dma_start3A_199 : memref<1x128x64xf32, #tpu.memory_space<vmem>> -> memref<128x64xf32, #tpu.memory_space<vmem>>
      %dma_start3A_201 = arith.constant 0 : i32
      %dma_start3A_202 = tpu.memref_slice %arg5[%arg0, %add3A_91, %dma_start3A_201] : memref<2x10240x64xf32, #tpu.memory_space<hbm>> -> memref<1x128x64xf32, #tpu.memory_space<hbm>>
      %dma_start3A_203 = tpu.memref_squeeze %dma_start3A_202 : memref<1x128x64xf32, #tpu.memory_space<hbm>> -> memref<128x64xf32, #tpu.memory_space<hbm>>
      %dma_start3A_204 = arith.constant 0 : i32
      %dma_start3A_205 = tpu.memref_slice %arg5[%arg0, %add3A_91, %dma_start3A_204] : memref<2x10240x64xf32, #tpu.memory_space<hbm>> -> memref<1x128x64xf32, #tpu.memory_space<hbm>>
      %dma_start3A_206 = tpu.memref_squeeze %dma_start3A_205 : memref<1x128x64xf32, #tpu.memory_space<hbm>> -> memref<128x64xf32, #tpu.memory_space<hbm>>
      %dma_start3A_207 = arith.constant 0 : i32
      %dma_start3A_208 = arith.constant 0 : i32
      %dma_start3A_209 = tpu.memref_slice %arg10[%run_scoped3A_92, %dma_start3A_207, %dma_start3A_208] : memref<4x128x64xf32, #tpu.memory_space<vmem>> -> memref<1x128x64xf32, #tpu.memory_space<vmem>>
      %dma_start3A_210 = tpu.memref_squeeze %dma_start3A_209 : memref<1x128x64xf32, #tpu.memory_space<vmem>> -> memref<128x64xf32, #tpu.memory_space<vmem>>
      tpu.enqueue_dma source(%dma_start3A_210 : memref<128x64xf32, #tpu.memory_space<vmem>>) target(%dma_start3A_206 : memref<128x64xf32, #tpu.memory_space<hbm>>) target_semaphore(%run_scoped3A_196 : memref<!tpu.dma_semaphore, #tpu.memory_space<semaphore_mem>>)
      %dma_wait3A = arith.constant 0 : i32
      %dma_wait3A_211 = arith.constant 0 : i32
      %dma_wait3A_212 = tpu.memref_slice %arg10[%run_scoped3A_92, %dma_wait3A, %dma_wait3A_211] : memref<4x128x64xf32, #tpu.memory_space<vmem>> -> memref<1x128x64xf32, #tpu.memory_space<vmem>>
      %dma_wait3A_213 = tpu.memref_squeeze %dma_wait3A_212 : memref<1x128x64xf32, #tpu.memory_space<vmem>> -> memref<128x64xf32, #tpu.memory_space<vmem>>
      %dma_wait3A_214 = arith.constant 0 : i32
      %dma_wait3A_215 = tpu.memref_slice %arg5[%arg0, %add3A_91, %dma_wait3A_214] : memref<2x10240x64xf32, #tpu.memory_space<hbm>> -> memref<1x128x64xf32, #tpu.memory_space<hbm>>
      %dma_wait3A_216 = tpu.memref_squeeze %dma_wait3A_215 : memref<1x128x64xf32, #tpu.memory_space<hbm>> -> memref<128x64xf32, #tpu.memory_space<hbm>>
      %dma_wait3A_217 = arith.constant 0 : i32
      %dma_wait3A_218 = tpu.memref_slice %arg5[%arg0, %add3A_91, %dma_wait3A_217] : memref<2x10240x64xf32, #tpu.memory_space<hbm>> -> memref<1x128x64xf32, #tpu.memory_space<hbm>>
      %dma_wait3A_219 = tpu.memref_squeeze %dma_wait3A_218 : memref<1x128x64xf32, #tpu.memory_space<hbm>> -> memref<128x64xf32, #tpu.memory_space<hbm>>
      %dma_wait3A_220 = arith.constant 0 : i32
      %dma_wait3A_221 = arith.constant 0 : i32
      %dma_wait3A_222 = tpu.memref_slice %arg10[%run_scoped3A_92, %dma_wait3A_220, %dma_wait3A_221] : memref<4x128x64xf32, #tpu.memory_space<vmem>> -> memref<1x128x64xf32, #tpu.memory_space<vmem>>
      %dma_wait3A_223 = tpu.memref_squeeze %dma_wait3A_222 : memref<1x128x64xf32, #tpu.memory_space<vmem>> -> memref<128x64xf32, #tpu.memory_space<vmem>>
      tpu.wait_dma2 semaphore(%run_scoped3A_196 : memref<!tpu.dma_semaphore, #tpu.memory_space<semaphore_mem>>) src(%dma_wait3A_223 : memref<128x64xf32, #tpu.memory_space<vmem>>) dst(%dma_wait3A_219 : memref<128x64xf32, #tpu.memory_space<hbm>>)
      tpu.yield
    }) : () -> ()
    %add3A_93 = arith.constant 256 : i32
    %add3A_94 = arith.addi %mul3A_3, %add3A_93 : i32
    %run_scoped3A_95 = arith.constant 1 : i32
    "tpu.region"() ({
      %run_scoped3A_196 = tpu.sem_alloc : memref<!tpu.dma_semaphore, #tpu.memory_space<semaphore_mem>>
      %dma_start3A_197 = arith.constant 0 : i32
      %dma_start3A_198 = arith.constant 0 : i32
      %dma_start3A_199 = tpu.memref_slice %arg10[%run_scoped3A_95, %dma_start3A_197, %dma_start3A_198] : memref<4x128x64xf32, #tpu.memory_space<vmem>> -> memref<1x128x64xf32, #tpu.memory_space<vmem>>
      %dma_start3A_200 = tpu.memref_squeeze %dma_start3A_199 : memref<1x128x64xf32, #tpu.memory_space<vmem>> -> memref<128x64xf32, #tpu.memory_space<vmem>>
      %dma_start3A_201 = arith.constant 0 : i32
      %dma_start3A_202 = tpu.memref_slice %arg4[%arg0, %add3A_94, %dma_start3A_201] : memref<2x10240x64xf32, #tpu.memory_space<hbm>> -> memref<1x128x64xf32, #tpu.memory_space<hbm>>
      %dma_start3A_203 = tpu.memref_squeeze %dma_start3A_202 : memref<1x128x64xf32, #tpu.memory_space<hbm>> -> memref<128x64xf32, #tpu.memory_space<hbm>>
      %dma_start3A_204 = arith.constant 0 : i32
      %dma_start3A_205 = arith.constant 0 : i32
      %dma_start3A_206 = tpu.memref_slice %arg10[%run_scoped3A_95, %dma_start3A_204, %dma_start3A_205] : memref<4x128x64xf32, #tpu.memory_space<vmem>> -> memref<1x128x64xf32, #tpu.memory_space<vmem>>
      %dma_start3A_207 = tpu.memref_squeeze %dma_start3A_206 : memref<1x128x64xf32, #tpu.memory_space<vmem>> -> memref<128x64xf32, #tpu.memory_space<vmem>>
      %dma_start3A_208 = arith.constant 0 : i32
      %dma_start3A_209 = tpu.memref_slice %arg4[%arg0, %add3A_94, %dma_start3A_208] : memref<2x10240x64xf32, #tpu.memory_space<hbm>> -> memref<1x128x64xf32, #tpu.memory_space<hbm>>
      %dma_start3A_210 = tpu.memref_squeeze %dma_start3A_209 : memref<1x128x64xf32, #tpu.memory_space<hbm>> -> memref<128x64xf32, #tpu.memory_space<hbm>>
      tpu.enqueue_dma source(%dma_start3A_210 : memref<128x64xf32, #tpu.memory_space<hbm>>) target(%dma_start3A_207 : memref<128x64xf32, #tpu.memory_space<vmem>>) target_semaphore(%run_scoped3A_196 : memref<!tpu.dma_semaphore, #tpu.memory_space<semaphore_mem>>)
      %dma_wait3A = arith.constant 0 : i32
      %dma_wait3A_211 = arith.constant 0 : i32
      %dma_wait3A_212 = tpu.memref_slice %arg10[%run_scoped3A_95, %dma_wait3A, %dma_wait3A_211] : memref<4x128x64xf32, #tpu.memory_space<vmem>> -> memref<1x128x64xf32, #tpu.memory_space<vmem>>
      %dma_wait3A_213 = tpu.memref_squeeze %dma_wait3A_212 : memref<1x128x64xf32, #tpu.memory_space<vmem>> -> memref<128x64xf32, #tpu.memory_space<vmem>>
      %dma_wait3A_214 = arith.constant 0 : i32
      %dma_wait3A_215 = tpu.memref_slice %arg4[%arg0, %add3A_94, %dma_wait3A_214] : memref<2x10240x64xf32, #tpu.memory_space<hbm>> -> memref<1x128x64xf32, #tpu.memory_space<hbm>>
      %dma_wait3A_216 = tpu.memref_squeeze %dma_wait3A_215 : memref<1x128x64xf32, #tpu.memory_space<hbm>> -> memref<128x64xf32, #tpu.memory_space<hbm>>
      %dma_wait3A_217 = arith.constant 0 : i32
      %dma_wait3A_218 = arith.constant 0 : i32
      %dma_wait3A_219 = tpu.memref_slice %arg10[%run_scoped3A_95, %dma_wait3A_217, %dma_wait3A_218] : memref<4x128x64xf32, #tpu.memory_space<vmem>> -> memref<1x128x64xf32, #tpu.memory_space<vmem>>
      %dma_wait3A_220 = tpu.memref_squeeze %dma_wait3A_219 : memref<1x128x64xf32, #tpu.memory_space<vmem>> -> memref<128x64xf32, #tpu.memory_space<vmem>>
      %dma_wait3A_221 = arith.constant 0 : i32
      %dma_wait3A_222 = tpu.memref_slice %arg4[%arg0, %add3A_94, %dma_wait3A_221] : memref<2x10240x64xf32, #tpu.memory_space<hbm>> -> memref<1x128x64xf32, #tpu.memory_space<hbm>>
      %dma_wait3A_223 = tpu.memref_squeeze %dma_wait3A_222 : memref<1x128x64xf32, #tpu.memory_space<hbm>> -> memref<128x64xf32, #tpu.memory_space<hbm>>
      tpu.wait_dma2 semaphore(%run_scoped3A_196 : memref<!tpu.dma_semaphore, #tpu.memory_space<semaphore_mem>>) src(%dma_wait3A_223 : memref<128x64xf32, #tpu.memory_space<hbm>>) dst(%dma_wait3A_220 : memref<128x64xf32, #tpu.memory_space<vmem>>)
      tpu.yield
    }) : () -> ()
    %scan3A_96 = arith.constant 0 : i32
    %scan3A_97 = arith.constant 128 : i32
    %scan3A_98 = arith.addi %scan3A_96, %scan3A_97 : i32
    %scan3A_99 = arith.constant 1 : i32
    scf.for %scan3A_196 = %scan3A_96 to %scan3A_98 step %scan3A_99  : i32 {
      %broadcast_in_dim3A_197 = arith.constant 2 : i32
      %broadcast_in_dim3A_198 = vector.broadcast %broadcast_in_dim3A_197 : i32 to vector<16xi32>
      %broadcast_in_dim3A_199 = vector.broadcast %scan3A_196 : i32 to vector<16xi32>
      %gather3A = tpu.vector_load_idx %arg12[%broadcast_in_dim3A_198, %broadcast_in_dim3A_199] : memref<5x128xf32, #tpu.memory_space<vmem>>[vector<16xi32>, vector<16xi32>], vector<16xf32>,
      %get3A = arith.constant 1 : i32
      %get3A_200 = arith.index_cast %get3A : i32 to index
      %get3A_201 = arith.index_cast %scan3A_196 : i32 to index
      %get3A_202 = arith.constant 0 : index
      %get3A_203 = tpu.vector_load %arg10[%get3A_200, %get3A_201, %get3A_202] {strides = array<i32>} : memref<4x128x64xf32, #tpu.memory_space<vmem>>, vector<16xf32>,
      %mul3A_204 = arith.mulf %get3A_203, %gather3A : vector<16xf32>
      %swap3A_205 = arith.constant 1 : i32
      %swap3A_206 = arith.index_cast %swap3A_205 : i32 to index
      %swap3A_207 = arith.index_cast %scan3A_196 : i32 to index
      %swap3A_208 = arith.constant 0 : index
      %swap3A_209 = tpu.vector_load %arg10[%swap3A_206, %swap3A_207, %swap3A_208] {strides = array<i32>} : memref<4x128x64xf32, #tpu.memory_space<vmem>>, vector<16xf32>,
      tpu.vector_store %arg10[%swap3A_206, %swap3A_207, %swap3A_208], %mul3A_204 {strides = array<i32>} : memref<4x128x64xf32, #tpu.memory_space<vmem>>, vector<16xf32>,
      %get3A_210 = arith.constant 1 : i32
      %get3A_211 = arith.index_cast %get3A_210 : i32 to index
      %get3A_212 = arith.index_cast %scan3A_196 : i32 to index
      %get3A_213 = arith.constant 16 : index
      %get3A_214 = tpu.vector_load %arg10[%get3A_211, %get3A_212, %get3A_213] {strides = array<i32>} : memref<4x128x64xf32, #tpu.memory_space<vmem>>, vector<16xf32>,
      %mul3A_215 = arith.mulf %get3A_214, %gather3A : vector<16xf32>
      %swap3A_216 = arith.constant 1 : i32
      %swap3A_217 = arith.index_cast %swap3A_216 : i32 to index
      %swap3A_218 = arith.index_cast %scan3A_196 : i32 to index
      %swap3A_219 = arith.constant 16 : index
      %swap3A_220 = tpu.vector_load %arg10[%swap3A_217, %swap3A_218, %swap3A_219] {strides = array<i32>} : memref<4x128x64xf32, #tpu.memory_space<vmem>>, vector<16xf32>,
      tpu.vector_store %arg10[%swap3A_217, %swap3A_218, %swap3A_219], %mul3A_215 {strides = array<i32>} : memref<4x128x64xf32, #tpu.memory_space<vmem>>, vector<16xf32>,
      %get3A_221 = arith.constant 1 : i32
      %get3A_222 = arith.index_cast %get3A_221 : i32 to index
      %get3A_223 = arith.index_cast %scan3A_196 : i32 to index
      %get3A_224 = arith.constant 32 : index
      %get3A_225 = tpu.vector_load %arg10[%get3A_222, %get3A_223, %get3A_224] {strides = array<i32>} : memref<4x128x64xf32, #tpu.memory_space<vmem>>, vector<16xf32>,
      %mul3A_226 = arith.mulf %get3A_225, %gather3A : vector<16xf32>
      %swap3A_227 = arith.constant 1 : i32
      %swap3A_228 = arith.index_cast %swap3A_227 : i32 to index
      %swap3A_229 = arith.index_cast %scan3A_196 : i32 to index
      %swap3A_230 = arith.constant 32 : index
      %swap3A_231 = tpu.vector_load %arg10[%swap3A_228, %swap3A_229, %swap3A_230] {strides = array<i32>} : memref<4x128x64xf32, #tpu.memory_space<vmem>>, vector<16xf32>,
      tpu.vector_store %arg10[%swap3A_228, %swap3A_229, %swap3A_230], %mul3A_226 {strides = array<i32>} : memref<4x128x64xf32, #tpu.memory_space<vmem>>, vector<16xf32>,
      %get3A_232 = arith.constant 1 : i32
      %get3A_233 = arith.index_cast %get3A_232 : i32 to index
      %get3A_234 = arith.index_cast %scan3A_196 : i32 to index
      %get3A_235 = arith.constant 48 : index
      %get3A_236 = tpu.vector_load %arg10[%get3A_233, %get3A_234, %get3A_235] {strides = array<i32>} : memref<4x128x64xf32, #tpu.memory_space<vmem>>, vector<16xf32>,
      %mul3A_237 = arith.mulf %get3A_236, %gather3A : vector<16xf32>
      %swap3A_238 = arith.constant 1 : i32
      %swap3A_239 = arith.index_cast %swap3A_238 : i32 to index
      %swap3A_240 = arith.index_cast %scan3A_196 : i32 to index
      %swap3A_241 = arith.constant 48 : index
      %swap3A_242 = tpu.vector_load %arg10[%swap3A_239, %swap3A_240, %swap3A_241] {strides = array<i32>} : memref<4x128x64xf32, #tpu.memory_space<vmem>>, vector<16xf32>,
      tpu.vector_store %arg10[%swap3A_239, %swap3A_240, %swap3A_241], %mul3A_237 {strides = array<i32>} : memref<4x128x64xf32, #tpu.memory_space<vmem>>, vector<16xf32>,
    }
    %scan3A_100 = arith.constant 128 : i32
    %add3A_101 = arith.constant 256 : i32
    %add3A_102 = arith.addi %mul3A_3, %add3A_101 : i32
    %run_scoped3A_103 = arith.constant 1 : i32
    "tpu.region"() ({
      %run_scoped3A_196 = tpu.sem_alloc : memref<!tpu.dma_semaphore, #tpu.memory_space<semaphore_mem>>
      %dma_start3A_197 = arith.constant 0 : i32
      %dma_start3A_198 = arith.constant 0 : i32
      %dma_start3A_199 = tpu.memref_slice %arg10[%run_scoped3A_103, %dma_start3A_197, %dma_start3A_198] : memref<4x128x64xf32, #tpu.memory_space<vmem>> -> memref<1x128x64xf32, #tpu.memory_space<vmem>>
      %dma_start3A_200 = tpu.memref_squeeze %dma_start3A_199 : memref<1x128x64xf32, #tpu.memory_space<vmem>> -> memref<128x64xf32, #tpu.memory_space<vmem>>
      %dma_start3A_201 = arith.constant 0 : i32
      %dma_start3A_202 = tpu.memref_slice %arg5[%arg0, %add3A_102, %dma_start3A_201] : memref<2x10240x64xf32, #tpu.memory_space<hbm>> -> memref<1x128x64xf32, #tpu.memory_space<hbm>>
      %dma_start3A_203 = tpu.memref_squeeze %dma_start3A_202 : memref<1x128x64xf32, #tpu.memory_space<hbm>> -> memref<128x64xf32, #tpu.memory_space<hbm>>
      %dma_start3A_204 = arith.constant 0 : i32
      %dma_start3A_205 = tpu.memref_slice %arg5[%arg0, %add3A_102, %dma_start3A_204] : memref<2x10240x64xf32, #tpu.memory_space<hbm>> -> memref<1x128x64xf32, #tpu.memory_space<hbm>>
      %dma_start3A_206 = tpu.memref_squeeze %dma_start3A_205 : memref<1x128x64xf32, #tpu.memory_space<hbm>> -> memref<128x64xf32, #tpu.memory_space<hbm>>
      %dma_start3A_207 = arith.constant 0 : i32
      %dma_start3A_208 = arith.constant 0 : i32
      %dma_start3A_209 = tpu.memref_slice %arg10[%run_scoped3A_103, %dma_start3A_207, %dma_start3A_208] : memref<4x128x64xf32, #tpu.memory_space<vmem>> -> memref<1x128x64xf32, #tpu.memory_space<vmem>>
      %dma_start3A_210 = tpu.memref_squeeze %dma_start3A_209 : memref<1x128x64xf32, #tpu.memory_space<vmem>> -> memref<128x64xf32, #tpu.memory_space<vmem>>
      tpu.enqueue_dma source(%dma_start3A_210 : memref<128x64xf32, #tpu.memory_space<vmem>>) target(%dma_start3A_206 : memref<128x64xf32, #tpu.memory_space<hbm>>) target_semaphore(%run_scoped3A_196 : memref<!tpu.dma_semaphore, #tpu.memory_space<semaphore_mem>>)
      %dma_wait3A = arith.constant 0 : i32
      %dma_wait3A_211 = arith.constant 0 : i32
      %dma_wait3A_212 = tpu.memref_slice %arg10[%run_scoped3A_103, %dma_wait3A, %dma_wait3A_211] : memref<4x128x64xf32, #tpu.memory_space<vmem>> -> memref<1x128x64xf32, #tpu.memory_space<vmem>>
      %dma_wait3A_213 = tpu.memref_squeeze %dma_wait3A_212 : memref<1x128x64xf32, #tpu.memory_space<vmem>> -> memref<128x64xf32, #tpu.memory_space<vmem>>
      %dma_wait3A_214 = arith.constant 0 : i32
      %dma_wait3A_215 = tpu.memref_slice %arg5[%arg0, %add3A_102, %dma_wait3A_214] : memref<2x10240x64xf32, #tpu.memory_space<hbm>> -> memref<1x128x64xf32, #tpu.memory_space<hbm>>
      %dma_wait3A_216 = tpu.memref_squeeze %dma_wait3A_215 : memref<1x128x64xf32, #tpu.memory_space<hbm>> -> memref<128x64xf32, #tpu.memory_space<hbm>>
      %dma_wait3A_217 = arith.constant 0 : i32
      %dma_wait3A_218 = tpu.memref_slice %arg5[%arg0, %add3A_102, %dma_wait3A_217] : memref<2x10240x64xf32, #tpu.memory_space<hbm>> -> memref<1x128x64xf32, #tpu.memory_space<hbm>>
      %dma_wait3A_219 = tpu.memref_squeeze %dma_wait3A_218 : memref<1x128x64xf32, #tpu.memory_space<hbm>> -> memref<128x64xf32, #tpu.memory_space<hbm>>
      %dma_wait3A_220 = arith.constant 0 : i32
      %dma_wait3A_221 = arith.constant 0 : i32
      %dma_wait3A_222 = tpu.memref_slice %arg10[%run_scoped3A_103, %dma_wait3A_220, %dma_wait3A_221] : memref<4x128x64xf32, #tpu.memory_space<vmem>> -> memref<1x128x64xf32, #tpu.memory_space<vmem>>
      %dma_wait3A_223 = tpu.memref_squeeze %dma_wait3A_222 : memref<1x128x64xf32, #tpu.memory_space<vmem>> -> memref<128x64xf32, #tpu.memory_space<vmem>>
      tpu.wait_dma2 semaphore(%run_scoped3A_196 : memref<!tpu.dma_semaphore, #tpu.memory_space<semaphore_mem>>) src(%dma_wait3A_223 : memref<128x64xf32, #tpu.memory_space<vmem>>) dst(%dma_wait3A_219 : memref<128x64xf32, #tpu.memory_space<hbm>>)
      tpu.yield
    }) : () -> ()
    %add3A_104 = arith.constant 384 : i32
    %add3A_105 = arith.addi %mul3A_3, %add3A_104 : i32
    %run_scoped3A_106 = arith.constant 1 : i32
    "tpu.region"() ({
      %run_scoped3A_196 = tpu.sem_alloc : memref<!tpu.dma_semaphore, #tpu.memory_space<semaphore_mem>>
      %dma_start3A_197 = arith.constant 0 : i32
      %dma_start3A_198 = arith.constant 0 : i32
      %dma_start3A_199 = tpu.memref_slice %arg10[%run_scoped3A_106, %dma_start3A_197, %dma_start3A_198] : memref<4x128x64xf32, #tpu.memory_space<vmem>> -> memref<1x128x64xf32, #tpu.memory_space<vmem>>
      %dma_start3A_200 = tpu.memref_squeeze %dma_start3A_199 : memref<1x128x64xf32, #tpu.memory_space<vmem>> -> memref<128x64xf32, #tpu.memory_space<vmem>>
      %dma_start3A_201 = arith.constant 0 : i32
      %dma_start3A_202 = tpu.memref_slice %arg4[%arg0, %add3A_105, %dma_start3A_201] : memref<2x10240x64xf32, #tpu.memory_space<hbm>> -> memref<1x128x64xf32, #tpu.memory_space<hbm>>
      %dma_start3A_203 = tpu.memref_squeeze %dma_start3A_202 : memref<1x128x64xf32, #tpu.memory_space<hbm>> -> memref<128x64xf32, #tpu.memory_space<hbm>>
      %dma_start3A_204 = arith.constant 0 : i32
      %dma_start3A_205 = arith.constant 0 : i32
      %dma_start3A_206 = tpu.memref_slice %arg10[%run_scoped3A_106, %dma_start3A_204, %dma_start3A_205] : memref<4x128x64xf32, #tpu.memory_space<vmem>> -> memref<1x128x64xf32, #tpu.memory_space<vmem>>
      %dma_start3A_207 = tpu.memref_squeeze %dma_start3A_206 : memref<1x128x64xf32, #tpu.memory_space<vmem>> -> memref<128x64xf32, #tpu.memory_space<vmem>>
      %dma_start3A_208 = arith.constant 0 : i32
      %dma_start3A_209 = tpu.memref_slice %arg4[%arg0, %add3A_105, %dma_start3A_208] : memref<2x10240x64xf32, #tpu.memory_space<hbm>> -> memref<1x128x64xf32, #tpu.memory_space<hbm>>
      %dma_start3A_210 = tpu.memref_squeeze %dma_start3A_209 : memref<1x128x64xf32, #tpu.memory_space<hbm>> -> memref<128x64xf32, #tpu.memory_space<hbm>>
      tpu.enqueue_dma source(%dma_start3A_210 : memref<128x64xf32, #tpu.memory_space<hbm>>) target(%dma_start3A_207 : memref<128x64xf32, #tpu.memory_space<vmem>>) target_semaphore(%run_scoped3A_196 : memref<!tpu.dma_semaphore, #tpu.memory_space<semaphore_mem>>)
      %dma_wait3A = arith.constant 0 : i32
      %dma_wait3A_211 = arith.constant 0 : i32
      %dma_wait3A_212 = tpu.memref_slice %arg10[%run_scoped3A_106, %dma_wait3A, %dma_wait3A_211] : memref<4x128x64xf32, #tpu.memory_space<vmem>> -> memref<1x128x64xf32, #tpu.memory_space<vmem>>
      %dma_wait3A_213 = tpu.memref_squeeze %dma_wait3A_212 : memref<1x128x64xf32, #tpu.memory_space<vmem>> -> memref<128x64xf32, #tpu.memory_space<vmem>>
      %dma_wait3A_214 = arith.constant 0 : i32
      %dma_wait3A_215 = tpu.memref_slice %arg4[%arg0, %add3A_105, %dma_wait3A_214] : memref<2x10240x64xf32, #tpu.memory_space<hbm>> -> memref<1x128x64xf32, #tpu.memory_space<hbm>>
      %dma_wait3A_216 = tpu.memref_squeeze %dma_wait3A_215 : memref<1x128x64xf32, #tpu.memory_space<hbm>> -> memref<128x64xf32, #tpu.memory_space<hbm>>
      %dma_wait3A_217 = arith.constant 0 : i32
      %dma_wait3A_218 = arith.constant 0 : i32
      %dma_wait3A_219 = tpu.memref_slice %arg10[%run_scoped3A_106, %dma_wait3A_217, %dma_wait3A_218] : memref<4x128x64xf32, #tpu.memory_space<vmem>> -> memref<1x128x64xf32, #tpu.memory_space<vmem>>
      %dma_wait3A_220 = tpu.memref_squeeze %dma_wait3A_219 : memref<1x128x64xf32, #tpu.memory_space<vmem>> -> memref<128x64xf32, #tpu.memory_space<vmem>>
      %dma_wait3A_221 = arith.constant 0 : i32
      %dma_wait3A_222 = tpu.memref_slice %arg4[%arg0, %add3A_105, %dma_wait3A_221] : memref<2x10240x64xf32, #tpu.memory_space<hbm>> -> memref<1x128x64xf32, #tpu.memory_space<hbm>>
      %dma_wait3A_223 = tpu.memref_squeeze %dma_wait3A_222 : memref<1x128x64xf32, #tpu.memory_space<hbm>> -> memref<128x64xf32, #tpu.memory_space<hbm>>
      tpu.wait_dma2 semaphore(%run_scoped3A_196 : memref<!tpu.dma_semaphore, #tpu.memory_space<semaphore_mem>>) src(%dma_wait3A_223 : memref<128x64xf32, #tpu.memory_space<hbm>>) dst(%dma_wait3A_220 : memref<128x64xf32, #tpu.memory_space<vmem>>)
      tpu.yield
    }) : () -> ()
    %scan3A_107 = arith.constant 0 : i32
    %scan3A_108 = arith.constant 128 : i32
    %scan3A_109 = arith.addi %scan3A_107, %scan3A_108 : i32
    %scan3A_110 = arith.constant 1 : i32
    scf.for %scan3A_196 = %scan3A_107 to %scan3A_109 step %scan3A_110  : i32 {
      %broadcast_in_dim3A_197 = arith.constant 3 : i32
      %broadcast_in_dim3A_198 = vector.broadcast %broadcast_in_dim3A_197 : i32 to vector<16xi32>
      %broadcast_in_dim3A_199 = vector.broadcast %scan3A_196 : i32 to vector<16xi32>
      %gather3A = tpu.vector_load_idx %arg12[%broadcast_in_dim3A_198, %broadcast_in_dim3A_199] : memref<5x128xf32, #tpu.memory_space<vmem>>[vector<16xi32>, vector<16xi32>], vector<16xf32>,
      %get3A = arith.constant 1 : i32
      %get3A_200 = arith.index_cast %get3A : i32 to index
      %get3A_201 = arith.index_cast %scan3A_196 : i32 to index
      %get3A_202 = arith.constant 0 : index
      %get3A_203 = tpu.vector_load %arg10[%get3A_200, %get3A_201, %get3A_202] {strides = array<i32>} : memref<4x128x64xf32, #tpu.memory_space<vmem>>, vector<16xf32>,
      %mul3A_204 = arith.mulf %get3A_203, %gather3A : vector<16xf32>
      %swap3A_205 = arith.constant 1 : i32
      %swap3A_206 = arith.index_cast %swap3A_205 : i32 to index
      %swap3A_207 = arith.index_cast %scan3A_196 : i32 to index
      %swap3A_208 = arith.constant 0 : index
      %swap3A_209 = tpu.vector_load %arg10[%swap3A_206, %swap3A_207, %swap3A_208] {strides = array<i32>} : memref<4x128x64xf32, #tpu.memory_space<vmem>>, vector<16xf32>,
      tpu.vector_store %arg10[%swap3A_206, %swap3A_207, %swap3A_208], %mul3A_204 {strides = array<i32>} : memref<4x128x64xf32, #tpu.memory_space<vmem>>, vector<16xf32>,
      %get3A_210 = arith.constant 1 : i32
      %get3A_211 = arith.index_cast %get3A_210 : i32 to index
      %get3A_212 = arith.index_cast %scan3A_196 : i32 to index
      %get3A_213 = arith.constant 16 : index
      %get3A_214 = tpu.vector_load %arg10[%get3A_211, %get3A_212, %get3A_213] {strides = array<i32>} : memref<4x128x64xf32, #tpu.memory_space<vmem>>, vector<16xf32>,
      %mul3A_215 = arith.mulf %get3A_214, %gather3A : vector<16xf32>
      %swap3A_216 = arith.constant 1 : i32
      %swap3A_217 = arith.index_cast %swap3A_216 : i32 to index
      %swap3A_218 = arith.index_cast %scan3A_196 : i32 to index
      %swap3A_219 = arith.constant 16 : index
      %swap3A_220 = tpu.vector_load %arg10[%swap3A_217, %swap3A_218, %swap3A_219] {strides = array<i32>} : memref<4x128x64xf32, #tpu.memory_space<vmem>>, vector<16xf32>,
      tpu.vector_store %arg10[%swap3A_217, %swap3A_218, %swap3A_219], %mul3A_215 {strides = array<i32>} : memref<4x128x64xf32, #tpu.memory_space<vmem>>, vector<16xf32>,
      %get3A_221 = arith.constant 1 : i32
      %get3A_222 = arith.index_cast %get3A_221 : i32 to index
      %get3A_223 = arith.index_cast %scan3A_196 : i32 to index
      %get3A_224 = arith.constant 32 : index
      %get3A_225 = tpu.vector_load %arg10[%get3A_222, %get3A_223, %get3A_224] {strides = array<i32>} : memref<4x128x64xf32, #tpu.memory_space<vmem>>, vector<16xf32>,
      %mul3A_226 = arith.mulf %get3A_225, %gather3A : vector<16xf32>
      %swap3A_227 = arith.constant 1 : i32
      %swap3A_228 = arith.index_cast %swap3A_227 : i32 to index
      %swap3A_229 = arith.index_cast %scan3A_196 : i32 to index
      %swap3A_230 = arith.constant 32 : index
      %swap3A_231 = tpu.vector_load %arg10[%swap3A_228, %swap3A_229, %swap3A_230] {strides = array<i32>} : memref<4x128x64xf32, #tpu.memory_space<vmem>>, vector<16xf32>,
      tpu.vector_store %arg10[%swap3A_228, %swap3A_229, %swap3A_230], %mul3A_226 {strides = array<i32>} : memref<4x128x64xf32, #tpu.memory_space<vmem>>, vector<16xf32>,
      %get3A_232 = arith.constant 1 : i32
      %get3A_233 = arith.index_cast %get3A_232 : i32 to index
      %get3A_234 = arith.index_cast %scan3A_196 : i32 to index
      %get3A_235 = arith.constant 48 : index
      %get3A_236 = tpu.vector_load %arg10[%get3A_233, %get3A_234, %get3A_235] {strides = array<i32>} : memref<4x128x64xf32, #tpu.memory_space<vmem>>, vector<16xf32>,
      %mul3A_237 = arith.mulf %get3A_236, %gather3A : vector<16xf32>
      %swap3A_238 = arith.constant 1 : i32
      %swap3A_239 = arith.index_cast %swap3A_238 : i32 to index
      %swap3A_240 = arith.index_cast %scan3A_196 : i32 to index
      %swap3A_241 = arith.constant 48 : index
      %swap3A_242 = tpu.vector_load %arg10[%swap3A_239, %swap3A_240, %swap3A_241] {strides = array<i32>} : memref<4x128x64xf32, #tpu.memory_space<vmem>>, vector<16xf32>,
      tpu.vector_store %arg10[%swap3A_239, %swap3A_240, %swap3A_241], %mul3A_237 {strides = array<i32>} : memref<4x128x64xf32, #tpu.memory_space<vmem>>, vector<16xf32>,
    }
    %scan3A_111 = arith.constant 128 : i32
    %add3A_112 = arith.constant 384 : i32
    %add3A_113 = arith.addi %mul3A_3, %add3A_112 : i32
    %run_scoped3A_114 = arith.constant 1 : i32
    "tpu.region"() ({
      %run_scoped3A_196 = tpu.sem_alloc : memref<!tpu.dma_semaphore, #tpu.memory_space<semaphore_mem>>
      %dma_start3A_197 = arith.constant 0 : i32
      %dma_start3A_198 = arith.constant 0 : i32
      %dma_start3A_199 = tpu.memref_slice %arg10[%run_scoped3A_114, %dma_start3A_197, %dma_start3A_198] : memref<4x128x64xf32, #tpu.memory_space<vmem>> -> memref<1x128x64xf32, #tpu.memory_space<vmem>>
      %dma_start3A_200 = tpu.memref_squeeze %dma_start3A_199 : memref<1x128x64xf32, #tpu.memory_space<vmem>> -> memref<128x64xf32, #tpu.memory_space<vmem>>
      %dma_start3A_201 = arith.constant 0 : i32
      %dma_start3A_202 = tpu.memref_slice %arg5[%arg0, %add3A_113, %dma_start3A_201] : memref<2x10240x64xf32, #tpu.memory_space<hbm>> -> memref<1x128x64xf32, #tpu.memory_space<hbm>>
      %dma_start3A_203 = tpu.memref_squeeze %dma_start3A_202 : memref<1x128x64xf32, #tpu.memory_space<hbm>> -> memref<128x64xf32, #tpu.memory_space<hbm>>
      %dma_start3A_204 = arith.constant 0 : i32
      %dma_start3A_205 = tpu.memref_slice %arg5[%arg0, %add3A_113, %dma_start3A_204] : memref<2x10240x64xf32, #tpu.memory_space<hbm>> -> memref<1x128x64xf32, #tpu.memory_space<hbm>>
      %dma_start3A_206 = tpu.memref_squeeze %dma_start3A_205 : memref<1x128x64xf32, #tpu.memory_space<hbm>> -> memref<128x64xf32, #tpu.memory_space<hbm>>
      %dma_start3A_207 = arith.constant 0 : i32
      %dma_start3A_208 = arith.constant 0 : i32
      %dma_start3A_209 = tpu.memref_slice %arg10[%run_scoped3A_114, %dma_start3A_207, %dma_start3A_208] : memref<4x128x64xf32, #tpu.memory_space<vmem>> -> memref<1x128x64xf32, #tpu.memory_space<vmem>>
      %dma_start3A_210 = tpu.memref_squeeze %dma_start3A_209 : memref<1x128x64xf32, #tpu.memory_space<vmem>> -> memref<128x64xf32, #tpu.memory_space<vmem>>
      tpu.enqueue_dma source(%dma_start3A_210 : memref<128x64xf32, #tpu.memory_space<vmem>>) target(%dma_start3A_206 : memref<128x64xf32, #tpu.memory_space<hbm>>) target_semaphore(%run_scoped3A_196 : memref<!tpu.dma_semaphore, #tpu.memory_space<semaphore_mem>>)
      %dma_wait3A = arith.constant 0 : i32
      %dma_wait3A_211 = arith.constant 0 : i32
      %dma_wait3A_212 = tpu.memref_slice %arg10[%run_scoped3A_114, %dma_wait3A, %dma_wait3A_211] : memref<4x128x64xf32, #tpu.memory_space<vmem>> -> memref<1x128x64xf32, #tpu.memory_space<vmem>>
      %dma_wait3A_213 = tpu.memref_squeeze %dma_wait3A_212 : memref<1x128x64xf32, #tpu.memory_space<vmem>> -> memref<128x64xf32, #tpu.memory_space<vmem>>
      %dma_wait3A_214 = arith.constant 0 : i32
      %dma_wait3A_215 = tpu.memref_slice %arg5[%arg0, %add3A_113, %dma_wait3A_214] : memref<2x10240x64xf32, #tpu.memory_space<hbm>> -> memref<1x128x64xf32, #tpu.memory_space<hbm>>
      %dma_wait3A_216 = tpu.memref_squeeze %dma_wait3A_215 : memref<1x128x64xf32, #tpu.memory_space<hbm>> -> memref<128x64xf32, #tpu.memory_space<hbm>>
      %dma_wait3A_217 = arith.constant 0 : i32
      %dma_wait3A_218 = tpu.memref_slice %arg5[%arg0, %add3A_113, %dma_wait3A_217] : memref<2x10240x64xf32, #tpu.memory_space<hbm>> -> memref<1x128x64xf32, #tpu.memory_space<hbm>>
      %dma_wait3A_219 = tpu.memref_squeeze %dma_wait3A_218 : memref<1x128x64xf32, #tpu.memory_space<hbm>> -> memref<128x64xf32, #tpu.memory_space<hbm>>
      %dma_wait3A_220 = arith.constant 0 : i32
      %dma_wait3A_221 = arith.constant 0 : i32
      %dma_wait3A_222 = tpu.memref_slice %arg10[%run_scoped3A_114, %dma_wait3A_220, %dma_wait3A_221] : memref<4x128x64xf32, #tpu.memory_space<vmem>> -> memref<1x128x64xf32, #tpu.memory_space<vmem>>
      %dma_wait3A_223 = tpu.memref_squeeze %dma_wait3A_222 : memref<1x128x64xf32, #tpu.memory_space<vmem>> -> memref<128x64xf32, #tpu.memory_space<vmem>>
      tpu.wait_dma2 semaphore(%run_scoped3A_196 : memref<!tpu.dma_semaphore, #tpu.memory_space<semaphore_mem>>) src(%dma_wait3A_223 : memref<128x64xf32, #tpu.memory_space<vmem>>) dst(%dma_wait3A_219 : memref<128x64xf32, #tpu.memory_space<hbm>>)
      tpu.yield
    }) : () -> ()
    %add3A_115 = arith.constant 512 : i32
    %add3A_116 = arith.addi %mul3A_3, %add3A_115 : i32
    %run_scoped3A_117 = arith.constant 1 : i32
    "tpu.region"() ({
      %run_scoped3A_196 = tpu.sem_alloc : memref<!tpu.dma_semaphore, #tpu.memory_space<semaphore_mem>>
      %dma_start3A_197 = arith.constant 0 : i32
      %dma_start3A_198 = arith.constant 0 : i32
      %dma_start3A_199 = tpu.memref_slice %arg10[%run_scoped3A_117, %dma_start3A_197, %dma_start3A_198] : memref<4x128x64xf32, #tpu.memory_space<vmem>> -> memref<1x128x64xf32, #tpu.memory_space<vmem>>
      %dma_start3A_200 = tpu.memref_squeeze %dma_start3A_199 : memref<1x128x64xf32, #tpu.memory_space<vmem>> -> memref<128x64xf32, #tpu.memory_space<vmem>>
      %dma_start3A_201 = arith.constant 0 : i32
      %dma_start3A_202 = tpu.memref_slice %arg4[%arg0, %add3A_116, %dma_start3A_201] : memref<2x10240x64xf32, #tpu.memory_space<hbm>> -> memref<1x128x64xf32, #tpu.memory_space<hbm>>
      %dma_start3A_203 = tpu.memref_squeeze %dma_start3A_202 : memref<1x128x64xf32, #tpu.memory_space<hbm>> -> memref<128x64xf32, #tpu.memory_space<hbm>>
      %dma_start3A_204 = arith.constant 0 : i32
      %dma_start3A_205 = arith.constant 0 : i32
      %dma_start3A_206 = tpu.memref_slice %arg10[%run_scoped3A_117, %dma_start3A_204, %dma_start3A_205] : memref<4x128x64xf32, #tpu.memory_space<vmem>> -> memref<1x128x64xf32, #tpu.memory_space<vmem>>
      %dma_start3A_207 = tpu.memref_squeeze %dma_start3A_206 : memref<1x128x64xf32, #tpu.memory_space<vmem>> -> memref<128x64xf32, #tpu.memory_space<vmem>>
      %dma_start3A_208 = arith.constant 0 : i32
      %dma_start3A_209 = tpu.memref_slice %arg4[%arg0, %add3A_116, %dma_start3A_208] : memref<2x10240x64xf32, #tpu.memory_space<hbm>> -> memref<1x128x64xf32, #tpu.memory_space<hbm>>
      %dma_start3A_210 = tpu.memref_squeeze %dma_start3A_209 : memref<1x128x64xf32, #tpu.memory_space<hbm>> -> memref<128x64xf32, #tpu.memory_space<hbm>>
      tpu.enqueue_dma source(%dma_start3A_210 : memref<128x64xf32, #tpu.memory_space<hbm>>) target(%dma_start3A_207 : memref<128x64xf32, #tpu.memory_space<vmem>>) target_semaphore(%run_scoped3A_196 : memref<!tpu.dma_semaphore, #tpu.memory_space<semaphore_mem>>)
      %dma_wait3A = arith.constant 0 : i32
      %dma_wait3A_211 = arith.constant 0 : i32
      %dma_wait3A_212 = tpu.memref_slice %arg10[%run_scoped3A_117, %dma_wait3A, %dma_wait3A_211] : memref<4x128x64xf32, #tpu.memory_space<vmem>> -> memref<1x128x64xf32, #tpu.memory_space<vmem>>
      %dma_wait3A_213 = tpu.memref_squeeze %dma_wait3A_212 : memref<1x128x64xf32, #tpu.memory_space<vmem>> -> memref<128x64xf32, #tpu.memory_space<vmem>>
      %dma_wait3A_214 = arith.constant 0 : i32
      %dma_wait3A_215 = tpu.memref_slice %arg4[%arg0, %add3A_116, %dma_wait3A_214] : memref<2x10240x64xf32, #tpu.memory_space<hbm>> -> memref<1x128x64xf32, #tpu.memory_space<hbm>>
      %dma_wait3A_216 = tpu.memref_squeeze %dma_wait3A_215 : memref<1x128x64xf32, #tpu.memory_space<hbm>> -> memref<128x64xf32, #tpu.memory_space<hbm>>
      %dma_wait3A_217 = arith.constant 0 : i32
      %dma_wait3A_218 = arith.constant 0 : i32
      %dma_wait3A_219 = tpu.memref_slice %arg10[%run_scoped3A_117, %dma_wait3A_217, %dma_wait3A_218] : memref<4x128x64xf32, #tpu.memory_space<vmem>> -> memref<1x128x64xf32, #tpu.memory_space<vmem>>
      %dma_wait3A_220 = tpu.memref_squeeze %dma_wait3A_219 : memref<1x128x64xf32, #tpu.memory_space<vmem>> -> memref<128x64xf32, #tpu.memory_space<vmem>>
      %dma_wait3A_221 = arith.constant 0 : i32
      %dma_wait3A_222 = tpu.memref_slice %arg4[%arg0, %add3A_116, %dma_wait3A_221] : memref<2x10240x64xf32, #tpu.memory_space<hbm>> -> memref<1x128x64xf32, #tpu.memory_space<hbm>>
      %dma_wait3A_223 = tpu.memref_squeeze %dma_wait3A_222 : memref<1x128x64xf32, #tpu.memory_space<hbm>> -> memref<128x64xf32, #tpu.memory_space<hbm>>
      tpu.wait_dma2 semaphore(%run_scoped3A_196 : memref<!tpu.dma_semaphore, #tpu.memory_space<semaphore_mem>>) src(%dma_wait3A_223 : memref<128x64xf32, #tpu.memory_space<hbm>>) dst(%dma_wait3A_220 : memref<128x64xf32, #tpu.memory_space<vmem>>)
      tpu.yield
    }) : () -> ()
    %scan3A_118 = arith.constant 0 : i32
    %scan3A_119 = arith.constant 128 : i32
    %scan3A_120 = arith.addi %scan3A_118, %scan3A_119 : i32
    %scan3A_121 = arith.constant 1 : i32
    scf.for %scan3A_196 = %scan3A_118 to %scan3A_120 step %scan3A_121  : i32 {
      %broadcast_in_dim3A_197 = arith.constant 4 : i32
      %broadcast_in_dim3A_198 = vector.broadcast %broadcast_in_dim3A_197 : i32 to vector<16xi32>
      %broadcast_in_dim3A_199 = vector.broadcast %scan3A_196 : i32 to vector<16xi32>
      %gather3A = tpu.vector_load_idx %arg12[%broadcast_in_dim3A_198, %broadcast_in_dim3A_199] : memref<5x128xf32, #tpu.memory_space<vmem>>[vector<16xi32>, vector<16xi32>], vector<16xf32>,
      %get3A = arith.constant 1 : i32
      %get3A_200 = arith.index_cast %get3A : i32 to index
      %get3A_201 = arith.index_cast %scan3A_196 : i32 to index
      %get3A_202 = arith.constant 0 : index
      %get3A_203 = tpu.vector_load %arg10[%get3A_200, %get3A_201, %get3A_202] {strides = array<i32>} : memref<4x128x64xf32, #tpu.memory_space<vmem>>, vector<16xf32>,
      %mul3A_204 = arith.mulf %get3A_203, %gather3A : vector<16xf32>
      %swap3A_205 = arith.constant 1 : i32
      %swap3A_206 = arith.index_cast %swap3A_205 : i32 to index
      %swap3A_207 = arith.index_cast %scan3A_196 : i32 to index
      %swap3A_208 = arith.constant 0 : index
      %swap3A_209 = tpu.vector_load %arg10[%swap3A_206, %swap3A_207, %swap3A_208] {strides = array<i32>} : memref<4x128x64xf32, #tpu.memory_space<vmem>>, vector<16xf32>,
      tpu.vector_store %arg10[%swap3A_206, %swap3A_207, %swap3A_208], %mul3A_204 {strides = array<i32>} : memref<4x128x64xf32, #tpu.memory_space<vmem>>, vector<16xf32>,
      %get3A_210 = arith.constant 1 : i32
      %get3A_211 = arith.index_cast %get3A_210 : i32 to index
      %get3A_212 = arith.index_cast %scan3A_196 : i32 to index
      %get3A_213 = arith.constant 16 : index
      %get3A_214 = tpu.vector_load %arg10[%get3A_211, %get3A_212, %get3A_213] {strides = array<i32>} : memref<4x128x64xf32, #tpu.memory_space<vmem>>, vector<16xf32>,
      %mul3A_215 = arith.mulf %get3A_214, %gather3A : vector<16xf32>
      %swap3A_216 = arith.constant 1 : i32
      %swap3A_217 = arith.index_cast %swap3A_216 : i32 to index
      %swap3A_218 = arith.index_cast %scan3A_196 : i32 to index
      %swap3A_219 = arith.constant 16 : index
      %swap3A_220 = tpu.vector_load %arg10[%swap3A_217, %swap3A_218, %swap3A_219] {strides = array<i32>} : memref<4x128x64xf32, #tpu.memory_space<vmem>>, vector<16xf32>,
      tpu.vector_store %arg10[%swap3A_217, %swap3A_218, %swap3A_219], %mul3A_215 {strides = array<i32>} : memref<4x128x64xf32, #tpu.memory_space<vmem>>, vector<16xf32>,
      %get3A_221 = arith.constant 1 : i32
      %get3A_222 = arith.index_cast %get3A_221 : i32 to index
      %get3A_223 = arith.index_cast %scan3A_196 : i32 to index
      %get3A_224 = arith.constant 32 : index
      %get3A_225 = tpu.vector_load %arg10[%get3A_222, %get3A_223, %get3A_224] {strides = array<i32>} : memref<4x128x64xf32, #tpu.memory_space<vmem>>, vector<16xf32>,
      %mul3A_226 = arith.mulf %get3A_225, %gather3A : vector<16xf32>
      %swap3A_227 = arith.constant 1 : i32
      %swap3A_228 = arith.index_cast %swap3A_227 : i32 to index
      %swap3A_229 = arith.index_cast %scan3A_196 : i32 to index
      %swap3A_230 = arith.constant 32 : index
      %swap3A_231 = tpu.vector_load %arg10[%swap3A_228, %swap3A_229, %swap3A_230] {strides = array<i32>} : memref<4x128x64xf32, #tpu.memory_space<vmem>>, vector<16xf32>,
      tpu.vector_store %arg10[%swap3A_228, %swap3A_229, %swap3A_230], %mul3A_226 {strides = array<i32>} : memref<4x128x64xf32, #tpu.memory_space<vmem>>, vector<16xf32>,
      %get3A_232 = arith.constant 1 : i32
      %get3A_233 = arith.index_cast %get3A_232 : i32 to index
      %get3A_234 = arith.index_cast %scan3A_196 : i32 to index
      %get3A_235 = arith.constant 48 : index
      %get3A_236 = tpu.vector_load %arg10[%get3A_233, %get3A_234, %get3A_235] {strides = array<i32>} : memref<4x128x64xf32, #tpu.memory_space<vmem>>, vector<16xf32>,
      %mul3A_237 = arith.mulf %get3A_236, %gather3A : vector<16xf32>
      %swap3A_238 = arith.constant 1 : i32
      %swap3A_239 = arith.index_cast %swap3A_238 : i32 to index
      %swap3A_240 = arith.index_cast %scan3A_196 : i32 to index
      %swap3A_241 = arith.constant 48 : index
      %swap3A_242 = tpu.vector_load %arg10[%swap3A_239, %swap3A_240, %swap3A_241] {strides = array<i32>} : memref<4x128x64xf32, #tpu.memory_space<vmem>>, vector<16xf32>,
      tpu.vector_store %arg10[%swap3A_239, %swap3A_240, %swap3A_241], %mul3A_237 {strides = array<i32>} : memref<4x128x64xf32, #tpu.memory_space<vmem>>, vector<16xf32>,
    }
    %scan3A_122 = arith.constant 128 : i32
    %add3A_123 = arith.constant 512 : i32
    %add3A_124 = arith.addi %mul3A_3, %add3A_123 : i32
    %run_scoped3A_125 = arith.constant 1 : i32
    "tpu.region"() ({
      %run_scoped3A_196 = tpu.sem_alloc : memref<!tpu.dma_semaphore, #tpu.memory_space<semaphore_mem>>
      %dma_start3A_197 = arith.constant 0 : i32
      %dma_start3A_198 = arith.constant 0 : i32
      %dma_start3A_199 = tpu.memref_slice %arg10[%run_scoped3A_125, %dma_start3A_197, %dma_start3A_198] : memref<4x128x64xf32, #tpu.memory_space<vmem>> -> memref<1x128x64xf32, #tpu.memory_space<vmem>>
      %dma_start3A_200 = tpu.memref_squeeze %dma_start3A_199 : memref<1x128x64xf32, #tpu.memory_space<vmem>> -> memref<128x64xf32, #tpu.memory_space<vmem>>
      %dma_start3A_201 = arith.constant 0 : i32
      %dma_start3A_202 = tpu.memref_slice %arg5[%arg0, %add3A_124, %dma_start3A_201] : memref<2x10240x64xf32, #tpu.memory_space<hbm>> -> memref<1x128x64xf32, #tpu.memory_space<hbm>>
      %dma_start3A_203 = tpu.memref_squeeze %dma_start3A_202 : memref<1x128x64xf32, #tpu.memory_space<hbm>> -> memref<128x64xf32, #tpu.memory_space<hbm>>
      %dma_start3A_204 = arith.constant 0 : i32
      %dma_start3A_205 = tpu.memref_slice %arg5[%arg0, %add3A_124, %dma_start3A_204] : memref<2x10240x64xf32, #tpu.memory_space<hbm>> -> memref<1x128x64xf32, #tpu.memory_space<hbm>>
      %dma_start3A_206 = tpu.memref_squeeze %dma_start3A_205 : memref<1x128x64xf32, #tpu.memory_space<hbm>> -> memref<128x64xf32, #tpu.memory_space<hbm>>
      %dma_start3A_207 = arith.constant 0 : i32
      %dma_start3A_208 = arith.constant 0 : i32
      %dma_start3A_209 = tpu.memref_slice %arg10[%run_scoped3A_125, %dma_start3A_207, %dma_start3A_208] : memref<4x128x64xf32, #tpu.memory_space<vmem>> -> memref<1x128x64xf32, #tpu.memory_space<vmem>>
      %dma_start3A_210 = tpu.memref_squeeze %dma_start3A_209 : memref<1x128x64xf32, #tpu.memory_space<vmem>> -> memref<128x64xf32, #tpu.memory_space<vmem>>
      tpu.enqueue_dma source(%dma_start3A_210 : memref<128x64xf32, #tpu.memory_space<vmem>>) target(%dma_start3A_206 : memref<128x64xf32, #tpu.memory_space<hbm>>) target_semaphore(%run_scoped3A_196 : memref<!tpu.dma_semaphore, #tpu.memory_space<semaphore_mem>>)
      %dma_wait3A = arith.constant 0 : i32
      %dma_wait3A_211 = arith.constant 0 : i32
      %dma_wait3A_212 = tpu.memref_slice %arg10[%run_scoped3A_125, %dma_wait3A, %dma_wait3A_211] : memref<4x128x64xf32, #tpu.memory_space<vmem>> -> memref<1x128x64xf32, #tpu.memory_space<vmem>>
      %dma_wait3A_213 = tpu.memref_squeeze %dma_wait3A_212 : memref<1x128x64xf32, #tpu.memory_space<vmem>> -> memref<128x64xf32, #tpu.memory_space<vmem>>
      %dma_wait3A_214 = arith.constant 0 : i32
      %dma_wait3A_215 = tpu.memref_slice %arg5[%arg0, %add3A_124, %dma_wait3A_214] : memref<2x10240x64xf32, #tpu.memory_space<hbm>> -> memref<1x128x64xf32, #tpu.memory_space<hbm>>
      %dma_wait3A_216 = tpu.memref_squeeze %dma_wait3A_215 : memref<1x128x64xf32, #tpu.memory_space<hbm>> -> memref<128x64xf32, #tpu.memory_space<hbm>>
      %dma_wait3A_217 = arith.constant 0 : i32
      %dma_wait3A_218 = tpu.memref_slice %arg5[%arg0, %add3A_124, %dma_wait3A_217] : memref<2x10240x64xf32, #tpu.memory_space<hbm>> -> memref<1x128x64xf32, #tpu.memory_space<hbm>>
      %dma_wait3A_219 = tpu.memref_squeeze %dma_wait3A_218 : memref<1x128x64xf32, #tpu.memory_space<hbm>> -> memref<128x64xf32, #tpu.memory_space<hbm>>
      %dma_wait3A_220 = arith.constant 0 : i32
      %dma_wait3A_221 = arith.constant 0 : i32
      %dma_wait3A_222 = tpu.memref_slice %arg10[%run_scoped3A_125, %dma_wait3A_220, %dma_wait3A_221] : memref<4x128x64xf32, #tpu.memory_space<vmem>> -> memref<1x128x64xf32, #tpu.memory_space<vmem>>
      %dma_wait3A_223 = tpu.memref_squeeze %dma_wait3A_222 : memref<1x128x64xf32, #tpu.memory_space<vmem>> -> memref<128x64xf32, #tpu.memory_space<vmem>>
      tpu.wait_dma2 semaphore(%run_scoped3A_196 : memref<!tpu.dma_semaphore, #tpu.memory_space<semaphore_mem>>) src(%dma_wait3A_223 : memref<128x64xf32, #tpu.memory_space<vmem>>) dst(%dma_wait3A_219 : memref<128x64xf32, #tpu.memory_space<hbm>>)
      tpu.yield
    }) : () -> ()
    %barrier3A_126 = arith.constant 0 : index
    tpu.barrier barrier_id(%barrier3A_126)
    %dma_start3A = arith.constant 0 : i32
    %dma_start3A_127 = arith.constant 0 : i32
    %dma_start3A_128 = arith.constant 0 : i32
    %dma_start3A_129 = arith.constant 0 : i32
    %dma_start3A_130 = tpu.memref_slice %arg10[%dma_start3A_127, %dma_start3A_128, %dma_start3A_129] : memref<4x128x64xf32, #tpu.memory_space<vmem>> -> memref<1x128x64xf32, #tpu.memory_space<vmem>>
    %dma_start3A_131 = tpu.memref_squeeze %dma_start3A_130 : memref<1x128x64xf32, #tpu.memory_space<vmem>> -> memref<128x64xf32, #tpu.memory_space<vmem>>
    %dma_start3A_132 = arith.constant 0 : i32
    %dma_start3A_133 = tpu.memref_slice %arg8[%dma_start3A, %dma_start3A_132] : memref<160x128xi32, #tpu.memory_space<vmem>> -> memref<1x128xi32, #tpu.memory_space<vmem>>
    %dma_start3A_134 = tpu.memref_squeeze %dma_start3A_133 : memref<1x128xi32, #tpu.memory_space<vmem>> -> memref<128xi32, #tpu.memory_space<vmem>>
    %dma_start3A_135 = arith.constant 0 : i32
    %dma_start3A_136 = arith.constant 0 : i32
    %dma_start3A_137 = tpu.memref_slice %arg5[%arg0, %dma_start3A_135, %dma_start3A_136] : memref<2x10240x64xf32, #tpu.memory_space<hbm>> -> memref<1x10240x64xf32, #tpu.memory_space<hbm>>
    %dma_start3A_138 = tpu.memref_squeeze %dma_start3A_137 : memref<1x10240x64xf32, #tpu.memory_space<hbm>> -> memref<10240x64xf32, #tpu.memory_space<hbm>>
    %dma_start3A_139 = arith.constant 0 : i32
    %dma_start3A_140 = arith.constant 0 : i32
    %dma_start3A_141 = tpu.memref_slice %dma_start3A_138[%dma_start3A_139, %dma_start3A_140] : memref<10240x64xf32, #tpu.memory_space<hbm>> -> memref<10240x64xf32, #tpu.memory_space<hbm>>
    tpu.enqueue_indirect_dma source(%dma_start3A_141 : memref<10240x64xf32, #tpu.memory_space<hbm>>) target(%dma_start3A_131 : memref<128x64xf32, #tpu.memory_space<vmem>>) offsets(%dma_start3A_134 : memref<128xi32, #tpu.memory_space<vmem>>) semaphore(%arg16 : memref<!tpu.dma_semaphore, #tpu.memory_space<semaphore_mem>>)
    %dma_start3A_142 = arith.constant 1 : i32
    %dma_start3A_143 = arith.constant 1 : i32
    %dma_start3A_144 = arith.constant 0 : i32
    %dma_start3A_145 = arith.constant 0 : i32
    %dma_start3A_146 = tpu.memref_slice %arg10[%dma_start3A_143, %dma_start3A_144, %dma_start3A_145] : memref<4x128x64xf32, #tpu.memory_space<vmem>> -> memref<1x128x64xf32, #tpu.memory_space<vmem>>
    %dma_start3A_147 = tpu.memref_squeeze %dma_start3A_146 : memref<1x128x64xf32, #tpu.memory_space<vmem>> -> memref<128x64xf32, #tpu.memory_space<vmem>>
    %dma_start3A_148 = arith.constant 0 : i32
    %dma_start3A_149 = tpu.memref_slice %arg8[%dma_start3A_142, %dma_start3A_148] : memref<160x128xi32, #tpu.memory_space<vmem>> -> memref<1x128xi32, #tpu.memory_space<vmem>>
    %dma_start3A_150 = tpu.memref_squeeze %dma_start3A_149 : memref<1x128xi32, #tpu.memory_space<vmem>> -> memref<128xi32, #tpu.memory_space<vmem>>
    %dma_start3A_151 = arith.constant 0 : i32
    %dma_start3A_152 = arith.constant 0 : i32
    %dma_start3A_153 = tpu.memref_slice %arg5[%arg0, %dma_start3A_151, %dma_start3A_152] : memref<2x10240x64xf32, #tpu.memory_space<hbm>> -> memref<1x10240x64xf32, #tpu.memory_space<hbm>>
    %dma_start3A_154 = tpu.memref_squeeze %dma_start3A_153 : memref<1x10240x64xf32, #tpu.memory_space<hbm>> -> memref<10240x64xf32, #tpu.memory_space<hbm>>
    %dma_start3A_155 = arith.constant 0 : i32
    %dma_start3A_156 = arith.constant 0 : i32
    %dma_start3A_157 = tpu.memref_slice %dma_start3A_154[%dma_start3A_155, %dma_start3A_156] : memref<10240x64xf32, #tpu.memory_space<hbm>> -> memref<10240x64xf32, #tpu.memory_space<hbm>>
    tpu.enqueue_indirect_dma source(%dma_start3A_157 : memref<10240x64xf32, #tpu.memory_space<hbm>>) target(%dma_start3A_147 : memref<128x64xf32, #tpu.memory_space<vmem>>) offsets(%dma_start3A_150 : memref<128xi32, #tpu.memory_space<vmem>>) semaphore(%arg17 : memref<!tpu.dma_semaphore, #tpu.memory_space<semaphore_mem>>)
    %dma_start3A_158 = arith.constant 2 : i32
    %dma_start3A_159 = arith.constant 2 : i32
    %dma_start3A_160 = arith.constant 0 : i32
    %dma_start3A_161 = arith.constant 0 : i32
    %dma_start3A_162 = tpu.memref_slice %arg10[%dma_start3A_159, %dma_start3A_160, %dma_start3A_161] : memref<4x128x64xf32, #tpu.memory_space<vmem>> -> memref<1x128x64xf32, #tpu.memory_space<vmem>>
    %dma_start3A_163 = tpu.memref_squeeze %dma_start3A_162 : memref<1x128x64xf32, #tpu.memory_space<vmem>> -> memref<128x64xf32, #tpu.memory_space<vmem>>
    %dma_start3A_164 = arith.constant 0 : i32
    %dma_start3A_165 = tpu.memref_slice %arg8[%dma_start3A_158, %dma_start3A_164] : memref<160x128xi32, #tpu.memory_space<vmem>> -> memref<1x128xi32, #tpu.memory_space<vmem>>
    %dma_start3A_166 = tpu.memref_squeeze %dma_start3A_165 : memref<1x128xi32, #tpu.memory_space<vmem>> -> memref<128xi32, #tpu.memory_space<vmem>>
    %dma_start3A_167 = arith.constant 0 : i32
    %dma_start3A_168 = arith.constant 0 : i32
    %dma_start3A_169 = tpu.memref_slice %arg5[%arg0, %dma_start3A_167, %dma_start3A_168] : memref<2x10240x64xf32, #tpu.memory_space<hbm>> -> memref<1x10240x64xf32, #tpu.memory_space<hbm>>
    %dma_start3A_170 = tpu.memref_squeeze %dma_start3A_169 : memref<1x10240x64xf32, #tpu.memory_space<hbm>> -> memref<10240x64xf32, #tpu.memory_space<hbm>>
    %dma_start3A_171 = arith.constant 0 : i32
    %dma_start3A_172 = arith.constant 0 : i32
    %dma_start3A_173 = tpu.memref_slice %dma_start3A_170[%dma_start3A_171, %dma_start3A_172] : memref<10240x64xf32, #tpu.memory_space<hbm>> -> memref<10240x64xf32, #tpu.memory_space<hbm>>
    tpu.enqueue_indirect_dma source(%dma_start3A_173 : memref<10240x64xf32, #tpu.memory_space<hbm>>) target(%dma_start3A_163 : memref<128x64xf32, #tpu.memory_space<vmem>>) offsets(%dma_start3A_166 : memref<128xi32, #tpu.memory_space<vmem>>) semaphore(%arg18 : memref<!tpu.dma_semaphore, #tpu.memory_space<semaphore_mem>>)
    %dma_start3A_174 = arith.constant 3 : i32
    %dma_start3A_175 = arith.constant 3 : i32
    %dma_start3A_176 = arith.constant 0 : i32
    %dma_start3A_177 = arith.constant 0 : i32
    %dma_start3A_178 = tpu.memref_slice %arg10[%dma_start3A_175, %dma_start3A_176, %dma_start3A_177] : memref<4x128x64xf32, #tpu.memory_space<vmem>> -> memref<1x128x64xf32, #tpu.memory_space<vmem>>
    %dma_start3A_179 = tpu.memref_squeeze %dma_start3A_178 : memref<1x128x64xf32, #tpu.memory_space<vmem>> -> memref<128x64xf32, #tpu.memory_space<vmem>>
    %dma_start3A_180 = arith.constant 0 : i32
    %dma_start3A_181 = tpu.memref_slice %arg8[%dma_start3A_174, %dma_start3A_180] : memref<160x128xi32, #tpu.memory_space<vmem>> -> memref<1x128xi32, #tpu.memory_space<vmem>>
    %dma_start3A_182 = tpu.memref_squeeze %dma_start3A_181 : memref<1x128xi32, #tpu.memory_space<vmem>> -> memref<128xi32, #tpu.memory_space<vmem>>
    %dma_start3A_183 = arith.constant 0 : i32
    %dma_start3A_184 = arith.constant 0 : i32
    %dma_start3A_185 = tpu.memref_slice %arg5[%arg0, %dma_start3A_183, %dma_start3A_184] : memref<2x10240x64xf32, #tpu.memory_space<hbm>> -> memref<1x10240x64xf32, #tpu.memory_space<hbm>>
    %dma_start3A_186 = tpu.memref_squeeze %dma_start3A_185 : memref<1x10240x64xf32, #tpu.memory_space<hbm>> -> memref<10240x64xf32, #tpu.memory_space<hbm>>
    %dma_start3A_187 = arith.constant 0 : i32
    %dma_start3A_188 = arith.constant 0 : i32
    %dma_start3A_189 = tpu.memref_slice %dma_start3A_186[%dma_start3A_187, %dma_start3A_188] : memref<10240x64xf32, #tpu.memory_space<hbm>> -> memref<10240x64xf32, #tpu.memory_space<hbm>>
    tpu.enqueue_indirect_dma source(%dma_start3A_189 : memref<10240x64xf32, #tpu.memory_space<hbm>>) target(%dma_start3A_179 : memref<128x64xf32, #tpu.memory_space<vmem>>) offsets(%dma_start3A_182 : memref<128xi32, #tpu.memory_space<vmem>>) semaphore(%arg19 : memref<!tpu.dma_semaphore, #tpu.memory_space<semaphore_mem>>)
    %scan3A_190 = arith.constant 0 : i32
    %scan3A_191 = arith.constant 40 : i32
    %scan3A_192 = arith.addi %scan3A_190, %scan3A_191 : i32
    %scan3A_193 = arith.constant 1 : i32
    scf.for %scan3A_196 = %scan3A_190 to %scan3A_192 step %scan3A_193  : i32 {
      %mul3A_197 = arith.constant 4 : i32
      %mul3A_198 = arith.muli %mul3A_197, %scan3A_196 : i32
      %add3A_199 = arith.constant 0 : i32
      %add3A_200 = arith.addi %mul3A_198, %add3A_199 : i32
      %dma_wait3A = arith.constant 0 : i32
      %dma_wait3A_201 = arith.constant 0 : i32
      %dma_wait3A_202 = arith.constant 0 : i32
      %dma_wait3A_203 = tpu.memref_slice %arg10[%dma_wait3A, %dma_wait3A_201, %dma_wait3A_202] : memref<4x128x64xf32, #tpu.memory_space<vmem>> -> memref<1x128x64xf32, #tpu.memory_space<vmem>>
      %dma_wait3A_204 = tpu.memref_squeeze %dma_wait3A_203 : memref<1x128x64xf32, #tpu.memory_space<vmem>> -> memref<128x64xf32, #tpu.memory_space<vmem>>
      %dma_wait3A_205 = arith.constant 0 : i32
      %dma_wait3A_206 = tpu.memref_slice %arg8[%add3A_200, %dma_wait3A_205] : memref<160x128xi32, #tpu.memory_space<vmem>> -> memref<1x128xi32, #tpu.memory_space<vmem>>
      %dma_wait3A_207 = tpu.memref_squeeze %dma_wait3A_206 : memref<1x128xi32, #tpu.memory_space<vmem>> -> memref<128xi32, #tpu.memory_space<vmem>>
      %dma_wait3A_208 = arith.constant 0 : i32
      %dma_wait3A_209 = arith.constant 0 : i32
      %dma_wait3A_210 = tpu.memref_slice %arg5[%arg0, %dma_wait3A_208, %dma_wait3A_209] : memref<2x10240x64xf32, #tpu.memory_space<hbm>> -> memref<1x10240x64xf32, #tpu.memory_space<hbm>>
      %dma_wait3A_211 = tpu.memref_squeeze %dma_wait3A_210 : memref<1x10240x64xf32, #tpu.memory_space<hbm>> -> memref<10240x64xf32, #tpu.memory_space<hbm>>
      %dma_wait3A_212 = arith.constant 0 : i32
      %dma_wait3A_213 = arith.constant 0 : i32
      %dma_wait3A_214 = tpu.memref_slice %dma_wait3A_211[%dma_wait3A_212, %dma_wait3A_213] : memref<10240x64xf32, #tpu.memory_space<hbm>> -> memref<10240x64xf32, #tpu.memory_space<hbm>>
      tpu.wait_indirect_dma semaphore(%arg16 : memref<!tpu.dma_semaphore, #tpu.memory_space<semaphore_mem>>) src(%dma_wait3A_214 : memref<10240x64xf32, #tpu.memory_space<hbm>>) dst(%dma_wait3A_204 : memref<128x64xf32, #tpu.memory_space<vmem>>)
      %run_scoped3A_215 = arith.constant 0 : i32
      "tpu.region"() ({
        %run_scoped3A_297 = tpu.sem_alloc : memref<!tpu.dma_semaphore, #tpu.memory_space<semaphore_mem>>
        %dma_start3A_298 = arith.constant 0 : i32
        %dma_start3A_299 = arith.constant 0 : i32
        %dma_start3A_300 = tpu.memref_slice %arg10[%run_scoped3A_215, %dma_start3A_298, %dma_start3A_299] : memref<4x128x64xf32, #tpu.memory_space<vmem>> -> memref<1x128x64xf32, #tpu.memory_space<vmem>>
        %dma_start3A_301 = tpu.memref_squeeze %dma_start3A_300 : memref<1x128x64xf32, #tpu.memory_space<vmem>> -> memref<128x64xf32, #tpu.memory_space<vmem>>
        %dma_start3A_302 = arith.constant 0 : i32
        %dma_start3A_303 = tpu.memref_slice %arg9[%add3A_200, %dma_start3A_302] : memref<160x128xi32, #tpu.memory_space<vmem>> -> memref<1x128xi32, #tpu.memory_space<vmem>>
        %dma_start3A_304 = tpu.memref_squeeze %dma_start3A_303 : memref<1x128xi32, #tpu.memory_space<vmem>> -> memref<128xi32, #tpu.memory_space<vmem>>
        %dma_start3A_305 = arith.constant 0 : i32
        %dma_start3A_306 = arith.constant 0 : i32
        %dma_start3A_307 = tpu.memref_slice %arg14[%dma_start3A_305, %dma_start3A_306] : memref<10240x64xf32, #tpu.memory_space<vmem_shared>> -> memref<10240x64xf32, #tpu.memory_space<vmem_shared>>
        tpu.enqueue_indirect_dma source(%dma_start3A_301 : memref<128x64xf32, #tpu.memory_space<vmem>>) target(%dma_start3A_307 : memref<10240x64xf32, #tpu.memory_space<vmem_shared>>) offsets(%dma_start3A_304 : memref<128xi32, #tpu.memory_space<vmem>>) semaphore(%run_scoped3A_297 : memref<!tpu.dma_semaphore, #tpu.memory_space<semaphore_mem>>) {add = true}
        %dma_wait3A_308 = arith.constant 0 : i32
        %dma_wait3A_309 = arith.constant 0 : i32
        %dma_wait3A_310 = tpu.memref_slice %arg10[%run_scoped3A_215, %dma_wait3A_308, %dma_wait3A_309] : memref<4x128x64xf32, #tpu.memory_space<vmem>> -> memref<1x128x64xf32, #tpu.memory_space<vmem>>
        %dma_wait3A_311 = tpu.memref_squeeze %dma_wait3A_310 : memref<1x128x64xf32, #tpu.memory_space<vmem>> -> memref<128x64xf32, #tpu.memory_space<vmem>>
        %dma_wait3A_312 = arith.constant 0 : i32
        %dma_wait3A_313 = tpu.memref_slice %arg9[%add3A_200, %dma_wait3A_312] : memref<160x128xi32, #tpu.memory_space<vmem>> -> memref<1x128xi32, #tpu.memory_space<vmem>>
        %dma_wait3A_314 = tpu.memref_squeeze %dma_wait3A_313 : memref<1x128xi32, #tpu.memory_space<vmem>> -> memref<128xi32, #tpu.memory_space<vmem>>
        %dma_wait3A_315 = arith.constant 0 : i32
        %dma_wait3A_316 = arith.constant 0 : i32
        %dma_wait3A_317 = tpu.memref_slice %arg14[%dma_wait3A_315, %dma_wait3A_316] : memref<10240x64xf32, #tpu.memory_space<vmem_shared>> -> memref<10240x64xf32, #tpu.memory_space<vmem_shared>>
        tpu.wait_indirect_dma semaphore(%run_scoped3A_297 : memref<!tpu.dma_semaphore, #tpu.memory_space<semaphore_mem>>) src(%dma_wait3A_311 : memref<128x64xf32, #tpu.memory_space<vmem>>) dst(%dma_wait3A_317 : memref<10240x64xf32, #tpu.memory_space<vmem_shared>>)
        tpu.yield
      }) : () -> ()
      %add3A_216 = arith.constant 4 : i32
      %add3A_217 = arith.addi %add3A_200, %add3A_216 : i32
      %lt3A = arith.constant 160 : i32
      %lt3A_218 = arith.cmpi slt, %add3A_217, %lt3A : i32
      %convert_element_type3A_219 = arith.extui %lt3A_218 : i1 to i32
      %cond3A_220 = arith.constant 0 : i32
      %cond3A_221 = arith.cmpi ne, %convert_element_type3A_219, %cond3A_220 : i32
      scf.if %cond3A_221 {
        %add3A_297 = arith.constant 4 : i32
        %add3A_298 = arith.addi %add3A_200, %add3A_297 : i32
        %dma_start3A_299 = arith.constant 0 : i32
        %dma_start3A_300 = arith.constant 0 : i32
        %dma_start3A_301 = arith.constant 0 : i32
        %dma_start3A_302 = tpu.memref_slice %arg10[%dma_start3A_299, %dma_start3A_300, %dma_start3A_301] : memref<4x128x64xf32, #tpu.memory_space<vmem>> -> memref<1x128x64xf32, #tpu.memory_space<vmem>>
        %dma_start3A_303 = tpu.memref_squeeze %dma_start3A_302 : memref<1x128x64xf32, #tpu.memory_space<vmem>> -> memref<128x64xf32, #tpu.memory_space<vmem>>
        %dma_start3A_304 = arith.constant 0 : i32
        %dma_start3A_305 = tpu.memref_slice %arg8[%add3A_298, %dma_start3A_304] : memref<160x128xi32, #tpu.memory_space<vmem>> -> memref<1x128xi32, #tpu.memory_space<vmem>>
        %dma_start3A_306 = tpu.memref_squeeze %dma_start3A_305 : memref<1x128xi32, #tpu.memory_space<vmem>> -> memref<128xi32, #tpu.memory_space<vmem>>
        %dma_start3A_307 = arith.constant 0 : i32
        %dma_start3A_308 = arith.constant 0 : i32
        %dma_start3A_309 = tpu.memref_slice %arg5[%arg0, %dma_start3A_307, %dma_start3A_308] : memref<2x10240x64xf32, #tpu.memory_space<hbm>> -> memref<1x10240x64xf32, #tpu.memory_space<hbm>>
        %dma_start3A_310 = tpu.memref_squeeze %dma_start3A_309 : memref<1x10240x64xf32, #tpu.memory_space<hbm>> -> memref<10240x64xf32, #tpu.memory_space<hbm>>
        %dma_start3A_311 = arith.constant 0 : i32
        %dma_start3A_312 = arith.constant 0 : i32
        %dma_start3A_313 = tpu.memref_slice %dma_start3A_310[%dma_start3A_311, %dma_start3A_312] : memref<10240x64xf32, #tpu.memory_space<hbm>> -> memref<10240x64xf32, #tpu.memory_space<hbm>>
        tpu.enqueue_indirect_dma source(%dma_start3A_313 : memref<10240x64xf32, #tpu.memory_space<hbm>>) target(%dma_start3A_303 : memref<128x64xf32, #tpu.memory_space<vmem>>) offsets(%dma_start3A_306 : memref<128xi32, #tpu.memory_space<vmem>>) semaphore(%arg16 : memref<!tpu.dma_semaphore, #tpu.memory_space<semaphore_mem>>)
      } else {
      }
      %add3A_222 = arith.constant 1 : i32
      %add3A_223 = arith.addi %mul3A_198, %add3A_222 : i32
      %dma_wait3A_224 = arith.constant 1 : i32
      %dma_wait3A_225 = arith.constant 0 : i32
      %dma_wait3A_226 = arith.constant 0 : i32
      %dma_wait3A_227 = tpu.memref_slice %arg10[%dma_wait3A_224, %dma_wait3A_225, %dma_wait3A_226] : memref<4x128x64xf32, #tpu.memory_space<vmem>> -> memref<1x128x64xf32, #tpu.memory_space<vmem>>
      %dma_wait3A_228 = tpu.memref_squeeze %dma_wait3A_227 : memref<1x128x64xf32, #tpu.memory_space<vmem>> -> memref<128x64xf32, #tpu.memory_space<vmem>>
      %dma_wait3A_229 = arith.constant 0 : i32
      %dma_wait3A_230 = tpu.memref_slice %arg8[%add3A_223, %dma_wait3A_229] : memref<160x128xi32, #tpu.memory_space<vmem>> -> memref<1x128xi32, #tpu.memory_space<vmem>>
      %dma_wait3A_231 = tpu.memref_squeeze %dma_wait3A_230 : memref<1x128xi32, #tpu.memory_space<vmem>> -> memref<128xi32, #tpu.memory_space<vmem>>
      %dma_wait3A_232 = arith.constant 0 : i32
      %dma_wait3A_233 = arith.constant 0 : i32
      %dma_wait3A_234 = tpu.memref_slice %arg5[%arg0, %dma_wait3A_232, %dma_wait3A_233] : memref<2x10240x64xf32, #tpu.memory_space<hbm>> -> memref<1x10240x64xf32, #tpu.memory_space<hbm>>
      %dma_wait3A_235 = tpu.memref_squeeze %dma_wait3A_234 : memref<1x10240x64xf32, #tpu.memory_space<hbm>> -> memref<10240x64xf32, #tpu.memory_space<hbm>>
      %dma_wait3A_236 = arith.constant 0 : i32
      %dma_wait3A_237 = arith.constant 0 : i32
      %dma_wait3A_238 = tpu.memref_slice %dma_wait3A_235[%dma_wait3A_236, %dma_wait3A_237] : memref<10240x64xf32, #tpu.memory_space<hbm>> -> memref<10240x64xf32, #tpu.memory_space<hbm>>
      tpu.wait_indirect_dma semaphore(%arg17 : memref<!tpu.dma_semaphore, #tpu.memory_space<semaphore_mem>>) src(%dma_wait3A_238 : memref<10240x64xf32, #tpu.memory_space<hbm>>) dst(%dma_wait3A_228 : memref<128x64xf32, #tpu.memory_space<vmem>>)
      %run_scoped3A_239 = arith.constant 1 : i32
      "tpu.region"() ({
        %run_scoped3A_297 = tpu.sem_alloc : memref<!tpu.dma_semaphore, #tpu.memory_space<semaphore_mem>>
        %dma_start3A_298 = arith.constant 0 : i32
        %dma_start3A_299 = arith.constant 0 : i32
        %dma_start3A_300 = tpu.memref_slice %arg10[%run_scoped3A_239, %dma_start3A_298, %dma_start3A_299] : memref<4x128x64xf32, #tpu.memory_space<vmem>> -> memref<1x128x64xf32, #tpu.memory_space<vmem>>
        %dma_start3A_301 = tpu.memref_squeeze %dma_start3A_300 : memref<1x128x64xf32, #tpu.memory_space<vmem>> -> memref<128x64xf32, #tpu.memory_space<vmem>>
        %dma_start3A_302 = arith.constant 0 : i32
        %dma_start3A_303 = tpu.memref_slice %arg9[%add3A_223, %dma_start3A_302] : memref<160x128xi32, #tpu.memory_space<vmem>> -> memref<1x128xi32, #tpu.memory_space<vmem>>
        %dma_start3A_304 = tpu.memref_squeeze %dma_start3A_303 : memref<1x128xi32, #tpu.memory_space<vmem>> -> memref<128xi32, #tpu.memory_space<vmem>>
        %dma_start3A_305 = arith.constant 0 : i32
        %dma_start3A_306 = arith.constant 0 : i32
        %dma_start3A_307 = tpu.memref_slice %arg14[%dma_start3A_305, %dma_start3A_306] : memref<10240x64xf32, #tpu.memory_space<vmem_shared>> -> memref<10240x64xf32, #tpu.memory_space<vmem_shared>>
        tpu.enqueue_indirect_dma source(%dma_start3A_301 : memref<128x64xf32, #tpu.memory_space<vmem>>) target(%dma_start3A_307 : memref<10240x64xf32, #tpu.memory_space<vmem_shared>>) offsets(%dma_start3A_304 : memref<128xi32, #tpu.memory_space<vmem>>) semaphore(%run_scoped3A_297 : memref<!tpu.dma_semaphore, #tpu.memory_space<semaphore_mem>>) {add = true}
        %dma_wait3A_308 = arith.constant 0 : i32
        %dma_wait3A_309 = arith.constant 0 : i32
        %dma_wait3A_310 = tpu.memref_slice %arg10[%run_scoped3A_239, %dma_wait3A_308, %dma_wait3A_309] : memref<4x128x64xf32, #tpu.memory_space<vmem>> -> memref<1x128x64xf32, #tpu.memory_space<vmem>>
        %dma_wait3A_311 = tpu.memref_squeeze %dma_wait3A_310 : memref<1x128x64xf32, #tpu.memory_space<vmem>> -> memref<128x64xf32, #tpu.memory_space<vmem>>
        %dma_wait3A_312 = arith.constant 0 : i32
        %dma_wait3A_313 = tpu.memref_slice %arg9[%add3A_223, %dma_wait3A_312] : memref<160x128xi32, #tpu.memory_space<vmem>> -> memref<1x128xi32, #tpu.memory_space<vmem>>
        %dma_wait3A_314 = tpu.memref_squeeze %dma_wait3A_313 : memref<1x128xi32, #tpu.memory_space<vmem>> -> memref<128xi32, #tpu.memory_space<vmem>>
        %dma_wait3A_315 = arith.constant 0 : i32
        %dma_wait3A_316 = arith.constant 0 : i32
        %dma_wait3A_317 = tpu.memref_slice %arg14[%dma_wait3A_315, %dma_wait3A_316] : memref<10240x64xf32, #tpu.memory_space<vmem_shared>> -> memref<10240x64xf32, #tpu.memory_space<vmem_shared>>
        tpu.wait_indirect_dma semaphore(%run_scoped3A_297 : memref<!tpu.dma_semaphore, #tpu.memory_space<semaphore_mem>>) src(%dma_wait3A_311 : memref<128x64xf32, #tpu.memory_space<vmem>>) dst(%dma_wait3A_317 : memref<10240x64xf32, #tpu.memory_space<vmem_shared>>)
        tpu.yield
      }) : () -> ()
      %add3A_240 = arith.constant 4 : i32
      %add3A_241 = arith.addi %add3A_223, %add3A_240 : i32
      %lt3A_242 = arith.constant 160 : i32
      %lt3A_243 = arith.cmpi slt, %add3A_241, %lt3A_242 : i32
      %convert_element_type3A_244 = arith.extui %lt3A_243 : i1 to i32
      %cond3A_245 = arith.constant 0 : i32
      %cond3A_246 = arith.cmpi ne, %convert_element_type3A_244, %cond3A_245 : i32
      scf.if %cond3A_246 {
        %add3A_297 = arith.constant 4 : i32
        %add3A_298 = arith.addi %add3A_223, %add3A_297 : i32
        %dma_start3A_299 = arith.constant 1 : i32
        %dma_start3A_300 = arith.constant 0 : i32
        %dma_start3A_301 = arith.constant 0 : i32
        %dma_start3A_302 = tpu.memref_slice %arg10[%dma_start3A_299, %dma_start3A_300, %dma_start3A_301] : memref<4x128x64xf32, #tpu.memory_space<vmem>> -> memref<1x128x64xf32, #tpu.memory_space<vmem>>
        %dma_start3A_303 = tpu.memref_squeeze %dma_start3A_302 : memref<1x128x64xf32, #tpu.memory_space<vmem>> -> memref<128x64xf32, #tpu.memory_space<vmem>>
        %dma_start3A_304 = arith.constant 0 : i32
        %dma_start3A_305 = tpu.memref_slice %arg8[%add3A_298, %dma_start3A_304] : memref<160x128xi32, #tpu.memory_space<vmem>> -> memref<1x128xi32, #tpu.memory_space<vmem>>
        %dma_start3A_306 = tpu.memref_squeeze %dma_start3A_305 : memref<1x128xi32, #tpu.memory_space<vmem>> -> memref<128xi32, #tpu.memory_space<vmem>>
        %dma_start3A_307 = arith.constant 0 : i32
        %dma_start3A_308 = arith.constant 0 : i32
        %dma_start3A_309 = tpu.memref_slice %arg5[%arg0, %dma_start3A_307, %dma_start3A_308] : memref<2x10240x64xf32, #tpu.memory_space<hbm>> -> memref<1x10240x64xf32, #tpu.memory_space<hbm>>
        %dma_start3A_310 = tpu.memref_squeeze %dma_start3A_309 : memref<1x10240x64xf32, #tpu.memory_space<hbm>> -> memref<10240x64xf32, #tpu.memory_space<hbm>>
        %dma_start3A_311 = arith.constant 0 : i32
        %dma_start3A_312 = arith.constant 0 : i32
        %dma_start3A_313 = tpu.memref_slice %dma_start3A_310[%dma_start3A_311, %dma_start3A_312] : memref<10240x64xf32, #tpu.memory_space<hbm>> -> memref<10240x64xf32, #tpu.memory_space<hbm>>
        tpu.enqueue_indirect_dma source(%dma_start3A_313 : memref<10240x64xf32, #tpu.memory_space<hbm>>) target(%dma_start3A_303 : memref<128x64xf32, #tpu.memory_space<vmem>>) offsets(%dma_start3A_306 : memref<128xi32, #tpu.memory_space<vmem>>) semaphore(%arg17 : memref<!tpu.dma_semaphore, #tpu.memory_space<semaphore_mem>>)
      } else {
      }
      %add3A_247 = arith.constant 2 : i32
      %add3A_248 = arith.addi %mul3A_198, %add3A_247 : i32
      %dma_wait3A_249 = arith.constant 2 : i32
      %dma_wait3A_250 = arith.constant 0 : i32
      %dma_wait3A_251 = arith.constant 0 : i32
      %dma_wait3A_252 = tpu.memref_slice %arg10[%dma_wait3A_249, %dma_wait3A_250, %dma_wait3A_251] : memref<4x128x64xf32, #tpu.memory_space<vmem>> -> memref<1x128x64xf32, #tpu.memory_space<vmem>>
      %dma_wait3A_253 = tpu.memref_squeeze %dma_wait3A_252 : memref<1x128x64xf32, #tpu.memory_space<vmem>> -> memref<128x64xf32, #tpu.memory_space<vmem>>
      %dma_wait3A_254 = arith.constant 0 : i32
      %dma_wait3A_255 = tpu.memref_slice %arg8[%add3A_248, %dma_wait3A_254] : memref<160x128xi32, #tpu.memory_space<vmem>> -> memref<1x128xi32, #tpu.memory_space<vmem>>
      %dma_wait3A_256 = tpu.memref_squeeze %dma_wait3A_255 : memref<1x128xi32, #tpu.memory_space<vmem>> -> memref<128xi32, #tpu.memory_space<vmem>>
      %dma_wait3A_257 = arith.constant 0 : i32
      %dma_wait3A_258 = arith.constant 0 : i32
      %dma_wait3A_259 = tpu.memref_slice %arg5[%arg0, %dma_wait3A_257, %dma_wait3A_258] : memref<2x10240x64xf32, #tpu.memory_space<hbm>> -> memref<1x10240x64xf32, #tpu.memory_space<hbm>>
      %dma_wait3A_260 = tpu.memref_squeeze %dma_wait3A_259 : memref<1x10240x64xf32, #tpu.memory_space<hbm>> -> memref<10240x64xf32, #tpu.memory_space<hbm>>
      %dma_wait3A_261 = arith.constant 0 : i32
      %dma_wait3A_262 = arith.constant 0 : i32
      %dma_wait3A_263 = tpu.memref_slice %dma_wait3A_260[%dma_wait3A_261, %dma_wait3A_262] : memref<10240x64xf32, #tpu.memory_space<hbm>> -> memref<10240x64xf32, #tpu.memory_space<hbm>>
      tpu.wait_indirect_dma semaphore(%arg18 : memref<!tpu.dma_semaphore, #tpu.memory_space<semaphore_mem>>) src(%dma_wait3A_263 : memref<10240x64xf32, #tpu.memory_space<hbm>>) dst(%dma_wait3A_253 : memref<128x64xf32, #tpu.memory_space<vmem>>)
      %run_scoped3A_264 = arith.constant 2 : i32
      "tpu.region"() ({
        %run_scoped3A_297 = tpu.sem_alloc : memref<!tpu.dma_semaphore, #tpu.memory_space<semaphore_mem>>
        %dma_start3A_298 = arith.constant 0 : i32
        %dma_start3A_299 = arith.constant 0 : i32
        %dma_start3A_300 = tpu.memref_slice %arg10[%run_scoped3A_264, %dma_start3A_298, %dma_start3A_299] : memref<4x128x64xf32, #tpu.memory_space<vmem>> -> memref<1x128x64xf32, #tpu.memory_space<vmem>>
        %dma_start3A_301 = tpu.memref_squeeze %dma_start3A_300 : memref<1x128x64xf32, #tpu.memory_space<vmem>> -> memref<128x64xf32, #tpu.memory_space<vmem>>
        %dma_start3A_302 = arith.constant 0 : i32
        %dma_start3A_303 = tpu.memref_slice %arg9[%add3A_248, %dma_start3A_302] : memref<160x128xi32, #tpu.memory_space<vmem>> -> memref<1x128xi32, #tpu.memory_space<vmem>>
        %dma_start3A_304 = tpu.memref_squeeze %dma_start3A_303 : memref<1x128xi32, #tpu.memory_space<vmem>> -> memref<128xi32, #tpu.memory_space<vmem>>
        %dma_start3A_305 = arith.constant 0 : i32
        %dma_start3A_306 = arith.constant 0 : i32
        %dma_start3A_307 = tpu.memref_slice %arg14[%dma_start3A_305, %dma_start3A_306] : memref<10240x64xf32, #tpu.memory_space<vmem_shared>> -> memref<10240x64xf32, #tpu.memory_space<vmem_shared>>
        tpu.enqueue_indirect_dma source(%dma_start3A_301 : memref<128x64xf32, #tpu.memory_space<vmem>>) target(%dma_start3A_307 : memref<10240x64xf32, #tpu.memory_space<vmem_shared>>) offsets(%dma_start3A_304 : memref<128xi32, #tpu.memory_space<vmem>>) semaphore(%run_scoped3A_297 : memref<!tpu.dma_semaphore, #tpu.memory_space<semaphore_mem>>) {add = true}
        %dma_wait3A_308 = arith.constant 0 : i32
        %dma_wait3A_309 = arith.constant 0 : i32
        %dma_wait3A_310 = tpu.memref_slice %arg10[%run_scoped3A_264, %dma_wait3A_308, %dma_wait3A_309] : memref<4x128x64xf32, #tpu.memory_space<vmem>> -> memref<1x128x64xf32, #tpu.memory_space<vmem>>
        %dma_wait3A_311 = tpu.memref_squeeze %dma_wait3A_310 : memref<1x128x64xf32, #tpu.memory_space<vmem>> -> memref<128x64xf32, #tpu.memory_space<vmem>>
        %dma_wait3A_312 = arith.constant 0 : i32
        %dma_wait3A_313 = tpu.memref_slice %arg9[%add3A_248, %dma_wait3A_312] : memref<160x128xi32, #tpu.memory_space<vmem>> -> memref<1x128xi32, #tpu.memory_space<vmem>>
        %dma_wait3A_314 = tpu.memref_squeeze %dma_wait3A_313 : memref<1x128xi32, #tpu.memory_space<vmem>> -> memref<128xi32, #tpu.memory_space<vmem>>
        %dma_wait3A_315 = arith.constant 0 : i32
        %dma_wait3A_316 = arith.constant 0 : i32
        %dma_wait3A_317 = tpu.memref_slice %arg14[%dma_wait3A_315, %dma_wait3A_316] : memref<10240x64xf32, #tpu.memory_space<vmem_shared>> -> memref<10240x64xf32, #tpu.memory_space<vmem_shared>>
        tpu.wait_indirect_dma semaphore(%run_scoped3A_297 : memref<!tpu.dma_semaphore, #tpu.memory_space<semaphore_mem>>) src(%dma_wait3A_311 : memref<128x64xf32, #tpu.memory_space<vmem>>) dst(%dma_wait3A_317 : memref<10240x64xf32, #tpu.memory_space<vmem_shared>>)
        tpu.yield
      }) : () -> ()
      %add3A_265 = arith.constant 4 : i32
      %add3A_266 = arith.addi %add3A_248, %add3A_265 : i32
      %lt3A_267 = arith.constant 160 : i32
      %lt3A_268 = arith.cmpi slt, %add3A_266, %lt3A_267 : i32
      %convert_element_type3A_269 = arith.extui %lt3A_268 : i1 to i32
      %cond3A_270 = arith.constant 0 : i32
      %cond3A_271 = arith.cmpi ne, %convert_element_type3A_269, %cond3A_270 : i32
      scf.if %cond3A_271 {
        %add3A_297 = arith.constant 4 : i32
        %add3A_298 = arith.addi %add3A_248, %add3A_297 : i32
        %dma_start3A_299 = arith.constant 2 : i32
        %dma_start3A_300 = arith.constant 0 : i32
        %dma_start3A_301 = arith.constant 0 : i32
        %dma_start3A_302 = tpu.memref_slice %arg10[%dma_start3A_299, %dma_start3A_300, %dma_start3A_301] : memref<4x128x64xf32, #tpu.memory_space<vmem>> -> memref<1x128x64xf32, #tpu.memory_space<vmem>>
        %dma_start3A_303 = tpu.memref_squeeze %dma_start3A_302 : memref<1x128x64xf32, #tpu.memory_space<vmem>> -> memref<128x64xf32, #tpu.memory_space<vmem>>
        %dma_start3A_304 = arith.constant 0 : i32
        %dma_start3A_305 = tpu.memref_slice %arg8[%add3A_298, %dma_start3A_304] : memref<160x128xi32, #tpu.memory_space<vmem>> -> memref<1x128xi32, #tpu.memory_space<vmem>>
        %dma_start3A_306 = tpu.memref_squeeze %dma_start3A_305 : memref<1x128xi32, #tpu.memory_space<vmem>> -> memref<128xi32, #tpu.memory_space<vmem>>
        %dma_start3A_307 = arith.constant 0 : i32
        %dma_start3A_308 = arith.constant 0 : i32
        %dma_start3A_309 = tpu.memref_slice %arg5[%arg0, %dma_start3A_307, %dma_start3A_308] : memref<2x10240x64xf32, #tpu.memory_space<hbm>> -> memref<1x10240x64xf32, #tpu.memory_space<hbm>>
        %dma_start3A_310 = tpu.memref_squeeze %dma_start3A_309 : memref<1x10240x64xf32, #tpu.memory_space<hbm>> -> memref<10240x64xf32, #tpu.memory_space<hbm>>
        %dma_start3A_311 = arith.constant 0 : i32
        %dma_start3A_312 = arith.constant 0 : i32
        %dma_start3A_313 = tpu.memref_slice %dma_start3A_310[%dma_start3A_311, %dma_start3A_312] : memref<10240x64xf32, #tpu.memory_space<hbm>> -> memref<10240x64xf32, #tpu.memory_space<hbm>>
        tpu.enqueue_indirect_dma source(%dma_start3A_313 : memref<10240x64xf32, #tpu.memory_space<hbm>>) target(%dma_start3A_303 : memref<128x64xf32, #tpu.memory_space<vmem>>) offsets(%dma_start3A_306 : memref<128xi32, #tpu.memory_space<vmem>>) semaphore(%arg18 : memref<!tpu.dma_semaphore, #tpu.memory_space<semaphore_mem>>)
      } else {
      }
      %add3A_272 = arith.constant 3 : i32
      %add3A_273 = arith.addi %mul3A_198, %add3A_272 : i32
      %dma_wait3A_274 = arith.constant 3 : i32
      %dma_wait3A_275 = arith.constant 0 : i32
      %dma_wait3A_276 = arith.constant 0 : i32
      %dma_wait3A_277 = tpu.memref_slice %arg10[%dma_wait3A_274, %dma_wait3A_275, %dma_wait3A_276] : memref<4x128x64xf32, #tpu.memory_space<vmem>> -> memref<1x128x64xf32, #tpu.memory_space<vmem>>
      %dma_wait3A_278 = tpu.memref_squeeze %dma_wait3A_277 : memref<1x128x64xf32, #tpu.memory_space<vmem>> -> memref<128x64xf32, #tpu.memory_space<vmem>>
      %dma_wait3A_279 = arith.constant 0 : i32
      %dma_wait3A_280 = tpu.memref_slice %arg8[%add3A_273, %dma_wait3A_279] : memref<160x128xi32, #tpu.memory_space<vmem>> -> memref<1x128xi32, #tpu.memory_space<vmem>>
      %dma_wait3A_281 = tpu.memref_squeeze %dma_wait3A_280 : memref<1x128xi32, #tpu.memory_space<vmem>> -> memref<128xi32, #tpu.memory_space<vmem>>
      %dma_wait3A_282 = arith.constant 0 : i32
      %dma_wait3A_283 = arith.constant 0 : i32
      %dma_wait3A_284 = tpu.memref_slice %arg5[%arg0, %dma_wait3A_282, %dma_wait3A_283] : memref<2x10240x64xf32, #tpu.memory_space<hbm>> -> memref<1x10240x64xf32, #tpu.memory_space<hbm>>
      %dma_wait3A_285 = tpu.memref_squeeze %dma_wait3A_284 : memref<1x10240x64xf32, #tpu.memory_space<hbm>> -> memref<10240x64xf32, #tpu.memory_space<hbm>>
      %dma_wait3A_286 = arith.constant 0 : i32
      %dma_wait3A_287 = arith.constant 0 : i32
      %dma_wait3A_288 = tpu.memref_slice %dma_wait3A_285[%dma_wait3A_286, %dma_wait3A_287] : memref<10240x64xf32, #tpu.memory_space<hbm>> -> memref<10240x64xf32, #tpu.memory_space<hbm>>
      tpu.wait_indirect_dma semaphore(%arg19 : memref<!tpu.dma_semaphore, #tpu.memory_space<semaphore_mem>>) src(%dma_wait3A_288 : memref<10240x64xf32, #tpu.memory_space<hbm>>) dst(%dma_wait3A_278 : memref<128x64xf32, #tpu.memory_space<vmem>>)
      %run_scoped3A_289 = arith.constant 3 : i32
      "tpu.region"() ({
        %run_scoped3A_297 = tpu.sem_alloc : memref<!tpu.dma_semaphore, #tpu.memory_space<semaphore_mem>>
        %dma_start3A_298 = arith.constant 0 : i32
        %dma_start3A_299 = arith.constant 0 : i32
        %dma_start3A_300 = tpu.memref_slice %arg10[%run_scoped3A_289, %dma_start3A_298, %dma_start3A_299] : memref<4x128x64xf32, #tpu.memory_space<vmem>> -> memref<1x128x64xf32, #tpu.memory_space<vmem>>
        %dma_start3A_301 = tpu.memref_squeeze %dma_start3A_300 : memref<1x128x64xf32, #tpu.memory_space<vmem>> -> memref<128x64xf32, #tpu.memory_space<vmem>>
        %dma_start3A_302 = arith.constant 0 : i32
        %dma_start3A_303 = tpu.memref_slice %arg9[%add3A_273, %dma_start3A_302] : memref<160x128xi32, #tpu.memory_space<vmem>> -> memref<1x128xi32, #tpu.memory_space<vmem>>
        %dma_start3A_304 = tpu.memref_squeeze %dma_start3A_303 : memref<1x128xi32, #tpu.memory_space<vmem>> -> memref<128xi32, #tpu.memory_space<vmem>>
        %dma_start3A_305 = arith.constant 0 : i32
        %dma_start3A_306 = arith.constant 0 : i32
        %dma_start3A_307 = tpu.memref_slice %arg14[%dma_start3A_305, %dma_start3A_306] : memref<10240x64xf32, #tpu.memory_space<vmem_shared>> -> memref<10240x64xf32, #tpu.memory_space<vmem_shared>>
        tpu.enqueue_indirect_dma source(%dma_start3A_301 : memref<128x64xf32, #tpu.memory_space<vmem>>) target(%dma_start3A_307 : memref<10240x64xf32, #tpu.memory_space<vmem_shared>>) offsets(%dma_start3A_304 : memref<128xi32, #tpu.memory_space<vmem>>) semaphore(%run_scoped3A_297 : memref<!tpu.dma_semaphore, #tpu.memory_space<semaphore_mem>>) {add = true}
        %dma_wait3A_308 = arith.constant 0 : i32
        %dma_wait3A_309 = arith.constant 0 : i32
        %dma_wait3A_310 = tpu.memref_slice %arg10[%run_scoped3A_289, %dma_wait3A_308, %dma_wait3A_309] : memref<4x128x64xf32, #tpu.memory_space<vmem>> -> memref<1x128x64xf32, #tpu.memory_space<vmem>>
        %dma_wait3A_311 = tpu.memref_squeeze %dma_wait3A_310 : memref<1x128x64xf32, #tpu.memory_space<vmem>> -> memref<128x64xf32, #tpu.memory_space<vmem>>
        %dma_wait3A_312 = arith.constant 0 : i32
        %dma_wait3A_313 = tpu.memref_slice %arg9[%add3A_273, %dma_wait3A_312] : memref<160x128xi32, #tpu.memory_space<vmem>> -> memref<1x128xi32, #tpu.memory_space<vmem>>
        %dma_wait3A_314 = tpu.memref_squeeze %dma_wait3A_313 : memref<1x128xi32, #tpu.memory_space<vmem>> -> memref<128xi32, #tpu.memory_space<vmem>>
        %dma_wait3A_315 = arith.constant 0 : i32
        %dma_wait3A_316 = arith.constant 0 : i32
        %dma_wait3A_317 = tpu.memref_slice %arg14[%dma_wait3A_315, %dma_wait3A_316] : memref<10240x64xf32, #tpu.memory_space<vmem_shared>> -> memref<10240x64xf32, #tpu.memory_space<vmem_shared>>
        tpu.wait_indirect_dma semaphore(%run_scoped3A_297 : memref<!tpu.dma_semaphore, #tpu.memory_space<semaphore_mem>>) src(%dma_wait3A_311 : memref<128x64xf32, #tpu.memory_space<vmem>>) dst(%dma_wait3A_317 : memref<10240x64xf32, #tpu.memory_space<vmem_shared>>)
        tpu.yield
      }) : () -> ()
      %add3A_290 = arith.constant 4 : i32
      %add3A_291 = arith.addi %add3A_273, %add3A_290 : i32
      %lt3A_292 = arith.constant 160 : i32
      %lt3A_293 = arith.cmpi slt, %add3A_291, %lt3A_292 : i32
      %convert_element_type3A_294 = arith.extui %lt3A_293 : i1 to i32
      %cond3A_295 = arith.constant 0 : i32
      %cond3A_296 = arith.cmpi ne, %convert_element_type3A_294, %cond3A_295 : i32
      scf.if %cond3A_296 {
        %add3A_297 = arith.constant 4 : i32
        %add3A_298 = arith.addi %add3A_273, %add3A_297 : i32
        %dma_start3A_299 = arith.constant 3 : i32
        %dma_start3A_300 = arith.constant 0 : i32
        %dma_start3A_301 = arith.constant 0 : i32
        %dma_start3A_302 = tpu.memref_slice %arg10[%dma_start3A_299, %dma_start3A_300, %dma_start3A_301] : memref<4x128x64xf32, #tpu.memory_space<vmem>> -> memref<1x128x64xf32, #tpu.memory_space<vmem>>
        %dma_start3A_303 = tpu.memref_squeeze %dma_start3A_302 : memref<1x128x64xf32, #tpu.memory_space<vmem>> -> memref<128x64xf32, #tpu.memory_space<vmem>>
        %dma_start3A_304 = arith.constant 0 : i32
        %dma_start3A_305 = tpu.memref_slice %arg8[%add3A_298, %dma_start3A_304] : memref<160x128xi32, #tpu.memory_space<vmem>> -> memref<1x128xi32, #tpu.memory_space<vmem>>
        %dma_start3A_306 = tpu.memref_squeeze %dma_start3A_305 : memref<1x128xi32, #tpu.memory_space<vmem>> -> memref<128xi32, #tpu.memory_space<vmem>>
        %dma_start3A_307 = arith.constant 0 : i32
        %dma_start3A_308 = arith.constant 0 : i32
        %dma_start3A_309 = tpu.memref_slice %arg5[%arg0, %dma_start3A_307, %dma_start3A_308] : memref<2x10240x64xf32, #tpu.memory_space<hbm>> -> memref<1x10240x64xf32, #tpu.memory_space<hbm>>
        %dma_start3A_310 = tpu.memref_squeeze %dma_start3A_309 : memref<1x10240x64xf32, #tpu.memory_space<hbm>> -> memref<10240x64xf32, #tpu.memory_space<hbm>>
        %dma_start3A_311 = arith.constant 0 : i32
        %dma_start3A_312 = arith.constant 0 : i32
        %dma_start3A_313 = tpu.memref_slice %dma_start3A_310[%dma_start3A_311, %dma_start3A_312] : memref<10240x64xf32, #tpu.memory_space<hbm>> -> memref<10240x64xf32, #tpu.memory_space<hbm>>
        tpu.enqueue_indirect_dma source(%dma_start3A_313 : memref<10240x64xf32, #tpu.memory_space<hbm>>) target(%dma_start3A_303 : memref<128x64xf32, #tpu.memory_space<vmem>>) offsets(%dma_start3A_306 : memref<128xi32, #tpu.memory_space<vmem>>) semaphore(%arg19 : memref<!tpu.dma_semaphore, #tpu.memory_space<semaphore_mem>>)
      } else {
      }
    }
    %scan3A_194 = arith.constant 40 : i32
    %barrier3A_195 = arith.constant 0 : index
    tpu.barrier barrier_id(%barrier3A_195)
    "tpu.region"() ({
      %run_scoped3A_196 = tpu.sem_alloc : memref<!tpu.dma_semaphore, #tpu.memory_space<semaphore_mem>>
      %dma_start3A_197 = arith.constant 0 : i32
      %dma_start3A_198 = tpu.memref_slice %arg6[%arg0, %mul3A_3, %dma_start3A_197] : memref<2x10240x64xf32, #tpu.memory_space<hbm>> -> memref<1x640x64xf32, #tpu.memory_space<hbm>>
      %dma_start3A_199 = tpu.memref_squeeze %dma_start3A_198 : memref<1x640x64xf32, #tpu.memory_space<hbm>> -> memref<640x64xf32, #tpu.memory_space<hbm>>
      %dma_start3A_200 = arith.constant 0 : i32
      %dma_start3A_201 = tpu.memref_slice %arg14[%mul3A_3, %dma_start3A_200] : memref<10240x64xf32, #tpu.memory_space<vmem_shared>> -> memref<640x64xf32, #tpu.memory_space<vmem_shared>>
      tpu.enqueue_dma source(%dma_start3A_201 : memref<640x64xf32, #tpu.memory_space<vmem_shared>>) target(%dma_start3A_199 : memref<640x64xf32, #tpu.memory_space<hbm>>) target_semaphore(%run_scoped3A_196 : memref<!tpu.dma_semaphore, #tpu.memory_space<semaphore_mem>>)
      %dma_wait3A = arith.constant 0 : i32
      %dma_wait3A_202 = tpu.memref_slice %arg6[%arg0, %mul3A_3, %dma_wait3A] : memref<2x10240x64xf32, #tpu.memory_space<hbm>> -> memref<1x640x64xf32, #tpu.memory_space<hbm>>
      %dma_wait3A_203 = tpu.memref_squeeze %dma_wait3A_202 : memref<1x640x64xf32, #tpu.memory_space<hbm>> -> memref<640x64xf32, #tpu.memory_space<hbm>>
      %dma_wait3A_204 = arith.constant 0 : i32
      %dma_wait3A_205 = tpu.memref_slice %arg14[%mul3A_3, %dma_wait3A_204] : memref<10240x64xf32, #tpu.memory_space<vmem_shared>> -> memref<640x64xf32, #tpu.memory_space<vmem_shared>>
      tpu.wait_dma2 semaphore(%run_scoped3A_196 : memref<!tpu.dma_semaphore, #tpu.memory_space<semaphore_mem>>) src(%dma_wait3A_205 : memref<640x64xf32, #tpu.memory_space<vmem_shared>>) dst(%dma_wait3A_203 : memref<640x64xf32, #tpu.memory_space<hbm>>)
      tpu.yield
    }) : () -> ()
    return
  }
}

#map = affine_map<(d0, d1) -> (0, 0, 0)>
module attributes {stable_mosaic.version = 14 : i64} {
  func.func @_agg_kernel(%arg0: i32, %arg1: i32, %arg2: memref<16x160x128xi32, #tpu.memory_space<hbm>>, %arg3: memref<16x160x128xi32, #tpu.memory_space<hbm>>, %arg4: memref<2x10240x64xf32, #tpu.memory_space<hbm>>, %arg5: memref<2x10240x64xf32, #tpu.memory_space<hbm>>, %arg6: memref<160x128xi32, #tpu.memory_space<vmem>>, %arg7: memref<160x128xi32, #tpu.memory_space<vmem>>, %arg8: memref<4x128x64xf32, #tpu.memory_space<vmem>>, %arg9: memref<10240x64xf32, #tpu.memory_space<vmem_shared>>, %arg10: memref<!tpu.dma_semaphore, #tpu.memory_space<semaphore_mem>>, %arg11: memref<!tpu.dma_semaphore, #tpu.memory_space<semaphore_mem>>, %arg12: memref<!tpu.dma_semaphore, #tpu.memory_space<semaphore_mem>>, %arg13: memref<!tpu.dma_semaphore, #tpu.memory_space<semaphore_mem>>, %arg14: memref<!tpu.dma_semaphore, #tpu.memory_space<semaphore_mem>>, %arg15: memref<!tpu.dma_semaphore, #tpu.memory_space<semaphore_mem>>, %arg16: memref<!tpu.dma_semaphore, #tpu.memory_space<semaphore_mem>>, %arg17: memref<!tpu.dma_semaphore, #tpu.memory_space<semaphore_mem>>) attributes {dimension_semantics = [#tpu.dimension_semantics<core_parallel>, #tpu.dimension_semantics<subcore_parallel>], iteration_bounds = array<i64: 2, 16>, scalar_prefetch = 0 : i64, scratch_operands = 12 : i64, tpu.core_type = #tpu.core_type<sc_vector_subcore>, window_params = [{transform_indices = #map}, {transform_indices = #map}, {transform_indices = #map}, {transform_indices = #map}]} {
    %broadcast_in_dim3A = arith.constant 0.000000e+00 : f32
    %broadcast_in_dim3A_0 = vector.broadcast %broadcast_in_dim3A : f32 to vector<16xf32>
    "tpu.region"() ({
      %run_scoped3A_88 = tpu.sem_alloc : memref<!tpu.dma_semaphore, #tpu.memory_space<semaphore_mem>>
      %dma_start3A_89 = arith.constant 0 : i32
      %dma_start3A_90 = arith.constant 0 : i32
      %dma_start3A_91 = tpu.memref_slice %arg2[%arg1, %dma_start3A_89, %dma_start3A_90] : memref<16x160x128xi32, #tpu.memory_space<hbm>> -> memref<1x160x128xi32, #tpu.memory_space<hbm>>
      %dma_start3A_92 = tpu.memref_squeeze %dma_start3A_91 : memref<1x160x128xi32, #tpu.memory_space<hbm>> -> memref<160x128xi32, #tpu.memory_space<hbm>>
      %dma_start3A_93 = arith.constant 0 : i32
      %dma_start3A_94 = arith.constant 0 : i32
      %dma_start3A_95 = tpu.memref_slice %arg2[%arg1, %dma_start3A_93, %dma_start3A_94] : memref<16x160x128xi32, #tpu.memory_space<hbm>> -> memref<1x160x128xi32, #tpu.memory_space<hbm>>
      %dma_start3A_96 = tpu.memref_squeeze %dma_start3A_95 : memref<1x160x128xi32, #tpu.memory_space<hbm>> -> memref<160x128xi32, #tpu.memory_space<hbm>>
      tpu.enqueue_dma source(%dma_start3A_96 : memref<160x128xi32, #tpu.memory_space<hbm>>) target(%arg6 : memref<160x128xi32, #tpu.memory_space<vmem>>) target_semaphore(%run_scoped3A_88 : memref<!tpu.dma_semaphore, #tpu.memory_space<semaphore_mem>>)
      %dma_wait3A = arith.constant 0 : i32
      %dma_wait3A_97 = arith.constant 0 : i32
      %dma_wait3A_98 = tpu.memref_slice %arg2[%arg1, %dma_wait3A, %dma_wait3A_97] : memref<16x160x128xi32, #tpu.memory_space<hbm>> -> memref<1x160x128xi32, #tpu.memory_space<hbm>>
      %dma_wait3A_99 = tpu.memref_squeeze %dma_wait3A_98 : memref<1x160x128xi32, #tpu.memory_space<hbm>> -> memref<160x128xi32, #tpu.memory_space<hbm>>
      %dma_wait3A_100 = arith.constant 0 : i32
      %dma_wait3A_101 = arith.constant 0 : i32
      %dma_wait3A_102 = tpu.memref_slice %arg2[%arg1, %dma_wait3A_100, %dma_wait3A_101] : memref<16x160x128xi32, #tpu.memory_space<hbm>> -> memref<1x160x128xi32, #tpu.memory_space<hbm>>
      %dma_wait3A_103 = tpu.memref_squeeze %dma_wait3A_102 : memref<1x160x128xi32, #tpu.memory_space<hbm>> -> memref<160x128xi32, #tpu.memory_space<hbm>>
      tpu.wait_dma2 semaphore(%run_scoped3A_88 : memref<!tpu.dma_semaphore, #tpu.memory_space<semaphore_mem>>) src(%dma_wait3A_103 : memref<160x128xi32, #tpu.memory_space<hbm>>) dst(%arg6 : memref<160x128xi32, #tpu.memory_space<vmem>>)
      tpu.yield
    }) : () -> ()
    "tpu.region"() ({
      %run_scoped3A_88 = tpu.sem_alloc : memref<!tpu.dma_semaphore, #tpu.memory_space<semaphore_mem>>
      %dma_start3A_89 = arith.constant 0 : i32
      %dma_start3A_90 = arith.constant 0 : i32
      %dma_start3A_91 = tpu.memref_slice %arg3[%arg1, %dma_start3A_89, %dma_start3A_90] : memref<16x160x128xi32, #tpu.memory_space<hbm>> -> memref<1x160x128xi32, #tpu.memory_space<hbm>>
      %dma_start3A_92 = tpu.memref_squeeze %dma_start3A_91 : memref<1x160x128xi32, #tpu.memory_space<hbm>> -> memref<160x128xi32, #tpu.memory_space<hbm>>
      %dma_start3A_93 = arith.constant 0 : i32
      %dma_start3A_94 = arith.constant 0 : i32
      %dma_start3A_95 = tpu.memref_slice %arg3[%arg1, %dma_start3A_93, %dma_start3A_94] : memref<16x160x128xi32, #tpu.memory_space<hbm>> -> memref<1x160x128xi32, #tpu.memory_space<hbm>>
      %dma_start3A_96 = tpu.memref_squeeze %dma_start3A_95 : memref<1x160x128xi32, #tpu.memory_space<hbm>> -> memref<160x128xi32, #tpu.memory_space<hbm>>
      tpu.enqueue_dma source(%dma_start3A_96 : memref<160x128xi32, #tpu.memory_space<hbm>>) target(%arg7 : memref<160x128xi32, #tpu.memory_space<vmem>>) target_semaphore(%run_scoped3A_88 : memref<!tpu.dma_semaphore, #tpu.memory_space<semaphore_mem>>)
      %dma_wait3A = arith.constant 0 : i32
      %dma_wait3A_97 = arith.constant 0 : i32
      %dma_wait3A_98 = tpu.memref_slice %arg3[%arg1, %dma_wait3A, %dma_wait3A_97] : memref<16x160x128xi32, #tpu.memory_space<hbm>> -> memref<1x160x128xi32, #tpu.memory_space<hbm>>
      %dma_wait3A_99 = tpu.memref_squeeze %dma_wait3A_98 : memref<1x160x128xi32, #tpu.memory_space<hbm>> -> memref<160x128xi32, #tpu.memory_space<hbm>>
      %dma_wait3A_100 = arith.constant 0 : i32
      %dma_wait3A_101 = arith.constant 0 : i32
      %dma_wait3A_102 = tpu.memref_slice %arg3[%arg1, %dma_wait3A_100, %dma_wait3A_101] : memref<16x160x128xi32, #tpu.memory_space<hbm>> -> memref<1x160x128xi32, #tpu.memory_space<hbm>>
      %dma_wait3A_103 = tpu.memref_squeeze %dma_wait3A_102 : memref<1x160x128xi32, #tpu.memory_space<hbm>> -> memref<160x128xi32, #tpu.memory_space<hbm>>
      tpu.wait_dma2 semaphore(%run_scoped3A_88 : memref<!tpu.dma_semaphore, #tpu.memory_space<semaphore_mem>>) src(%dma_wait3A_103 : memref<160x128xi32, #tpu.memory_space<hbm>>) dst(%arg7 : memref<160x128xi32, #tpu.memory_space<vmem>>)
      tpu.yield
    }) : () -> ()
    %scan3A = arith.constant 0 : i32
    %scan3A_1 = arith.constant 512 : i32
    %scan3A_2 = arith.addi %scan3A, %scan3A_1 : i32
    %scan3A_3 = arith.constant 1 : i32
    scf.for %scan3A_88 = %scan3A to %scan3A_2 step %scan3A_3  : i32 {
      %jit3A = arith.constant 4 : i32
      %div3A = arith.divsi %scan3A_88, %jit3A : i32
      %sign3A = arith.constant 0 : i32
      %sign3A_89 = arith.cmpi sgt, %scan3A_88, %sign3A : i32
      %sign3A_90 = arith.extui %sign3A_89 : i1 to i32
      %sign3A_91 = arith.constant 0 : i32
      %sign3A_92 = arith.cmpi slt, %scan3A_88, %sign3A_91 : i32
      %sign3A_93 = arith.extui %sign3A_92 : i1 to i32
      %sign3A_94 = arith.subi %sign3A_90, %sign3A_93 : i32
      %sign3A_95 = arith.constant 0 : i32
      %sign3A_96 = arith.cmpi sgt, %jit3A, %sign3A_95 : i32
      %sign3A_97 = arith.extui %sign3A_96 : i1 to i32
      %sign3A_98 = arith.constant 0 : i32
      %sign3A_99 = arith.cmpi slt, %jit3A, %sign3A_98 : i32
      %sign3A_100 = arith.extui %sign3A_99 : i1 to i32
      %sign3A_101 = arith.subi %sign3A_97, %sign3A_100 : i32
      %ne3A = arith.cmpi ne, %sign3A_94, %sign3A_101 : i32
      %rem3A = arith.remsi %scan3A_88, %jit3A : i32
      %ne3A_102 = arith.constant 0 : i32
      %ne3A_103 = arith.cmpi ne, %rem3A, %ne3A_102 : i32
      %and3A = arith.andi %ne3A, %ne3A_103 : i1
      %sub3A = arith.constant 1 : i32
      %sub3A_104 = arith.subi %div3A, %sub3A : i32
      %select_n3A = arith.select %and3A, %sub3A_104, %div3A : i32
      %jit3A_105 = arith.constant 4 : i32
      %eq3A = arith.constant 0 : i32
      %eq3A_106 = arith.cmpi eq, %jit3A_105, %eq3A : i32
      %jit3A_107 = arith.constant 1 : i32
      %select_n3A_108 = arith.select %eq3A_106, %jit3A_107, %jit3A_105 : i32
      %rem3A_109 = arith.remsi %scan3A_88, %select_n3A_108 : i32
      %ne3A_110 = arith.constant 0 : i32
      %ne3A_111 = arith.cmpi ne, %rem3A_109, %ne3A_110 : i32
      %lt3A = arith.constant 0 : i32
      %lt3A_112 = arith.cmpi slt, %rem3A_109, %lt3A : i32
      %lt3A_113 = arith.constant 0 : i32
      %lt3A_114 = arith.cmpi slt, %select_n3A_108, %lt3A_113 : i32
      %ne3A_115 = arith.xori %lt3A_112, %lt3A_114 : i1
      %and3A_116 = arith.andi %ne3A_115, %ne3A_111 : i1
      %add3A_117 = arith.addi %rem3A_109, %select_n3A_108 : i32
      %select_n3A_118 = arith.select %and3A_116, %add3A_117, %rem3A_109 : i32
      %mul3A_119 = arith.constant 16 : i32
      %mul3A_120 = arith.muli %select_n3A_118, %mul3A_119 : i32
      %swap3A = arith.constant 0 : i32
      %swap3A_121 = arith.index_cast %swap3A : i32 to index
      %swap3A_122 = arith.index_cast %select_n3A : i32 to index
      %swap3A_123 = arith.index_cast %mul3A_120 : i32 to index
      %swap3A_124 = tpu.vector_load %arg8[%swap3A_121, %swap3A_122, %swap3A_123] {strides = array<i32>} : memref<4x128x64xf32, #tpu.memory_space<vmem>>, vector<16xf32>,
      tpu.vector_store %arg8[%swap3A_121, %swap3A_122, %swap3A_123], %broadcast_in_dim3A_0 {strides = array<i32>} : memref<4x128x64xf32, #tpu.memory_space<vmem>>, vector<16xf32>,
    }
    %scan3A_4 = arith.constant 512 : i32
    %mul3A = arith.constant 640 : i32
    %mul3A_5 = arith.muli %arg1, %mul3A : i32
    %add3A = arith.constant 0 : i32
    %add3A_6 = arith.addi %mul3A_5, %add3A : i32
    %run_scoped3A = arith.constant 0 : i32
    "tpu.region"() ({
      %run_scoped3A_88 = tpu.sem_alloc : memref<!tpu.dma_semaphore, #tpu.memory_space<semaphore_mem>>
      %dma_start3A_89 = arith.constant 0 : i32
      %dma_start3A_90 = arith.constant 0 : i32
      %dma_start3A_91 = tpu.memref_slice %arg8[%run_scoped3A, %dma_start3A_89, %dma_start3A_90] : memref<4x128x64xf32, #tpu.memory_space<vmem>> -> memref<1x128x64xf32, #tpu.memory_space<vmem>>
      %dma_start3A_92 = tpu.memref_squeeze %dma_start3A_91 : memref<1x128x64xf32, #tpu.memory_space<vmem>> -> memref<128x64xf32, #tpu.memory_space<vmem>>
      %dma_start3A_93 = arith.constant 0 : i32
      %dma_start3A_94 = tpu.memref_slice %arg9[%add3A_6, %dma_start3A_93] : memref<10240x64xf32, #tpu.memory_space<vmem_shared>> -> memref<128x64xf32, #tpu.memory_space<vmem_shared>>
      %dma_start3A_95 = arith.constant 0 : i32
      %dma_start3A_96 = tpu.memref_slice %arg9[%add3A_6, %dma_start3A_95] : memref<10240x64xf32, #tpu.memory_space<vmem_shared>> -> memref<128x64xf32, #tpu.memory_space<vmem_shared>>
      %dma_start3A_97 = arith.constant 0 : i32
      %dma_start3A_98 = arith.constant 0 : i32
      %dma_start3A_99 = tpu.memref_slice %arg8[%run_scoped3A, %dma_start3A_97, %dma_start3A_98] : memref<4x128x64xf32, #tpu.memory_space<vmem>> -> memref<1x128x64xf32, #tpu.memory_space<vmem>>
      %dma_start3A_100 = tpu.memref_squeeze %dma_start3A_99 : memref<1x128x64xf32, #tpu.memory_space<vmem>> -> memref<128x64xf32, #tpu.memory_space<vmem>>
      tpu.enqueue_dma source(%dma_start3A_100 : memref<128x64xf32, #tpu.memory_space<vmem>>) target(%dma_start3A_96 : memref<128x64xf32, #tpu.memory_space<vmem_shared>>) target_semaphore(%run_scoped3A_88 : memref<!tpu.dma_semaphore, #tpu.memory_space<semaphore_mem>>)
      %dma_wait3A = arith.constant 0 : i32
      %dma_wait3A_101 = arith.constant 0 : i32
      %dma_wait3A_102 = tpu.memref_slice %arg8[%run_scoped3A, %dma_wait3A, %dma_wait3A_101] : memref<4x128x64xf32, #tpu.memory_space<vmem>> -> memref<1x128x64xf32, #tpu.memory_space<vmem>>
      %dma_wait3A_103 = tpu.memref_squeeze %dma_wait3A_102 : memref<1x128x64xf32, #tpu.memory_space<vmem>> -> memref<128x64xf32, #tpu.memory_space<vmem>>
      %dma_wait3A_104 = arith.constant 0 : i32
      %dma_wait3A_105 = tpu.memref_slice %arg9[%add3A_6, %dma_wait3A_104] : memref<10240x64xf32, #tpu.memory_space<vmem_shared>> -> memref<128x64xf32, #tpu.memory_space<vmem_shared>>
      %dma_wait3A_106 = arith.constant 0 : i32
      %dma_wait3A_107 = tpu.memref_slice %arg9[%add3A_6, %dma_wait3A_106] : memref<10240x64xf32, #tpu.memory_space<vmem_shared>> -> memref<128x64xf32, #tpu.memory_space<vmem_shared>>
      %dma_wait3A_108 = arith.constant 0 : i32
      %dma_wait3A_109 = arith.constant 0 : i32
      %dma_wait3A_110 = tpu.memref_slice %arg8[%run_scoped3A, %dma_wait3A_108, %dma_wait3A_109] : memref<4x128x64xf32, #tpu.memory_space<vmem>> -> memref<1x128x64xf32, #tpu.memory_space<vmem>>
      %dma_wait3A_111 = tpu.memref_squeeze %dma_wait3A_110 : memref<1x128x64xf32, #tpu.memory_space<vmem>> -> memref<128x64xf32, #tpu.memory_space<vmem>>
      tpu.wait_dma2 semaphore(%run_scoped3A_88 : memref<!tpu.dma_semaphore, #tpu.memory_space<semaphore_mem>>) src(%dma_wait3A_111 : memref<128x64xf32, #tpu.memory_space<vmem>>) dst(%dma_wait3A_107 : memref<128x64xf32, #tpu.memory_space<vmem_shared>>)
      tpu.yield
    }) : () -> ()
    %add3A_7 = arith.constant 128 : i32
    %add3A_8 = arith.addi %mul3A_5, %add3A_7 : i32
    %run_scoped3A_9 = arith.constant 0 : i32
    "tpu.region"() ({
      %run_scoped3A_88 = tpu.sem_alloc : memref<!tpu.dma_semaphore, #tpu.memory_space<semaphore_mem>>
      %dma_start3A_89 = arith.constant 0 : i32
      %dma_start3A_90 = arith.constant 0 : i32
      %dma_start3A_91 = tpu.memref_slice %arg8[%run_scoped3A_9, %dma_start3A_89, %dma_start3A_90] : memref<4x128x64xf32, #tpu.memory_space<vmem>> -> memref<1x128x64xf32, #tpu.memory_space<vmem>>
      %dma_start3A_92 = tpu.memref_squeeze %dma_start3A_91 : memref<1x128x64xf32, #tpu.memory_space<vmem>> -> memref<128x64xf32, #tpu.memory_space<vmem>>
      %dma_start3A_93 = arith.constant 0 : i32
      %dma_start3A_94 = tpu.memref_slice %arg9[%add3A_8, %dma_start3A_93] : memref<10240x64xf32, #tpu.memory_space<vmem_shared>> -> memref<128x64xf32, #tpu.memory_space<vmem_shared>>
      %dma_start3A_95 = arith.constant 0 : i32
      %dma_start3A_96 = tpu.memref_slice %arg9[%add3A_8, %dma_start3A_95] : memref<10240x64xf32, #tpu.memory_space<vmem_shared>> -> memref<128x64xf32, #tpu.memory_space<vmem_shared>>
      %dma_start3A_97 = arith.constant 0 : i32
      %dma_start3A_98 = arith.constant 0 : i32
      %dma_start3A_99 = tpu.memref_slice %arg8[%run_scoped3A_9, %dma_start3A_97, %dma_start3A_98] : memref<4x128x64xf32, #tpu.memory_space<vmem>> -> memref<1x128x64xf32, #tpu.memory_space<vmem>>
      %dma_start3A_100 = tpu.memref_squeeze %dma_start3A_99 : memref<1x128x64xf32, #tpu.memory_space<vmem>> -> memref<128x64xf32, #tpu.memory_space<vmem>>
      tpu.enqueue_dma source(%dma_start3A_100 : memref<128x64xf32, #tpu.memory_space<vmem>>) target(%dma_start3A_96 : memref<128x64xf32, #tpu.memory_space<vmem_shared>>) target_semaphore(%run_scoped3A_88 : memref<!tpu.dma_semaphore, #tpu.memory_space<semaphore_mem>>)
      %dma_wait3A = arith.constant 0 : i32
      %dma_wait3A_101 = arith.constant 0 : i32
      %dma_wait3A_102 = tpu.memref_slice %arg8[%run_scoped3A_9, %dma_wait3A, %dma_wait3A_101] : memref<4x128x64xf32, #tpu.memory_space<vmem>> -> memref<1x128x64xf32, #tpu.memory_space<vmem>>
      %dma_wait3A_103 = tpu.memref_squeeze %dma_wait3A_102 : memref<1x128x64xf32, #tpu.memory_space<vmem>> -> memref<128x64xf32, #tpu.memory_space<vmem>>
      %dma_wait3A_104 = arith.constant 0 : i32
      %dma_wait3A_105 = tpu.memref_slice %arg9[%add3A_8, %dma_wait3A_104] : memref<10240x64xf32, #tpu.memory_space<vmem_shared>> -> memref<128x64xf32, #tpu.memory_space<vmem_shared>>
      %dma_wait3A_106 = arith.constant 0 : i32
      %dma_wait3A_107 = tpu.memref_slice %arg9[%add3A_8, %dma_wait3A_106] : memref<10240x64xf32, #tpu.memory_space<vmem_shared>> -> memref<128x64xf32, #tpu.memory_space<vmem_shared>>
      %dma_wait3A_108 = arith.constant 0 : i32
      %dma_wait3A_109 = arith.constant 0 : i32
      %dma_wait3A_110 = tpu.memref_slice %arg8[%run_scoped3A_9, %dma_wait3A_108, %dma_wait3A_109] : memref<4x128x64xf32, #tpu.memory_space<vmem>> -> memref<1x128x64xf32, #tpu.memory_space<vmem>>
      %dma_wait3A_111 = tpu.memref_squeeze %dma_wait3A_110 : memref<1x128x64xf32, #tpu.memory_space<vmem>> -> memref<128x64xf32, #tpu.memory_space<vmem>>
      tpu.wait_dma2 semaphore(%run_scoped3A_88 : memref<!tpu.dma_semaphore, #tpu.memory_space<semaphore_mem>>) src(%dma_wait3A_111 : memref<128x64xf32, #tpu.memory_space<vmem>>) dst(%dma_wait3A_107 : memref<128x64xf32, #tpu.memory_space<vmem_shared>>)
      tpu.yield
    }) : () -> ()
    %add3A_10 = arith.constant 256 : i32
    %add3A_11 = arith.addi %mul3A_5, %add3A_10 : i32
    %run_scoped3A_12 = arith.constant 0 : i32
    "tpu.region"() ({
      %run_scoped3A_88 = tpu.sem_alloc : memref<!tpu.dma_semaphore, #tpu.memory_space<semaphore_mem>>
      %dma_start3A_89 = arith.constant 0 : i32
      %dma_start3A_90 = arith.constant 0 : i32
      %dma_start3A_91 = tpu.memref_slice %arg8[%run_scoped3A_12, %dma_start3A_89, %dma_start3A_90] : memref<4x128x64xf32, #tpu.memory_space<vmem>> -> memref<1x128x64xf32, #tpu.memory_space<vmem>>
      %dma_start3A_92 = tpu.memref_squeeze %dma_start3A_91 : memref<1x128x64xf32, #tpu.memory_space<vmem>> -> memref<128x64xf32, #tpu.memory_space<vmem>>
      %dma_start3A_93 = arith.constant 0 : i32
      %dma_start3A_94 = tpu.memref_slice %arg9[%add3A_11, %dma_start3A_93] : memref<10240x64xf32, #tpu.memory_space<vmem_shared>> -> memref<128x64xf32, #tpu.memory_space<vmem_shared>>
      %dma_start3A_95 = arith.constant 0 : i32
      %dma_start3A_96 = tpu.memref_slice %arg9[%add3A_11, %dma_start3A_95] : memref<10240x64xf32, #tpu.memory_space<vmem_shared>> -> memref<128x64xf32, #tpu.memory_space<vmem_shared>>
      %dma_start3A_97 = arith.constant 0 : i32
      %dma_start3A_98 = arith.constant 0 : i32
      %dma_start3A_99 = tpu.memref_slice %arg8[%run_scoped3A_12, %dma_start3A_97, %dma_start3A_98] : memref<4x128x64xf32, #tpu.memory_space<vmem>> -> memref<1x128x64xf32, #tpu.memory_space<vmem>>
      %dma_start3A_100 = tpu.memref_squeeze %dma_start3A_99 : memref<1x128x64xf32, #tpu.memory_space<vmem>> -> memref<128x64xf32, #tpu.memory_space<vmem>>
      tpu.enqueue_dma source(%dma_start3A_100 : memref<128x64xf32, #tpu.memory_space<vmem>>) target(%dma_start3A_96 : memref<128x64xf32, #tpu.memory_space<vmem_shared>>) target_semaphore(%run_scoped3A_88 : memref<!tpu.dma_semaphore, #tpu.memory_space<semaphore_mem>>)
      %dma_wait3A = arith.constant 0 : i32
      %dma_wait3A_101 = arith.constant 0 : i32
      %dma_wait3A_102 = tpu.memref_slice %arg8[%run_scoped3A_12, %dma_wait3A, %dma_wait3A_101] : memref<4x128x64xf32, #tpu.memory_space<vmem>> -> memref<1x128x64xf32, #tpu.memory_space<vmem>>
      %dma_wait3A_103 = tpu.memref_squeeze %dma_wait3A_102 : memref<1x128x64xf32, #tpu.memory_space<vmem>> -> memref<128x64xf32, #tpu.memory_space<vmem>>
      %dma_wait3A_104 = arith.constant 0 : i32
      %dma_wait3A_105 = tpu.memref_slice %arg9[%add3A_11, %dma_wait3A_104] : memref<10240x64xf32, #tpu.memory_space<vmem_shared>> -> memref<128x64xf32, #tpu.memory_space<vmem_shared>>
      %dma_wait3A_106 = arith.constant 0 : i32
      %dma_wait3A_107 = tpu.memref_slice %arg9[%add3A_11, %dma_wait3A_106] : memref<10240x64xf32, #tpu.memory_space<vmem_shared>> -> memref<128x64xf32, #tpu.memory_space<vmem_shared>>
      %dma_wait3A_108 = arith.constant 0 : i32
      %dma_wait3A_109 = arith.constant 0 : i32
      %dma_wait3A_110 = tpu.memref_slice %arg8[%run_scoped3A_12, %dma_wait3A_108, %dma_wait3A_109] : memref<4x128x64xf32, #tpu.memory_space<vmem>> -> memref<1x128x64xf32, #tpu.memory_space<vmem>>
      %dma_wait3A_111 = tpu.memref_squeeze %dma_wait3A_110 : memref<1x128x64xf32, #tpu.memory_space<vmem>> -> memref<128x64xf32, #tpu.memory_space<vmem>>
      tpu.wait_dma2 semaphore(%run_scoped3A_88 : memref<!tpu.dma_semaphore, #tpu.memory_space<semaphore_mem>>) src(%dma_wait3A_111 : memref<128x64xf32, #tpu.memory_space<vmem>>) dst(%dma_wait3A_107 : memref<128x64xf32, #tpu.memory_space<vmem_shared>>)
      tpu.yield
    }) : () -> ()
    %add3A_13 = arith.constant 384 : i32
    %add3A_14 = arith.addi %mul3A_5, %add3A_13 : i32
    %run_scoped3A_15 = arith.constant 0 : i32
    "tpu.region"() ({
      %run_scoped3A_88 = tpu.sem_alloc : memref<!tpu.dma_semaphore, #tpu.memory_space<semaphore_mem>>
      %dma_start3A_89 = arith.constant 0 : i32
      %dma_start3A_90 = arith.constant 0 : i32
      %dma_start3A_91 = tpu.memref_slice %arg8[%run_scoped3A_15, %dma_start3A_89, %dma_start3A_90] : memref<4x128x64xf32, #tpu.memory_space<vmem>> -> memref<1x128x64xf32, #tpu.memory_space<vmem>>
      %dma_start3A_92 = tpu.memref_squeeze %dma_start3A_91 : memref<1x128x64xf32, #tpu.memory_space<vmem>> -> memref<128x64xf32, #tpu.memory_space<vmem>>
      %dma_start3A_93 = arith.constant 0 : i32
      %dma_start3A_94 = tpu.memref_slice %arg9[%add3A_14, %dma_start3A_93] : memref<10240x64xf32, #tpu.memory_space<vmem_shared>> -> memref<128x64xf32, #tpu.memory_space<vmem_shared>>
      %dma_start3A_95 = arith.constant 0 : i32
      %dma_start3A_96 = tpu.memref_slice %arg9[%add3A_14, %dma_start3A_95] : memref<10240x64xf32, #tpu.memory_space<vmem_shared>> -> memref<128x64xf32, #tpu.memory_space<vmem_shared>>
      %dma_start3A_97 = arith.constant 0 : i32
      %dma_start3A_98 = arith.constant 0 : i32
      %dma_start3A_99 = tpu.memref_slice %arg8[%run_scoped3A_15, %dma_start3A_97, %dma_start3A_98] : memref<4x128x64xf32, #tpu.memory_space<vmem>> -> memref<1x128x64xf32, #tpu.memory_space<vmem>>
      %dma_start3A_100 = tpu.memref_squeeze %dma_start3A_99 : memref<1x128x64xf32, #tpu.memory_space<vmem>> -> memref<128x64xf32, #tpu.memory_space<vmem>>
      tpu.enqueue_dma source(%dma_start3A_100 : memref<128x64xf32, #tpu.memory_space<vmem>>) target(%dma_start3A_96 : memref<128x64xf32, #tpu.memory_space<vmem_shared>>) target_semaphore(%run_scoped3A_88 : memref<!tpu.dma_semaphore, #tpu.memory_space<semaphore_mem>>)
      %dma_wait3A = arith.constant 0 : i32
      %dma_wait3A_101 = arith.constant 0 : i32
      %dma_wait3A_102 = tpu.memref_slice %arg8[%run_scoped3A_15, %dma_wait3A, %dma_wait3A_101] : memref<4x128x64xf32, #tpu.memory_space<vmem>> -> memref<1x128x64xf32, #tpu.memory_space<vmem>>
      %dma_wait3A_103 = tpu.memref_squeeze %dma_wait3A_102 : memref<1x128x64xf32, #tpu.memory_space<vmem>> -> memref<128x64xf32, #tpu.memory_space<vmem>>
      %dma_wait3A_104 = arith.constant 0 : i32
      %dma_wait3A_105 = tpu.memref_slice %arg9[%add3A_14, %dma_wait3A_104] : memref<10240x64xf32, #tpu.memory_space<vmem_shared>> -> memref<128x64xf32, #tpu.memory_space<vmem_shared>>
      %dma_wait3A_106 = arith.constant 0 : i32
      %dma_wait3A_107 = tpu.memref_slice %arg9[%add3A_14, %dma_wait3A_106] : memref<10240x64xf32, #tpu.memory_space<vmem_shared>> -> memref<128x64xf32, #tpu.memory_space<vmem_shared>>
      %dma_wait3A_108 = arith.constant 0 : i32
      %dma_wait3A_109 = arith.constant 0 : i32
      %dma_wait3A_110 = tpu.memref_slice %arg8[%run_scoped3A_15, %dma_wait3A_108, %dma_wait3A_109] : memref<4x128x64xf32, #tpu.memory_space<vmem>> -> memref<1x128x64xf32, #tpu.memory_space<vmem>>
      %dma_wait3A_111 = tpu.memref_squeeze %dma_wait3A_110 : memref<1x128x64xf32, #tpu.memory_space<vmem>> -> memref<128x64xf32, #tpu.memory_space<vmem>>
      tpu.wait_dma2 semaphore(%run_scoped3A_88 : memref<!tpu.dma_semaphore, #tpu.memory_space<semaphore_mem>>) src(%dma_wait3A_111 : memref<128x64xf32, #tpu.memory_space<vmem>>) dst(%dma_wait3A_107 : memref<128x64xf32, #tpu.memory_space<vmem_shared>>)
      tpu.yield
    }) : () -> ()
    %add3A_16 = arith.constant 512 : i32
    %add3A_17 = arith.addi %mul3A_5, %add3A_16 : i32
    %run_scoped3A_18 = arith.constant 0 : i32
    "tpu.region"() ({
      %run_scoped3A_88 = tpu.sem_alloc : memref<!tpu.dma_semaphore, #tpu.memory_space<semaphore_mem>>
      %dma_start3A_89 = arith.constant 0 : i32
      %dma_start3A_90 = arith.constant 0 : i32
      %dma_start3A_91 = tpu.memref_slice %arg8[%run_scoped3A_18, %dma_start3A_89, %dma_start3A_90] : memref<4x128x64xf32, #tpu.memory_space<vmem>> -> memref<1x128x64xf32, #tpu.memory_space<vmem>>
      %dma_start3A_92 = tpu.memref_squeeze %dma_start3A_91 : memref<1x128x64xf32, #tpu.memory_space<vmem>> -> memref<128x64xf32, #tpu.memory_space<vmem>>
      %dma_start3A_93 = arith.constant 0 : i32
      %dma_start3A_94 = tpu.memref_slice %arg9[%add3A_17, %dma_start3A_93] : memref<10240x64xf32, #tpu.memory_space<vmem_shared>> -> memref<128x64xf32, #tpu.memory_space<vmem_shared>>
      %dma_start3A_95 = arith.constant 0 : i32
      %dma_start3A_96 = tpu.memref_slice %arg9[%add3A_17, %dma_start3A_95] : memref<10240x64xf32, #tpu.memory_space<vmem_shared>> -> memref<128x64xf32, #tpu.memory_space<vmem_shared>>
      %dma_start3A_97 = arith.constant 0 : i32
      %dma_start3A_98 = arith.constant 0 : i32
      %dma_start3A_99 = tpu.memref_slice %arg8[%run_scoped3A_18, %dma_start3A_97, %dma_start3A_98] : memref<4x128x64xf32, #tpu.memory_space<vmem>> -> memref<1x128x64xf32, #tpu.memory_space<vmem>>
      %dma_start3A_100 = tpu.memref_squeeze %dma_start3A_99 : memref<1x128x64xf32, #tpu.memory_space<vmem>> -> memref<128x64xf32, #tpu.memory_space<vmem>>
      tpu.enqueue_dma source(%dma_start3A_100 : memref<128x64xf32, #tpu.memory_space<vmem>>) target(%dma_start3A_96 : memref<128x64xf32, #tpu.memory_space<vmem_shared>>) target_semaphore(%run_scoped3A_88 : memref<!tpu.dma_semaphore, #tpu.memory_space<semaphore_mem>>)
      %dma_wait3A = arith.constant 0 : i32
      %dma_wait3A_101 = arith.constant 0 : i32
      %dma_wait3A_102 = tpu.memref_slice %arg8[%run_scoped3A_18, %dma_wait3A, %dma_wait3A_101] : memref<4x128x64xf32, #tpu.memory_space<vmem>> -> memref<1x128x64xf32, #tpu.memory_space<vmem>>
      %dma_wait3A_103 = tpu.memref_squeeze %dma_wait3A_102 : memref<1x128x64xf32, #tpu.memory_space<vmem>> -> memref<128x64xf32, #tpu.memory_space<vmem>>
      %dma_wait3A_104 = arith.constant 0 : i32
      %dma_wait3A_105 = tpu.memref_slice %arg9[%add3A_17, %dma_wait3A_104] : memref<10240x64xf32, #tpu.memory_space<vmem_shared>> -> memref<128x64xf32, #tpu.memory_space<vmem_shared>>
      %dma_wait3A_106 = arith.constant 0 : i32
      %dma_wait3A_107 = tpu.memref_slice %arg9[%add3A_17, %dma_wait3A_106] : memref<10240x64xf32, #tpu.memory_space<vmem_shared>> -> memref<128x64xf32, #tpu.memory_space<vmem_shared>>
      %dma_wait3A_108 = arith.constant 0 : i32
      %dma_wait3A_109 = arith.constant 0 : i32
      %dma_wait3A_110 = tpu.memref_slice %arg8[%run_scoped3A_18, %dma_wait3A_108, %dma_wait3A_109] : memref<4x128x64xf32, #tpu.memory_space<vmem>> -> memref<1x128x64xf32, #tpu.memory_space<vmem>>
      %dma_wait3A_111 = tpu.memref_squeeze %dma_wait3A_110 : memref<1x128x64xf32, #tpu.memory_space<vmem>> -> memref<128x64xf32, #tpu.memory_space<vmem>>
      tpu.wait_dma2 semaphore(%run_scoped3A_88 : memref<!tpu.dma_semaphore, #tpu.memory_space<semaphore_mem>>) src(%dma_wait3A_111 : memref<128x64xf32, #tpu.memory_space<vmem>>) dst(%dma_wait3A_107 : memref<128x64xf32, #tpu.memory_space<vmem_shared>>)
      tpu.yield
    }) : () -> ()
    %dma_start3A = arith.constant 0 : i32
    %dma_start3A_19 = arith.constant 0 : i32
    %dma_start3A_20 = arith.constant 0 : i32
    %dma_start3A_21 = arith.constant 0 : i32
    %dma_start3A_22 = tpu.memref_slice %arg8[%dma_start3A_19, %dma_start3A_20, %dma_start3A_21] : memref<4x128x64xf32, #tpu.memory_space<vmem>> -> memref<1x128x64xf32, #tpu.memory_space<vmem>>
    %dma_start3A_23 = tpu.memref_squeeze %dma_start3A_22 : memref<1x128x64xf32, #tpu.memory_space<vmem>> -> memref<128x64xf32, #tpu.memory_space<vmem>>
    %dma_start3A_24 = arith.constant 0 : i32
    %dma_start3A_25 = tpu.memref_slice %arg6[%dma_start3A, %dma_start3A_24] : memref<160x128xi32, #tpu.memory_space<vmem>> -> memref<1x128xi32, #tpu.memory_space<vmem>>
    %dma_start3A_26 = tpu.memref_squeeze %dma_start3A_25 : memref<1x128xi32, #tpu.memory_space<vmem>> -> memref<128xi32, #tpu.memory_space<vmem>>
    %dma_start3A_27 = arith.constant 0 : i32
    %dma_start3A_28 = arith.constant 0 : i32
    %dma_start3A_29 = tpu.memref_slice %arg4[%arg0, %dma_start3A_27, %dma_start3A_28] : memref<2x10240x64xf32, #tpu.memory_space<hbm>> -> memref<1x10240x64xf32, #tpu.memory_space<hbm>>
    %dma_start3A_30 = tpu.memref_squeeze %dma_start3A_29 : memref<1x10240x64xf32, #tpu.memory_space<hbm>> -> memref<10240x64xf32, #tpu.memory_space<hbm>>
    %dma_start3A_31 = arith.constant 0 : i32
    %dma_start3A_32 = arith.constant 0 : i32
    %dma_start3A_33 = tpu.memref_slice %dma_start3A_30[%dma_start3A_31, %dma_start3A_32] : memref<10240x64xf32, #tpu.memory_space<hbm>> -> memref<10240x64xf32, #tpu.memory_space<hbm>>
    tpu.enqueue_indirect_dma source(%dma_start3A_33 : memref<10240x64xf32, #tpu.memory_space<hbm>>) target(%dma_start3A_23 : memref<128x64xf32, #tpu.memory_space<vmem>>) offsets(%dma_start3A_26 : memref<128xi32, #tpu.memory_space<vmem>>) semaphore(%arg10 : memref<!tpu.dma_semaphore, #tpu.memory_space<semaphore_mem>>)
    %dma_start3A_34 = arith.constant 1 : i32
    %dma_start3A_35 = arith.constant 1 : i32
    %dma_start3A_36 = arith.constant 0 : i32
    %dma_start3A_37 = arith.constant 0 : i32
    %dma_start3A_38 = tpu.memref_slice %arg8[%dma_start3A_35, %dma_start3A_36, %dma_start3A_37] : memref<4x128x64xf32, #tpu.memory_space<vmem>> -> memref<1x128x64xf32, #tpu.memory_space<vmem>>
    %dma_start3A_39 = tpu.memref_squeeze %dma_start3A_38 : memref<1x128x64xf32, #tpu.memory_space<vmem>> -> memref<128x64xf32, #tpu.memory_space<vmem>>
    %dma_start3A_40 = arith.constant 0 : i32
    %dma_start3A_41 = tpu.memref_slice %arg6[%dma_start3A_34, %dma_start3A_40] : memref<160x128xi32, #tpu.memory_space<vmem>> -> memref<1x128xi32, #tpu.memory_space<vmem>>
    %dma_start3A_42 = tpu.memref_squeeze %dma_start3A_41 : memref<1x128xi32, #tpu.memory_space<vmem>> -> memref<128xi32, #tpu.memory_space<vmem>>
    %dma_start3A_43 = arith.constant 0 : i32
    %dma_start3A_44 = arith.constant 0 : i32
    %dma_start3A_45 = tpu.memref_slice %arg4[%arg0, %dma_start3A_43, %dma_start3A_44] : memref<2x10240x64xf32, #tpu.memory_space<hbm>> -> memref<1x10240x64xf32, #tpu.memory_space<hbm>>
    %dma_start3A_46 = tpu.memref_squeeze %dma_start3A_45 : memref<1x10240x64xf32, #tpu.memory_space<hbm>> -> memref<10240x64xf32, #tpu.memory_space<hbm>>
    %dma_start3A_47 = arith.constant 0 : i32
    %dma_start3A_48 = arith.constant 0 : i32
    %dma_start3A_49 = tpu.memref_slice %dma_start3A_46[%dma_start3A_47, %dma_start3A_48] : memref<10240x64xf32, #tpu.memory_space<hbm>> -> memref<10240x64xf32, #tpu.memory_space<hbm>>
    tpu.enqueue_indirect_dma source(%dma_start3A_49 : memref<10240x64xf32, #tpu.memory_space<hbm>>) target(%dma_start3A_39 : memref<128x64xf32, #tpu.memory_space<vmem>>) offsets(%dma_start3A_42 : memref<128xi32, #tpu.memory_space<vmem>>) semaphore(%arg11 : memref<!tpu.dma_semaphore, #tpu.memory_space<semaphore_mem>>)
    %dma_start3A_50 = arith.constant 2 : i32
    %dma_start3A_51 = arith.constant 2 : i32
    %dma_start3A_52 = arith.constant 0 : i32
    %dma_start3A_53 = arith.constant 0 : i32
    %dma_start3A_54 = tpu.memref_slice %arg8[%dma_start3A_51, %dma_start3A_52, %dma_start3A_53] : memref<4x128x64xf32, #tpu.memory_space<vmem>> -> memref<1x128x64xf32, #tpu.memory_space<vmem>>
    %dma_start3A_55 = tpu.memref_squeeze %dma_start3A_54 : memref<1x128x64xf32, #tpu.memory_space<vmem>> -> memref<128x64xf32, #tpu.memory_space<vmem>>
    %dma_start3A_56 = arith.constant 0 : i32
    %dma_start3A_57 = tpu.memref_slice %arg6[%dma_start3A_50, %dma_start3A_56] : memref<160x128xi32, #tpu.memory_space<vmem>> -> memref<1x128xi32, #tpu.memory_space<vmem>>
    %dma_start3A_58 = tpu.memref_squeeze %dma_start3A_57 : memref<1x128xi32, #tpu.memory_space<vmem>> -> memref<128xi32, #tpu.memory_space<vmem>>
    %dma_start3A_59 = arith.constant 0 : i32
    %dma_start3A_60 = arith.constant 0 : i32
    %dma_start3A_61 = tpu.memref_slice %arg4[%arg0, %dma_start3A_59, %dma_start3A_60] : memref<2x10240x64xf32, #tpu.memory_space<hbm>> -> memref<1x10240x64xf32, #tpu.memory_space<hbm>>
    %dma_start3A_62 = tpu.memref_squeeze %dma_start3A_61 : memref<1x10240x64xf32, #tpu.memory_space<hbm>> -> memref<10240x64xf32, #tpu.memory_space<hbm>>
    %dma_start3A_63 = arith.constant 0 : i32
    %dma_start3A_64 = arith.constant 0 : i32
    %dma_start3A_65 = tpu.memref_slice %dma_start3A_62[%dma_start3A_63, %dma_start3A_64] : memref<10240x64xf32, #tpu.memory_space<hbm>> -> memref<10240x64xf32, #tpu.memory_space<hbm>>
    tpu.enqueue_indirect_dma source(%dma_start3A_65 : memref<10240x64xf32, #tpu.memory_space<hbm>>) target(%dma_start3A_55 : memref<128x64xf32, #tpu.memory_space<vmem>>) offsets(%dma_start3A_58 : memref<128xi32, #tpu.memory_space<vmem>>) semaphore(%arg12 : memref<!tpu.dma_semaphore, #tpu.memory_space<semaphore_mem>>)
    %dma_start3A_66 = arith.constant 3 : i32
    %dma_start3A_67 = arith.constant 3 : i32
    %dma_start3A_68 = arith.constant 0 : i32
    %dma_start3A_69 = arith.constant 0 : i32
    %dma_start3A_70 = tpu.memref_slice %arg8[%dma_start3A_67, %dma_start3A_68, %dma_start3A_69] : memref<4x128x64xf32, #tpu.memory_space<vmem>> -> memref<1x128x64xf32, #tpu.memory_space<vmem>>
    %dma_start3A_71 = tpu.memref_squeeze %dma_start3A_70 : memref<1x128x64xf32, #tpu.memory_space<vmem>> -> memref<128x64xf32, #tpu.memory_space<vmem>>
    %dma_start3A_72 = arith.constant 0 : i32
    %dma_start3A_73 = tpu.memref_slice %arg6[%dma_start3A_66, %dma_start3A_72] : memref<160x128xi32, #tpu.memory_space<vmem>> -> memref<1x128xi32, #tpu.memory_space<vmem>>
    %dma_start3A_74 = tpu.memref_squeeze %dma_start3A_73 : memref<1x128xi32, #tpu.memory_space<vmem>> -> memref<128xi32, #tpu.memory_space<vmem>>
    %dma_start3A_75 = arith.constant 0 : i32
    %dma_start3A_76 = arith.constant 0 : i32
    %dma_start3A_77 = tpu.memref_slice %arg4[%arg0, %dma_start3A_75, %dma_start3A_76] : memref<2x10240x64xf32, #tpu.memory_space<hbm>> -> memref<1x10240x64xf32, #tpu.memory_space<hbm>>
    %dma_start3A_78 = tpu.memref_squeeze %dma_start3A_77 : memref<1x10240x64xf32, #tpu.memory_space<hbm>> -> memref<10240x64xf32, #tpu.memory_space<hbm>>
    %dma_start3A_79 = arith.constant 0 : i32
    %dma_start3A_80 = arith.constant 0 : i32
    %dma_start3A_81 = tpu.memref_slice %dma_start3A_78[%dma_start3A_79, %dma_start3A_80] : memref<10240x64xf32, #tpu.memory_space<hbm>> -> memref<10240x64xf32, #tpu.memory_space<hbm>>
    tpu.enqueue_indirect_dma source(%dma_start3A_81 : memref<10240x64xf32, #tpu.memory_space<hbm>>) target(%dma_start3A_71 : memref<128x64xf32, #tpu.memory_space<vmem>>) offsets(%dma_start3A_74 : memref<128xi32, #tpu.memory_space<vmem>>) semaphore(%arg13 : memref<!tpu.dma_semaphore, #tpu.memory_space<semaphore_mem>>)
    %barrier3A = arith.constant 0 : index
    tpu.barrier barrier_id(%barrier3A)
    %scan3A_82 = arith.constant 0 : i32
    %scan3A_83 = arith.constant 40 : i32
    %scan3A_84 = arith.addi %scan3A_82, %scan3A_83 : i32
    %scan3A_85 = arith.constant 1 : i32
    scf.for %scan3A_88 = %scan3A_82 to %scan3A_84 step %scan3A_85  : i32 {
      %mul3A_89 = arith.constant 4 : i32
      %mul3A_90 = arith.muli %mul3A_89, %scan3A_88 : i32
      %add3A_91 = arith.constant 0 : i32
      %add3A_92 = arith.addi %mul3A_90, %add3A_91 : i32
      %dma_wait3A = arith.constant 0 : i32
      %dma_wait3A_93 = arith.constant 0 : i32
      %dma_wait3A_94 = arith.constant 0 : i32
      %dma_wait3A_95 = tpu.memref_slice %arg8[%dma_wait3A, %dma_wait3A_93, %dma_wait3A_94] : memref<4x128x64xf32, #tpu.memory_space<vmem>> -> memref<1x128x64xf32, #tpu.memory_space<vmem>>
      %dma_wait3A_96 = tpu.memref_squeeze %dma_wait3A_95 : memref<1x128x64xf32, #tpu.memory_space<vmem>> -> memref<128x64xf32, #tpu.memory_space<vmem>>
      %dma_wait3A_97 = arith.constant 0 : i32
      %dma_wait3A_98 = tpu.memref_slice %arg6[%add3A_92, %dma_wait3A_97] : memref<160x128xi32, #tpu.memory_space<vmem>> -> memref<1x128xi32, #tpu.memory_space<vmem>>
      %dma_wait3A_99 = tpu.memref_squeeze %dma_wait3A_98 : memref<1x128xi32, #tpu.memory_space<vmem>> -> memref<128xi32, #tpu.memory_space<vmem>>
      %dma_wait3A_100 = arith.constant 0 : i32
      %dma_wait3A_101 = arith.constant 0 : i32
      %dma_wait3A_102 = tpu.memref_slice %arg4[%arg0, %dma_wait3A_100, %dma_wait3A_101] : memref<2x10240x64xf32, #tpu.memory_space<hbm>> -> memref<1x10240x64xf32, #tpu.memory_space<hbm>>
      %dma_wait3A_103 = tpu.memref_squeeze %dma_wait3A_102 : memref<1x10240x64xf32, #tpu.memory_space<hbm>> -> memref<10240x64xf32, #tpu.memory_space<hbm>>
      %dma_wait3A_104 = arith.constant 0 : i32
      %dma_wait3A_105 = arith.constant 0 : i32
      %dma_wait3A_106 = tpu.memref_slice %dma_wait3A_103[%dma_wait3A_104, %dma_wait3A_105] : memref<10240x64xf32, #tpu.memory_space<hbm>> -> memref<10240x64xf32, #tpu.memory_space<hbm>>
      tpu.wait_indirect_dma semaphore(%arg10 : memref<!tpu.dma_semaphore, #tpu.memory_space<semaphore_mem>>) src(%dma_wait3A_106 : memref<10240x64xf32, #tpu.memory_space<hbm>>) dst(%dma_wait3A_96 : memref<128x64xf32, #tpu.memory_space<vmem>>)
      %run_scoped3A_107 = arith.constant 0 : i32
      "tpu.region"() ({
        %run_scoped3A_187 = tpu.sem_alloc : memref<!tpu.dma_semaphore, #tpu.memory_space<semaphore_mem>>
        %dma_start3A_188 = arith.constant 0 : i32
        %dma_start3A_189 = arith.constant 0 : i32
        %dma_start3A_190 = tpu.memref_slice %arg8[%run_scoped3A_107, %dma_start3A_188, %dma_start3A_189] : memref<4x128x64xf32, #tpu.memory_space<vmem>> -> memref<1x128x64xf32, #tpu.memory_space<vmem>>
        %dma_start3A_191 = tpu.memref_squeeze %dma_start3A_190 : memref<1x128x64xf32, #tpu.memory_space<vmem>> -> memref<128x64xf32, #tpu.memory_space<vmem>>
        %dma_start3A_192 = arith.constant 0 : i32
        %dma_start3A_193 = tpu.memref_slice %arg7[%add3A_92, %dma_start3A_192] : memref<160x128xi32, #tpu.memory_space<vmem>> -> memref<1x128xi32, #tpu.memory_space<vmem>>
        %dma_start3A_194 = tpu.memref_squeeze %dma_start3A_193 : memref<1x128xi32, #tpu.memory_space<vmem>> -> memref<128xi32, #tpu.memory_space<vmem>>
        %dma_start3A_195 = arith.constant 0 : i32
        %dma_start3A_196 = arith.constant 0 : i32
        %dma_start3A_197 = tpu.memref_slice %arg9[%dma_start3A_195, %dma_start3A_196] : memref<10240x64xf32, #tpu.memory_space<vmem_shared>> -> memref<10240x64xf32, #tpu.memory_space<vmem_shared>>
        tpu.enqueue_indirect_dma source(%dma_start3A_191 : memref<128x64xf32, #tpu.memory_space<vmem>>) target(%dma_start3A_197 : memref<10240x64xf32, #tpu.memory_space<vmem_shared>>) offsets(%dma_start3A_194 : memref<128xi32, #tpu.memory_space<vmem>>) semaphore(%run_scoped3A_187 : memref<!tpu.dma_semaphore, #tpu.memory_space<semaphore_mem>>) {add = true}
        %dma_wait3A_198 = arith.constant 0 : i32
        %dma_wait3A_199 = arith.constant 0 : i32
        %dma_wait3A_200 = tpu.memref_slice %arg8[%run_scoped3A_107, %dma_wait3A_198, %dma_wait3A_199] : memref<4x128x64xf32, #tpu.memory_space<vmem>> -> memref<1x128x64xf32, #tpu.memory_space<vmem>>
        %dma_wait3A_201 = tpu.memref_squeeze %dma_wait3A_200 : memref<1x128x64xf32, #tpu.memory_space<vmem>> -> memref<128x64xf32, #tpu.memory_space<vmem>>
        %dma_wait3A_202 = arith.constant 0 : i32
        %dma_wait3A_203 = tpu.memref_slice %arg7[%add3A_92, %dma_wait3A_202] : memref<160x128xi32, #tpu.memory_space<vmem>> -> memref<1x128xi32, #tpu.memory_space<vmem>>
        %dma_wait3A_204 = tpu.memref_squeeze %dma_wait3A_203 : memref<1x128xi32, #tpu.memory_space<vmem>> -> memref<128xi32, #tpu.memory_space<vmem>>
        %dma_wait3A_205 = arith.constant 0 : i32
        %dma_wait3A_206 = arith.constant 0 : i32
        %dma_wait3A_207 = tpu.memref_slice %arg9[%dma_wait3A_205, %dma_wait3A_206] : memref<10240x64xf32, #tpu.memory_space<vmem_shared>> -> memref<10240x64xf32, #tpu.memory_space<vmem_shared>>
        tpu.wait_indirect_dma semaphore(%run_scoped3A_187 : memref<!tpu.dma_semaphore, #tpu.memory_space<semaphore_mem>>) src(%dma_wait3A_201 : memref<128x64xf32, #tpu.memory_space<vmem>>) dst(%dma_wait3A_207 : memref<10240x64xf32, #tpu.memory_space<vmem_shared>>)
        tpu.yield
      }) : () -> ()
      %add3A_108 = arith.constant 4 : i32
      %add3A_109 = arith.addi %add3A_92, %add3A_108 : i32
      %lt3A = arith.constant 160 : i32
      %lt3A_110 = arith.cmpi slt, %add3A_109, %lt3A : i32
      %convert_element_type3A = arith.extui %lt3A_110 : i1 to i32
      %cond3A = arith.constant 0 : i32
      %cond3A_111 = arith.cmpi ne, %convert_element_type3A, %cond3A : i32
      scf.if %cond3A_111 {
        %add3A_187 = arith.constant 4 : i32
        %add3A_188 = arith.addi %add3A_92, %add3A_187 : i32
        %dma_start3A_189 = arith.constant 0 : i32
        %dma_start3A_190 = arith.constant 0 : i32
        %dma_start3A_191 = arith.constant 0 : i32
        %dma_start3A_192 = tpu.memref_slice %arg8[%dma_start3A_189, %dma_start3A_190, %dma_start3A_191] : memref<4x128x64xf32, #tpu.memory_space<vmem>> -> memref<1x128x64xf32, #tpu.memory_space<vmem>>
        %dma_start3A_193 = tpu.memref_squeeze %dma_start3A_192 : memref<1x128x64xf32, #tpu.memory_space<vmem>> -> memref<128x64xf32, #tpu.memory_space<vmem>>
        %dma_start3A_194 = arith.constant 0 : i32
        %dma_start3A_195 = tpu.memref_slice %arg6[%add3A_188, %dma_start3A_194] : memref<160x128xi32, #tpu.memory_space<vmem>> -> memref<1x128xi32, #tpu.memory_space<vmem>>
        %dma_start3A_196 = tpu.memref_squeeze %dma_start3A_195 : memref<1x128xi32, #tpu.memory_space<vmem>> -> memref<128xi32, #tpu.memory_space<vmem>>
        %dma_start3A_197 = arith.constant 0 : i32
        %dma_start3A_198 = arith.constant 0 : i32
        %dma_start3A_199 = tpu.memref_slice %arg4[%arg0, %dma_start3A_197, %dma_start3A_198] : memref<2x10240x64xf32, #tpu.memory_space<hbm>> -> memref<1x10240x64xf32, #tpu.memory_space<hbm>>
        %dma_start3A_200 = tpu.memref_squeeze %dma_start3A_199 : memref<1x10240x64xf32, #tpu.memory_space<hbm>> -> memref<10240x64xf32, #tpu.memory_space<hbm>>
        %dma_start3A_201 = arith.constant 0 : i32
        %dma_start3A_202 = arith.constant 0 : i32
        %dma_start3A_203 = tpu.memref_slice %dma_start3A_200[%dma_start3A_201, %dma_start3A_202] : memref<10240x64xf32, #tpu.memory_space<hbm>> -> memref<10240x64xf32, #tpu.memory_space<hbm>>
        tpu.enqueue_indirect_dma source(%dma_start3A_203 : memref<10240x64xf32, #tpu.memory_space<hbm>>) target(%dma_start3A_193 : memref<128x64xf32, #tpu.memory_space<vmem>>) offsets(%dma_start3A_196 : memref<128xi32, #tpu.memory_space<vmem>>) semaphore(%arg10 : memref<!tpu.dma_semaphore, #tpu.memory_space<semaphore_mem>>)
      } else {
      }
      %add3A_112 = arith.constant 1 : i32
      %add3A_113 = arith.addi %mul3A_90, %add3A_112 : i32
      %dma_wait3A_114 = arith.constant 1 : i32
      %dma_wait3A_115 = arith.constant 0 : i32
      %dma_wait3A_116 = arith.constant 0 : i32
      %dma_wait3A_117 = tpu.memref_slice %arg8[%dma_wait3A_114, %dma_wait3A_115, %dma_wait3A_116] : memref<4x128x64xf32, #tpu.memory_space<vmem>> -> memref<1x128x64xf32, #tpu.memory_space<vmem>>
      %dma_wait3A_118 = tpu.memref_squeeze %dma_wait3A_117 : memref<1x128x64xf32, #tpu.memory_space<vmem>> -> memref<128x64xf32, #tpu.memory_space<vmem>>
      %dma_wait3A_119 = arith.constant 0 : i32
      %dma_wait3A_120 = tpu.memref_slice %arg6[%add3A_113, %dma_wait3A_119] : memref<160x128xi32, #tpu.memory_space<vmem>> -> memref<1x128xi32, #tpu.memory_space<vmem>>
      %dma_wait3A_121 = tpu.memref_squeeze %dma_wait3A_120 : memref<1x128xi32, #tpu.memory_space<vmem>> -> memref<128xi32, #tpu.memory_space<vmem>>
      %dma_wait3A_122 = arith.constant 0 : i32
      %dma_wait3A_123 = arith.constant 0 : i32
      %dma_wait3A_124 = tpu.memref_slice %arg4[%arg0, %dma_wait3A_122, %dma_wait3A_123] : memref<2x10240x64xf32, #tpu.memory_space<hbm>> -> memref<1x10240x64xf32, #tpu.memory_space<hbm>>
      %dma_wait3A_125 = tpu.memref_squeeze %dma_wait3A_124 : memref<1x10240x64xf32, #tpu.memory_space<hbm>> -> memref<10240x64xf32, #tpu.memory_space<hbm>>
      %dma_wait3A_126 = arith.constant 0 : i32
      %dma_wait3A_127 = arith.constant 0 : i32
      %dma_wait3A_128 = tpu.memref_slice %dma_wait3A_125[%dma_wait3A_126, %dma_wait3A_127] : memref<10240x64xf32, #tpu.memory_space<hbm>> -> memref<10240x64xf32, #tpu.memory_space<hbm>>
      tpu.wait_indirect_dma semaphore(%arg11 : memref<!tpu.dma_semaphore, #tpu.memory_space<semaphore_mem>>) src(%dma_wait3A_128 : memref<10240x64xf32, #tpu.memory_space<hbm>>) dst(%dma_wait3A_118 : memref<128x64xf32, #tpu.memory_space<vmem>>)
      %run_scoped3A_129 = arith.constant 1 : i32
      "tpu.region"() ({
        %run_scoped3A_187 = tpu.sem_alloc : memref<!tpu.dma_semaphore, #tpu.memory_space<semaphore_mem>>
        %dma_start3A_188 = arith.constant 0 : i32
        %dma_start3A_189 = arith.constant 0 : i32
        %dma_start3A_190 = tpu.memref_slice %arg8[%run_scoped3A_129, %dma_start3A_188, %dma_start3A_189] : memref<4x128x64xf32, #tpu.memory_space<vmem>> -> memref<1x128x64xf32, #tpu.memory_space<vmem>>
        %dma_start3A_191 = tpu.memref_squeeze %dma_start3A_190 : memref<1x128x64xf32, #tpu.memory_space<vmem>> -> memref<128x64xf32, #tpu.memory_space<vmem>>
        %dma_start3A_192 = arith.constant 0 : i32
        %dma_start3A_193 = tpu.memref_slice %arg7[%add3A_113, %dma_start3A_192] : memref<160x128xi32, #tpu.memory_space<vmem>> -> memref<1x128xi32, #tpu.memory_space<vmem>>
        %dma_start3A_194 = tpu.memref_squeeze %dma_start3A_193 : memref<1x128xi32, #tpu.memory_space<vmem>> -> memref<128xi32, #tpu.memory_space<vmem>>
        %dma_start3A_195 = arith.constant 0 : i32
        %dma_start3A_196 = arith.constant 0 : i32
        %dma_start3A_197 = tpu.memref_slice %arg9[%dma_start3A_195, %dma_start3A_196] : memref<10240x64xf32, #tpu.memory_space<vmem_shared>> -> memref<10240x64xf32, #tpu.memory_space<vmem_shared>>
        tpu.enqueue_indirect_dma source(%dma_start3A_191 : memref<128x64xf32, #tpu.memory_space<vmem>>) target(%dma_start3A_197 : memref<10240x64xf32, #tpu.memory_space<vmem_shared>>) offsets(%dma_start3A_194 : memref<128xi32, #tpu.memory_space<vmem>>) semaphore(%run_scoped3A_187 : memref<!tpu.dma_semaphore, #tpu.memory_space<semaphore_mem>>) {add = true}
        %dma_wait3A_198 = arith.constant 0 : i32
        %dma_wait3A_199 = arith.constant 0 : i32
        %dma_wait3A_200 = tpu.memref_slice %arg8[%run_scoped3A_129, %dma_wait3A_198, %dma_wait3A_199] : memref<4x128x64xf32, #tpu.memory_space<vmem>> -> memref<1x128x64xf32, #tpu.memory_space<vmem>>
        %dma_wait3A_201 = tpu.memref_squeeze %dma_wait3A_200 : memref<1x128x64xf32, #tpu.memory_space<vmem>> -> memref<128x64xf32, #tpu.memory_space<vmem>>
        %dma_wait3A_202 = arith.constant 0 : i32
        %dma_wait3A_203 = tpu.memref_slice %arg7[%add3A_113, %dma_wait3A_202] : memref<160x128xi32, #tpu.memory_space<vmem>> -> memref<1x128xi32, #tpu.memory_space<vmem>>
        %dma_wait3A_204 = tpu.memref_squeeze %dma_wait3A_203 : memref<1x128xi32, #tpu.memory_space<vmem>> -> memref<128xi32, #tpu.memory_space<vmem>>
        %dma_wait3A_205 = arith.constant 0 : i32
        %dma_wait3A_206 = arith.constant 0 : i32
        %dma_wait3A_207 = tpu.memref_slice %arg9[%dma_wait3A_205, %dma_wait3A_206] : memref<10240x64xf32, #tpu.memory_space<vmem_shared>> -> memref<10240x64xf32, #tpu.memory_space<vmem_shared>>
        tpu.wait_indirect_dma semaphore(%run_scoped3A_187 : memref<!tpu.dma_semaphore, #tpu.memory_space<semaphore_mem>>) src(%dma_wait3A_201 : memref<128x64xf32, #tpu.memory_space<vmem>>) dst(%dma_wait3A_207 : memref<10240x64xf32, #tpu.memory_space<vmem_shared>>)
        tpu.yield
      }) : () -> ()
      %add3A_130 = arith.constant 4 : i32
      %add3A_131 = arith.addi %add3A_113, %add3A_130 : i32
      %lt3A_132 = arith.constant 160 : i32
      %lt3A_133 = arith.cmpi slt, %add3A_131, %lt3A_132 : i32
      %convert_element_type3A_134 = arith.extui %lt3A_133 : i1 to i32
      %cond3A_135 = arith.constant 0 : i32
      %cond3A_136 = arith.cmpi ne, %convert_element_type3A_134, %cond3A_135 : i32
      scf.if %cond3A_136 {
        %add3A_187 = arith.constant 4 : i32
        %add3A_188 = arith.addi %add3A_113, %add3A_187 : i32
        %dma_start3A_189 = arith.constant 1 : i32
        %dma_start3A_190 = arith.constant 0 : i32
        %dma_start3A_191 = arith.constant 0 : i32
        %dma_start3A_192 = tpu.memref_slice %arg8[%dma_start3A_189, %dma_start3A_190, %dma_start3A_191] : memref<4x128x64xf32, #tpu.memory_space<vmem>> -> memref<1x128x64xf32, #tpu.memory_space<vmem>>
        %dma_start3A_193 = tpu.memref_squeeze %dma_start3A_192 : memref<1x128x64xf32, #tpu.memory_space<vmem>> -> memref<128x64xf32, #tpu.memory_space<vmem>>
        %dma_start3A_194 = arith.constant 0 : i32
        %dma_start3A_195 = tpu.memref_slice %arg6[%add3A_188, %dma_start3A_194] : memref<160x128xi32, #tpu.memory_space<vmem>> -> memref<1x128xi32, #tpu.memory_space<vmem>>
        %dma_start3A_196 = tpu.memref_squeeze %dma_start3A_195 : memref<1x128xi32, #tpu.memory_space<vmem>> -> memref<128xi32, #tpu.memory_space<vmem>>
        %dma_start3A_197 = arith.constant 0 : i32
        %dma_start3A_198 = arith.constant 0 : i32
        %dma_start3A_199 = tpu.memref_slice %arg4[%arg0, %dma_start3A_197, %dma_start3A_198] : memref<2x10240x64xf32, #tpu.memory_space<hbm>> -> memref<1x10240x64xf32, #tpu.memory_space<hbm>>
        %dma_start3A_200 = tpu.memref_squeeze %dma_start3A_199 : memref<1x10240x64xf32, #tpu.memory_space<hbm>> -> memref<10240x64xf32, #tpu.memory_space<hbm>>
        %dma_start3A_201 = arith.constant 0 : i32
        %dma_start3A_202 = arith.constant 0 : i32
        %dma_start3A_203 = tpu.memref_slice %dma_start3A_200[%dma_start3A_201, %dma_start3A_202] : memref<10240x64xf32, #tpu.memory_space<hbm>> -> memref<10240x64xf32, #tpu.memory_space<hbm>>
        tpu.enqueue_indirect_dma source(%dma_start3A_203 : memref<10240x64xf32, #tpu.memory_space<hbm>>) target(%dma_start3A_193 : memref<128x64xf32, #tpu.memory_space<vmem>>) offsets(%dma_start3A_196 : memref<128xi32, #tpu.memory_space<vmem>>) semaphore(%arg11 : memref<!tpu.dma_semaphore, #tpu.memory_space<semaphore_mem>>)
      } else {
      }
      %add3A_137 = arith.constant 2 : i32
      %add3A_138 = arith.addi %mul3A_90, %add3A_137 : i32
      %dma_wait3A_139 = arith.constant 2 : i32
      %dma_wait3A_140 = arith.constant 0 : i32
      %dma_wait3A_141 = arith.constant 0 : i32
      %dma_wait3A_142 = tpu.memref_slice %arg8[%dma_wait3A_139, %dma_wait3A_140, %dma_wait3A_141] : memref<4x128x64xf32, #tpu.memory_space<vmem>> -> memref<1x128x64xf32, #tpu.memory_space<vmem>>
      %dma_wait3A_143 = tpu.memref_squeeze %dma_wait3A_142 : memref<1x128x64xf32, #tpu.memory_space<vmem>> -> memref<128x64xf32, #tpu.memory_space<vmem>>
      %dma_wait3A_144 = arith.constant 0 : i32
      %dma_wait3A_145 = tpu.memref_slice %arg6[%add3A_138, %dma_wait3A_144] : memref<160x128xi32, #tpu.memory_space<vmem>> -> memref<1x128xi32, #tpu.memory_space<vmem>>
      %dma_wait3A_146 = tpu.memref_squeeze %dma_wait3A_145 : memref<1x128xi32, #tpu.memory_space<vmem>> -> memref<128xi32, #tpu.memory_space<vmem>>
      %dma_wait3A_147 = arith.constant 0 : i32
      %dma_wait3A_148 = arith.constant 0 : i32
      %dma_wait3A_149 = tpu.memref_slice %arg4[%arg0, %dma_wait3A_147, %dma_wait3A_148] : memref<2x10240x64xf32, #tpu.memory_space<hbm>> -> memref<1x10240x64xf32, #tpu.memory_space<hbm>>
      %dma_wait3A_150 = tpu.memref_squeeze %dma_wait3A_149 : memref<1x10240x64xf32, #tpu.memory_space<hbm>> -> memref<10240x64xf32, #tpu.memory_space<hbm>>
      %dma_wait3A_151 = arith.constant 0 : i32
      %dma_wait3A_152 = arith.constant 0 : i32
      %dma_wait3A_153 = tpu.memref_slice %dma_wait3A_150[%dma_wait3A_151, %dma_wait3A_152] : memref<10240x64xf32, #tpu.memory_space<hbm>> -> memref<10240x64xf32, #tpu.memory_space<hbm>>
      tpu.wait_indirect_dma semaphore(%arg12 : memref<!tpu.dma_semaphore, #tpu.memory_space<semaphore_mem>>) src(%dma_wait3A_153 : memref<10240x64xf32, #tpu.memory_space<hbm>>) dst(%dma_wait3A_143 : memref<128x64xf32, #tpu.memory_space<vmem>>)
      %run_scoped3A_154 = arith.constant 2 : i32
      "tpu.region"() ({
        %run_scoped3A_187 = tpu.sem_alloc : memref<!tpu.dma_semaphore, #tpu.memory_space<semaphore_mem>>
        %dma_start3A_188 = arith.constant 0 : i32
        %dma_start3A_189 = arith.constant 0 : i32
        %dma_start3A_190 = tpu.memref_slice %arg8[%run_scoped3A_154, %dma_start3A_188, %dma_start3A_189] : memref<4x128x64xf32, #tpu.memory_space<vmem>> -> memref<1x128x64xf32, #tpu.memory_space<vmem>>
        %dma_start3A_191 = tpu.memref_squeeze %dma_start3A_190 : memref<1x128x64xf32, #tpu.memory_space<vmem>> -> memref<128x64xf32, #tpu.memory_space<vmem>>
        %dma_start3A_192 = arith.constant 0 : i32
        %dma_start3A_193 = tpu.memref_slice %arg7[%add3A_138, %dma_start3A_192] : memref<160x128xi32, #tpu.memory_space<vmem>> -> memref<1x128xi32, #tpu.memory_space<vmem>>
        %dma_start3A_194 = tpu.memref_squeeze %dma_start3A_193 : memref<1x128xi32, #tpu.memory_space<vmem>> -> memref<128xi32, #tpu.memory_space<vmem>>
        %dma_start3A_195 = arith.constant 0 : i32
        %dma_start3A_196 = arith.constant 0 : i32
        %dma_start3A_197 = tpu.memref_slice %arg9[%dma_start3A_195, %dma_start3A_196] : memref<10240x64xf32, #tpu.memory_space<vmem_shared>> -> memref<10240x64xf32, #tpu.memory_space<vmem_shared>>
        tpu.enqueue_indirect_dma source(%dma_start3A_191 : memref<128x64xf32, #tpu.memory_space<vmem>>) target(%dma_start3A_197 : memref<10240x64xf32, #tpu.memory_space<vmem_shared>>) offsets(%dma_start3A_194 : memref<128xi32, #tpu.memory_space<vmem>>) semaphore(%run_scoped3A_187 : memref<!tpu.dma_semaphore, #tpu.memory_space<semaphore_mem>>) {add = true}
        %dma_wait3A_198 = arith.constant 0 : i32
        %dma_wait3A_199 = arith.constant 0 : i32
        %dma_wait3A_200 = tpu.memref_slice %arg8[%run_scoped3A_154, %dma_wait3A_198, %dma_wait3A_199] : memref<4x128x64xf32, #tpu.memory_space<vmem>> -> memref<1x128x64xf32, #tpu.memory_space<vmem>>
        %dma_wait3A_201 = tpu.memref_squeeze %dma_wait3A_200 : memref<1x128x64xf32, #tpu.memory_space<vmem>> -> memref<128x64xf32, #tpu.memory_space<vmem>>
        %dma_wait3A_202 = arith.constant 0 : i32
        %dma_wait3A_203 = tpu.memref_slice %arg7[%add3A_138, %dma_wait3A_202] : memref<160x128xi32, #tpu.memory_space<vmem>> -> memref<1x128xi32, #tpu.memory_space<vmem>>
        %dma_wait3A_204 = tpu.memref_squeeze %dma_wait3A_203 : memref<1x128xi32, #tpu.memory_space<vmem>> -> memref<128xi32, #tpu.memory_space<vmem>>
        %dma_wait3A_205 = arith.constant 0 : i32
        %dma_wait3A_206 = arith.constant 0 : i32
        %dma_wait3A_207 = tpu.memref_slice %arg9[%dma_wait3A_205, %dma_wait3A_206] : memref<10240x64xf32, #tpu.memory_space<vmem_shared>> -> memref<10240x64xf32, #tpu.memory_space<vmem_shared>>
        tpu.wait_indirect_dma semaphore(%run_scoped3A_187 : memref<!tpu.dma_semaphore, #tpu.memory_space<semaphore_mem>>) src(%dma_wait3A_201 : memref<128x64xf32, #tpu.memory_space<vmem>>) dst(%dma_wait3A_207 : memref<10240x64xf32, #tpu.memory_space<vmem_shared>>)
        tpu.yield
      }) : () -> ()
      %add3A_155 = arith.constant 4 : i32
      %add3A_156 = arith.addi %add3A_138, %add3A_155 : i32
      %lt3A_157 = arith.constant 160 : i32
      %lt3A_158 = arith.cmpi slt, %add3A_156, %lt3A_157 : i32
      %convert_element_type3A_159 = arith.extui %lt3A_158 : i1 to i32
      %cond3A_160 = arith.constant 0 : i32
      %cond3A_161 = arith.cmpi ne, %convert_element_type3A_159, %cond3A_160 : i32
      scf.if %cond3A_161 {
        %add3A_187 = arith.constant 4 : i32
        %add3A_188 = arith.addi %add3A_138, %add3A_187 : i32
        %dma_start3A_189 = arith.constant 2 : i32
        %dma_start3A_190 = arith.constant 0 : i32
        %dma_start3A_191 = arith.constant 0 : i32
        %dma_start3A_192 = tpu.memref_slice %arg8[%dma_start3A_189, %dma_start3A_190, %dma_start3A_191] : memref<4x128x64xf32, #tpu.memory_space<vmem>> -> memref<1x128x64xf32, #tpu.memory_space<vmem>>
        %dma_start3A_193 = tpu.memref_squeeze %dma_start3A_192 : memref<1x128x64xf32, #tpu.memory_space<vmem>> -> memref<128x64xf32, #tpu.memory_space<vmem>>
        %dma_start3A_194 = arith.constant 0 : i32
        %dma_start3A_195 = tpu.memref_slice %arg6[%add3A_188, %dma_start3A_194] : memref<160x128xi32, #tpu.memory_space<vmem>> -> memref<1x128xi32, #tpu.memory_space<vmem>>
        %dma_start3A_196 = tpu.memref_squeeze %dma_start3A_195 : memref<1x128xi32, #tpu.memory_space<vmem>> -> memref<128xi32, #tpu.memory_space<vmem>>
        %dma_start3A_197 = arith.constant 0 : i32
        %dma_start3A_198 = arith.constant 0 : i32
        %dma_start3A_199 = tpu.memref_slice %arg4[%arg0, %dma_start3A_197, %dma_start3A_198] : memref<2x10240x64xf32, #tpu.memory_space<hbm>> -> memref<1x10240x64xf32, #tpu.memory_space<hbm>>
        %dma_start3A_200 = tpu.memref_squeeze %dma_start3A_199 : memref<1x10240x64xf32, #tpu.memory_space<hbm>> -> memref<10240x64xf32, #tpu.memory_space<hbm>>
        %dma_start3A_201 = arith.constant 0 : i32
        %dma_start3A_202 = arith.constant 0 : i32
        %dma_start3A_203 = tpu.memref_slice %dma_start3A_200[%dma_start3A_201, %dma_start3A_202] : memref<10240x64xf32, #tpu.memory_space<hbm>> -> memref<10240x64xf32, #tpu.memory_space<hbm>>
        tpu.enqueue_indirect_dma source(%dma_start3A_203 : memref<10240x64xf32, #tpu.memory_space<hbm>>) target(%dma_start3A_193 : memref<128x64xf32, #tpu.memory_space<vmem>>) offsets(%dma_start3A_196 : memref<128xi32, #tpu.memory_space<vmem>>) semaphore(%arg12 : memref<!tpu.dma_semaphore, #tpu.memory_space<semaphore_mem>>)
      } else {
      }
      %add3A_162 = arith.constant 3 : i32
      %add3A_163 = arith.addi %mul3A_90, %add3A_162 : i32
      %dma_wait3A_164 = arith.constant 3 : i32
      %dma_wait3A_165 = arith.constant 0 : i32
      %dma_wait3A_166 = arith.constant 0 : i32
      %dma_wait3A_167 = tpu.memref_slice %arg8[%dma_wait3A_164, %dma_wait3A_165, %dma_wait3A_166] : memref<4x128x64xf32, #tpu.memory_space<vmem>> -> memref<1x128x64xf32, #tpu.memory_space<vmem>>
      %dma_wait3A_168 = tpu.memref_squeeze %dma_wait3A_167 : memref<1x128x64xf32, #tpu.memory_space<vmem>> -> memref<128x64xf32, #tpu.memory_space<vmem>>
      %dma_wait3A_169 = arith.constant 0 : i32
      %dma_wait3A_170 = tpu.memref_slice %arg6[%add3A_163, %dma_wait3A_169] : memref<160x128xi32, #tpu.memory_space<vmem>> -> memref<1x128xi32, #tpu.memory_space<vmem>>
      %dma_wait3A_171 = tpu.memref_squeeze %dma_wait3A_170 : memref<1x128xi32, #tpu.memory_space<vmem>> -> memref<128xi32, #tpu.memory_space<vmem>>
      %dma_wait3A_172 = arith.constant 0 : i32
      %dma_wait3A_173 = arith.constant 0 : i32
      %dma_wait3A_174 = tpu.memref_slice %arg4[%arg0, %dma_wait3A_172, %dma_wait3A_173] : memref<2x10240x64xf32, #tpu.memory_space<hbm>> -> memref<1x10240x64xf32, #tpu.memory_space<hbm>>
      %dma_wait3A_175 = tpu.memref_squeeze %dma_wait3A_174 : memref<1x10240x64xf32, #tpu.memory_space<hbm>> -> memref<10240x64xf32, #tpu.memory_space<hbm>>
      %dma_wait3A_176 = arith.constant 0 : i32
      %dma_wait3A_177 = arith.constant 0 : i32
      %dma_wait3A_178 = tpu.memref_slice %dma_wait3A_175[%dma_wait3A_176, %dma_wait3A_177] : memref<10240x64xf32, #tpu.memory_space<hbm>> -> memref<10240x64xf32, #tpu.memory_space<hbm>>
      tpu.wait_indirect_dma semaphore(%arg13 : memref<!tpu.dma_semaphore, #tpu.memory_space<semaphore_mem>>) src(%dma_wait3A_178 : memref<10240x64xf32, #tpu.memory_space<hbm>>) dst(%dma_wait3A_168 : memref<128x64xf32, #tpu.memory_space<vmem>>)
      %run_scoped3A_179 = arith.constant 3 : i32
      "tpu.region"() ({
        %run_scoped3A_187 = tpu.sem_alloc : memref<!tpu.dma_semaphore, #tpu.memory_space<semaphore_mem>>
        %dma_start3A_188 = arith.constant 0 : i32
        %dma_start3A_189 = arith.constant 0 : i32
        %dma_start3A_190 = tpu.memref_slice %arg8[%run_scoped3A_179, %dma_start3A_188, %dma_start3A_189] : memref<4x128x64xf32, #tpu.memory_space<vmem>> -> memref<1x128x64xf32, #tpu.memory_space<vmem>>
        %dma_start3A_191 = tpu.memref_squeeze %dma_start3A_190 : memref<1x128x64xf32, #tpu.memory_space<vmem>> -> memref<128x64xf32, #tpu.memory_space<vmem>>
        %dma_start3A_192 = arith.constant 0 : i32
        %dma_start3A_193 = tpu.memref_slice %arg7[%add3A_163, %dma_start3A_192] : memref<160x128xi32, #tpu.memory_space<vmem>> -> memref<1x128xi32, #tpu.memory_space<vmem>>
        %dma_start3A_194 = tpu.memref_squeeze %dma_start3A_193 : memref<1x128xi32, #tpu.memory_space<vmem>> -> memref<128xi32, #tpu.memory_space<vmem>>
        %dma_start3A_195 = arith.constant 0 : i32
        %dma_start3A_196 = arith.constant 0 : i32
        %dma_start3A_197 = tpu.memref_slice %arg9[%dma_start3A_195, %dma_start3A_196] : memref<10240x64xf32, #tpu.memory_space<vmem_shared>> -> memref<10240x64xf32, #tpu.memory_space<vmem_shared>>
        tpu.enqueue_indirect_dma source(%dma_start3A_191 : memref<128x64xf32, #tpu.memory_space<vmem>>) target(%dma_start3A_197 : memref<10240x64xf32, #tpu.memory_space<vmem_shared>>) offsets(%dma_start3A_194 : memref<128xi32, #tpu.memory_space<vmem>>) semaphore(%run_scoped3A_187 : memref<!tpu.dma_semaphore, #tpu.memory_space<semaphore_mem>>) {add = true}
        %dma_wait3A_198 = arith.constant 0 : i32
        %dma_wait3A_199 = arith.constant 0 : i32
        %dma_wait3A_200 = tpu.memref_slice %arg8[%run_scoped3A_179, %dma_wait3A_198, %dma_wait3A_199] : memref<4x128x64xf32, #tpu.memory_space<vmem>> -> memref<1x128x64xf32, #tpu.memory_space<vmem>>
        %dma_wait3A_201 = tpu.memref_squeeze %dma_wait3A_200 : memref<1x128x64xf32, #tpu.memory_space<vmem>> -> memref<128x64xf32, #tpu.memory_space<vmem>>
        %dma_wait3A_202 = arith.constant 0 : i32
        %dma_wait3A_203 = tpu.memref_slice %arg7[%add3A_163, %dma_wait3A_202] : memref<160x128xi32, #tpu.memory_space<vmem>> -> memref<1x128xi32, #tpu.memory_space<vmem>>
        %dma_wait3A_204 = tpu.memref_squeeze %dma_wait3A_203 : memref<1x128xi32, #tpu.memory_space<vmem>> -> memref<128xi32, #tpu.memory_space<vmem>>
        %dma_wait3A_205 = arith.constant 0 : i32
        %dma_wait3A_206 = arith.constant 0 : i32
        %dma_wait3A_207 = tpu.memref_slice %arg9[%dma_wait3A_205, %dma_wait3A_206] : memref<10240x64xf32, #tpu.memory_space<vmem_shared>> -> memref<10240x64xf32, #tpu.memory_space<vmem_shared>>
        tpu.wait_indirect_dma semaphore(%run_scoped3A_187 : memref<!tpu.dma_semaphore, #tpu.memory_space<semaphore_mem>>) src(%dma_wait3A_201 : memref<128x64xf32, #tpu.memory_space<vmem>>) dst(%dma_wait3A_207 : memref<10240x64xf32, #tpu.memory_space<vmem_shared>>)
        tpu.yield
      }) : () -> ()
      %add3A_180 = arith.constant 4 : i32
      %add3A_181 = arith.addi %add3A_163, %add3A_180 : i32
      %lt3A_182 = arith.constant 160 : i32
      %lt3A_183 = arith.cmpi slt, %add3A_181, %lt3A_182 : i32
      %convert_element_type3A_184 = arith.extui %lt3A_183 : i1 to i32
      %cond3A_185 = arith.constant 0 : i32
      %cond3A_186 = arith.cmpi ne, %convert_element_type3A_184, %cond3A_185 : i32
      scf.if %cond3A_186 {
        %add3A_187 = arith.constant 4 : i32
        %add3A_188 = arith.addi %add3A_163, %add3A_187 : i32
        %dma_start3A_189 = arith.constant 3 : i32
        %dma_start3A_190 = arith.constant 0 : i32
        %dma_start3A_191 = arith.constant 0 : i32
        %dma_start3A_192 = tpu.memref_slice %arg8[%dma_start3A_189, %dma_start3A_190, %dma_start3A_191] : memref<4x128x64xf32, #tpu.memory_space<vmem>> -> memref<1x128x64xf32, #tpu.memory_space<vmem>>
        %dma_start3A_193 = tpu.memref_squeeze %dma_start3A_192 : memref<1x128x64xf32, #tpu.memory_space<vmem>> -> memref<128x64xf32, #tpu.memory_space<vmem>>
        %dma_start3A_194 = arith.constant 0 : i32
        %dma_start3A_195 = tpu.memref_slice %arg6[%add3A_188, %dma_start3A_194] : memref<160x128xi32, #tpu.memory_space<vmem>> -> memref<1x128xi32, #tpu.memory_space<vmem>>
        %dma_start3A_196 = tpu.memref_squeeze %dma_start3A_195 : memref<1x128xi32, #tpu.memory_space<vmem>> -> memref<128xi32, #tpu.memory_space<vmem>>
        %dma_start3A_197 = arith.constant 0 : i32
        %dma_start3A_198 = arith.constant 0 : i32
        %dma_start3A_199 = tpu.memref_slice %arg4[%arg0, %dma_start3A_197, %dma_start3A_198] : memref<2x10240x64xf32, #tpu.memory_space<hbm>> -> memref<1x10240x64xf32, #tpu.memory_space<hbm>>
        %dma_start3A_200 = tpu.memref_squeeze %dma_start3A_199 : memref<1x10240x64xf32, #tpu.memory_space<hbm>> -> memref<10240x64xf32, #tpu.memory_space<hbm>>
        %dma_start3A_201 = arith.constant 0 : i32
        %dma_start3A_202 = arith.constant 0 : i32
        %dma_start3A_203 = tpu.memref_slice %dma_start3A_200[%dma_start3A_201, %dma_start3A_202] : memref<10240x64xf32, #tpu.memory_space<hbm>> -> memref<10240x64xf32, #tpu.memory_space<hbm>>
        tpu.enqueue_indirect_dma source(%dma_start3A_203 : memref<10240x64xf32, #tpu.memory_space<hbm>>) target(%dma_start3A_193 : memref<128x64xf32, #tpu.memory_space<vmem>>) offsets(%dma_start3A_196 : memref<128xi32, #tpu.memory_space<vmem>>) semaphore(%arg13 : memref<!tpu.dma_semaphore, #tpu.memory_space<semaphore_mem>>)
      } else {
      }
    }
    %scan3A_86 = arith.constant 40 : i32
    %barrier3A_87 = arith.constant 0 : index
    tpu.barrier barrier_id(%barrier3A_87)
    "tpu.region"() ({
      %run_scoped3A_88 = tpu.sem_alloc : memref<!tpu.dma_semaphore, #tpu.memory_space<semaphore_mem>>
      %dma_start3A_89 = arith.constant 0 : i32
      %dma_start3A_90 = tpu.memref_slice %arg5[%arg0, %mul3A_5, %dma_start3A_89] : memref<2x10240x64xf32, #tpu.memory_space<hbm>> -> memref<1x640x64xf32, #tpu.memory_space<hbm>>
      %dma_start3A_91 = tpu.memref_squeeze %dma_start3A_90 : memref<1x640x64xf32, #tpu.memory_space<hbm>> -> memref<640x64xf32, #tpu.memory_space<hbm>>
      %dma_start3A_92 = arith.constant 0 : i32
      %dma_start3A_93 = tpu.memref_slice %arg9[%mul3A_5, %dma_start3A_92] : memref<10240x64xf32, #tpu.memory_space<vmem_shared>> -> memref<640x64xf32, #tpu.memory_space<vmem_shared>>
      tpu.enqueue_dma source(%dma_start3A_93 : memref<640x64xf32, #tpu.memory_space<vmem_shared>>) target(%dma_start3A_91 : memref<640x64xf32, #tpu.memory_space<hbm>>) target_semaphore(%run_scoped3A_88 : memref<!tpu.dma_semaphore, #tpu.memory_space<semaphore_mem>>)
      %dma_wait3A = arith.constant 0 : i32
      %dma_wait3A_94 = tpu.memref_slice %arg5[%arg0, %mul3A_5, %dma_wait3A] : memref<2x10240x64xf32, #tpu.memory_space<hbm>> -> memref<1x640x64xf32, #tpu.memory_space<hbm>>
      %dma_wait3A_95 = tpu.memref_squeeze %dma_wait3A_94 : memref<1x640x64xf32, #tpu.memory_space<hbm>> -> memref<640x64xf32, #tpu.memory_space<hbm>>
      %dma_wait3A_96 = arith.constant 0 : i32
      %dma_wait3A_97 = tpu.memref_slice %arg9[%mul3A_5, %dma_wait3A_96] : memref<10240x64xf32, #tpu.memory_space<vmem_shared>> -> memref<640x64xf32, #tpu.memory_space<vmem_shared>>
      tpu.wait_dma2 semaphore(%run_scoped3A_88 : memref<!tpu.dma_semaphore, #tpu.memory_space<semaphore_mem>>) src(%dma_wait3A_97 : memref<640x64xf32, #tpu.memory_space<vmem_shared>>) dst(%dma_wait3A_95 : memref<640x64xf32, #tpu.memory_space<hbm>>)
      tpu.yield
    }) : () -> ()
    return
  }
}

module attributes {stable_mosaic.version = 14 : i64} {
  func.func @_tc1a_body(%arg0: i32, %arg1: memref<1024x128xf32, #tpu.memory_space<vmem>>, %arg2: memref<128x128xf32, #tpu.memory_space<vmem>>, %arg3: memref<2x1024x64xf32, #tpu.memory_space<vmem>>) attributes {dimension_semantics = [#tpu.dimension_semantics<arbitrary>], iteration_bounds = array<i64: 10>, scalar_prefetch = 0 : i64, scratch_operands = 0 : i64, tpu.core_type = #tpu.core_type<tc>, window_params = [{transform_indices = @transform_0, window_bounds = array<i64: 1024, 128>}, {pipeline_mode = #tpu.pipeline_mode<synchronous>, transform_indices = @transform_1, window_bounds = array<i64: 128, 128>}, {transform_indices = @transform_2, window_bounds = array<i64: 2, 1024, 64>}]} {
    %get3A = arith.constant 0 : index
    %get3A_0 = arith.constant 0 : index
    %get3A_1 = vector.load %arg1[%get3A, %get3A_0] : memref<1024x128xf32, #tpu.memory_space<vmem>>, vector<1024x128xf32>
    %get3A_2 = arith.constant 0 : index
    %get3A_3 = arith.constant 0 : index
    %get3A_4 = vector.load %arg2[%get3A_2, %get3A_3] : memref<128x128xf32, #tpu.memory_space<vmem>>, vector<128x128xf32>
    %dot_general3A = arith.constant dense<0.000000e+00> : vector<1024x128xf32>
    %dot_general3A_5 = tpu.matmul %get3A_1, %get3A_4, %dot_general3A {dimension_numbers = #tpu.dot_dimension_numbers<[1], [0], [0], [1], [0, 0, 1, 1], [], []>, transpose_lhs_hint = false} : vector<1024x128xf32>, vector<128x128xf32>, vector<1024x128xf32> -> vector<1024x128xf32>
    %mul3A = arith.constant 1024 : i32
    %mul3A_6 = arith.muli %arg0, %mul3A : i32
    %iota3A = tpu.iota {dimensions = array<i32: 0>} : vector<1024x1xi32>
    %add3A = vector.broadcast %mul3A_6 : i32 to vector<1024x1xi32>
    %add3A_7 = arith.addi %add3A, %iota3A : vector<1024x1xi32>
    %lt3A = arith.constant 10000 : i32
    %lt3A_8 = vector.broadcast %lt3A : i32 to vector<1024x1xi32>
    %lt3A_9 = arith.cmpi slt, %add3A_7, %lt3A_8 : vector<1024x1xi32>
    %jit3A = arith.constant 0.000000e+00 : f32
    %broadcast_in_dim3A = vector.shape_cast %lt3A_9 : vector<1024x1xi1> to vector<1024x1xi1>
    %broadcast_in_dim3A_10 = vector.broadcast %broadcast_in_dim3A : vector<1024x1xi1> to vector<1024x128xi1>
    %broadcast_in_dim3A_11 = vector.broadcast %jit3A : f32 to vector<1024x128xf32>
    %select_n3A = arith.select %broadcast_in_dim3A_10, %dot_general3A_5, %broadcast_in_dim3A_11 : vector<1024x128xi1>, vector<1024x128xf32>
    %slice3A = vector.extract_strided_slice %select_n3A {offsets = [0, 0], sizes = [1024, 64], strides = [1, 1]} : vector<1024x128xf32> to vector<1024x64xf32>
    %slice3A_12 = vector.extract_strided_slice %select_n3A {offsets = [0, 64], sizes = [1024, 64], strides = [1, 1]} : vector<1024x128xf32> to vector<1024x64xf32>
    %swap3A = arith.constant 0 : index
    %swap3A_13 = arith.constant 0 : index
    %swap3A_14 = arith.constant 0 : index
    %swap3A_15 = vector.load %arg3[%swap3A, %swap3A_13, %swap3A_14] : memref<2x1024x64xf32, #tpu.memory_space<vmem>>, vector<1x1024x64xf32>
    %swap3A_16 = vector.shape_cast %swap3A_15 : vector<1x1024x64xf32> to vector<1024x64xf32>
    %swap3A_17 = vector.shape_cast %slice3A : vector<1024x64xf32> to vector<1x1024x64xf32>
    tpu.vector_store %arg3[%swap3A, %swap3A_13, %swap3A_14], %swap3A_17 {strides = array<i32>} : memref<2x1024x64xf32, #tpu.memory_space<vmem>>, vector<1x1024x64xf32>,
    %swap3A_18 = arith.constant 1 : index
    %swap3A_19 = arith.constant 0 : index
    %swap3A_20 = arith.constant 0 : index
    %swap3A_21 = vector.load %arg3[%swap3A_18, %swap3A_19, %swap3A_20] : memref<2x1024x64xf32, #tpu.memory_space<vmem>>, vector<1x1024x64xf32>
    %swap3A_22 = vector.shape_cast %swap3A_21 : vector<1x1024x64xf32> to vector<1024x64xf32>
    %swap3A_23 = vector.shape_cast %slice3A_12 : vector<1024x64xf32> to vector<1x1024x64xf32>
    tpu.vector_store %arg3[%swap3A_18, %swap3A_19, %swap3A_20], %swap3A_23 {strides = array<i32>} : memref<2x1024x64xf32, #tpu.memory_space<vmem>>, vector<1x1024x64xf32>,
    return
  }
  func.func @transform_0(%arg0: i32) -> (i32, i32) {
    %c0_i32 = arith.constant 0 : i32
    %c0_i32_0 = arith.constant 0 : i32
    return %arg0, %c0_i32 : i32, i32
  }
  func.func @transform_1(%arg0: i32) -> (i32, i32) {
    %c0_i32 = arith.constant 0 : i32
    %c0_i32_0 = arith.constant 0 : i32
    %c0_i32_1 = arith.constant 0 : i32
    return %c0_i32, %c0_i32_0 : i32, i32
  }
  func.func @transform_2(%arg0: i32) -> (i32, i32, i32) {
    %c0_i32 = arith.constant 0 : i32
    %c0_i32_0 = arith.constant 0 : i32
    %c0_i32_1 = arith.constant 0 : i32
    return %c0_i32, %arg0, %c0_i32_0 : i32, i32, i32
  }
}

module attributes {stable_mosaic.version = 14 : i64} {
  func.func @_tc2_body(%arg0: i32, %arg1: memref<2x1024x64xf32, #tpu.memory_space<vmem>>, %arg2: memref<2x1024x64xf32, #tpu.memory_space<vmem>>, %arg3: memref<1024x1xf32, #tpu.memory_space<vmem>>, %arg4: memref<1x128xf32, #tpu.memory_space<vmem>>, %arg5: memref<128x128xf32, #tpu.memory_space<vmem>>, %arg6: memref<2x1024x64xf32, #tpu.memory_space<vmem>>) attributes {dimension_semantics = [#tpu.dimension_semantics<arbitrary>], iteration_bounds = array<i64: 10>, scalar_prefetch = 0 : i64, scratch_operands = 0 : i64, tpu.core_type = #tpu.core_type<tc>, window_params = [{transform_indices = @transform_0, window_bounds = array<i64: 2, 1024, 64>}, {transform_indices = @transform_1, window_bounds = array<i64: 2, 1024, 64>}, {transform_indices = @transform_2, window_bounds = array<i64: 1024, 1>}, {pipeline_mode = #tpu.pipeline_mode<synchronous>, transform_indices = @transform_3, window_bounds = array<i64: 1, 128>}, {pipeline_mode = #tpu.pipeline_mode<synchronous>, transform_indices = @transform_4, window_bounds = array<i64: 128, 128>}, {transform_indices = @transform_5, window_bounds = array<i64: 2, 1024, 64>}]} {
    %get3A = arith.constant 0 : index
    %get3A_0 = arith.constant 0 : index
    %get3A_1 = vector.load %arg3[%get3A, %get3A_0] : memref<1024x1xf32, #tpu.memory_space<vmem>>, vector<1024x1xf32>
    %get3A_2 = arith.constant 0 : index
    %get3A_3 = arith.constant 0 : index
    %get3A_4 = arith.constant 0 : index
    %get3A_5 = vector.load %arg1[%get3A_2, %get3A_3, %get3A_4] : memref<2x1024x64xf32, #tpu.memory_space<vmem>>, vector<1x1024x64xf32>
    %get3A_6 = vector.shape_cast %get3A_5 : vector<1x1024x64xf32> to vector<1024x64xf32>
    %get3A_7 = arith.constant 1 : index
    %get3A_8 = arith.constant 0 : index
    %get3A_9 = arith.constant 0 : index
    %get3A_10 = vector.load %arg1[%get3A_7, %get3A_8, %get3A_9] : memref<2x1024x64xf32, #tpu.memory_space<vmem>>, vector<1x1024x64xf32>
    %get3A_11 = vector.shape_cast %get3A_10 : vector<1x1024x64xf32> to vector<1024x64xf32>
    %concatenate3A = tpu.concatenate %get3A_6, %get3A_11 in 1 : vector<1024x64xf32>, vector<1024x64xf32> -> vector<1024x128xf32>
    %get3A_12 = arith.constant 0 : index
    %get3A_13 = arith.constant 0 : index
    %get3A_14 = arith.constant 0 : index
    %get3A_15 = vector.load %arg2[%get3A_12, %get3A_13, %get3A_14] : memref<2x1024x64xf32, #tpu.memory_space<vmem>>, vector<1x1024x64xf32>
    %get3A_16 = vector.shape_cast %get3A_15 : vector<1x1024x64xf32> to vector<1024x64xf32>
    %get3A_17 = arith.constant 1 : index
    %get3A_18 = arith.constant 0 : index
    %get3A_19 = arith.constant 0 : index
    %get3A_20 = vector.load %arg2[%get3A_17, %get3A_18, %get3A_19] : memref<2x1024x64xf32, #tpu.memory_space<vmem>>, vector<1x1024x64xf32>
    %get3A_21 = vector.shape_cast %get3A_20 : vector<1x1024x64xf32> to vector<1024x64xf32>
    %concatenate3A_22 = tpu.concatenate %get3A_16, %get3A_21 in 1 : vector<1024x64xf32>, vector<1024x64xf32> -> vector<1024x128xf32>
    %add3A = arith.addf %concatenate3A, %concatenate3A_22 : vector<1024x128xf32>
    %mul3A = vector.broadcast %get3A_1 : vector<1024x1xf32> to vector<1024x128xf32>
    %mul3A_23 = arith.mulf %mul3A, %add3A : vector<1024x128xf32>
    %get3A_24 = arith.constant 0 : index
    %get3A_25 = arith.constant 0 : index
    %get3A_26 = vector.load %arg4[%get3A_24, %get3A_25] : memref<1x128xf32, #tpu.memory_space<vmem>>, vector<1x128xf32>
    %add3A_27 = vector.broadcast %get3A_26 : vector<1x128xf32> to vector<1024x128xf32>
    %add3A_28 = arith.addf %mul3A_23, %add3A_27 : vector<1024x128xf32>
    %max3A = arith.constant 0.000000e+00 : f32
    %max3A_29 = vector.broadcast %max3A : f32 to vector<1024x128xf32>
    %max3A_30 = arith.maximumf %add3A_28, %max3A_29 : vector<1024x128xf32>
    %get3A_31 = arith.constant 0 : index
    %get3A_32 = arith.constant 0 : index
    %get3A_33 = vector.load %arg5[%get3A_31, %get3A_32] : memref<128x128xf32, #tpu.memory_space<vmem>>, vector<128x128xf32>
    %dot_general3A = arith.constant dense<0.000000e+00> : vector<1024x128xf32>
    %dot_general3A_34 = tpu.matmul %max3A_30, %get3A_33, %dot_general3A {dimension_numbers = #tpu.dot_dimension_numbers<[1], [0], [0], [1], [0, 0, 1, 1], [], []>, transpose_lhs_hint = false} : vector<1024x128xf32>, vector<128x128xf32>, vector<1024x128xf32> -> vector<1024x128xf32>
    %mul3A_35 = vector.broadcast %get3A_1 : vector<1024x1xf32> to vector<1024x128xf32>
    %mul3A_36 = arith.mulf %mul3A_35, %dot_general3A_34 : vector<1024x128xf32>
    %slice3A = vector.extract_strided_slice %mul3A_36 {offsets = [0, 0], sizes = [1024, 64], strides = [1, 1]} : vector<1024x128xf32> to vector<1024x64xf32>
    %slice3A_37 = vector.extract_strided_slice %mul3A_36 {offsets = [0, 64], sizes = [1024, 64], strides = [1, 1]} : vector<1024x128xf32> to vector<1024x64xf32>
    %swap3A = arith.constant 0 : index
    %swap3A_38 = arith.constant 0 : index
    %swap3A_39 = arith.constant 0 : index
    %swap3A_40 = vector.load %arg6[%swap3A, %swap3A_38, %swap3A_39] : memref<2x1024x64xf32, #tpu.memory_space<vmem>>, vector<1x1024x64xf32>
    %swap3A_41 = vector.shape_cast %swap3A_40 : vector<1x1024x64xf32> to vector<1024x64xf32>
    %swap3A_42 = vector.shape_cast %slice3A : vector<1024x64xf32> to vector<1x1024x64xf32>
    tpu.vector_store %arg6[%swap3A, %swap3A_38, %swap3A_39], %swap3A_42 {strides = array<i32>} : memref<2x1024x64xf32, #tpu.memory_space<vmem>>, vector<1x1024x64xf32>,
    %swap3A_43 = arith.constant 1 : index
    %swap3A_44 = arith.constant 0 : index
    %swap3A_45 = arith.constant 0 : index
    %swap3A_46 = vector.load %arg6[%swap3A_43, %swap3A_44, %swap3A_45] : memref<2x1024x64xf32, #tpu.memory_space<vmem>>, vector<1x1024x64xf32>
    %swap3A_47 = vector.shape_cast %swap3A_46 : vector<1x1024x64xf32> to vector<1024x64xf32>
    %swap3A_48 = vector.shape_cast %slice3A_37 : vector<1024x64xf32> to vector<1x1024x64xf32>
    tpu.vector_store %arg6[%swap3A_43, %swap3A_44, %swap3A_45], %swap3A_48 {strides = array<i32>} : memref<2x1024x64xf32, #tpu.memory_space<vmem>>, vector<1x1024x64xf32>,
    return
  }
  func.func @transform_0(%arg0: i32) -> (i32, i32, i32) {
    %c0_i32 = arith.constant 0 : i32
    %c0_i32_0 = arith.constant 0 : i32
    %c0_i32_1 = arith.constant 0 : i32
    return %c0_i32, %arg0, %c0_i32_0 : i32, i32, i32
  }
  func.func @transform_1(%arg0: i32) -> (i32, i32, i32) {
    %c0_i32 = arith.constant 0 : i32
    %c0_i32_0 = arith.constant 0 : i32
    %c0_i32_1 = arith.constant 0 : i32
    return %c0_i32, %arg0, %c0_i32_0 : i32, i32, i32
  }
  func.func @transform_2(%arg0: i32) -> (i32, i32) {
    %c0_i32 = arith.constant 0 : i32
    %c0_i32_0 = arith.constant 0 : i32
    return %arg0, %c0_i32 : i32, i32
  }
  func.func @transform_3(%arg0: i32) -> (i32, i32) {
    %c0_i32 = arith.constant 0 : i32
    %c0_i32_0 = arith.constant 0 : i32
    %c0_i32_1 = arith.constant 0 : i32
    return %c0_i32, %c0_i32_0 : i32, i32
  }
  func.func @transform_4(%arg0: i32) -> (i32, i32) {
    %c0_i32 = arith.constant 0 : i32
    %c0_i32_0 = arith.constant 0 : i32
    %c0_i32_1 = arith.constant 0 : i32
    return %c0_i32, %c0_i32_0 : i32, i32
  }
  func.func @transform_5(%arg0: i32) -> (i32, i32, i32) {
    %c0_i32 = arith.constant 0 : i32
    %c0_i32_0 = arith.constant 0 : i32
    %c0_i32_1 = arith.constant 0 : i32
    return %c0_i32, %arg0, %c0_i32_0 : i32, i32, i32
  }
}

module attributes {stable_mosaic.version = 14 : i64} {
  func.func @_tc3_body(%arg0: i32, %arg1: memref<2x1024x64xf32, #tpu.memory_space<vmem>>, %arg2: memref<2x1024x64xf32, #tpu.memory_space<vmem>>, %arg3: memref<1024x1xf32, #tpu.memory_space<vmem>>, %arg4: memref<1x128xf32, #tpu.memory_space<vmem>>, %arg5: memref<1024x128xf32, #tpu.memory_space<vmem>>) attributes {dimension_semantics = [#tpu.dimension_semantics<arbitrary>], iteration_bounds = array<i64: 10>, scalar_prefetch = 0 : i64, scratch_operands = 0 : i64, tpu.core_type = #tpu.core_type<tc>, window_params = [{transform_indices = @transform_0, window_bounds = array<i64: 2, 1024, 64>}, {transform_indices = @transform_1, window_bounds = array<i64: 2, 1024, 64>}, {transform_indices = @transform_2, window_bounds = array<i64: 1024, 1>}, {pipeline_mode = #tpu.pipeline_mode<synchronous>, transform_indices = @transform_3, window_bounds = array<i64: 1, 128>}, {transform_indices = @transform_4, window_bounds = array<i64: 1024, 128>}]} {
    %get3A = arith.constant 0 : index
    %get3A_0 = arith.constant 0 : index
    %get3A_1 = arith.constant 0 : index
    %get3A_2 = vector.load %arg1[%get3A, %get3A_0, %get3A_1] : memref<2x1024x64xf32, #tpu.memory_space<vmem>>, vector<1x1024x64xf32>
    %get3A_3 = vector.shape_cast %get3A_2 : vector<1x1024x64xf32> to vector<1024x64xf32>
    %get3A_4 = arith.constant 1 : index
    %get3A_5 = arith.constant 0 : index
    %get3A_6 = arith.constant 0 : index
    %get3A_7 = vector.load %arg1[%get3A_4, %get3A_5, %get3A_6] : memref<2x1024x64xf32, #tpu.memory_space<vmem>>, vector<1x1024x64xf32>
    %get3A_8 = vector.shape_cast %get3A_7 : vector<1x1024x64xf32> to vector<1024x64xf32>
    %concatenate3A = tpu.concatenate %get3A_3, %get3A_8 in 1 : vector<1024x64xf32>, vector<1024x64xf32> -> vector<1024x128xf32>
    %get3A_9 = arith.constant 0 : index
    %get3A_10 = arith.constant 0 : index
    %get3A_11 = arith.constant 0 : index
    %get3A_12 = vector.load %arg2[%get3A_9, %get3A_10, %get3A_11] : memref<2x1024x64xf32, #tpu.memory_space<vmem>>, vector<1x1024x64xf32>
    %get3A_13 = vector.shape_cast %get3A_12 : vector<1x1024x64xf32> to vector<1024x64xf32>
    %get3A_14 = arith.constant 1 : index
    %get3A_15 = arith.constant 0 : index
    %get3A_16 = arith.constant 0 : index
    %get3A_17 = vector.load %arg2[%get3A_14, %get3A_15, %get3A_16] : memref<2x1024x64xf32, #tpu.memory_space<vmem>>, vector<1x1024x64xf32>
    %get3A_18 = vector.shape_cast %get3A_17 : vector<1x1024x64xf32> to vector<1024x64xf32>
    %concatenate3A_19 = tpu.concatenate %get3A_13, %get3A_18 in 1 : vector<1024x64xf32>, vector<1024x64xf32> -> vector<1024x128xf32>
    %get3A_20 = arith.constant 0 : index
    %get3A_21 = arith.constant 0 : index
    %get3A_22 = vector.load %arg3[%get3A_20, %get3A_21] : memref<1024x1xf32, #tpu.memory_space<vmem>>, vector<1024x1xf32>
    %add3A = arith.addf %concatenate3A, %concatenate3A_19 : vector<1024x128xf32>
    %mul3A = vector.broadcast %get3A_22 : vector<1024x1xf32> to vector<1024x128xf32>
    %mul3A_23 = arith.mulf %mul3A, %add3A : vector<1024x128xf32>
    %get3A_24 = arith.constant 0 : index
    %get3A_25 = arith.constant 0 : index
    %get3A_26 = vector.load %arg4[%get3A_24, %get3A_25] : memref<1x128xf32, #tpu.memory_space<vmem>>, vector<1x128xf32>
    %add3A_27 = vector.broadcast %get3A_26 : vector<1x128xf32> to vector<1024x128xf32>
    %add3A_28 = arith.addf %mul3A_23, %add3A_27 : vector<1024x128xf32>
    %reduce_max3A = arith.constant dense<0xFF800000> : vector<1024xf32>
    %reduce_max3A_29 = vector.multi_reduction <maximumf>, %add3A_28, %reduce_max3A [1] : vector<1024x128xf32> to vector<1024xf32>
    %broadcast_in_dim3A = vector.shape_cast %reduce_max3A_29 : vector<1024xf32> to vector<1024x1xf32>
    %sub3A = vector.broadcast %broadcast_in_dim3A : vector<1024x1xf32> to vector<1024x128xf32>
    %sub3A_30 = arith.subf %add3A_28, %sub3A : vector<1024x128xf32>
    %exp3A = math.exp %sub3A_30 : vector<1024x128xf32>
    %reduce_sum3A = arith.constant dense<0.000000e+00> : vector<1024xf32>
    %reduce_sum3A_31 = vector.multi_reduction <add>, %exp3A, %reduce_sum3A [1] : vector<1024x128xf32> to vector<1024xf32>
    %broadcast_in_dim3A_32 = vector.shape_cast %reduce_sum3A_31 : vector<1024xf32> to vector<1024x1xf32>
    %log3A = math.log %broadcast_in_dim3A_32 : vector<1024x1xf32>
    %sub3A_33 = vector.broadcast %broadcast_in_dim3A : vector<1024x1xf32> to vector<1024x128xf32>
    %sub3A_34 = arith.subf %add3A_28, %sub3A_33 : vector<1024x128xf32>
    %sub3A_35 = vector.broadcast %log3A : vector<1024x1xf32> to vector<1024x128xf32>
    %sub3A_36 = arith.subf %sub3A_34, %sub3A_35 : vector<1024x128xf32>
    %swap3A = arith.constant 0 : index
    %swap3A_37 = arith.constant 0 : index
    %swap3A_38 = vector.load %arg5[%swap3A, %swap3A_37] : memref<1024x128xf32, #tpu.memory_space<vmem>>, vector<1024x128xf32>
    tpu.vector_store %arg5[%swap3A, %swap3A_37], %sub3A_36 {strides = array<i32>} : memref<1024x128xf32, #tpu.memory_space<vmem>>, vector<1024x128xf32>,
    return
  }
  func.func @transform_0(%arg0: i32) -> (i32, i32, i32) {
    %c0_i32 = arith.constant 0 : i32
    %c0_i32_0 = arith.constant 0 : i32
    %c0_i32_1 = arith.constant 0 : i32
    return %c0_i32, %arg0, %c0_i32_0 : i32, i32, i32
  }
  func.func @transform_1(%arg0: i32) -> (i32, i32, i32) {
    %c0_i32 = arith.constant 0 : i32
    %c0_i32_0 = arith.constant 0 : i32
    %c0_i32_1 = arith.constant 0 : i32
    return %c0_i32, %arg0, %c0_i32_0 : i32, i32, i32
  }
  func.func @transform_2(%arg0: i32) -> (i32, i32) {
    %c0_i32 = arith.constant 0 : i32
    %c0_i32_0 = arith.constant 0 : i32
    return %arg0, %c0_i32 : i32, i32
  }
  func.func @transform_3(%arg0: i32) -> (i32, i32) {
    %c0_i32 = arith.constant 0 : i32
    %c0_i32_0 = arith.constant 0 : i32
    %c0_i32_1 = arith.constant 0 : i32
    return %c0_i32, %c0_i32_0 : i32, i32
  }
  func.func @transform_4(%arg0: i32) -> (i32, i32) {
    %c0_i32 = arith.constant 0 : i32
    %c0_i32_0 = arith.constant 0 : i32
    return %arg0, %c0_i32 : i32, i32
  }
}

</mosaic_0001>

<sc_bundles>
// kernel: kernel.10.cloned.1.call-start
scs
__scs_entry_jumppad:
0x0: {  	(pc) =	sbr.rel $0x88, $3  }
0x1: {  	(tag) =	ssettag $0x0;
	lr =	simm.s32 $0x1  }
0x2: {  	[smem:$0x3F9B] =	sst lr;
	_ =	strace $0xD0000000  }
0x3: {  	_ = 	snop  }
0x4: {  	_ = 	snop  }
0x5: {  	_ = 	snop  }
0x6: {  	_ = 	snop  }
0x7: {  	_ = 	snop  }
__scs_overlays_trampoline_lowered:
0x8: {  	[smem:$0x3FAA] =	sst s0  }
0x9: {  	[smem:$0x3FAB] =	sst s1  }
0xa: {  	[smem:$0x3FAC] =	sst s2  }
0xb: {  	[smem:$0x3FAD] =	sst s3  }
0xc: {  	[smem:$0x3FAE] =	sst s4  }
0xd: {  	[smem:$0x3FAF] =	sst s5  }
0xe: {  	[smem:$0x3FB0] =	sst s6  }
0xf: {  	[smem:$0x3FB1] =	sst s7  }
0x10: {  	[smem:$0x3FB2] =	sst s8  }
0x11: {  	[smem:$0x3FB3] =	sst s9;
	s0 =	simm.s32 @!p0 $0x0  }
0x12: {  	s1 =	sld [smem:$0x3F99];
	s0 =	simm.s32 @p0 $0x1  }
0x13: {  	[smem:$0x3FB4] =	sst s0;
	s0 =	simm.s32 @!p1 $0x0  }
0x14: {  	s2 =	sld [smem:$0x3F98];
	s0 =	simm.s32 @p1 $0x1  }
0x15: {  	[smem:$0x3FB5] =	sst s0;
	s0 =	simm.s32 @!p2 $0x0  }
0x16: {  	s3 =	sld [smem:$0x3FDB];
	s0 =	simm.s32 @p2 $0x1  }
0x17: {  	s4 =	simm.s32 $0x1BF5;
	[smem:$0x3FB7] =	sst s0  }
0x18: {  	s0 =	sld [smem:$0x3F9A];
	_ =	swait.ge [sflag:s4], $0x0  }
0x19: {  	s7 =	sld [smem:$0x3F9B]  }
0x1a: {  	s8 =	sadd.s32 $0xFFFFE003, lr  }
0x1b: {  	s9 =	sadd.s32 $0xFFFFFEF7, lr;
	s5 =	simm.s32 $0xFFFFFFFF;
	p2 =	slt.u32 s8, $0xFFFFF086  }
0x1c: {  	p1 =	slt.u32 s9, $0xF7A;
	s5 =	simm.s32 @!p2 $0x0  }
0x1d: {  	s5 =	simm.s32 @p1 $0x1;
	p0 =	seq.s32 s7, s2  }
0x1e: {  	s7 =	smul.u32 @!p0 $0xF7A, s2;
	p2 =	seq.s32 @!p0 s5, $0x0  }
0x1f: {  	s9 =	smul.u32 $0xF7A, s1;
	s8 =	simm.s32 @!p0 $0x1BF5;
	p2 =	por !p2, p0  }
0x20: {  	[sflag:s8] =	ssyncset.s32 @!p0 $0xFFFFF086;
	s6 =	sadd.s32 @!p0 s3, s7;
	s7 =	simm.s32 @!p0 $0x108  }
0x21: {  	s3 =	sadd.s32 s3, s9;
	s6 =	sadd.s32 @!p0 $0x88, s6;
	s7 =	simm.s32 @p2 $0x1082  }
0x22: {  	[simem:s7], [sflag:s8] =	dma.local @!p0 [hbm:s6], $0xF7A  }
0x23: {  	s9 =	sor.u32 $0xD0000000, s2;
	s6 =	simm.s32 $0x108;
	_ =	swait.ge @!p0 [sflag:s8], $0x0  }
0x24: {  	s3 =	sadd.s32 $0x88, s3;
	s6 =	simm.s32 @!p1 $0x1082;
	[sflag:s4] =	ssyncset.s32 $0xFFFFF086  }
0x25: {  	[simem:s6], [sflag:s4] =	dma.local [hbm:s3], $0xF7A  }
0x26: {  	[smem:$0x3F9B] =	sst s1;
	(tag) =	ssettag s2;
	_ =	strace s9  }
0x27: {  	s1 =	sld [smem:$0x3FAB]  }
0x28: {  	s2 =	sld [smem:$0x3FAC]  }
0x29: {  	s4 =	sld [smem:$0x3FAE]  }
0x2a: {  	p0 =	seq.s32 s5, $0x0;
	s5 =	sld [smem:$0x3FAF]  }
0x2b: {  	s6 =	sld [smem:$0x3FB0]  }
0x2c: {  	s7 =	sld [smem:$0x3FB1]  }
0x2d: {  	s3 =	simm.s32 $0x108;
	s8 =	sld [smem:$0x3FB2]  }
0x2e: {  	s3 =	simm.s32 @!p0 $0x1082;
	s9 =	sld [smem:$0x3FB3]  }
0x2f: {  	lr =	sadd.s32 s0, s3;
	s0 =	sld [smem:$0x3FAA]  }
0x30: {  	s3 =	sld [smem:$0x3FAD]  }
0x31: {  	[smem:$0x3FB6] =	sst s10  }
0x32: {  	s10 =	sld [smem:$0x3FB4];
	_ =	sdelay $0x3  }
0x33: {  	p0 =	seq.s32 s10, $0x1;
	s10 =	sld [smem:$0x3FB6];
	_ =	sdelay $0x3  }
0x34: {  	[smem:$0x3FB6] =	sst s10  }
0x35: {  	s10 =	sld [smem:$0x3FB5];
	_ =	sdelay $0x3  }
0x36: {  	p1 =	seq.s32 s10, $0x1;
	s10 =	sld [smem:$0x3FB6];
	_ =	sdelay $0x3  }
0x37: {  	[smem:$0x3FB6] =	sst s10  }
0x38: {  	s10 =	sld [smem:$0x3FB7]  }
0x39: {  	_ = 	snop;
	(pc) =	sbr.ind lr, $3  }
0x3a: {  	_ = 	snop  }
0x3b: {  	_ = 	snop  }
0x3c: {  	p2 =	seq.s32 s10, $0x1;
	s10 =	sld [smem:$0x3FB6]  }
0x3d: {  	_ =	shalt  }
0x3e: {  	_ =	shalt  }
0x3f: {  	_ =	shalt  }
0x40: {  	_ =	shalt  }
0x41: {  	_ =	shalt  }
0x42: {  	_ =	shalt  }
0x43: {  	_ =	shalt  }
0x44: {  	_ =	shalt  }
0x45: {  	_ =	shalt  }
0x46: {  	_ =	shalt  }
0x47: {  	_ =	shalt  }
0x48: {  	_ =	shalt  }
0x49: {  	_ =	shalt  }
0x4a: {  	_ =	shalt  }
0x4b: {  	_ =	shalt  }
0x4c: {  	_ =	shalt  }
0x4d: {  	_ =	shalt  }
0x4e: {  	_ =	shalt  }
0x4f: {  	_ =	shalt  }
0x50: {  	_ =	shalt  }
0x51: {  	_ =	shalt  }
0x52: {  	_ =	shalt  }
0x53: {  	_ =	shalt  }
0x54: {  	_ =	shalt  }
0x55: {  	_ =	shalt  }
0x56: {  	_ =	shalt  }
0x57: {  	_ =	shalt  }
0x58: {  	_ =	shalt  }
0x59: {  	_ =	shalt  }
0x5a: {  	_ =	shalt  }
0x5b: {  	_ =	shalt  }
0x5c: {  	_ =	shalt  }
0x5d: {  	_ =	shalt  }
0x5e: {  	_ =	shalt  }
0x5f: {  	_ =	shalt  }
0x60: {  	_ =	shalt  }
0x61: {  	_ =	shalt  }
0x62: {  	_ =	shalt  }
0x63: {  	_ =	shalt  }
0x64: {  	_ =	shalt  }
0x65: {  	_ =	shalt  }
0x66: {  	_ =	shalt  }
0x67: {  	_ =	shalt  }
0x68: {  	_ =	shalt  }
0x69: {  	_ =	shalt  }
0x6a: {  	_ =	shalt  }
0x6b: {  	_ =	shalt  }
0x6c: {  	_ =	shalt  }
0x6d: {  	_ =	shalt  }
0x6e: {  	_ =	shalt  }
0x6f: {  	_ =	shalt  }
0x70: {  	_ =	shalt  }
0x71: {  	_ =	shalt  }
0x72: {  	_ =	shalt  }
0x73: {  	_ =	shalt  }
0x74: {  	_ =	shalt  }
0x75: {  	_ =	shalt  }
0x76: {  	_ =	shalt  }
0x77: {  	_ =	shalt  }
0x78: {  	_ =	shalt  }
0x79: {  	_ =	shalt  }
0x7a: {  	_ =	shalt  }
0x7b: {  	_ =	shalt  }
0x7c: {  	_ =	shalt  }
0x7d: {  	_ =	shalt  }
0x7e: {  	_ =	shalt  }
0x7f: {  	_ =	shalt  }
0x80: {  	_ =	shalt  }
0x81: {  	_ =	shalt  }
0x82: {  	_ =	shalt  }
0x83: {  	_ =	shalt  }
0x84: {  	_ =	shalt  }
0x85: {  	_ =	shalt  }
0x86: {  	_ =	shalt  }
0x87: {  	_ =	shalt  }
.Lfunc_end0:
.L_simem_size_0:
called_computation.1_lowered:
.L_overlay_start_0:
0x88: {  	s2 =	sld [smem:$0x3FD9]  }
0x89: {  	s3 =	sld [smem:$0x3FFE];
	_ =	sdelay $0x1  }
0x8a: {  	s1 =	srdreg.scid  }
0x8b: {  	s0 =	sand.u32 $0x1, s1  }
0x8c: {  	s17 =	sshll.u32 s0, $0xA;
	s2 =	sadd.s32 s3, s2  }
0x8d: {  	s2 =	sadd.s32 s2, s17  }
0x8e: {  	[smem:$0x3FC2] =	sst s2  }
0x8f: {  	_ = 	snop  }
0x90: {  	s2 =	sld [smem:$0x3FD0];
	(tm) =	ssettm $0x1  }
0x91: {  	s18 =	sld [smem:$0x3FFB];
	_ =	sdelay $0x3  }
0x92: {  	_ =	strace s18  }
0x93: {  	s3 =	sld [smem:$0x3FFC];
	_ =	sdelay $0x3  }
0x94: {  	_ =	strace s3  }
0x95: {  	s3 =	sld [smem:$0x3FFD];
	_ =	sdelay $0x3  }
0x96: {  	_ =	strace s3  }
0x97: {  	_ =	strace $0x8FFFFFFF  }
0x98: {  	s19 =	sld [smem:$0x3FDB];
	_ =	sdelay $0x1  }
0x99: {  	s4 =	simm.s32 $_scs_section_size  }
0x9a: {  	s5 =	simm.s32 $_size__tile_overlayer_lowered;
	s6 =	simm.s32 $_tile_overlayer_lowered  }
0x9b: {  	s22 =	simm.s32 $0x1BFF;
	s21 =	sshll.u32 s6, $0x1;
	s3 =	sadd.s32 s4, s19  }
0x9c: {  	s7 =	simm.s32 $0x0;
	s20 =	sshll.u32 s5, $0x1;
	s5 =	sadd.s32 s21, s3  }
0x9d: {  	[timem:s7], [sflag:s22] =	dma.local [hbm:s5], s20  }
0x9e: {  	_ =	swait.ge [sflag:s22], s20  }
0x9f: {  	s4 =	ssub.s32 $0x0, s20;
	[sflag:s22] =	ssyncset.done $0x0  }
0xa0: {  	[sflag:s22] =	ssyncadd.s32 s4;
	_ =	sdelay $0x1  }
0xa1: {  	s23 =	simm.s32 $0x1B8B  }
0xa2: {  	_ =	swait.ge [sflag:s23], $0x1  }
0xa3: {  	[sflag:s23] =	ssyncset.done $0x0  }
0xa4: {  	s25 =	simm.s32 $0x1B8E;
	s24 =	sld [smem:$0x3FFE];
	[sflag:s23] =	ssyncadd.s32 $0xFFFFFFFF  }
0xa5: {  	s26 =	simm.s32 $execute0_lowered;
	[smem:$0x3FD2] =	sst s25  }
0xa6: {  	s5 =	sshll.u32 s26, $0x1;
	_ =	strace $0x80000049;
	[dreg:$0x1] =	wrdreg $0xFFFFFFFF  }
0xa7: {  	s28 =	simm.s32 $_size_execute0_lowered;
	s3 =	sadd.s32 s3, s5;
	[dreg:$0x0] =	wrdreg $0x0  }
0xa8: {  	s5 =	sshll.u32 s28, $0x1;
	[dreg:$0x2] =	wrdreg s3  }
0xa9: {  	[dreg:$0x3] =	wrdreg s5  }
0xaa: {  	[dreg:$0x4] =	wrdreg $0xC0  }
0xab: {  	_ =	task [dreg:s7], $0x5FFFF  }
0xac: {  	[dreg:$0x1] =	wrdreg $0xFFFFFFFF  }
0xad: {  	[dreg:$0x0] =	wrdreg $0x60  }
0xae: {  	[dreg:$0x2] =	wrdreg s24  }
0xaf: {  	[dreg:$0x3] =	wrdreg s2  }
0xb0: {  	[dreg:$0x4] =	wrdreg $0x120000  }
0xb1: {  	[dreg:$0x5] =	wrdreg $0x9  }
0xb2: {  	_ =	task.clear_ibuf [dreg:s7], $0x6FFFF;
	_ =	strace $0x90000049  }
0xb3: {  	s29 =	simm.s32 $0x9;
	_ =	strace $0x8000004B  }
0xb4: {  	_ =	swait.ge [sflag:s29], $0x1  }
0xb5: {  	[sflag:s29] =	ssyncadd.s32 $0xFFFFFFFF  }
0xb6: {  	_ =	strace $0x9000004B  }
0xb7: {  	_ =	sfence  }
0xb8: {  	s30 =	sld [smem:$0x0];
	_ =	sdelay $0x2  }
0xb9: {  	s31 =	sshll.u32 s1, $0xD;
	s1 =	sshrl.u32 s1, $0x2  }
0xba: {  	s3 =	sand.u32 $0x4000, s31;
	s1 =	sadd.s32 s1, s30  }
0xbb: {  	s0 =	sor.u32 s3, s0;
	s1 =	sshll.u32 s1, $0x11  }
0xbc: {  	s0 =	sor.u32 s1, s0  }
0xbd: {  	s0 =	sadd.s32 $0x8F2B, s0  }
0xbe: {  	[sflag:s0] =	ssyncadd.remote.s32 $0x1  }
0xbf: {  	_ =	sfence.sel $0xFFFF  }
0xc0: {  	[dreg:$0x0] =	wrdreg $0xFFFFFFFF;
	(pc) =	sbr.abs _section_cstart, $3  }
0xc1: {  	[dreg:$0x1] =	wrdreg $0xFFFFFFFF  }
0xc2: {  	_ =	task.clear_ibuf [dreg:s7], $0x2FFFF;
	_ =	strace $0x9FFFFFFF  }
0xc3: {  	(tm) =	ssettm $0x7FFFFFFF  }
tec
execute0_lowered:
.L_overlay_start_1:
0x0: {  	(tag) =	ssettag $0x1  }
0x1: {  	s0 =	rddreg [dreg:$0x0]  }
0x2: {  	s1 =	rddreg [dreg:$0x1]  }
0x3: {  	s10 =	stileid.u32;
	s3 =	srdreg.scid  }
0x4: {  	s2 =	rddreg [dreg:$0x2];
	s14 =	simm.s32 $0x5;
	s16 =	simm.s32 $0xA000  }
0x5: {  	s17 =	simm.s32 $0x80;
	s18 =	simm.s32 $0xC000;
	s20 =	simm.s32 $0xE000  }
0x6: {  	s22 =	simm.s32 $0x10000;
	s23 =	simm.s32 $0x1;
	s24 =	simm.s32 $0x2  }
0x7: {  	s28 =	simm.s32 $0x9E00;
	s29 =	simm.s32 $0x9E80;
	s5 =	smul.u32 $0xA00, s10  }
0x8: {  	s30 =	simm.s32 $0x9F00;
	s31 =	simm.s32 $0x9F80;
	s7 =	smul.u32 $0xA000, s10  }
0x9: {  	s4 =	sand.u32 $0x1, s3;
	s3 =	simm.s32 $0x0;
	s10 =	smul.u32 $0x28000, s10  }
0xa: {  	s6 =	smul.u32 $0xA0000, s4;
	[smem:$0x7FF] =	sst s3;
	s4 =	ssub.s32 $0x2, s4  }
0xb: {  	_ =	strace $0x8000004A;
	s8 =	sadd.s32 s5, s0;
	s25 =	sshrl.u32 s4, $0x1  }
0xc: {  	s26 =	sshrl.u32 s10, $0x2;
	s5 =	sadd.s32 s1, s5;
	s1 =	simm.s32 $0x0  }
0xd: {  	s9 =	sshrl.u32 s6, $0x3;
	s6 =	sadd.s32 s7, s6;
	s13 =	ssub.s32 s4, s25  }
0xe: {  	s4 =	sadd.s32 $0x29600, s8;
	s10 =	sadd.s32 s26, s2;
	s25 =	simm.s32 $0x3  }
0xf: {  	s26 =	simm.s32 $0x4;
	s11 =	sadd.s32 s9, s0;
	s6 =	sshrl.u32 s6, $0x3  }
0x10: {  	s8 =	sadd.s32 $0x4000, s10;
	s9 =	sadd.s32 $0x6000, s10;
	s13 =	smax.u32 s13, $0x1  }
0x11: {  	s0 =	sadd.s32 s6, s0;
	s6 =	sadd.s32 s7, s2;
	s7 =	sadd.s32 $0x2000, s10  }
0x12: {  	v0 =	vimm.f32 $0.0e+00;
	s10 =	sadd.s32 $0x8000, s10;
	s11 =	sadd.s32 $0x1600, s11;
	s12 =	sadd.s32 $0x83600, s0  }
.LBB2_1:
0x13: {  	[tilespmem:s3], [sflag:$0x5] =	stream.linear.gather [hbm4b:s4+s3], $0x5000, $0x38;
	[tilespmem:$0x1C000] =	vst v63  }
0x14: {  	_ =	swait.ge [sflag:s14], $0x5000  }
0x15: {  	[sflag:s14] =	ssyncset.done $0x0  }
0x16: {  	s0 =	simm.s32 $0x5000;
	s21 =	sand.u32 $0x7F00, s3;
	[sflag:s14] =	ssyncadd.s32 $0xFFFFB000  }
0x17: {  	[tilespmem:s0], [sflag:$0x5] =	stream.linear.gather [hbm4b:s5+s3], $0x5000, $0x38;
	[tilespmem:$0x1C000] =	vst v63  }
0x18: {  	s15 =	sand.u32 $0x30, s3;
	s19 =	sshrl.u32 s21, $0x2;
	_ =	swait.ge [sflag:s14], $0x5000  }
0x19: {  	s19 =	sor.u32 s15, s19;
	[sflag:s14] =	ssyncset.done $0x0  }
0x1a: {  	s15 =	simm.s32 $0x0;
	s0 =	simm.s32 $0x40;
	[sflag:s14] =	ssyncadd.s32 $0xFFFFB000  }
.LBB2_2:
0x1b: {  	p0 =	sne.s32 s0, $0x7FC0  }
0x1c: {  	[tilespmem:s19+$0xA000] =	vst v0;
	s15 =	sadd.s32 $0x10, s15;
	s19 =	smov.u32 s0;
	s0 =	sadd.s32 $0x40, s0  }
.Ltmp0:
0x1d: {  	(pc) =	sbr.rel @p0 .LBB2_2-.Ltmp0, $4  }
0x1e: {  	_ = 	snop  }
0x1f: {  	s19 =	sand.u32 $0x7F00, s19  }
0x20: {  	s21 =	sand.u32 $0x30, s15;
	s19 =	sshrl.u32 s19, $0x2  }
0x21: {  	s19 =	sor.u32 s21, s19  }
0x22: {  	[tilespmem:s19+$0xA000] =	vst v0  }
0x23: {  	[spmem:s6] =	stream.linear.scatter [tilespmem:s16], [sflag:$0x5], $0x2000, $0x38;
	[tilespmem:$0x1C000] =	vst v63  }
0x24: {  	_ =	swait.ge [sflag:s14], $0x2000  }
0x25: {  	[sflag:s14] =	ssyncset.done $0x0  }
0x26: {  	[sflag:s14] =	ssyncadd.s32 $0xFFFFE000  }
0x27: {  	[spmem:s7] =	stream.linear.scatter [tilespmem:s16], [sflag:$0x5], $0x2000, $0x38;
	[tilespmem:$0x1C000] =	vst v63  }
0x28: {  	_ =	swait.ge [sflag:s14], $0x2000  }
0x29: {  	[sflag:s14] =	ssyncset.done $0x0  }
0x2a: {  	[sflag:s14] =	ssyncadd.s32 $0xFFFFE000  }
0x2b: {  	[spmem:s8] =	stream.linear.scatter [tilespmem:s16], [sflag:$0x5], $0x2000, $0x38;
	[tilespmem:$0x1C000] =	vst v63  }
0x2c: {  	_ =	swait.ge [sflag:s14], $0x2000  }
0x2d: {  	[sflag:s14] =	ssyncset.done $0x0  }
0x2e: {  	[sflag:s14] =	ssyncadd.s32 $0xFFFFE000  }
0x2f: {  	[spmem:s9] =	stream.linear.scatter [tilespmem:s16], [sflag:$0x5], $0x2000, $0x38;
	[tilespmem:$0x1C000] =	vst v63  }
0x30: {  	_ =	swait.ge [sflag:s14], $0x2000  }
0x31: {  	[sflag:s14] =	ssyncset.done $0x0  }
0x32: {  	[sflag:s14] =	ssyncadd.s32 $0xFFFFE000  }
0x33: {  	[spmem:s10] =	stream.linear.scatter [tilespmem:s16], [sflag:$0x5], $0x2000, $0x38;
	[tilespmem:$0x1C000] =	vst v63  }
0x34: {  	_ =	swait.ge [sflag:s14], $0x2000  }
0x35: {  	[sflag:s14] =	ssyncset.done $0x0  }
0x36: {  	s0 =	simm.s32 $0x0;
	[sflag:s14] =	ssyncadd.s32 $0xFFFFE000  }
0x37: {  	[tilespmem:s16], [sflag:$0x1] =	stream.indirect.gather [hbm4b:s11+s17], $0x40, s0, s17, $0xb8;
	[tilespmem:$0x1C000] =	vst v63  }
0x38: {  	_ = 	snop  }
0x39: {  	[tilespmem:s18], [sflag:$0x2] =	stream.indirect.gather [hbm4b:s11+s17], $0x40, s17, s17, $0xb8;
	[tilespmem:$0x1C000] =	vst v63  }
0x3a: {  	s15 =	simm.s32 $0x100  }
0x3b: {  	[tilespmem:s20], [sflag:$0x3] =	stream.indirect.gather [hbm4b:s11+s17], $0x40, s15, s17, $0xb8;
	[tilespmem:$0x1C000] =	vst v63  }
0x3c: {  	s19 =	simm.s32 $0x180  }
0x3d: {  	[tilespmem:s22], [sflag:$0x4] =	stream.indirect.gather [hbm4b:s11+s17], $0x40, s19, s17, $0xb8;
	[tilespmem:$0x1C000] =	vst v63  }
0x3e: {  	[bflag:$0x0] =	sbarrier.arrive $0xFFFF  }
0x3f: {  	_ =	swait.ge [sflag:s23], $0x2000  }
0x40: {  	[sflag:s23] =	ssyncset.done $0x0  }
0x41: {  	s21 =	simm.s32 $0x5000;
	[sflag:s23] =	ssyncadd.s32 $0xFFFFE000  }
0x42: {  	[spmem:s2] =	stream.indirect.scatter.add.f32 [tilespmem:s16], [sflag:$0x5], $0x40, s21, s17, $0xb8;
	[tilespmem:$0x1C000] =	vst v63  }
0x43: {  	_ =	swait.ge [sflag:s14], $0x2000  }
0x44: {  	[sflag:s14] =	ssyncset.done $0x0  }
0x45: {  	s15 =	simm.s32 $0x200;
	[sflag:s14] =	ssyncadd.s32 $0xFFFFE000  }
0x46: {  	[tilespmem:s16], [sflag:$0x1] =	stream.indirect.gather [hbm4b:s11+s17], $0x40, s15, s17, $0xb8;
	[tilespmem:$0x1C000] =	vst v63  }
0x47: {  	_ =	swait.ge [sflag:s24], $0x2000  }
0x48: {  	[sflag:s24] =	ssyncset.done $0x0  }
0x49: {  	s19 =	simm.s32 $0x5080;
	[sflag:s24] =	ssyncadd.s32 $0xFFFFE000  }
0x4a: {  	[spmem:s2] =	stream.indirect.scatter.add.f32 [tilespmem:s18], [sflag:$0x5], $0x40, s19, s17, $0xb8;
	[tilespmem:$0x1C000] =	vst v63  }
0x4b: {  	_ =	swait.ge [sflag:s14], $0x2000  }
0x4c: {  	[sflag:s14] =	ssyncset.done $0x0  }
0x4d: {  	s21 =	simm.s32 $0x280;
	[sflag:s14] =	ssyncadd.s32 $0xFFFFE000  }
0x4e: {  	[tilespmem:s18], [sflag:$0x2] =	stream.indirect.gather [hbm4b:s11+s17], $0x40, s21, s17, $0xb8;
	[tilespmem:$0x1C000] =	vst v63  }
0x4f: {  	_ =	swait.ge [sflag:s25], $0x2000  }
0x50: {  	[sflag:s25] =	ssyncset.done $0x0  }
0x51: {  	s15 =	simm.s32 $0x5100;
	[sflag:s25] =	ssyncadd.s32 $0xFFFFE000  }
0x52: {  	[spmem:s2] =	stream.indirect.scatter.add.f32 [tilespmem:s20], [sflag:$0x5], $0x40, s15, s17, $0xb8;
	[tilespmem:$0x1C000] =	vst v63  }
0x53: {  	_ =	swait.ge [sflag:s14], $0x2000  }
0x54: {  	[sflag:s14] =	ssyncset.done $0x0  }
0x55: {  	s19 =	simm.s32 $0x300;
	[sflag:s14] =	ssyncadd.s32 $0xFFFFE000  }
0x56: {  	[tilespmem:s20], [sflag:$0x3] =	stream.indirect.gather [hbm4b:s11+s17], $0x40, s19, s17, $0xb8;
	[tilespmem:$0x1C000] =	vst v63  }
0x57: {  	_ =	swait.ge [sflag:s26], $0x2000  }
0x58: {  	[sflag:s26] =	ssyncset.done $0x0  }
0x59: {  	s21 =	simm.s32 $0x5180;
	[sflag:s26] =	ssyncadd.s32 $0xFFFFE000  }
0x5a: {  	[spmem:s2] =	stream.indirect.scatter.add.f32 [tilespmem:s22], [sflag:$0x5], $0x40, s21, s17, $0xb8;
	[tilespmem:$0x1C000] =	vst v63  }
0x5b: {  	_ =	swait.ge [sflag:s14], $0x2000  }
0x5c: {  	[sflag:s14] =	ssyncset.done $0x0  }
0x5d: {  	s0 =	simm.s32 $0x800;
	s15 =	simm.s32 $0x380;
	[sflag:s14] =	ssyncadd.s32 $0xFFFFE000  }
.LBB2_4:
0x5e: {  	[tilespmem:s22], [sflag:$0x4] =	stream.indirect.gather [hbm4b:s11+s17], $0x40, s15, s17, $0xb8;
	[tilespmem:$0x1C000] =	vst v63  }
0x5f: {  	s15 =	smov.u32 s0  }
0x60: {  	p0 =	sne.s32 s0, $0x13000;
	s0 =	sadd.s32 $0x800, s0;
	_ =	swait.ge [sflag:s23], $0x2000  }
0x61: {  	s15 =	sshra.s32 s15, $0x2;
	[sflag:s23] =	ssyncset.done $0x0  }
0x62: {  	s19 =	sadd.s32 $0x5000, s15;
	[sflag:s23] =	ssyncadd.s32 $0xFFFFE000  }
0x63: {  	[spmem:s2] =	stream.indirect.scatter.add.f32 [tilespmem:s16], [sflag:$0x5], $0x40, s19, s17, $0xb8;
	[tilespmem:$0x1C000] =	vst v63  }
0x64: {  	_ =	swait.ge [sflag:s14], $0x2000  }
0x65: {  	[sflag:s14] =	ssyncset.done $0x0  }
0x66: {  	s19 =	sadd.s32 $0x200, s15;
	[sflag:s14] =	ssyncadd.s32 $0xFFFFE000  }
0x67: {  	[tilespmem:s16], [sflag:$0x1] =	stream.indirect.gather [hbm4b:s11+s17], $0x40, s19, s17, $0xb8;
	[tilespmem:$0x1C000] =	vst v63  }
0x68: {  	_ =	swait.ge [sflag:s24], $0x2000  }
0x69: {  	[sflag:s24] =	ssyncset.done $0x0  }
0x6a: {  	s19 =	sadd.s32 $0x5080, s15;
	[sflag:s24] =	ssyncadd.s32 $0xFFFFE000  }
0x6b: {  	[spmem:s2] =	stream.indirect.scatter.add.f32 [tilespmem:s18], [sflag:$0x5], $0x40, s19, s17, $0xb8;
	[tilespmem:$0x1C000] =	vst v63  }
0x6c: {  	_ =	swait.ge [sflag:s14], $0x2000  }
0x6d: {  	[sflag:s14] =	ssyncset.done $0x0  }
0x6e: {  	s19 =	sadd.s32 $0x280, s15;
	[sflag:s14] =	ssyncadd.s32 $0xFFFFE000  }
0x6f: {  	[tilespmem:s18], [sflag:$0x2] =	stream.indirect.gather [hbm4b:s11+s17], $0x40, s19, s17, $0xb8;
	[tilespmem:$0x1C000] =	vst v63  }
0x70: {  	_ =	swait.ge [sflag:s25], $0x2000  }
0x71: {  	[sflag:s25] =	ssyncset.done $0x0  }
0x72: {  	s19 =	sadd.s32 $0x5100, s15;
	[sflag:s25] =	ssyncadd.s32 $0xFFFFE000  }
0x73: {  	[spmem:s2] =	stream.indirect.scatter.add.f32 [tilespmem:s20], [sflag:$0x5], $0x40, s19, s17, $0xb8;
	[tilespmem:$0x1C000] =	vst v63  }
0x74: {  	_ =	swait.ge [sflag:s14], $0x2000  }
0x75: {  	[sflag:s14] =	ssyncset.done $0x0  }
0x76: {  	s19 =	sadd.s32 $0x300, s15;
	[sflag:s14] =	ssyncadd.s32 $0xFFFFE000  }
0x77: {  	[tilespmem:s20], [sflag:$0x3] =	stream.indirect.gather [hbm4b:s11+s17], $0x40, s19, s17, $0xb8;
	[tilespmem:$0x1C000] =	vst v63  }
0x78: {  	_ =	swait.ge [sflag:s26], $0x2000  }
0x79: {  	[sflag:s26] =	ssyncset.done $0x0  }
.Ltmp1:
0x7a: {  	s19 =	sadd.s32 $0x5180, s15;
	[sflag:s26] =	ssyncadd.s32 $0xFFFFE000;
	(pc) =	sbr.rel @p0 .LBB2_4-.Ltmp1, $4  }
0x7b: {  	[spmem:s2] =	stream.indirect.scatter.add.f32 [tilespmem:s22], [sflag:$0x5], $0x40, s19, s17, $0xb8;
	[tilespmem:$0x1C000] =	vst v63  }
0x7c: {  	_ =	swait.ge [sflag:s14], $0x2000  }
0x7d: {  	[sflag:s14] =	ssyncset.done $0x0  }
0x7e: {  	s15 =	sadd.s32 $0x380, s15;
	[sflag:s14] =	ssyncadd.s32 $0xFFFFE000  }
0x7f: {  	[tilespmem:s22], [sflag:$0x4] =	stream.indirect.gather [hbm4b:s11+s17], $0x40, s15, s17, $0xb8;
	[tilespmem:$0x1C000] =	vst v63  }
0x80: {  	_ =	swait.ge [sflag:s23], $0x2000  }
0x81: {  	[sflag:s23] =	ssyncset.done $0x0  }
0x82: {  	[sflag:s23] =	ssyncadd.s32 $0xFFFFE000  }
0x83: {  	[spmem:s2] =	stream.indirect.scatter.add.f32 [tilespmem:s16], [sflag:$0x5], $0x40, s28, s17, $0xb8;
	[tilespmem:$0x1C000] =	vst v63  }
0x84: {  	_ =	swait.ge [sflag:s14], $0x2000  }
0x85: {  	[sflag:s14] =	ssyncset.done $0x0  }
0x86: {  	[sflag:s14] =	ssyncadd.s32 $0xFFFFE000  }
0x87: {  	_ =	swait.ge [sflag:s24], $0x2000  }
0x88: {  	[sflag:s24] =	ssyncset.done $0x0  }
0x89: {  	[sflag:s24] =	ssyncadd.s32 $0xFFFFE000  }
0x8a: {  	[spmem:s2] =	stream.indirect.scatter.add.f32 [tilespmem:s18], [sflag:$0x5], $0x40, s29, s17, $0xb8;
	[tilespmem:$0x1C000] =	vst v63  }
0x8b: {  	_ =	swait.ge [sflag:s14], $0x2000  }
0x8c: {  	[sflag:s14] =	ssyncset.done $0x0  }
0x8d: {  	[sflag:s14] =	ssyncadd.s32 $0xFFFFE000  }
0x8e: {  	_ =	swait.ge [sflag:s25], $0x2000  }
0x8f: {  	[sflag:s25] =	ssyncset.done $0x0  }
0x90: {  	[sflag:s25] =	ssyncadd.s32 $0xFFFFE000  }
0x91: {  	[spmem:s2] =	stream.indirect.scatter.add.f32 [tilespmem:s20], [sflag:$0x5], $0x40, s30, s17, $0xb8;
	[tilespmem:$0x1C000] =	vst v63  }
0x92: {  	_ =	swait.ge [sflag:s14], $0x2000  }
0x93: {  	[sflag:s14] =	ssyncset.done $0x0  }
0x94: {  	[sflag:s14] =	ssyncadd.s32 $0xFFFFE000  }
0x95: {  	_ =	swait.ge [sflag:s26], $0x2000  }
0x96: {  	[sflag:s26] =	ssyncset.done $0x0  }
0x97: {  	[sflag:s26] =	ssyncadd.s32 $0xFFFFE000  }
0x98: {  	[spmem:s2] =	stream.indirect.scatter.add.f32 [tilespmem:s22], [sflag:$0x5], $0x40, s31, s17, $0xb8;
	[tilespmem:$0x1C000] =	vst v63  }
0x99: {  	s0 =	stileid.u32;
	_ =	swait.ge [sflag:s14], $0x2000  }
0x9a: {  	s21 =	sshrl.u32 s6, $0x3;
	s1 =	sadd.s32 $0x1, s1;
	[sflag:s14] =	ssyncset.done $0x0  }
0x9b: {  	s0 =	sshll.u32 s0, $0x6;
	p0 =	sne.s32 s1, s13;
	[sflag:s14] =	ssyncadd.s32 $0xFFFFE000  }
.Ltmp2:
0x9c: {  	s0 =	sor.u32 $0x1C05, s0;
	[bflag:$0x0] =	sbarrier.arrive $0xFFFF;
	(pc) =	sbr.rel @p0 .LBB2_1-.Ltmp2, $4  }
0x9d: {  	[hbm:s12], [sflag:s0] =	dma.local [spmem:s21], $0x1400  }
0x9e: {  	_ =	swait.ge [sflag:s14], $0x1400  }
0x9f: {  	[sflag:s14] =	ssyncset.done $0x0  }
0xa0: {  	[sflag:s14] =	ssyncadd.s32 $0xFFFFEC00  }
0xa1: {  	_ =	sfence.sel $0x180000  }
0xa2: {  	[bflag:$0x0] =	sbarrier.arrive $0xFFFF  }
0xa3: {  	_ =	strace $0x9000004A  }
0xa4: {  	s0 =	stileid.u32;
	[bflag:$0x2] =	sbarrier.arrive $0xFFFF  }
0xa5: {  	p0 =	sne.s32 s0, $0x0;
	s0 =	rddreg [dreg:$0x3]  }
0xa6: {  	s0 =	sadd.s32 @!p0 $0x100000, s0  }
0xa7: {  	[sflag:s0] =	ssyncadd.tile.s32 @!p0 $0x1;
	_ =	shalt  }
.Lfunc_end2:
_tile_overlayer_lowered:
.L_overlay_start_2:
0xa8: {  	(tag) =	ssettag $0x2  }
0xa9: {  	s0 =	rddreg [dreg:$0x0];
	s2 =	stileid.u32  }
0xaa: {  	s1 =	rddreg [dreg:$0x1];
	p0 =	sne.s32 s2, $0x0  }
0xab: {  	s3 =	rddreg [dreg:$0x2];
	[bflag:$0x3] =	sbarrier.arrive $0xFFFF;
	s2 =	simm.s32 @!p0 $0x1C05  }
0xac: {  	[timem:s3], [sflag:s2] =	dma.local @!p0 [hbm:s0], s1  }
0xad: {  	s0 =	simm.s32 @!p0 $0x5  }
0xae: {  	_ =	swait.ge @!p0 [sflag:s0], s1  }
0xaf: {  	s1 =	ssub.s32 @!p0 $0x0, s1;
	[sflag:s0] =	ssyncset.done @!p0 $0x0  }
0xb0: {  	[sflag:s0] =	ssyncadd.s32 @!p0 s1  }
0xb1: {  	[bflag:$0x3] =	sbarrier.arrive $0xFFFF  }
0xb2: {  	_ =	shalt  }

// kernel: kernel.7.cloned.1.call-start
scs
__scs_entry_jumppad:
0x0: {  	(pc) =	sbr.rel $0x88, $3  }
0x1: {  	(tag) =	ssettag $0x0;
	lr =	simm.s32 $0x1  }
0x2: {  	[smem:$0x3F9B] =	sst lr;
	_ =	strace $0xD0000000  }
0x3: {  	_ = 	snop  }
0x4: {  	_ = 	snop  }
0x5: {  	_ = 	snop  }
0x6: {  	_ = 	snop  }
0x7: {  	_ = 	snop  }
__scs_overlays_trampoline_lowered:
0x8: {  	[smem:$0x3FAA] =	sst s0  }
0x9: {  	[smem:$0x3FAB] =	sst s1  }
0xa: {  	[smem:$0x3FAC] =	sst s2  }
0xb: {  	[smem:$0x3FAD] =	sst s3  }
0xc: {  	[smem:$0x3FAE] =	sst s4  }
0xd: {  	[smem:$0x3FAF] =	sst s5  }
0xe: {  	[smem:$0x3FB0] =	sst s6  }
0xf: {  	[smem:$0x3FB1] =	sst s7  }
0x10: {  	[smem:$0x3FB2] =	sst s8  }
0x11: {  	[smem:$0x3FB3] =	sst s9;
	s0 =	simm.s32 @!p0 $0x0  }
0x12: {  	s1 =	sld [smem:$0x3F99];
	s0 =	simm.s32 @p0 $0x1  }
0x13: {  	[smem:$0x3FB4] =	sst s0;
	s0 =	simm.s32 @!p1 $0x0  }
0x14: {  	s2 =	sld [smem:$0x3F98];
	s0 =	simm.s32 @p1 $0x1  }
0x15: {  	[smem:$0x3FB5] =	sst s0;
	s0 =	simm.s32 @!p2 $0x0  }
0x16: {  	s3 =	sld [smem:$0x3FDB];
	s0 =	simm.s32 @p2 $0x1  }
0x17: {  	s4 =	simm.s32 $0x1BF5;
	[smem:$0x3FB7] =	sst s0  }
0x18: {  	s0 =	sld [smem:$0x3F9A];
	_ =	swait.ge [sflag:s4], $0x0  }
0x19: {  	s7 =	sld [smem:$0x3F9B]  }
0x1a: {  	s8 =	sadd.s32 $0xFFFFE003, lr  }
0x1b: {  	s9 =	sadd.s32 $0xFFFFFEF7, lr;
	s5 =	simm.s32 $0xFFFFFFFF;
	p2 =	slt.u32 s8, $0xFFFFF086  }
0x1c: {  	p1 =	slt.u32 s9, $0xF7A;
	s5 =	simm.s32 @!p2 $0x0  }
0x1d: {  	s5 =	simm.s32 @p1 $0x1;
	p0 =	seq.s32 s7, s2  }
0x1e: {  	s7 =	smul.u32 @!p0 $0xF7A, s2;
	p2 =	seq.s32 @!p0 s5, $0x0  }
0x1f: {  	s9 =	smul.u32 $0xF7A, s1;
	s8 =	simm.s32 @!p0 $0x1BF5;
	p2 =	por !p2, p0  }
0x20: {  	[sflag:s8] =	ssyncset.s32 @!p0 $0xFFFFF086;
	s6 =	sadd.s32 @!p0 s3, s7;
	s7 =	simm.s32 @!p0 $0x108  }
0x21: {  	s3 =	sadd.s32 s3, s9;
	s6 =	sadd.s32 @!p0 $0x88, s6;
	s7 =	simm.s32 @p2 $0x1082  }
0x22: {  	[simem:s7], [sflag:s8] =	dma.local @!p0 [hbm:s6], $0xF7A  }
0x23: {  	s9 =	sor.u32 $0xD0000000, s2;
	s6 =	simm.s32 $0x108;
	_ =	swait.ge @!p0 [sflag:s8], $0x0  }
0x24: {  	s3 =	sadd.s32 $0x88, s3;
	s6 =	simm.s32 @!p1 $0x1082;
	[sflag:s4] =	ssyncset.s32 $0xFFFFF086  }
0x25: {  	[simem:s6], [sflag:s4] =	dma.local [hbm:s3], $0xF7A  }
0x26: {  	[smem:$0x3F9B] =	sst s1;
	(tag) =	ssettag s2;
	_ =	strace s9  }
0x27: {  	s1 =	sld [smem:$0x3FAB]  }
0x28: {  	s2 =	sld [smem:$0x3FAC]  }
0x29: {  	s4 =	sld [smem:$0x3FAE]  }
0x2a: {  	p0 =	seq.s32 s5, $0x0;
	s5 =	sld [smem:$0x3FAF]  }
0x2b: {  	s6 =	sld [smem:$0x3FB0]  }
0x2c: {  	s7 =	sld [smem:$0x3FB1]  }
0x2d: {  	s3 =	simm.s32 $0x108;
	s8 =	sld [smem:$0x3FB2]  }
0x2e: {  	s3 =	simm.s32 @!p0 $0x1082;
	s9 =	sld [smem:$0x3FB3]  }
0x2f: {  	lr =	sadd.s32 s0, s3;
	s0 =	sld [smem:$0x3FAA]  }
0x30: {  	s3 =	sld [smem:$0x3FAD]  }
0x31: {  	[smem:$0x3FB6] =	sst s10  }
0x32: {  	s10 =	sld [smem:$0x3FB4];
	_ =	sdelay $0x3  }
0x33: {  	p0 =	seq.s32 s10, $0x1;
	s10 =	sld [smem:$0x3FB6];
	_ =	sdelay $0x3  }
0x34: {  	[smem:$0x3FB6] =	sst s10  }
0x35: {  	s10 =	sld [smem:$0x3FB5];
	_ =	sdelay $0x3  }
0x36: {  	p1 =	seq.s32 s10, $0x1;
	s10 =	sld [smem:$0x3FB6];
	_ =	sdelay $0x3  }
0x37: {  	[smem:$0x3FB6] =	sst s10  }
0x38: {  	s10 =	sld [smem:$0x3FB7]  }
0x39: {  	_ = 	snop;
	(pc) =	sbr.ind lr, $3  }
0x3a: {  	_ = 	snop  }
0x3b: {  	_ = 	snop  }
0x3c: {  	p2 =	seq.s32 s10, $0x1;
	s10 =	sld [smem:$0x3FB6]  }
0x3d: {  	_ =	shalt  }
0x3e: {  	_ =	shalt  }
0x3f: {  	_ =	shalt  }
0x40: {  	_ =	shalt  }
0x41: {  	_ =	shalt  }
0x42: {  	_ =	shalt  }
0x43: {  	_ =	shalt  }
0x44: {  	_ =	shalt  }
0x45: {  	_ =	shalt  }
0x46: {  	_ =	shalt  }
0x47: {  	_ =	shalt  }
0x48: {  	_ =	shalt  }
0x49: {  	_ =	shalt  }
0x4a: {  	_ =	shalt  }
0x4b: {  	_ =	shalt  }
0x4c: {  	_ =	shalt  }
0x4d: {  	_ =	shalt  }
0x4e: {  	_ =	shalt  }
0x4f: {  	_ =	shalt  }
0x50: {  	_ =	shalt  }
0x51: {  	_ =	shalt  }
0x52: {  	_ =	shalt  }
0x53: {  	_ =	shalt  }
0x54: {  	_ =	shalt  }
0x55: {  	_ =	shalt  }
0x56: {  	_ =	shalt  }
0x57: {  	_ =	shalt  }
0x58: {  	_ =	shalt  }
0x59: {  	_ =	shalt  }
0x5a: {  	_ =	shalt  }
0x5b: {  	_ =	shalt  }
0x5c: {  	_ =	shalt  }
0x5d: {  	_ =	shalt  }
0x5e: {  	_ =	shalt  }
0x5f: {  	_ =	shalt  }
0x60: {  	_ =	shalt  }
0x61: {  	_ =	shalt  }
0x62: {  	_ =	shalt  }
0x63: {  	_ =	shalt  }
0x64: {  	_ =	shalt  }
0x65: {  	_ =	shalt  }
0x66: {  	_ =	shalt  }
0x67: {  	_ =	shalt  }
0x68: {  	_ =	shalt  }
0x69: {  	_ =	shalt  }
0x6a: {  	_ =	shalt  }
0x6b: {  	_ =	shalt  }
0x6c: {  	_ =	shalt  }
0x6d: {  	_ =	shalt  }
0x6e: {  	_ =	shalt  }
0x6f: {  	_ =	shalt  }
0x70: {  	_ =	shalt  }
0x71: {  	_ =	shalt  }
0x72: {  	_ =	shalt  }
0x73: {  	_ =	shalt  }
0x74: {  	_ =	shalt  }
0x75: {  	_ =	shalt  }
0x76: {  	_ =	shalt  }
0x77: {  	_ =	shalt  }
0x78: {  	_ =	shalt  }
0x79: {  	_ =	shalt  }
0x7a: {  	_ =	shalt  }
0x7b: {  	_ =	shalt  }
0x7c: {  	_ =	shalt  }
0x7d: {  	_ =	shalt  }
0x7e: {  	_ =	shalt  }
0x7f: {  	_ =	shalt  }
0x80: {  	_ =	shalt  }
0x81: {  	_ =	shalt  }
0x82: {  	_ =	shalt  }
0x83: {  	_ =	shalt  }
0x84: {  	_ =	shalt  }
0x85: {  	_ =	shalt  }
0x86: {  	_ =	shalt  }
0x87: {  	_ =	shalt  }
.Lfunc_end0:
.L_simem_size_0:
called_computation_lowered:
.L_overlay_start_0:
0x88: {  	s2 =	sld [smem:$0x3FD9]  }
0x89: {  	s3 =	sld [smem:$0x3FFE];
	_ =	sdelay $0x1  }
0x8a: {  	s1 =	srdreg.scid  }
0x8b: {  	s0 =	sand.u32 $0x1, s1  }
0x8c: {  	s17 =	sshll.u32 s0, $0xA;
	s2 =	sadd.s32 s3, s2  }
0x8d: {  	s2 =	sadd.s32 s2, s17  }
0x8e: {  	[smem:$0x3FC2] =	sst s2  }
0x8f: {  	_ = 	snop  }
0x90: {  	s2 =	sld [smem:$0x3FD0];
	(tm) =	ssettm $0x1  }
0x91: {  	s18 =	sld [smem:$0x3FFB];
	_ =	sdelay $0x3  }
0x92: {  	_ =	strace s18  }
0x93: {  	s3 =	sld [smem:$0x3FFC];
	_ =	sdelay $0x3  }
0x94: {  	_ =	strace s3  }
0x95: {  	s3 =	sld [smem:$0x3FFD];
	_ =	sdelay $0x3  }
0x96: {  	_ =	strace s3  }
0x97: {  	_ =	strace $0x8FFFFFFF  }
0x98: {  	s19 =	sld [smem:$0x3FDB];
	_ =	sdelay $0x1  }
0x99: {  	s4 =	simm.s32 $_scs_section_size  }
0x9a: {  	s5 =	simm.s32 $_size__tile_overlayer_lowered;
	s6 =	simm.s32 $_tile_overlayer_lowered  }
0x9b: {  	s22 =	simm.s32 $0x1BFF;
	s21 =	sshll.u32 s6, $0x1;
	s3 =	sadd.s32 s4, s19  }
0x9c: {  	s7 =	simm.s32 $0x0;
	s20 =	sshll.u32 s5, $0x1;
	s5 =	sadd.s32 s21, s3  }
0x9d: {  	[timem:s7], [sflag:s22] =	dma.local [hbm:s5], s20  }
0x9e: {  	_ =	swait.ge [sflag:s22], s20  }
0x9f: {  	s4 =	ssub.s32 $0x0, s20;
	[sflag:s22] =	ssyncset.done $0x0  }
0xa0: {  	[sflag:s22] =	ssyncadd.s32 s4;
	_ =	sdelay $0x1  }
0xa1: {  	s23 =	simm.s32 $0x1B8B  }
0xa2: {  	_ =	swait.ge [sflag:s23], $0x1  }
0xa3: {  	[sflag:s23] =	ssyncset.done $0x0  }
0xa4: {  	s25 =	simm.s32 $0x1B8E;
	s24 =	sld [smem:$0x3FFE];
	[sflag:s23] =	ssyncadd.s32 $0xFFFFFFFF  }
0xa5: {  	s26 =	simm.s32 $execute0_lowered;
	[smem:$0x3FD2] =	sst s25  }
0xa6: {  	s5 =	sshll.u32 s26, $0x1;
	_ =	strace $0x80000046;
	[dreg:$0x1] =	wrdreg $0xFFFFFFFF  }
0xa7: {  	s28 =	simm.s32 $_size_execute0_lowered;
	s3 =	sadd.s32 s3, s5;
	[dreg:$0x0] =	wrdreg $0x0  }
0xa8: {  	s5 =	sshll.u32 s28, $0x1;
	[dreg:$0x2] =	wrdreg s3  }
0xa9: {  	[dreg:$0x3] =	wrdreg s5  }
0xaa: {  	[dreg:$0x4] =	wrdreg $0xC0  }
0xab: {  	_ =	task [dreg:s7], $0x5FFFF  }
0xac: {  	[dreg:$0x1] =	wrdreg $0xFFFFFFFF  }
0xad: {  	[dreg:$0x0] =	wrdreg $0x60  }
0xae: {  	[dreg:$0x2] =	wrdreg s24  }
0xaf: {  	[dreg:$0x3] =	wrdreg s2  }
0xb0: {  	[dreg:$0x4] =	wrdreg $0x1EAD00  }
0xb1: {  	[dreg:$0x5] =	wrdreg $0x14AD00  }
0xb2: {  	[dreg:$0x6] =	wrdreg $0x9  }
0xb3: {  	_ =	task.clear_ibuf [dreg:s7], $0x7FFFF;
	_ =	strace $0x90000046  }
0xb4: {  	s29 =	simm.s32 $0x9;
	_ =	strace $0x80000048  }
0xb5: {  	_ =	swait.ge [sflag:s29], $0x1  }
0xb6: {  	[sflag:s29] =	ssyncadd.s32 $0xFFFFFFFF  }
0xb7: {  	_ =	strace $0x90000048  }
0xb8: {  	_ =	sfence  }
0xb9: {  	s30 =	sld [smem:$0x0];
	_ =	sdelay $0x2  }
0xba: {  	s31 =	sshll.u32 s1, $0xD;
	s1 =	sshrl.u32 s1, $0x2  }
0xbb: {  	s3 =	sand.u32 $0x4000, s31;
	s1 =	sadd.s32 s1, s30  }
0xbc: {  	s0 =	sor.u32 s3, s0;
	s1 =	sshll.u32 s1, $0x11  }
0xbd: {  	s0 =	sor.u32 s1, s0  }
0xbe: {  	s0 =	sadd.s32 $0x8F2B, s0  }
0xbf: {  	[sflag:s0] =	ssyncadd.remote.s32 $0x1  }
0xc0: {  	_ =	sfence.sel $0xFFFF  }
0xc1: {  	[dreg:$0x0] =	wrdreg $0xFFFFFFFF;
	(pc) =	sbr.abs _section_cstart, $3  }
0xc2: {  	[dreg:$0x1] =	wrdreg $0xFFFFFFFF  }
0xc3: {  	_ =	task.clear_ibuf [dreg:s7], $0x2FFFF;
	_ =	strace $0x9FFFFFFF  }
0xc4: {  	(tm) =	ssettm $0x7FFFFFFF  }
0xc5: {  	_ =	shalt  }
tec
execute0_lowered:
.L_overlay_start_1:
0x0: {  	(tag) =	ssettag $0x1  }
0x1: {  	s8 =	stileid.u32;
	s2 =	rddreg [dreg:$0x0]  }
0x2: {  	s1 =	srdreg.scid;
	s5 =	rddreg [dreg:$0x1]  }
0x3: {  	s26 =	rddreg [dreg:$0x2];
	s28 =	simm.s32 $0x5;
	s30 =	simm.s32 $0x12000  }
0x4: {  	s31 =	simm.s32 $0xA000;
	s29 =	simm.s32 $0xC000;
	s0 =	smul.u32 $0xA00, s8  }
0x5: {  	s3 =	sand.u32 $0x1, s1;
	s4 =	smul.u32 $0xA000, s8;
	s1 =	simm.s32 $0x0  }
0x6: {  	s8 =	smul.u32 $0x280, s8;
	s9 =	sadd.s32 $0x1600, s2;
	s10 =	sadd.s32 $0x33C00, s2  }
0x7: {  	s6 =	smul.u32 $0xA0000, s3;
	[smem:$0x7FF] =	sst s1;
	s13 =	ssub.s32 $0x2, s3  }
0x8: {  	p0 =	sne.s32 s3, $0x0;
	s3 =	simm.s32 $0x1;
	s7 =	sadd.s32 s0, s2  }
0x9: {  	s12 =	sshrl.u32 s8, $0x3;
	s16 =	sshrl.u32 s13, $0x1;
	s0 =	sadd.s32 s5, s0  }
0xa: {  	s5 =	sadd.s32 $0x4000, s4;
	s23 =	sadd.s32 $0x8000, s4;
	s11 =	sadd.s32 s4, s6  }
0xb: {  	[dreg:$0x5] =	wrdreg s0;
	s0 =	sadd.s32 $0x2000, s4;
	s18 =	sadd.s32 s6, s5  }
0xc: {  	s21 =	sadd.s32 s6, s23;
	s11 =	sshrl.u32 s11, $0x3;
	s14 =	sadd.s32 s6, s0  }
0xd: {  	s24 =	sshrl.u32 s21, $0x3;
	s25 =	sadd.s32 s11, s2;
	s2 =	sadd.s32 s12, s2  }
0xe: {  	s12 =	ssub.s32 s13, s16;
	s13 =	sadd.s32 $0x6000, s4;
	s15 =	sadd.s32 s9, s11  }
0xf: {  	s14 =	sshrl.u32 s14, $0x3;
	s11 =	sadd.s32 s10, s11;
	[dreg:$0x6] =	wrdreg s15  }
0x10: {  	[dreg:$0x7] =	wrdreg s11;
	s17 =	sadd.s32 s9, s14;
	s14 =	sadd.s32 s10, s14  }
0x11: {  	s11 =	sshrl.u32 s18, $0x3;
	s19 =	sadd.s32 s6, s13;
	s6 =	sshrl.u32 s6, $0x3  }
0x12: {  	s15 =	rddreg [dreg:$0x3];
	s18 =	sadd.s32 s8, s26;
	s25 =	sadd.s32 $0x5BC00, s25  }
0x13: {  	s26 =	smax.u32 s12, $0x1;
	s12 =	simm.s32 $0x14800;
	[dreg:$0x8] =	wrdreg s17  }
0x14: {  	[dreg:$0x9] =	wrdreg s14;
	s20 =	sadd.s32 s9, s11;
	s14 =	sshrl.u32 s19, $0x3  }
0x15: {  	s11 =	sadd.s32 s10, s11;
	s16 =	sadd.s32 s10, s6;
	s17 =	sadd.s32 $0x29600, s7  }
0x16: {  	s19 =	sadd.s32 s4, s15;
	s21 =	sadd.s32 s5, s15;
	s23 =	sadd.s32 s23, s15  }
0x17: {  	s4 =	simm.s32 $0x2;
	s5 =	simm.s32 $0x3;
	[dreg:$0xa] =	wrdreg s20  }
0x18: {  	s6 =	simm.s32 $0x4;
	[dreg:$0xb] =	wrdreg s11;
	s22 =	sadd.s32 s9, s14  }
0x19: {  	s7 =	simm.s32 $0x0;
	s14 =	sadd.s32 s10, s14;
	[dreg:$0xc] =	wrdreg s22  }
0x1a: {  	s9 =	sadd.s32 s9, s24;
	s11 =	sadd.s32 s10, s24;
	[dreg:$0xd] =	wrdreg s14  }
0x1b: {  	v0 =	vlaneseq.u32;
	s20 =	sadd.s32 s0, s15;
	s24 =	sadd.s32 $0x33600, s2;
	[dreg:$0xe] =	wrdreg s9  }
0x1c: {  	v1 =	vimm.f32 $0.0e+00;
	v6 =	vimm.f32 $1.000000000e+00;
	v2 =	vor.u32 $0x10, v0;
	s0 =	simm.s32 $0xE000;
	s2 =	simm.s32 $0x10000;
	[dreg:$0xf] =	wrdreg s11  }
0x1d: {  	v3 =	vor.u32 $0x20, v0;
	v4 =	vor.u32 $0x30, v0;
	v5 =	vor.u32 $0x40, v0;
	s22 =	sadd.s32 s13, s15;
	s13 =	simm.s32 $0x80;
	_ =	strace $0x80000047  }
.LBB2_1:
0x1e: {  	[tilespmem:s1], [sflag:$0x5] =	stream.linear.gather [hbm4b:s17+s1], $0x5000, $0x38;
	[tilespmem:$0x1ED50] =	vst v63  }
0x1f: {  	_ =	swait.ge [sflag:s28], $0x5000  }
0x20: {  	s9 =	simm.s32 $0x5000;
	[sflag:s28] =	ssyncset.done $0x0  }
0x21: {  	s11 =	sand.u32 $0xFE00, s1;
	s8 =	rddreg [dreg:$0x5];
	[sflag:s28] =	ssyncadd.s32 $0xFFFFB000  }
0x22: {  	[tilespmem:s9], [sflag:$0x5] =	stream.linear.gather [hbm4b:s8+s1], $0x5000, $0x38;
	[tilespmem:$0x1ED50] =	vst v63  }
0x23: {  	s14 =	sand.u32 $0x70, s1;
	s10 =	sshrl.u32 s11, $0x2;
	_ =	swait.ge [sflag:s28], $0x5000  }
0x24: {  	s10 =	sor.u32 s14, s10;
	[sflag:s28] =	ssyncset.done $0x0  }
0x25: {  	s8 =	simm.s32 $0x40;
	s9 =	simm.s32 $0x0;
	[sflag:s28] =	ssyncadd.s32 $0xFFFFB000  }
.LBB2_2:
0x26: {  	p1 =	sne.s32 s8, $0x9FC0  }
0x27: {  	[tilespmem:s10+$0x12000] =	vst v1;
	s9 =	sadd.s32 $0x10, s9;
	s10 =	smov.u32 s8;
	s8 =	sadd.s32 $0x40, s8  }
.Ltmp0:
0x28: {  	(pc) =	sbr.rel @p1 .LBB2_2-.Ltmp0, $4  }
0x29: {  	_ = 	snop  }
0x2a: {  	s10 =	sand.u32 $0xFE00, s10  }
0x2b: {  	s11 =	sand.u32 $0x70, s9;
	s10 =	sshrl.u32 s10, $0x2  }
0x2c: {  	s10 =	sor.u32 s11, s10  }
0x2d: {  	[tilespmem:s10+$0x12000] =	vst v1;
	s8 =	simm.s32 $0x0  }
0x2e: {  	[spmem:s18] =	stream.linear.scatter [tilespmem:s30], [sflag:$0x5], $0x280, $0x38;
	[tilespmem:$0x1ED50] =	vst v63  }
0x2f: {  	s9 =	sand.u32 $0x7F00, s8;
	_ =	swait.ge [sflag:s28], $0x280  }
0x30: {  	s14 =	sand.u32 $0x30, s8;
	s11 =	sshrl.u32 s9, $0x2;
	[sflag:s28] =	ssyncset.done $0x0  }
0x31: {  	s9 =	simm.s32 $0x40;
	s10 =	sor.u32 s14, s11;
	[sflag:s28] =	ssyncadd.s32 $0xFFFFFD80  }
.LBB2_4:
0x32: {  	p1 =	sne.s32 s9, $0x7FC0  }
0x33: {  	[tilespmem:s10+$0xA000] =	vst v1;
	s8 =	sadd.s32 $0x10, s8;
	s10 =	smov.u32 s9;
	s9 =	sadd.s32 $0x40, s9  }
.Ltmp1:
0x34: {  	(pc) =	sbr.rel @p1 .LBB2_4-.Ltmp1, $4  }
0x35: {  	_ = 	snop  }
0x36: {  	s10 =	sand.u32 $0x7F00, s10  }
0x37: {  	s11 =	sand.u32 $0x30, s8;
	s10 =	sshrl.u32 s10, $0x2  }
0x38: {  	s10 =	sor.u32 s11, s10  }
0x39: {  	[tilespmem:s10+$0xA000] =	vst v1  }
0x3a: {  	[spmem:s19] =	stream.linear.scatter [tilespmem:s31], [sflag:$0x5], $0x2000, $0x38;
	[tilespmem:$0x1ED50] =	vst v63  }
0x3b: {  	_ =	swait.ge [sflag:s28], $0x2000  }
0x3c: {  	[sflag:s28] =	ssyncset.done $0x0  }
0x3d: {  	[sflag:s28] =	ssyncadd.s32 $0xFFFFE000  }
0x3e: {  	[spmem:s20] =	stream.linear.scatter [tilespmem:s31], [sflag:$0x5], $0x2000, $0x38;
	[tilespmem:$0x1ED50] =	vst v63  }
0x3f: {  	_ =	swait.ge [sflag:s28], $0x2000  }
0x40: {  	[sflag:s28] =	ssyncset.done $0x0  }
0x41: {  	[sflag:s28] =	ssyncadd.s32 $0xFFFFE000  }
0x42: {  	[spmem:s21] =	stream.linear.scatter [tilespmem:s31], [sflag:$0x5], $0x2000, $0x38;
	[tilespmem:$0x1ED50] =	vst v63  }
0x43: {  	_ =	swait.ge [sflag:s28], $0x2000  }
0x44: {  	[sflag:s28] =	ssyncset.done $0x0  }
0x45: {  	[sflag:s28] =	ssyncadd.s32 $0xFFFFE000  }
0x46: {  	[spmem:s22] =	stream.linear.scatter [tilespmem:s31], [sflag:$0x5], $0x2000, $0x38;
	[tilespmem:$0x1ED50] =	vst v63  }
0x47: {  	_ =	swait.ge [sflag:s28], $0x2000  }
0x48: {  	[sflag:s28] =	ssyncset.done $0x0  }
0x49: {  	[sflag:s28] =	ssyncadd.s32 $0xFFFFE000  }
0x4a: {  	[spmem:s23] =	stream.linear.scatter [tilespmem:s31], [sflag:$0x5], $0x2000, $0x38;
	[tilespmem:$0x1ED50] =	vst v63  }
0x4b: {  	_ =	swait.ge [sflag:s28], $0x2000  }
0x4c: {  	[sflag:s28] =	ssyncset.done $0x0  }
0x4d: {  	[sflag:s28] =	ssyncadd.s32 $0xFFFFE000  }
0x4e: {  	[tilespmem:$0x14A80] =	vst v0  }
0x4f: {  	[tilespmem:$0x14A90] =	vst v2  }
0x50: {  	s8 =	simm.s32 $0x0;
	[tilespmem:$0x14AA0] =	vst v3  }
0x51: {  	s9 =	sand.u32 $0x1FE00, s8;
	[tilespmem:$0x14AB0] =	vst v4  }
0x52: {  	s8 =	sand.u32 $0x70, s8;
	s9 =	sshrl.u32 s9, $0x2;
	[tilespmem:$0x14AC0] =	vst v5  }
0x53: {  	s8 =	sor.u32 s8, s9;
	[bflag:$0x0] =	sbarrier.arrive $0xFFFF  }
0x54: {  	v7 =	vld [tilespmem:s8+$0x5000];
	_ =	sdelay $0x4  }
0x55: {  	s14 =	simm.s32 $0x40  }
0x56: {  	s10 =	sand.u32 $0x1FE00, s14;
	s9 =	simm.s32 $0x80;
	s8 =	simm.s32 $0x10  }
.LBB2_6:
0x57: {  	p1 =	sne.s32 s9, $0x13FC0;
	s11 =	sand.u32 $0x70, s8;
	s10 =	sshrl.u32 s10, $0x2  }
0x58: {  	s10 =	sor.u32 s11, s10;
	[tilespmem:v7+s30+$0x0] =	vst.idx.add.f32.msk $0xffff, v6  }
0x59: {  	v7 =	vld [tilespmem:s10+$0x5000];
	_ =	sdelay $0x1  }
.Ltmp2:
0x5a: {  	(pc) =	sbr.rel @p1 .LBB2_6-.Ltmp2, $2  }
0x5b: {  	_ =	sdelay $0x2  }
0x5c: {  	s8 =	sadd.s32 $0x10, s8;
	s10 =	sand.u32 $0x1FE00, s9;
	s9 =	sadd.s32 $0x40, s9  }
0x5d: {  	_ =	sdelay $0x2  }
0x5e: {  	s8 =	sand.u32 $0x70, s8;
	s9 =	sshrl.u32 s10, $0x2  }
0x5f: {  	[tilespmem:v7+s30+$0x0] =	vst.idx.add.f32.msk $0xffff, v6;
	s8 =	sor.u32 s8, s9  }
0x60: {  	v7 =	vld [tilespmem:s8+$0x5000];
	_ =	sdelay $0x7  }
0x61: {  	s10 =	rddreg [dreg:$0x2];
	s11 =	simm.s32 $0x50;
	s14 =	simm.s32 $0x14A80;
	[tilespmem:v7+s30+$0x0] =	vst.idx.add.f32.msk $0xffff, v6  }
0x62: {  	[spmem:s10] =	stream.indirect.scatter.add.f32 [tilespmem:s30], [sflag:$0x5], $0x80, s14, s11, $0xb8;
	[tilespmem:$0x1ED50] =	vst v63  }
0x63: {  	_ =	swait.ge [sflag:s28], $0x2800  }
0x64: {  	[sflag:s28] =	ssyncset.done $0x0  }
0x65: {  	[sflag:s28] =	ssyncadd.s32 $0xFFFFD800  }
0x66: {  	s10 =	simm.s32 $0x0;
	[bflag:$0x0] =	sbarrier.arrive $0xFFFF  }
0x67: {  	[tilespmem:s12], [sflag:$0x5] =	stream.linear.gather [spmem:s18], $0x280, $0x38;
	[tilespmem:$0x1ED50] =	vst v63  }
0x68: {  	s11 =	sand.u32 $0xE00, s10;
	_ =	swait.ge [sflag:s28], $0x280  }
0x69: {  	s8 =	sand.u32 $0x70, s10;
	s9 =	sshrl.u32 s11, $0x2;
	[sflag:s28] =	ssyncset.done $0x0  }
0x6a: {  	s8 =	sor.u32 s8, s9;
	[sflag:s28] =	ssyncadd.s32 $0xFFFFFD80  }
0x6b: {  	v7 =	vld [tilespmem:s8+$0x14800];
	_ =	sdelay $0x4  }
0x6c: {  	v7 =	vadd.f32 $1.000000000e+00, v7;
	_ =	sdelay $0x1  }
0x6d: {  	v8 =	vshra.s32 v7, $0x1;
	v7 =	vmul.f32 $5.000000000e-01, v7  }
0x6e: {  	v8 =	vsub.s32 $0x5F3759DF, v8  }
0x6f: {  	v9 =	vmul.f32 v8, v7;
	_ =	sdelay $0x1  }
0x70: {  	v9 =	vmul.f32 v8, v9;
	_ =	sdelay $0x1  }
0x71: {  	v9 =	vsub.f32 $1.500000000e+00, v9;
	_ =	sdelay $0x1  }
0x72: {  	v8 =	vmul.f32 v8, v9;
	_ =	sdelay $0x1  }
0x73: {  	v9 =	vmul.f32 v8, v7;
	_ =	sdelay $0x1  }
0x74: {  	v9 =	vmul.f32 v9, v8;
	_ =	sdelay $0x1  }
0x75: {  	v9 =	vsub.f32 $1.500000000e+00, v9;
	_ =	sdelay $0x1  }
0x76: {  	v8 =	vmul.f32 v9, v8;
	_ =	sdelay $0x1  }
0x77: {  	v7 =	vmul.f32 v8, v7;
	_ =	sdelay $0x1  }
0x78: {  	v7 =	vmul.f32 v7, v8;
	_ =	sdelay $0x1  }
0x79: {  	v7 =	vsub.f32 $1.500000000e+00, v7  }
0x7a: {  	s14 =	simm.s32 $0x40  }
0x7b: {  	s10 =	simm.s32 $0x10;
	s11 =	sand.u32 $0xE00, s14;
	s9 =	simm.s32 $0x80;
	v7 =	vmul.f32 v7, v8  }
.LBB2_8:
0x7c: {  	p1 =	sne.s32 s9, $0x9C0;
	s14 =	sand.u32 $0x70, s10;
	s11 =	sshrl.u32 s11, $0x2  }
0x7d: {  	[tilespmem:s8+$0x14800] =	vst v7;
	s8 =	sor.u32 s14, s11  }
0x7e: {  	v7 =	vld [tilespmem:s8+$0x14800];
	_ =	sdelay $0x4  }
0x7f: {  	v7 =	vadd.f32 $1.000000000e+00, v7;
	_ =	sdelay $0x1  }
0x80: {  	v8 =	vshra.s32 v7, $0x1;
	v7 =	vmul.f32 $5.000000000e-01, v7  }
0x81: {  	v8 =	vsub.s32 $0x5F3759DF, v8  }
0x82: {  	v9 =	vmul.f32 v8, v7;
	_ =	sdelay $0x1  }
0x83: {  	v9 =	vmul.f32 v8, v9;
	_ =	sdelay $0x1  }
0x84: {  	v9 =	vsub.f32 $1.500000000e+00, v9;
	_ =	sdelay $0x1  }
0x85: {  	v8 =	vmul.f32 v8, v9;
	_ =	sdelay $0x1  }
0x86: {  	v9 =	vmul.f32 v8, v7;
	_ =	sdelay $0x1  }
0x87: {  	v9 =	vmul.f32 v9, v8;
	_ =	sdelay $0x1  }
0x88: {  	v9 =	vsub.f32 $1.500000000e+00, v9;
	_ =	sdelay $0x1  }
0x89: {  	v8 =	vmul.f32 v9, v8;
	_ =	sdelay $0x1  }
0x8a: {  	v7 =	vmul.f32 v8, v7;
	_ =	sdelay $0x1  }
.Ltmp3:
0x8b: {  	v7 =	vmul.f32 v7, v8;
	(pc) =	sbr.rel @p1 .LBB2_8-.Ltmp3, $3  }
0x8c: {  	_ = 	snop  }
0x8d: {  	v7 =	vsub.f32 $1.500000000e+00, v7;
	_ =	sdelay $0x1  }
0x8e: {  	s10 =	sadd.s32 $0x10, s10;
	s11 =	sand.u32 $0xE00, s9;
	s9 =	sadd.s32 $0x40, s9;
	v7 =	vmul.f32 v7, v8  }
0x8f: {  	s9 =	sand.u32 $0x70, s10;
	s14 =	sshrl.u32 s11, $0x2  }
0x90: {  	s9 =	sor.u32 s9, s14;
	[tilespmem:s8+$0x14800] =	vst v7  }
0x91: {  	v7 =	vld [tilespmem:s9+$0x14800];
	_ =	sdelay $0x4  }
0x92: {  	v7 =	vadd.f32 $1.000000000e+00, v7;
	_ =	sdelay $0x1  }
0x93: {  	v8 =	vshra.s32 v7, $0x1;
	v7 =	vmul.f32 $5.000000000e-01, v7  }
0x94: {  	v8 =	vsub.s32 $0x5F3759DF, v8  }
0x95: {  	v9 =	vmul.f32 v8, v7;
	_ =	sdelay $0x1  }
0x96: {  	v9 =	vmul.f32 v8, v9;
	_ =	sdelay $0x1  }
0x97: {  	v9 =	vsub.f32 $1.500000000e+00, v9;
	_ =	sdelay $0x1  }
0x98: {  	v8 =	vmul.f32 v8, v9;
	_ =	sdelay $0x1  }
0x99: {  	v9 =	vmul.f32 v8, v7;
	_ =	sdelay $0x1  }
0x9a: {  	v9 =	vmul.f32 v9, v8;
	_ =	sdelay $0x1  }
0x9b: {  	v9 =	vsub.f32 $1.500000000e+00, v9;
	_ =	sdelay $0x1  }
0x9c: {  	v8 =	vmul.f32 v9, v8;
	_ =	sdelay $0x1  }
0x9d: {  	v7 =	vmul.f32 v8, v7;
	_ =	sdelay $0x1  }
0x9e: {  	v7 =	vmul.f32 v7, v8;
	_ =	sdelay $0x1  }
0x9f: {  	v7 =	vsub.f32 $1.500000000e+00, v7;
	_ =	sdelay $0x1  }
0xa0: {  	v7 =	vmul.f32 v7, v8;
	_ =	sdelay $0x1  }
0xa1: {  	s8 =	simm.s32 @!p0 $0x0;
	[tilespmem:s9+$0x14800] =	vst v7;
	s9 =	simm.s32 @!p0 $0x14800  }
0xa2: {  	[hbm4b:s24+s8] =	stream.linear.scatter @!p0 [tilespmem:s9], [sflag:$0x5], $0x280, $0x38;
	[tilespmem:$0x1ED50] =	vst v63  }
0xa3: {  	s8 =	simm.s32 @!p0 $0x5  }
0xa4: {  	_ =	swait.ge @!p0 [sflag:s8], $0x280  }
0xa5: {  	[sflag:s8] =	ssyncset.done @!p0 $0x0  }
0xa6: {  	s10 =	simm.s32 $0x0;
	s11 =	rddreg [dreg:$0x6];
	[sflag:s8] =	ssyncadd.s32 @!p0 $0xFFFFFD80  }
0xa7: {  	[tilespmem:s29], [sflag:$0x5] =	stream.linear.gather [hbm4b:s11+s10], $0x2000, $0x38;
	[tilespmem:$0x1ED50] =	vst v63  }
0xa8: {  	v7 =	vmov s10;
	_ =	swait.ge [sflag:s28], $0x2000  }
0xa9: {  	[sflag:s28] =	ssyncset.done $0x0  }
0xaa: {  	s8 =	simm.s32 $0xC030;
	[sflag:s28] =	ssyncadd.s32 $0xFFFFE000  }
0xab: {  	v8 =	vld [tilespmem:s8+$0xFFFFFFF0]  }
0xac: {  	v9 =	vld [tilespmem:s8+$0xFFFFFFE0]  }
0xad: {  	v12 =	vld.idx.msk [tilespmem:v7+s12+$0x0], $0xffff  }
0xae: {  	v7 =	vld [tilespmem:s8+$0xFFFFFFD0]  }
0xaf: {  	v13 =	vld [tilespmem:s8+$0x0];
	_ =	sdelay $0x3  }
0xb0: {  	s14 =	simm.s32 $0x1;
	v11 =	vmul.f32 v7, v12;
	v9 =	vmul.f32 v9, v12  }
0xb1: {  	s9 =	simm.s32 $0xC030;
	s10 =	simm.s32 $0x2;
	v7 =	vmov s14;
	v10 =	vmul.f32 v8, v12;
	v8 =	vmul.f32 v13, v12  }
.LBB2_10:
0xb2: {  	p1 =	sne.s32 s10, $0x7F;
	[tilespmem:s8+$0xFFFFFFD0] =	vst v11  }
0xb3: {  	s8 =	sadd.s32 $0x40, s8;
	[tilespmem:s9+$0xFFFFFFE0] =	vst v9  }
0xb4: {  	v12 =	vld [tilespmem:s8+$0xFFFFFFF0];
	[tilespmem:s9+$0xFFFFFFF0] =	vst v10  }
0xb5: {  	v9 =	vld [tilespmem:s8+$0xFFFFFFE0];
	[tilespmem:s9+$0x0] =	vst v8;
	s9 =	smov.u32 s8  }
0xb6: {  	v8 =	vld.idx.msk [tilespmem:v7+s12+$0x0], $0xffff  }
0xb7: {  	v7 =	vld [tilespmem:s8+$0xFFFFFFD0]  }
0xb8: {  	v13 =	vld [tilespmem:s8+$0x0]  }
.Ltmp4:
0xb9: {  	(pc) =	sbr.rel @p1 .LBB2_10-.Ltmp4, $3  }
0xba: {  	_ =	sdelay $0x1  }
0xbb: {  	v9 =	vmul.f32 v9, v8;
	v11 =	vmul.f32 v7, v8  }
0xbc: {  	v10 =	vmul.f32 v12, v8;
	v7 =	vmov s10;
	s10 =	sadd.s32 $0x1, s10;
	v8 =	vmul.f32 v13, v8  }
0xbd: {  	[tilespmem:s8+$0xFFFFFFD0] =	vst v11  }
0xbe: {  	s11 =	sadd.s32 $0x40, s8;
	[tilespmem:s9+$0xFFFFFFE0] =	vst v9  }
0xbf: {  	v9 =	vld [tilespmem:s11+$0xFFFFFFF0];
	[tilespmem:s9+$0xFFFFFFF0] =	vst v10  }
0xc0: {  	v10 =	vld [tilespmem:s11+$0xFFFFFFE0];
	[tilespmem:s9+$0x0] =	vst v8  }
0xc1: {  	v7 =	vld.idx.msk [tilespmem:v7+s12+$0x0], $0xffff  }
0xc2: {  	v8 =	vld [tilespmem:s11+$0xFFFFFFD0];
	_ =	sdelay $0x2  }
0xc3: {  	v11 =	vld [tilespmem:s11+$0x0];
	_ =	sdelay $0x1  }
0xc4: {  	v8 =	vmul.f32 v8, v7  }
0xc5: {  	v10 =	vmul.f32 v10, v7  }
0xc6: {  	v9 =	vmul.f32 v9, v7;
	[tilespmem:s11+$0xFFFFFFD0] =	vst v8  }
0xc7: {  	v7 =	vmul.f32 v11, v7;
	[tilespmem:s11+$0xFFFFFFE0] =	vst v10  }
0xc8: {  	[tilespmem:s11+$0xFFFFFFF0] =	vst v9  }
0xc9: {  	s14 =	simm.s32 $0x0;
	s10 =	rddreg [dreg:$0x7];
	[tilespmem:s11+$0x0] =	vst v7  }
0xca: {  	[hbm4b:s10+s14] =	stream.linear.scatter [tilespmem:s29], [sflag:$0x5], $0x2000, $0x38;
	[tilespmem:$0x1ED50] =	vst v63  }
0xcb: {  	v7 =	vmov s14;
	_ =	swait.ge [sflag:s28], $0x2000  }
0xcc: {  	v7 =	vand.u32 $0x7F, v7;
	[sflag:s28] =	ssyncset.done $0x0  }
0xcd: {  	v7 =	vor.u32 $0x80, v7;
	s11 =	rddreg [dreg:$0x8];
	[sflag:s28] =	ssyncadd.s32 $0xFFFFE000  }
0xce: {  	v8 =	vbroadcast v7, $0x0;
	[tilespmem:s29], [sflag:$0x5] =	stream.linear.gather [hbm4b:s11+s14], $0x2000, $0x38;
	[tilespmem:$0x1ED50] =	vst v63  }
0xcf: {  	_ =	swait.ge [sflag:s28], $0x2000  }
0xd0: {  	[sflag:s28] =	ssyncset.done $0x0  }
0xd1: {  	s8 =	simm.s32 $0xC030;
	[sflag:s28] =	ssyncadd.s32 $0xFFFFE000  }
0xd2: {  	v7 =	vld [tilespmem:s8+$0xFFFFFFF0]  }
0xd3: {  	v9 =	vld [tilespmem:s8+$0xFFFFFFE0]  }
0xd4: {  	v8 =	vld.idx.msk [tilespmem:v8+s12+$0x0], $0xffff  }
0xd5: {  	s14 =	simm.s32 $0x1;
	v11 =	vld [tilespmem:s8+$0xFFFFFFD0]  }
0xd6: {  	v12 =	vmov s14;
	v10 =	vld [tilespmem:s8+$0x0]  }
0xd7: {  	s9 =	simm.s32 $0xC030;
	s10 =	simm.s32 $0x2;
	v12 =	vand.u32 $0x7F, v12  }
.LBB2_12:
0xd8: {  	p1 =	sne.s32 s10, $0x7F;
	v12 =	vor.u32 $0x80, v12  }
0xd9: {  	v12 =	vbroadcast v12, $0x0  }
0xda: {  	v9 =	vmul.f32 v9, v8;
	v11 =	vmul.f32 v11, v8  }
0xdb: {  	v13 =	vmul.f32 v7, v8;
	v8 =	vmul.f32 v10, v8  }
0xdc: {  	[tilespmem:s8+$0xFFFFFFD0] =	vst v11  }
0xdd: {  	s8 =	sadd.s32 $0x40, s8;
	[tilespmem:s9+$0xFFFFFFE0] =	vst v9  }
0xde: {  	v7 =	vld [tilespmem:s8+$0xFFFFFFF0];
	[tilespmem:s9+$0xFFFFFFF0] =	vst v13  }
.Ltmp5:
0xdf: {  	v9 =	vld [tilespmem:s8+$0xFFFFFFE0];
	[tilespmem:s9+$0x0] =	vst v8;
	s9 =	smov.u32 s8;
	(pc) =	sbr.rel @p1 .LBB2_12-.Ltmp5, $4  }
0xe0: {  	v8 =	vld.idx.msk [tilespmem:v12+s12+$0x0], $0xffff  }
0xe1: {  	v11 =	vld [tilespmem:s8+$0xFFFFFFD0]  }
0xe2: {  	v12 =	vmov s10;
	v10 =	vld [tilespmem:s8+$0x0]  }
0xe3: {  	s10 =	sadd.s32 $0x1, s10;
	v12 =	vand.u32 $0x7F, v12  }
0xe4: {  	_ = 	snop  }
0xe5: {  	v12 =	vor.u32 $0x80, v12  }
0xe6: {  	v12 =	vbroadcast v12, $0x0;
	v11 =	vmul.f32 v11, v8  }
0xe7: {  	v9 =	vmul.f32 v9, v8  }
0xe8: {  	v7 =	vmul.f32 v7, v8;
	[tilespmem:s8+$0xFFFFFFD0] =	vst v11  }
0xe9: {  	s11 =	sadd.s32 $0x40, s8;
	v8 =	vmul.f32 v10, v8;
	[tilespmem:s9+$0xFFFFFFE0] =	vst v9  }
0xea: {  	v9 =	vld [tilespmem:s11+$0xFFFFFFF0];
	[tilespmem:s9+$0xFFFFFFF0] =	vst v7  }
0xeb: {  	v7 =	vld [tilespmem:s11+$0xFFFFFFE0];
	[tilespmem:s9+$0x0] =	vst v8  }
0xec: {  	v8 =	vld.idx.msk [tilespmem:v12+s12+$0x0], $0xffff  }
0xed: {  	v10 =	vld [tilespmem:s11+$0xFFFFFFD0];
	_ =	sdelay $0x2  }
0xee: {  	v11 =	vld [tilespmem:s11+$0x0];
	_ =	sdelay $0x1  }
0xef: {  	v10 =	vmul.f32 v10, v8  }
0xf0: {  	v7 =	vmul.f32 v7, v8  }
0xf1: {  	v9 =	vmul.f32 v9, v8;
	[tilespmem:s11+$0xFFFFFFD0] =	vst v10  }
0xf2: {  	v8 =	vmul.f32 v11, v8;
	[tilespmem:s11+$0xFFFFFFE0] =	vst v7  }
0xf3: {  	[tilespmem:s11+$0xFFFFFFF0] =	vst v9  }
0xf4: {  	s14 =	simm.s32 $0x0;
	s10 =	rddreg [dreg:$0x9];
	[tilespmem:s11+$0x0] =	vst v8  }
0xf5: {  	[hbm4b:s10+s14] =	stream.linear.scatter [tilespmem:s29], [sflag:$0x5], $0x2000, $0x38;
	[tilespmem:$0x1ED50] =	vst v63  }
0xf6: {  	v7 =	vmov s14;
	_ =	swait.ge [sflag:s28], $0x2000  }
0xf7: {  	v7 =	vand.u32 $0x7F, v7;
	[sflag:s28] =	ssyncset.done $0x0  }
0xf8: {  	v7 =	vor.u32 $0x100, v7;
	s11 =	rddreg [dreg:$0xa];
	[sflag:s28] =	ssyncadd.s32 $0xFFFFE000  }
0xf9: {  	v8 =	vbroadcast v7, $0x0;
	[tilespmem:s29], [sflag:$0x5] =	stream.linear.gather [hbm4b:s11+s14], $0x2000, $0x38;
	[tilespmem:$0x1ED50] =	vst v63  }
0xfa: {  	_ =	swait.ge [sflag:s28], $0x2000  }
0xfb: {  	[sflag:s28] =	ssyncset.done $0x0  }
0xfc: {  	s8 =	simm.s32 $0xC030;
	[sflag:s28] =	ssyncadd.s32 $0xFFFFE000  }
0xfd: {  	v7 =	vld [tilespmem:s8+$0xFFFFFFF0]  }
0xfe: {  	v9 =	vld [tilespmem:s8+$0xFFFFFFE0]  }
0xff: {  	v8 =	vld.idx.msk [tilespmem:v8+s12+$0x0], $0xffff  }
0x100: {  	s14 =	simm.s32 $0x1;
	v11 =	vld [tilespmem:s8+$0xFFFFFFD0]  }
0x101: {  	v12 =	vmov s14;
	v10 =	vld [tilespmem:s8+$0x0]  }
0x102: {  	s9 =	simm.s32 $0xC030;
	s10 =	simm.s32 $0x2;
	v12 =	vand.u32 $0x7F, v12  }
.LBB2_14:
0x103: {  	p1 =	sne.s32 s10, $0x7F;
	v12 =	vor.u32 $0x100, v12  }
0x104: {  	v12 =	vbroadcast v12, $0x0  }
0x105: {  	v9 =	vmul.f32 v9, v8;
	v11 =	vmul.f32 v11, v8  }
0x106: {  	v13 =	vmul.f32 v7, v8;
	v8 =	vmul.f32 v10, v8  }
0x107: {  	[tilespmem:s8+$0xFFFFFFD0] =	vst v11  }
0x108: {  	s8 =	sadd.s32 $0x40, s8;
	[tilespmem:s9+$0xFFFFFFE0] =	vst v9  }
0x109: {  	v7 =	vld [tilespmem:s8+$0xFFFFFFF0];
	[tilespmem:s9+$0xFFFFFFF0] =	vst v13  }
.Ltmp6:
0x10a: {  	v9 =	vld [tilespmem:s8+$0xFFFFFFE0];
	[tilespmem:s9+$0x0] =	vst v8;
	s9 =	smov.u32 s8;
	(pc) =	sbr.rel @p1 .LBB2_14-.Ltmp6, $4  }
0x10b: {  	v8 =	vld.idx.msk [tilespmem:v12+s12+$0x0], $0xffff  }
0x10c: {  	v11 =	vld [tilespmem:s8+$0xFFFFFFD0]  }
0x10d: {  	v12 =	vmov s10;
	v10 =	vld [tilespmem:s8+$0x0]  }
0x10e: {  	s10 =	sadd.s32 $0x1, s10;
	v12 =	vand.u32 $0x7F, v12  }
0x10f: {  	_ = 	snop  }
0x110: {  	v12 =	vor.u32 $0x100, v12  }
0x111: {  	v12 =	vbroadcast v12, $0x0;
	v11 =	vmul.f32 v11, v8  }
0x112: {  	v9 =	vmul.f32 v9, v8  }
0x113: {  	v7 =	vmul.f32 v7, v8;
	[tilespmem:s8+$0xFFFFFFD0] =	vst v11  }
0x114: {  	s11 =	sadd.s32 $0x40, s8;
	v8 =	vmul.f32 v10, v8;
	[tilespmem:s9+$0xFFFFFFE0] =	vst v9  }
0x115: {  	v9 =	vld [tilespmem:s11+$0xFFFFFFF0];
	[tilespmem:s9+$0xFFFFFFF0] =	vst v7  }
0x116: {  	v7 =	vld [tilespmem:s11+$0xFFFFFFE0];
	[tilespmem:s9+$0x0] =	vst v8  }
0x117: {  	v8 =	vld.idx.msk [tilespmem:v12+s12+$0x0], $0xffff  }
0x118: {  	v10 =	vld [tilespmem:s11+$0xFFFFFFD0];
	_ =	sdelay $0x2  }
0x119: {  	v11 =	vld [tilespmem:s11+$0x0];
	_ =	sdelay $0x1  }
0x11a: {  	v10 =	vmul.f32 v10, v8  }
0x11b: {  	v7 =	vmul.f32 v7, v8  }
0x11c: {  	v9 =	vmul.f32 v9, v8;
	[tilespmem:s11+$0xFFFFFFD0] =	vst v10  }
0x11d: {  	v8 =	vmul.f32 v11, v8;
	[tilespmem:s11+$0xFFFFFFE0] =	vst v7  }
0x11e: {  	[tilespmem:s11+$0xFFFFFFF0] =	vst v9  }
0x11f: {  	s14 =	simm.s32 $0x0;
	s10 =	rddreg [dreg:$0xb];
	[tilespmem:s11+$0x0] =	vst v8  }
0x120: {  	[hbm4b:s10+s14] =	stream.linear.scatter [tilespmem:s29], [sflag:$0x5], $0x2000, $0x38;
	[tilespmem:$0x1ED50] =	vst v63  }
0x121: {  	v7 =	vmov s14;
	_ =	swait.ge [sflag:s28], $0x2000  }
0x122: {  	v7 =	vand.u32 $0x7F, v7;
	[sflag:s28] =	ssyncset.done $0x0  }
0x123: {  	v7 =	vor.u32 $0x180, v7;
	s11 =	rddreg [dreg:$0xc];
	[sflag:s28] =	ssyncadd.s32 $0xFFFFE000  }
0x124: {  	v8 =	vbroadcast v7, $0x0;
	[tilespmem:s29], [sflag:$0x5] =	stream.linear.gather [hbm4b:s11+s14], $0x2000, $0x38;
	[tilespmem:$0x1ED50] =	vst v63  }
0x125: {  	_ =	swait.ge [sflag:s28], $0x2000  }
0x126: {  	[sflag:s28] =	ssyncset.done $0x0  }
0x127: {  	s8 =	simm.s32 $0xC030;
	[sflag:s28] =	ssyncadd.s32 $0xFFFFE000  }
0x128: {  	v7 =	vld [tilespmem:s8+$0xFFFFFFF0]  }
0x129: {  	v9 =	vld [tilespmem:s8+$0xFFFFFFE0]  }
0x12a: {  	v8 =	vld.idx.msk [tilespmem:v8+s12+$0x0], $0xffff  }
0x12b: {  	s14 =	simm.s32 $0x1;
	v11 =	vld [tilespmem:s8+$0xFFFFFFD0]  }
0x12c: {  	v12 =	vmov s14;
	v10 =	vld [tilespmem:s8+$0x0]  }
0x12d: {  	s9 =	simm.s32 $0xC030;
	s10 =	simm.s32 $0x2;
	v12 =	vand.u32 $0x7F, v12  }
.LBB2_16:
0x12e: {  	p1 =	sne.s32 s10, $0x7F;
	v12 =	vor.u32 $0x180, v12  }
0x12f: {  	v12 =	vbroadcast v12, $0x0  }
0x130: {  	v9 =	vmul.f32 v9, v8;
	v11 =	vmul.f32 v11, v8  }
0x131: {  	v13 =	vmul.f32 v7, v8;
	v8 =	vmul.f32 v10, v8  }
0x132: {  	[tilespmem:s8+$0xFFFFFFD0] =	vst v11  }
0x133: {  	s8 =	sadd.s32 $0x40, s8;
	[tilespmem:s9+$0xFFFFFFE0] =	vst v9  }
0x134: {  	v7 =	vld [tilespmem:s8+$0xFFFFFFF0];
	[tilespmem:s9+$0xFFFFFFF0] =	vst v13  }
.Ltmp7:
0x135: {  	v9 =	vld [tilespmem:s8+$0xFFFFFFE0];
	[tilespmem:s9+$0x0] =	vst v8;
	s9 =	smov.u32 s8;
	(pc) =	sbr.rel @p1 .LBB2_16-.Ltmp7, $4  }
0x136: {  	v8 =	vld.idx.msk [tilespmem:v12+s12+$0x0], $0xffff  }
0x137: {  	v11 =	vld [tilespmem:s8+$0xFFFFFFD0]  }
0x138: {  	v12 =	vmov s10;
	v10 =	vld [tilespmem:s8+$0x0]  }
0x139: {  	s10 =	sadd.s32 $0x1, s10;
	v12 =	vand.u32 $0x7F, v12  }
0x13a: {  	_ = 	snop  }
0x13b: {  	v12 =	vor.u32 $0x180, v12  }
0x13c: {  	v12 =	vbroadcast v12, $0x0;
	v11 =	vmul.f32 v11, v8  }
0x13d: {  	v9 =	vmul.f32 v9, v8  }
0x13e: {  	v7 =	vmul.f32 v7, v8;
	[tilespmem:s8+$0xFFFFFFD0] =	vst v11  }
0x13f: {  	s11 =	sadd.s32 $0x40, s8;
	v8 =	vmul.f32 v10, v8;
	[tilespmem:s9+$0xFFFFFFE0] =	vst v9  }
0x140: {  	v9 =	vld [tilespmem:s11+$0xFFFFFFF0];
	[tilespmem:s9+$0xFFFFFFF0] =	vst v7  }
0x141: {  	v7 =	vld [tilespmem:s11+$0xFFFFFFE0];
	[tilespmem:s9+$0x0] =	vst v8  }
0x142: {  	v8 =	vld.idx.msk [tilespmem:v12+s12+$0x0], $0xffff  }
0x143: {  	v10 =	vld [tilespmem:s11+$0xFFFFFFD0];
	_ =	sdelay $0x2  }
0x144: {  	v11 =	vld [tilespmem:s11+$0x0];
	_ =	sdelay $0x1  }
0x145: {  	v10 =	vmul.f32 v10, v8  }
0x146: {  	v7 =	vmul.f32 v7, v8  }
0x147: {  	v9 =	vmul.f32 v9, v8;
	[tilespmem:s11+$0xFFFFFFD0] =	vst v10  }
0x148: {  	v8 =	vmul.f32 v11, v8;
	[tilespmem:s11+$0xFFFFFFE0] =	vst v7  }
0x149: {  	[tilespmem:s11+$0xFFFFFFF0] =	vst v9  }
0x14a: {  	s14 =	simm.s32 $0x0;
	s10 =	rddreg [dreg:$0xd];
	[tilespmem:s11+$0x0] =	vst v8  }
0x14b: {  	[hbm4b:s10+s14] =	stream.linear.scatter [tilespmem:s29], [sflag:$0x5], $0x2000, $0x38;
	[tilespmem:$0x1ED50] =	vst v63  }
0x14c: {  	v7 =	vmov s14;
	_ =	swait.ge [sflag:s28], $0x2000  }
0x14d: {  	v7 =	vand.u32 $0x7F, v7;
	[sflag:s28] =	ssyncset.done $0x0  }
0x14e: {  	v7 =	vor.u32 $0x200, v7;
	s11 =	rddreg [dreg:$0xe];
	[sflag:s28] =	ssyncadd.s32 $0xFFFFE000  }
0x14f: {  	v8 =	vbroadcast v7, $0x0;
	[tilespmem:s29], [sflag:$0x5] =	stream.linear.gather [hbm4b:s11+s14], $0x2000, $0x38;
	[tilespmem:$0x1ED50] =	vst v63  }
0x150: {  	_ =	swait.ge [sflag:s28], $0x2000  }
0x151: {  	[sflag:s28] =	ssyncset.done $0x0  }
0x152: {  	s8 =	simm.s32 $0xC030;
	[sflag:s28] =	ssyncadd.s32 $0xFFFFE000  }
0x153: {  	v7 =	vld [tilespmem:s8+$0xFFFFFFF0]  }
0x154: {  	v9 =	vld [tilespmem:s8+$0xFFFFFFE0]  }
0x155: {  	v8 =	vld.idx.msk [tilespmem:v8+s12+$0x0], $0xffff  }
0x156: {  	s14 =	simm.s32 $0x1;
	v11 =	vld [tilespmem:s8+$0xFFFFFFD0]  }
0x157: {  	v12 =	vmov s14;
	v10 =	vld [tilespmem:s8+$0x0]  }
0x158: {  	s9 =	simm.s32 $0xC030;
	s10 =	simm.s32 $0x2;
	v12 =	vand.u32 $0x7F, v12  }
.LBB2_18:
0x159: {  	p1 =	sne.s32 s10, $0x7F;
	v12 =	vor.u32 $0x200, v12  }
0x15a: {  	v12 =	vbroadcast v12, $0x0  }
0x15b: {  	v9 =	vmul.f32 v9, v8;
	v11 =	vmul.f32 v11, v8  }
0x15c: {  	v13 =	vmul.f32 v7, v8;
	v8 =	vmul.f32 v10, v8  }
0x15d: {  	[tilespmem:s8+$0xFFFFFFD0] =	vst v11  }
0x15e: {  	s8 =	sadd.s32 $0x40, s8;
	[tilespmem:s9+$0xFFFFFFE0] =	vst v9  }
0x15f: {  	v7 =	vld [tilespmem:s8+$0xFFFFFFF0];
	[tilespmem:s9+$0xFFFFFFF0] =	vst v13  }
.Ltmp8:
0x160: {  	v9 =	vld [tilespmem:s8+$0xFFFFFFE0];
	[tilespmem:s9+$0x0] =	vst v8;
	s9 =	smov.u32 s8;
	(pc) =	sbr.rel @p1 .LBB2_18-.Ltmp8, $4  }
0x161: {  	v8 =	vld.idx.msk [tilespmem:v12+s12+$0x0], $0xffff  }
0x162: {  	v11 =	vld [tilespmem:s8+$0xFFFFFFD0]  }
0x163: {  	v12 =	vmov s10;
	v10 =	vld [tilespmem:s8+$0x0]  }
0x164: {  	s10 =	sadd.s32 $0x1, s10;
	v12 =	vand.u32 $0x7F, v12  }
0x165: {  	_ = 	snop  }
0x166: {  	v12 =	vor.u32 $0x200, v12  }
0x167: {  	v12 =	vbroadcast v12, $0x0;
	v11 =	vmul.f32 v11, v8  }
0x168: {  	v9 =	vmul.f32 v9, v8  }
0x169: {  	v7 =	vmul.f32 v7, v8;
	[tilespmem:s8+$0xFFFFFFD0] =	vst v11  }
0x16a: {  	s14 =	sadd.s32 $0x40, s8;
	v8 =	vmul.f32 v10, v8;
	[tilespmem:s9+$0xFFFFFFE0] =	vst v9  }
0x16b: {  	v9 =	vld [tilespmem:s14+$0xFFFFFFF0];
	[tilespmem:s9+$0xFFFFFFF0] =	vst v7  }
0x16c: {  	v7 =	vld [tilespmem:s14+$0xFFFFFFE0];
	[tilespmem:s9+$0x0] =	vst v8  }
0x16d: {  	v8 =	vld.idx.msk [tilespmem:v12+s12+$0x0], $0xffff  }
0x16e: {  	v63 =	vld [tilespmem:s14+$0xFFFFFFD0];
	_ =	sdelay $0x2  }
0x16f: {  	v11 =	vld [tilespmem:s14+$0x0];
	_ =	sdelay $0x1  }
0x170: {  	v10 =	vmul.f32 v63, v8  }
0x171: {  	v7 =	vmul.f32 v7, v8  }
0x172: {  	v9 =	vmul.f32 v9, v8;
	[tilespmem:s14+$0xFFFFFFD0] =	vst v10  }
0x173: {  	v8 =	vmul.f32 v11, v8;
	[tilespmem:s14+$0xFFFFFFE0] =	vst v7  }
0x174: {  	[tilespmem:s14+$0xFFFFFFF0] =	vst v9  }
0x175: {  	s10 =	simm.s32 $0x0;
	s11 =	rddreg [dreg:$0xf];
	[tilespmem:s14+$0x0] =	vst v8  }
0x176: {  	[hbm4b:s11+s10] =	stream.linear.scatter [tilespmem:s29], [sflag:$0x5], $0x2000, $0x38;
	[tilespmem:$0x1ED50] =	vst v63  }
0x177: {  	_ =	swait.ge [sflag:s28], $0x2000  }
0x178: {  	[sflag:s28] =	ssyncset.done $0x0  }
0x179: {  	[sflag:s28] =	ssyncadd.s32 $0xFFFFE000  }
0x17a: {  	[bflag:$0x0] =	sbarrier.arrive $0xFFFF  }
0x17b: {  	[tilespmem:s31], [sflag:$0x1] =	stream.indirect.gather [hbm4b:s16+s13], $0x40, s10, s13, $0xb8;
	[tilespmem:$0x1ED50] =	vst v63  }
0x17c: {  	_ = 	snop  }
0x17d: {  	[tilespmem:s29], [sflag:$0x2] =	stream.indirect.gather [hbm4b:s16+s13], $0x40, s13, s13, $0xb8;
	[tilespmem:$0x1ED50] =	vst v63  }
0x17e: {  	s14 =	simm.s32 $0x100  }
0x17f: {  	[tilespmem:s0], [sflag:$0x3] =	stream.indirect.gather [hbm4b:s16+s13], $0x40, s14, s13, $0xb8;
	[tilespmem:$0x1ED50] =	vst v63  }
0x180: {  	s9 =	simm.s32 $0x180  }
0x181: {  	[tilespmem:s2], [sflag:$0x4] =	stream.indirect.gather [hbm4b:s16+s13], $0x40, s9, s13, $0xb8;
	[tilespmem:$0x1ED50] =	vst v63  }
0x182: {  	_ =	swait.ge [sflag:s3], $0x2000  }
0x183: {  	[sflag:s3] =	ssyncset.done $0x0  }
0x184: {  	s10 =	simm.s32 $0x5000;
	[sflag:s3] =	ssyncadd.s32 $0xFFFFE000  }
0x185: {  	[spmem:s15] =	stream.indirect.scatter.add.f32 [tilespmem:s31], [sflag:$0x5], $0x40, s10, s13, $0xb8;
	[tilespmem:$0x1ED50] =	vst v63  }
0x186: {  	_ =	swait.ge [sflag:s28], $0x2000  }
0x187: {  	[sflag:s28] =	ssyncset.done $0x0  }
0x188: {  	s11 =	simm.s32 $0x200;
	[sflag:s28] =	ssyncadd.s32 $0xFFFFE000  }
0x189: {  	[tilespmem:s31], [sflag:$0x1] =	stream.indirect.gather [hbm4b:s16+s13], $0x40, s11, s13, $0xb8;
	[tilespmem:$0x1ED50] =	vst v63  }
0x18a: {  	_ =	swait.ge [sflag:s4], $0x2000  }
0x18b: {  	[sflag:s4] =	ssyncset.done $0x0  }
0x18c: {  	s14 =	simm.s32 $0x5080;
	[sflag:s4] =	ssyncadd.s32 $0xFFFFE000  }
0x18d: {  	[spmem:s15] =	stream.indirect.scatter.add.f32 [tilespmem:s29], [sflag:$0x5], $0x40, s14, s13, $0xb8;
	[tilespmem:$0x1ED50] =	vst v63  }
0x18e: {  	_ =	swait.ge [sflag:s28], $0x2000  }
0x18f: {  	[sflag:s28] =	ssyncset.done $0x0  }
0x190: {  	s9 =	simm.s32 $0x280;
	[sflag:s28] =	ssyncadd.s32 $0xFFFFE000  }
0x191: {  	[tilespmem:s29], [sflag:$0x2] =	stream.indirect.gather [hbm4b:s16+s13], $0x40, s9, s13, $0xb8;
	[tilespmem:$0x1ED50] =	vst v63  }
0x192: {  	_ =	swait.ge [sflag:s5], $0x2000  }
0x193: {  	[sflag:s5] =	ssyncset.done $0x0  }
0x194: {  	s10 =	simm.s32 $0x5100;
	[sflag:s5] =	ssyncadd.s32 $0xFFFFE000  }
0x195: {  	[spmem:s15] =	stream.indirect.scatter.add.f32 [tilespmem:s0], [sflag:$0x5], $0x40, s10, s13, $0xb8;
	[tilespmem:$0x1ED50] =	vst v63  }
0x196: {  	_ =	swait.ge [sflag:s28], $0x2000  }
0x197: {  	[sflag:s28] =	ssyncset.done $0x0  }
0x198: {  	s11 =	simm.s32 $0x300;
	[sflag:s28] =	ssyncadd.s32 $0xFFFFE000  }
0x199: {  	[tilespmem:s0], [sflag:$0x3] =	stream.indirect.gather [hbm4b:s16+s13], $0x40, s11, s13, $0xb8;
	[tilespmem:$0x1ED50] =	vst v63  }
0x19a: {  	_ =	swait.ge [sflag:s6], $0x2000  }
0x19b: {  	[sflag:s6] =	ssyncset.done $0x0  }
0x19c: {  	s14 =	simm.s32 $0x5180;
	[sflag:s6] =	ssyncadd.s32 $0xFFFFE000  }
0x19d: {  	[spmem:s15] =	stream.indirect.scatter.add.f32 [tilespmem:s2], [sflag:$0x5], $0x40, s14, s13, $0xb8;
	[tilespmem:$0x1ED50] =	vst v63  }
0x19e: {  	_ =	swait.ge [sflag:s28], $0x2000  }
0x19f: {  	[sflag:s28] =	ssyncset.done $0x0  }
0x1a0: {  	s8 =	simm.s32 $0x800;
	s9 =	simm.s32 $0x380;
	[sflag:s28] =	ssyncadd.s32 $0xFFFFE000  }
.LBB2_20:
0x1a1: {  	[tilespmem:s2], [sflag:$0x4] =	stream.indirect.gather [hbm4b:s16+s13], $0x40, s9, s13, $0xb8;
	[tilespmem:$0x1ED50] =	vst v63  }
0x1a2: {  	s9 =	smov.u32 s8  }
0x1a3: {  	p1 =	sne.s32 s8, $0x13000;
	s8 =	sadd.s32 $0x800, s8;
	_ =	swait.ge [sflag:s3], $0x2000  }
0x1a4: {  	s9 =	sshra.s32 s9, $0x2;
	[sflag:s3] =	ssyncset.done $0x0  }
0x1a5: {  	s10 =	sadd.s32 $0x5000, s9;
	[sflag:s3] =	ssyncadd.s32 $0xFFFFE000  }
0x1a6: {  	[spmem:s15] =	stream.indirect.scatter.add.f32 [tilespmem:s31], [sflag:$0x5], $0x40, s10, s13, $0xb8;
	[tilespmem:$0x1ED50] =	vst v63  }
0x1a7: {  	_ =	swait.ge [sflag:s28], $0x2000  }
0x1a8: {  	[sflag:s28] =	ssyncset.done $0x0  }
0x1a9: {  	s10 =	sadd.s32 $0x200, s9;
	[sflag:s28] =	ssyncadd.s32 $0xFFFFE000  }
0x1aa: {  	[tilespmem:s31], [sflag:$0x1] =	stream.indirect.gather [hbm4b:s16+s13], $0x40, s10, s13, $0xb8;
	[tilespmem:$0x1ED50] =	vst v63  }
0x1ab: {  	_ =	swait.ge [sflag:s4], $0x2000  }
0x1ac: {  	[sflag:s4] =	ssyncset.done $0x0  }
0x1ad: {  	s10 =	sadd.s32 $0x5080, s9;
	[sflag:s4] =	ssyncadd.s32 $0xFFFFE000  }
0x1ae: {  	[spmem:s15] =	stream.indirect.scatter.add.f32 [tilespmem:s29], [sflag:$0x5], $0x40, s10, s13, $0xb8;
	[tilespmem:$0x1ED50] =	vst v63  }
0x1af: {  	_ =	swait.ge [sflag:s28], $0x2000  }
0x1b0: {  	[sflag:s28] =	ssyncset.done $0x0  }
0x1b1: {  	s10 =	sadd.s32 $0x280, s9;
	[sflag:s28] =	ssyncadd.s32 $0xFFFFE000  }
0x1b2: {  	[tilespmem:s29], [sflag:$0x2] =	stream.indirect.gather [hbm4b:s16+s13], $0x40, s10, s13, $0xb8;
	[tilespmem:$0x1ED50] =	vst v63  }
0x1b3: {  	_ =	swait.ge [sflag:s5], $0x2000  }
0x1b4: {  	[sflag:s5] =	ssyncset.done $0x0  }
0x1b5: {  	s10 =	sadd.s32 $0x5100, s9;
	[sflag:s5] =	ssyncadd.s32 $0xFFFFE000  }
0x1b6: {  	[spmem:s15] =	stream.indirect.scatter.add.f32 [tilespmem:s0], [sflag:$0x5], $0x40, s10, s13, $0xb8;
	[tilespmem:$0x1ED50] =	vst v63  }
0x1b7: {  	_ =	swait.ge [sflag:s28], $0x2000  }
0x1b8: {  	[sflag:s28] =	ssyncset.done $0x0  }
0x1b9: {  	s10 =	sadd.s32 $0x300, s9;
	[sflag:s28] =	ssyncadd.s32 $0xFFFFE000  }
0x1ba: {  	[tilespmem:s0], [sflag:$0x3] =	stream.indirect.gather [hbm4b:s16+s13], $0x40, s10, s13, $0xb8;
	[tilespmem:$0x1ED50] =	vst v63  }
0x1bb: {  	_ =	swait.ge [sflag:s6], $0x2000  }
0x1bc: {  	[sflag:s6] =	ssyncset.done $0x0  }
.Ltmp9:
0x1bd: {  	s10 =	sadd.s32 $0x5180, s9;
	[sflag:s6] =	ssyncadd.s32 $0xFFFFE000;
	(pc) =	sbr.rel @p1 .LBB2_20-.Ltmp9, $4  }
0x1be: {  	[spmem:s15] =	stream.indirect.scatter.add.f32 [tilespmem:s2], [sflag:$0x5], $0x40, s10, s13, $0xb8;
	[tilespmem:$0x1ED50] =	vst v63  }
0x1bf: {  	_ =	swait.ge [sflag:s28], $0x2000  }
0x1c0: {  	[sflag:s28] =	ssyncset.done $0x0  }
0x1c1: {  	s9 =	sadd.s32 $0x380, s9;
	[sflag:s28] =	ssyncadd.s32 $0xFFFFE000  }
0x1c2: {  	[tilespmem:s2], [sflag:$0x4] =	stream.indirect.gather [hbm4b:s16+s13], $0x40, s9, s13, $0xb8;
	[tilespmem:$0x1ED50] =	vst v63  }
0x1c3: {  	_ =	swait.ge [sflag:s3], $0x2000  }
0x1c4: {  	[sflag:s3] =	ssyncset.done $0x0  }
0x1c5: {  	s8 =	simm.s32 $0x9E00;
	[sflag:s3] =	ssyncadd.s32 $0xFFFFE000  }
0x1c6: {  	[spmem:s15] =	stream.indirect.scatter.add.f32 [tilespmem:s31], [sflag:$0x5], $0x40, s8, s13, $0xb8;
	[tilespmem:$0x1ED50] =	vst v63  }
0x1c7: {  	_ =	swait.ge [sflag:s28], $0x2000  }
0x1c8: {  	[sflag:s28] =	ssyncset.done $0x0  }
0x1c9: {  	[sflag:s28] =	ssyncadd.s32 $0xFFFFE000  }
0x1ca: {  	_ =	swait.ge [sflag:s4], $0x2000  }
0x1cb: {  	[sflag:s4] =	ssyncset.done $0x0  }
0x1cc: {  	s14 =	simm.s32 $0x9E80;
	[sflag:s4] =	ssyncadd.s32 $0xFFFFE000  }
0x1cd: {  	[spmem:s15] =	stream.indirect.scatter.add.f32 [tilespmem:s29], [sflag:$0x5], $0x40, s14, s13, $0xb8;
	[tilespmem:$0x1ED50] =	vst v63  }
0x1ce: {  	_ =	swait.ge [sflag:s28], $0x2000  }
0x1cf: {  	[sflag:s28] =	ssyncset.done $0x0  }
0x1d0: {  	[sflag:s28] =	ssyncadd.s32 $0xFFFFE000  }
0x1d1: {  	_ =	swait.ge [sflag:s5], $0x2000  }
0x1d2: {  	[sflag:s5] =	ssyncset.done $0x0  }
0x1d3: {  	s9 =	simm.s32 $0x9F00;
	[sflag:s5] =	ssyncadd.s32 $0xFFFFE000  }
0x1d4: {  	[spmem:s15] =	stream.indirect.scatter.add.f32 [tilespmem:s0], [sflag:$0x5], $0x40, s9, s13, $0xb8;
	[tilespmem:$0x1ED50] =	vst v63  }
0x1d5: {  	_ =	swait.ge [sflag:s28], $0x2000  }
0x1d6: {  	[sflag:s28] =	ssyncset.done $0x0  }
0x1d7: {  	[sflag:s28] =	ssyncadd.s32 $0xFFFFE000  }
0x1d8: {  	_ =	swait.ge [sflag:s6], $0x2000  }
0x1d9: {  	[sflag:s6] =	ssyncset.done $0x0  }
0x1da: {  	s10 =	simm.s32 $0x9F80;
	[sflag:s6] =	ssyncadd.s32 $0xFFFFE000  }
0x1db: {  	[spmem:s15] =	stream.indirect.scatter.add.f32 [tilespmem:s2], [sflag:$0x5], $0x40, s10, s13, $0xb8;
	[tilespmem:$0x1ED50] =	vst v63  }
0x1dc: {  	s11 =	stileid.u32;
	_ =	swait.ge [sflag:s28], $0x2000  }
0x1dd: {  	s7 =	sadd.s32 $0x1, s7;
	s8 =	sshll.u32 s11, $0x6;
	[sflag:s28] =	ssyncset.done $0x0  }
0x1de: {  	p1 =	sne.s32 s7, s26;
	s8 =	sor.u32 $0x1C05, s8;
	[sflag:s28] =	ssyncadd.s32 $0xFFFFE000  }
.Ltmp10:
0x1df: {  	s14 =	sshrl.u32 s19, $0x3;
	[bflag:$0x0] =	sbarrier.arrive $0xFFFF;
	(pc) =	sbr.rel @p1 .LBB2_1-.Ltmp10, $4  }
0x1e0: {  	[hbm:s25], [sflag:s8] =	dma.local [spmem:s14], $0x1400  }
0x1e1: {  	_ =	swait.ge [sflag:s28], $0x1400  }
0x1e2: {  	[sflag:s28] =	ssyncset.done $0x0  }
0x1e3: {  	[sflag:s28] =	ssyncadd.s32 $0xFFFFEC00  }
0x1e4: {  	_ =	sfence.sel $0x180000  }
0x1e5: {  	[bflag:$0x0] =	sbarrier.arrive $0xFFFF  }
0x1e6: {  	_ =	strace $0x90000047  }
0x1e7: {  	s0 =	stileid.u32;
	[bflag:$0x2] =	sbarrier.arrive $0xFFFF  }
0x1e8: {  	p0 =	sne.s32 s0, $0x0;
	s0 =	rddreg [dreg:$0x4]  }
0x1e9: {  	s0 =	sadd.s32 @!p0 $0x100000, s0  }
0x1ea: {  	[sflag:s0] =	ssyncadd.tile.s32 @!p0 $0x1;
	_ =	shalt  }
.Lfunc_end2:
_tile_overlayer_lowered:
.L_overlay_start_2:
0x1eb: {  	(tag) =	ssettag $0x2  }
0x1ec: {  	s0 =	rddreg [dreg:$0x0];
	s2 =	stileid.u32  }
0x1ed: {  	s1 =	rddreg [dreg:$0x1];
	p0 =	sne.s32 s2, $0x0  }
0x1ee: {  	s3 =	rddreg [dreg:$0x2];
	[bflag:$0x3] =	sbarrier.arrive $0xFFFF;
	s2 =	simm.s32 @!p0 $0x1C05  }
0x1ef: {  	[timem:s3], [sflag:s2] =	dma.local @!p0 [hbm:s0], s1  }
0x1f0: {  	s0 =	simm.s32 @!p0 $0x5  }
0x1f1: {  	_ =	swait.ge @!p0 [sflag:s0], s1  }
0x1f2: {  	s1 =	ssub.s32 @!p0 $0x0, s1;
	[sflag:s0] =	ssyncset.done @!p0 $0x0  }
0x1f3: {  	[sflag:s0] =	ssyncadd.s32 @!p0 s1  }
0x1f4: {  	[bflag:$0x3] =	sbarrier.arrive $0xFFFF  }
0x1f5: {  	_ =	shalt  }

</sc_bundles>
